<compile_context>
chip_gen: v7x
topology: tpu7x:2x2x1
jax: 0.10.2.dev20260603
libtpu: 0.0.44.dev20260713+nightly
codegen_flags: <defaults>
</compile_context>

<pallas_src>
import numpy as np

import jax
import jax.numpy as jnp
from jax import lax
from jax.experimental import pallas as pl
from jax.experimental.pallas import tpu as pltpu
from jax.experimental.pallas import tpu_sc as plsc

N = 8192
V = 8192
K = 2048
TN = 256
GRID = N // TN
L = 16
NVEC = N // L


_SIGN = int(np.int32(np.uint32(0x80000000)))


def _stats_body(targets_ref, logits_ref, keys_ref, nll_ref):
    x = logits_ref[...]
    t = targets_ref[...]
    col = lax.broadcasted_iota(jnp.int32, (TN, V), 1)
    m = jnp.max(x, axis=1, keepdims=True)
    xt = jnp.sum(jnp.where(col == t, x, 0.0), axis=1, keepdims=True)
    xm = x - m
    e = jnp.exp(xm)
    s = jnp.sum(e, axis=1, keepdims=True)
    w = jnp.sum(e * xm, axis=1, keepdims=True)
    logs = jnp.log(s)
    ent = logs - w / s
    nll = (m + logs) - xt
    b = lax.bitcast_convert_type(ent, jnp.int32)
    keys_ref[...] = jnp.where(b < 0, b ^ 0x7FFFFFFF, b)
    nll_ref[...] = nll


def _stage1(logits_flat, targets_col):
    return pl.pallas_call(
        _stats_body,
        grid=(GRID,),
        in_specs=[
            pl.BlockSpec((TN, 1), lambda i: (i, 0)),
            pl.BlockSpec((TN, V), lambda i: (i, 0)),
        ],
        out_specs=[
            pl.BlockSpec((TN, 1), lambda i: (i, 0)),
            pl.BlockSpec((TN, 1), lambda i: (i, 0)),
        ],
        out_shape=[
            jax.ShapeDtypeStruct((N, 1), jnp.int32),
            jax.ShapeDtypeStruct((N, 1), jnp.float32),
        ],
    )(targets_col, logits_flat)


def _select_body(keys_hbm, nll_hbm, out_hbm, keys_v, nll_v, hist_v, out_v,
                 sem):

    @pl.when((lax.axis_index("c") == 0) & (lax.axis_index("s") == 0))
    def _():
        cp_k = pltpu.make_async_copy(keys_hbm, keys_v, sem)
        cp_n = pltpu.make_async_copy(nll_hbm, nll_v, sem)
        cp_k.start()
        cp_n.start()
        cp_k.wait()
        cp_n.wait()
        lane = lax.iota(jnp.int32, L)
        ones16 = jnp.full((L,), 1, jnp.int32)
        shiftv = lambda n: jnp.full((L,), n, jnp.int32)

        prefix = jnp.int32(0)
        r = jnp.int32(K)
        for p in range(4):
            shift = 24 - 8 * p
            hmask = int(np.int32(np.uint32((0xFFFFFFFF << (shift + 8))
                                           & 0xFFFFFFFF))) if p else 0

            def zero_body(j, carry):
                for u in range(8):
                    hist_v[pl.ds((j * 8 + u) * L, L)] = jnp.zeros(
                        (L,), jnp.int32)
                return carry

            lax.fori_loop(0, 256 // 8, zero_body, 0)

            pref_c = prefix

            def hist_body(j, carry):
                for u in range(8):
                    i = j * 8 + u
                    kv = keys_v[pl.ds(i * L, L)]
                    ub = kv ^ _SIGN
                    digit = lax.shift_right_logical(ub, shiftv(shift)) & 255
                    if p == 0:
                        plsc.addupdate_scatter(
                            hist_v, [digit * L + lane], ones16)
                    else:
                        mch = (ub & hmask) == pref_c
                        plsc.addupdate_scatter(
                            hist_v, [digit * L + lane], ones16, mask=mch)
                return carry

            lax.fori_loop(0, NVEC // 8, hist_body, 0)

            def scan_body(jb, carry):
                c, dstar, found = carry
                dbase = (15 - jb) * L
                tots = [jnp.sum(hist_v[pl.ds((dbase + 15 - u) * L, L)])
                        for u in range(L)]
                for u in range(L):
                    h = tots[u]
                    d = dbase + 15 - u
                    done = jnp.logical_and(found == 0, c + h >= r)
                    dstar = jnp.where(done, d, dstar)
                    found = jnp.where(done, jnp.int32(1), found)
                    c = jnp.where(found == 1, c, c + h)
                return (c, dstar, found)

            def scan_cond(carry):
                jb, (c, dstar, found) = carry
                return jnp.logical_and(jb < 16, found == 0)

            def scan_step(carry):
                jb, st = carry
                return (jb + 1, scan_body(jb, st))

            _, (c, dstar, _) = lax.while_loop(
                scan_cond, scan_step,
                (jnp.int32(0),
                 (jnp.int32(0), jnp.int32(0), jnp.int32(0))))
            r = r - c
            prefix = prefix | lax.shift_left(dstar, shift)

        t_s = prefix ^ _SIGN

        zf = jnp.zeros((L,), jnp.float32)
        zi = jnp.zeros((L,), jnp.int32)

        def fin_body(j, carry):
            agt, aeq, ceq = carry
            for u in range(8):
                i = j * 8 + u
                kv = keys_v[pl.ds(i * L, L)]
                nv = nll_v[pl.ds(i * L, L)]
                gt = kv > t_s
                eq = kv == t_s
                agt = agt + jnp.where(gt, nv, zf)
                aeq = aeq + jnp.where(eq, nv, zf)
                ceq = ceq + jnp.where(eq, ones16, zi)
            return (agt, aeq, ceq)

        agt, aeq, ceq = lax.fori_loop(0, NVEC // 8, fin_body, (zf, zf, zi))
        acc_gt = jnp.sum(agt)
        acc_eq = jnp.sum(aeq)
        cnt_eq = jnp.sum(ceq)

        def all_ties(_):
            return acc_eq

        def ranked_ties(_):
            def tie_body(i, carry):
                acc, tcnt = carry
                kv = keys_v[pl.ds(i * L, L)]
                nv = nll_v[pl.ds(i * L, L)]
                eqc = (kv == t_s).astype(jnp.int32)
                incl = jnp.cumsum(eqc) + tcnt
                take = jnp.logical_and(eqc == 1, incl <= r)
                acc = acc + jnp.sum(jnp.where(take, nv, 0.0))
                tcnt = tcnt + jnp.sum(eqc)
                return (acc, tcnt)

            acc, _ = lax.fori_loop(0, NVEC, tie_body,
                                   (jnp.float32(0), jnp.int32(0)))
            return acc

        acc_tie = lax.cond(cnt_eq == r, all_ties, ranked_ties, 0)
        acc = acc_gt + acc_tie
        out_v[...] = jnp.full((L,), acc * (1.0 / K), jnp.float32)
        pltpu.sync_copy(out_v, out_hbm)


_select = pl.kernel(
    _select_body,
    out_type=jax.ShapeDtypeStruct((L,), jnp.float32),
    mesh=plsc.VectorSubcoreMesh(core_axis_name="c", subcore_axis_name="s"),
    compiler_params=pltpu.CompilerParams(needs_layout_passes=False),
    scratch_types=[
        pltpu.VMEM((N,), jnp.int32),
        pltpu.VMEM((N,), jnp.float32),
        pltpu.VMEM((256 * L,), jnp.int32),
        pltpu.VMEM((L,), jnp.float32),
        pltpu.SemaphoreType.DMA,
    ],
)


def kernel(logits, targets):
    logits_flat = logits.reshape(N, V)
    targets_col = targets.reshape(N, 1)
    keys, nll = _stage1(logits_flat, targets_col)
    sel = _select(keys.reshape(N), nll.reshape(N))
    return sel[0]

# --- scband reference (transcript-rebuilt; emitter-appended) ---
"""Pipeline reference for scband-cggrloss-84181359002144 (READ-ONLY COPY).

The authoritative reference and input builder live on the scoring server;
editing this copy changes nothing except your own understanding.
"""

import jax, jax.numpy as jnp
import numpy as np

MIN_TOKENS_RATIO = 0.25


def setup_inputs(seed: int = 0) -> dict:
    key = jax.random.key(seed)
    k1, k2 = jax.random.split(key)
    logits = jax.random.normal(k1, (4, 2048, 8192), dtype=jnp.float32)
    targets = jax.random.randint(k2, (4, 2048), 0, 8192, dtype=jnp.int32)
    return {"logits": logits, "targets": targets}


def reference(logits, targets):
    # CGGRLoss forward: scoring='entropy', selection='topk',
    # dynamic_threshold=False, warmup_steps=0 -> current_ratio = min_tokens_ratio.
    B, S, V = logits.shape
    logits_flat = logits.reshape(-1, V)
    targets_flat = targets.reshape(-1)
    N = logits_flat.shape[0]

    # fused_difficulty_score (entropy mode), computed under no_grad in torch
    logp = jax.nn.log_softmax(logits_flat, axis=-1)
    p = jnp.exp(logp)
    entropy = -jnp.sum(p * logp, axis=-1)
    difficulty = jax.lax.stop_gradient(entropy / jnp.log(float(V)))

    # _compute_base_ratio: warmup_steps=0 -> progress=1.0 -> ratio=min_tokens_ratio
    current_ratio = MIN_TOKENS_RATIO
    k = max(1, int(current_ratio * N))

    # select_tokens_topk: keep the k hardest tokens
    _, sel_idx = jax.lax.top_k(difficulty, k)

    sel_logits = jnp.take(logits_flat, sel_idx, axis=0)
    sel_targets = jnp.take(targets_flat, sel_idx, axis=0)

    # base_loss = CrossEntropyLoss(reduction='none'), then .mean()
    sel_logp = jax.nn.log_softmax(sel_logits, axis=-1)
    nll = -jnp.take_along_axis(sel_logp, sel_targets[:, None], axis=1)[:, 0]
    return jnp.mean(nll)

if __name__ == "__main__":
    import jax
    _d = setup_inputs()
    print(jax.jit(kernel)(*tuple(_d.values())))

</pallas_src>

<mosaic_0001>
#map = affine_map<(d0, d1) -> (0)>
module attributes {stable_mosaic.version = 14 : i64} {
  func.func @_select_body(%arg0: i32, %arg1: i32, %arg2: memref<8192xi32, #tpu.memory_space<hbm>>, %arg3: memref<8192xf32, #tpu.memory_space<hbm>>, %arg4: memref<16xf32, #tpu.memory_space<hbm>>, %arg5: memref<8192xi32, #tpu.memory_space<vmem>>, %arg6: memref<8192xf32, #tpu.memory_space<vmem>>, %arg7: memref<4096xi32, #tpu.memory_space<vmem>>, %arg8: memref<16xf32, #tpu.memory_space<vmem>>, %arg9: memref<!tpu.dma_semaphore, #tpu.memory_space<semaphore_mem>>) attributes {dimension_semantics = [#tpu.dimension_semantics<core_parallel>, #tpu.dimension_semantics<subcore_parallel>], iteration_bounds = array<i64: 2, 16>, scalar_prefetch = 0 : i64, scratch_operands = 5 : i64, tpu.core_type = #tpu.core_type<sc_vector_subcore>, window_params = [{transform_indices = #map}, {transform_indices = #map}, {transform_indices = #map}]} {
    %eq3A = arith.constant 0 : i32
    %eq3A_0 = arith.cmpi eq, %arg0, %eq3A : i32
    %eq3A_1 = arith.constant 0 : i32
    %eq3A_2 = arith.cmpi eq, %arg1, %eq3A_1 : i32
    %and3A = arith.andi %eq3A_0, %eq3A_2 : i1
    %convert_element_type3A = arith.extui %and3A : i1 to i32
    %cond3A = arith.constant 0 : i32
    %cond3A_3 = arith.cmpi ne, %convert_element_type3A, %cond3A : i32
    scf.if %cond3A_3 {
      tpu.enqueue_dma source(%arg2 : memref<8192xi32, #tpu.memory_space<hbm>>) target(%arg5 : memref<8192xi32, #tpu.memory_space<vmem>>) target_semaphore(%arg9 : memref<!tpu.dma_semaphore, #tpu.memory_space<semaphore_mem>>)
      tpu.enqueue_dma source(%arg3 : memref<8192xf32, #tpu.memory_space<hbm>>) target(%arg6 : memref<8192xf32, #tpu.memory_space<vmem>>) target_semaphore(%arg9 : memref<!tpu.dma_semaphore, #tpu.memory_space<semaphore_mem>>)
      tpu.wait_dma2 semaphore(%arg9 : memref<!tpu.dma_semaphore, #tpu.memory_space<semaphore_mem>>) src(%arg2 : memref<8192xi32, #tpu.memory_space<hbm>>) dst(%arg5 : memref<8192xi32, #tpu.memory_space<vmem>>)
      tpu.wait_dma2 semaphore(%arg9 : memref<!tpu.dma_semaphore, #tpu.memory_space<semaphore_mem>>) src(%arg3 : memref<8192xf32, #tpu.memory_space<hbm>>) dst(%arg6 : memref<8192xf32, #tpu.memory_space<vmem>>)
      %iota3A = tpu.iota {dimensions = array<i32: 0>} : vector<16xi32>
      %broadcast_in_dim3A = arith.constant 1 : i32
      %broadcast_in_dim3A_4 = vector.broadcast %broadcast_in_dim3A : i32 to vector<16xi32>
      %scan3A = arith.constant 0 : i32
      %scan3A_5 = arith.constant 0 : i32
      %scan3A_6 = arith.constant 32 : i32
      %scan3A_7 = arith.addi %scan3A_5, %scan3A_6 : i32
      %scan3A_8 = arith.constant 1 : i32
      scf.for %scan3A_118 = %scan3A_5 to %scan3A_7 step %scan3A_8  : i32 {
        %broadcast_in_dim3A_119 = arith.constant 0 : i32
        %broadcast_in_dim3A_120 = vector.broadcast %broadcast_in_dim3A_119 : i32 to vector<16xi32>
        %mul3A_121 = arith.constant 8 : i32
        %mul3A_122 = arith.muli %scan3A_118, %mul3A_121 : i32
        %add3A_123 = arith.constant 0 : i32
        %add3A_124 = arith.addi %mul3A_122, %add3A_123 : i32
        %mul3A_125 = arith.constant 16 : i32
        %mul3A_126 = arith.muli %add3A_124, %mul3A_125 : i32
        %swap3A_127 = arith.index_cast %mul3A_126 : i32 to index
        %swap3A_128 = tpu.vector_load %arg7[%swap3A_127] {strides = array<i32>} : memref<4096xi32, #tpu.memory_space<vmem>>, vector<16xi32>,
        tpu.vector_store %arg7[%swap3A_127], %broadcast_in_dim3A_120 {strides = array<i32>} : memref<4096xi32, #tpu.memory_space<vmem>>, vector<16xi32>,
        %broadcast_in_dim3A_129 = arith.constant 0 : i32
        %broadcast_in_dim3A_130 = vector.broadcast %broadcast_in_dim3A_129 : i32 to vector<16xi32>
        %mul3A_131 = arith.constant 8 : i32
        %mul3A_132 = arith.muli %scan3A_118, %mul3A_131 : i32
        %add3A_133 = arith.constant 1 : i32
        %add3A_134 = arith.addi %mul3A_132, %add3A_133 : i32
        %mul3A_135 = arith.constant 16 : i32
        %mul3A_136 = arith.muli %add3A_134, %mul3A_135 : i32
        %swap3A_137 = arith.index_cast %mul3A_136 : i32 to index
        %swap3A_138 = tpu.vector_load %arg7[%swap3A_137] {strides = array<i32>} : memref<4096xi32, #tpu.memory_space<vmem>>, vector<16xi32>,
        tpu.vector_store %arg7[%swap3A_137], %broadcast_in_dim3A_130 {strides = array<i32>} : memref<4096xi32, #tpu.memory_space<vmem>>, vector<16xi32>,
        %broadcast_in_dim3A_139 = arith.constant 0 : i32
        %broadcast_in_dim3A_140 = vector.broadcast %broadcast_in_dim3A_139 : i32 to vector<16xi32>
        %mul3A_141 = arith.constant 8 : i32
        %mul3A_142 = arith.muli %scan3A_118, %mul3A_141 : i32
        %add3A_143 = arith.constant 2 : i32
        %add3A_144 = arith.addi %mul3A_142, %add3A_143 : i32
        %mul3A_145 = arith.constant 16 : i32
        %mul3A_146 = arith.muli %add3A_144, %mul3A_145 : i32
        %swap3A_147 = arith.index_cast %mul3A_146 : i32 to index
        %swap3A_148 = tpu.vector_load %arg7[%swap3A_147] {strides = array<i32>} : memref<4096xi32, #tpu.memory_space<vmem>>, vector<16xi32>,
        tpu.vector_store %arg7[%swap3A_147], %broadcast_in_dim3A_140 {strides = array<i32>} : memref<4096xi32, #tpu.memory_space<vmem>>, vector<16xi32>,
        %broadcast_in_dim3A_149 = arith.constant 0 : i32
        %broadcast_in_dim3A_150 = vector.broadcast %broadcast_in_dim3A_149 : i32 to vector<16xi32>
        %mul3A_151 = arith.constant 8 : i32
        %mul3A_152 = arith.muli %scan3A_118, %mul3A_151 : i32
        %add3A_153 = arith.constant 3 : i32
        %add3A_154 = arith.addi %mul3A_152, %add3A_153 : i32
        %mul3A_155 = arith.constant 16 : i32
        %mul3A_156 = arith.muli %add3A_154, %mul3A_155 : i32
        %swap3A_157 = arith.index_cast %mul3A_156 : i32 to index
        %swap3A_158 = tpu.vector_load %arg7[%swap3A_157] {strides = array<i32>} : memref<4096xi32, #tpu.memory_space<vmem>>, vector<16xi32>,
        tpu.vector_store %arg7[%swap3A_157], %broadcast_in_dim3A_150 {strides = array<i32>} : memref<4096xi32, #tpu.memory_space<vmem>>, vector<16xi32>,
        %broadcast_in_dim3A_159 = arith.constant 0 : i32
        %broadcast_in_dim3A_160 = vector.broadcast %broadcast_in_dim3A_159 : i32 to vector<16xi32>
        %mul3A_161 = arith.constant 8 : i32
        %mul3A_162 = arith.muli %scan3A_118, %mul3A_161 : i32
        %add3A_163 = arith.constant 4 : i32
        %add3A_164 = arith.addi %mul3A_162, %add3A_163 : i32
        %mul3A_165 = arith.constant 16 : i32
        %mul3A_166 = arith.muli %add3A_164, %mul3A_165 : i32
        %swap3A_167 = arith.index_cast %mul3A_166 : i32 to index
        %swap3A_168 = tpu.vector_load %arg7[%swap3A_167] {strides = array<i32>} : memref<4096xi32, #tpu.memory_space<vmem>>, vector<16xi32>,
        tpu.vector_store %arg7[%swap3A_167], %broadcast_in_dim3A_160 {strides = array<i32>} : memref<4096xi32, #tpu.memory_space<vmem>>, vector<16xi32>,
        %broadcast_in_dim3A_169 = arith.constant 0 : i32
        %broadcast_in_dim3A_170 = vector.broadcast %broadcast_in_dim3A_169 : i32 to vector<16xi32>
        %mul3A_171 = arith.constant 8 : i32
        %mul3A_172 = arith.muli %scan3A_118, %mul3A_171 : i32
        %add3A_173 = arith.constant 5 : i32
        %add3A_174 = arith.addi %mul3A_172, %add3A_173 : i32
        %mul3A_175 = arith.constant 16 : i32
        %mul3A_176 = arith.muli %add3A_174, %mul3A_175 : i32
        %swap3A_177 = arith.index_cast %mul3A_176 : i32 to index
        %swap3A_178 = tpu.vector_load %arg7[%swap3A_177] {strides = array<i32>} : memref<4096xi32, #tpu.memory_space<vmem>>, vector<16xi32>,
        tpu.vector_store %arg7[%swap3A_177], %broadcast_in_dim3A_170 {strides = array<i32>} : memref<4096xi32, #tpu.memory_space<vmem>>, vector<16xi32>,
        %broadcast_in_dim3A_179 = arith.constant 0 : i32
        %broadcast_in_dim3A_180 = vector.broadcast %broadcast_in_dim3A_179 : i32 to vector<16xi32>
        %mul3A_181 = arith.constant 8 : i32
        %mul3A_182 = arith.muli %scan3A_118, %mul3A_181 : i32
        %add3A_183 = arith.constant 6 : i32
        %add3A_184 = arith.addi %mul3A_182, %add3A_183 : i32
        %mul3A_185 = arith.constant 16 : i32
        %mul3A_186 = arith.muli %add3A_184, %mul3A_185 : i32
        %swap3A_187 = arith.index_cast %mul3A_186 : i32 to index
        %swap3A_188 = tpu.vector_load %arg7[%swap3A_187] {strides = array<i32>} : memref<4096xi32, #tpu.memory_space<vmem>>, vector<16xi32>,
        tpu.vector_store %arg7[%swap3A_187], %broadcast_in_dim3A_180 {strides = array<i32>} : memref<4096xi32, #tpu.memory_space<vmem>>, vector<16xi32>,
        %broadcast_in_dim3A_189 = arith.constant 0 : i32
        %broadcast_in_dim3A_190 = vector.broadcast %broadcast_in_dim3A_189 : i32 to vector<16xi32>
        %mul3A_191 = arith.constant 8 : i32
        %mul3A_192 = arith.muli %scan3A_118, %mul3A_191 : i32
        %add3A_193 = arith.constant 7 : i32
        %add3A_194 = arith.addi %mul3A_192, %add3A_193 : i32
        %mul3A_195 = arith.constant 16 : i32
        %mul3A_196 = arith.muli %add3A_194, %mul3A_195 : i32
        %swap3A_197 = arith.index_cast %mul3A_196 : i32 to index
        %swap3A_198 = tpu.vector_load %arg7[%swap3A_197] {strides = array<i32>} : memref<4096xi32, #tpu.memory_space<vmem>>, vector<16xi32>,
        tpu.vector_store %arg7[%swap3A_197], %broadcast_in_dim3A_190 {strides = array<i32>} : memref<4096xi32, #tpu.memory_space<vmem>>, vector<16xi32>,
      }
      %scan3A_9 = arith.constant 32 : i32
      %scan3A_10 = arith.constant 0 : i32
      %scan3A_11 = arith.constant 0 : i32
      %scan3A_12 = arith.constant 64 : i32
      %scan3A_13 = arith.addi %scan3A_11, %scan3A_12 : i32
      %scan3A_14 = arith.constant 1 : i32
      scf.for %scan3A_118 = %scan3A_11 to %scan3A_13 step %scan3A_14  : i32 {
        %mul3A_119 = arith.constant 8 : i32
        %mul3A_120 = arith.muli %scan3A_118, %mul3A_119 : i32
        %add3A_121 = arith.constant 0 : i32
        %add3A_122 = arith.addi %mul3A_120, %add3A_121 : i32
        %mul3A_123 = arith.constant 16 : i32
        %mul3A_124 = arith.muli %add3A_122, %mul3A_123 : i32
        %get3A = arith.index_cast %mul3A_124 : i32 to index
        %get3A_125 = tpu.vector_load %arg5[%get3A] {strides = array<i32>} : memref<8192xi32, #tpu.memory_space<vmem>>, vector<16xi32>,
        %xor3A_126 = arith.constant -2147483648 : i32
        %xor3A_127 = vector.broadcast %xor3A_126 : i32 to vector<16xi32>
        %xor3A_128 = arith.xori %get3A_125, %xor3A_127 : vector<16xi32>
        %broadcast_in_dim3A_129 = arith.constant 24 : i32
        %broadcast_in_dim3A_130 = vector.broadcast %broadcast_in_dim3A_129 : i32 to vector<16xi32>
        %shift_right_logical3A = arith.shrui %xor3A_128, %broadcast_in_dim3A_130 : vector<16xi32>
        %and3A_131 = arith.constant 255 : i32
        %and3A_132 = vector.broadcast %and3A_131 : i32 to vector<16xi32>
        %and3A_133 = arith.andi %shift_right_logical3A, %and3A_132 : vector<16xi32>
        %mul3A_134 = arith.constant 16 : i32
        %mul3A_135 = vector.broadcast %mul3A_134 : i32 to vector<16xi32>
        %mul3A_136 = arith.muli %and3A_133, %mul3A_135 : vector<16xi32>
        %add3A_137 = arith.addi %mul3A_136, %iota3A : vector<16xi32>
        tpu.vector_store_idx %arg7[%add3A_137], %broadcast_in_dim3A_4 {add = true} : memref<4096xi32, #tpu.memory_space<vmem>>[vector<16xi32>], vector<16xi32>,
        %mul3A_138 = arith.constant 8 : i32
        %mul3A_139 = arith.muli %scan3A_118, %mul3A_138 : i32
        %add3A_140 = arith.constant 1 : i32
        %add3A_141 = arith.addi %mul3A_139, %add3A_140 : i32
        %mul3A_142 = arith.constant 16 : i32
        %mul3A_143 = arith.muli %add3A_141, %mul3A_142 : i32
        %get3A_144 = arith.index_cast %mul3A_143 : i32 to index
        %get3A_145 = tpu.vector_load %arg5[%get3A_144] {strides = array<i32>} : memref<8192xi32, #tpu.memory_space<vmem>>, vector<16xi32>,
        %xor3A_146 = arith.constant -2147483648 : i32
        %xor3A_147 = vector.broadcast %xor3A_146 : i32 to vector<16xi32>
        %xor3A_148 = arith.xori %get3A_145, %xor3A_147 : vector<16xi32>
        %broadcast_in_dim3A_149 = arith.constant 24 : i32
        %broadcast_in_dim3A_150 = vector.broadcast %broadcast_in_dim3A_149 : i32 to vector<16xi32>
        %shift_right_logical3A_151 = arith.shrui %xor3A_148, %broadcast_in_dim3A_150 : vector<16xi32>
        %and3A_152 = arith.constant 255 : i32
        %and3A_153 = vector.broadcast %and3A_152 : i32 to vector<16xi32>
        %and3A_154 = arith.andi %shift_right_logical3A_151, %and3A_153 : vector<16xi32>
        %mul3A_155 = arith.constant 16 : i32
        %mul3A_156 = vector.broadcast %mul3A_155 : i32 to vector<16xi32>
        %mul3A_157 = arith.muli %and3A_154, %mul3A_156 : vector<16xi32>
        %add3A_158 = arith.addi %mul3A_157, %iota3A : vector<16xi32>
        tpu.vector_store_idx %arg7[%add3A_158], %broadcast_in_dim3A_4 {add = true} : memref<4096xi32, #tpu.memory_space<vmem>>[vector<16xi32>], vector<16xi32>,
        %mul3A_159 = arith.constant 8 : i32
        %mul3A_160 = arith.muli %scan3A_118, %mul3A_159 : i32
        %add3A_161 = arith.constant 2 : i32
        %add3A_162 = arith.addi %mul3A_160, %add3A_161 : i32
        %mul3A_163 = arith.constant 16 : i32
        %mul3A_164 = arith.muli %add3A_162, %mul3A_163 : i32
        %get3A_165 = arith.index_cast %mul3A_164 : i32 to index
        %get3A_166 = tpu.vector_load %arg5[%get3A_165] {strides = array<i32>} : memref<8192xi32, #tpu.memory_space<vmem>>, vector<16xi32>,
        %xor3A_167 = arith.constant -2147483648 : i32
        %xor3A_168 = vector.broadcast %xor3A_167 : i32 to vector<16xi32>
        %xor3A_169 = arith.xori %get3A_166, %xor3A_168 : vector<16xi32>
        %broadcast_in_dim3A_170 = arith.constant 24 : i32
        %broadcast_in_dim3A_171 = vector.broadcast %broadcast_in_dim3A_170 : i32 to vector<16xi32>
        %shift_right_logical3A_172 = arith.shrui %xor3A_169, %broadcast_in_dim3A_171 : vector<16xi32>
        %and3A_173 = arith.constant 255 : i32
        %and3A_174 = vector.broadcast %and3A_173 : i32 to vector<16xi32>
        %and3A_175 = arith.andi %shift_right_logical3A_172, %and3A_174 : vector<16xi32>
        %mul3A_176 = arith.constant 16 : i32
        %mul3A_177 = vector.broadcast %mul3A_176 : i32 to vector<16xi32>
        %mul3A_178 = arith.muli %and3A_175, %mul3A_177 : vector<16xi32>
        %add3A_179 = arith.addi %mul3A_178, %iota3A : vector<16xi32>
        tpu.vector_store_idx %arg7[%add3A_179], %broadcast_in_dim3A_4 {add = true} : memref<4096xi32, #tpu.memory_space<vmem>>[vector<16xi32>], vector<16xi32>,
        %mul3A_180 = arith.constant 8 : i32
        %mul3A_181 = arith.muli %scan3A_118, %mul3A_180 : i32
        %add3A_182 = arith.constant 3 : i32
        %add3A_183 = arith.addi %mul3A_181, %add3A_182 : i32
        %mul3A_184 = arith.constant 16 : i32
        %mul3A_185 = arith.muli %add3A_183, %mul3A_184 : i32
        %get3A_186 = arith.index_cast %mul3A_185 : i32 to index
        %get3A_187 = tpu.vector_load %arg5[%get3A_186] {strides = array<i32>} : memref<8192xi32, #tpu.memory_space<vmem>>, vector<16xi32>,
        %xor3A_188 = arith.constant -2147483648 : i32
        %xor3A_189 = vector.broadcast %xor3A_188 : i32 to vector<16xi32>
        %xor3A_190 = arith.xori %get3A_187, %xor3A_189 : vector<16xi32>
        %broadcast_in_dim3A_191 = arith.constant 24 : i32
        %broadcast_in_dim3A_192 = vector.broadcast %broadcast_in_dim3A_191 : i32 to vector<16xi32>
        %shift_right_logical3A_193 = arith.shrui %xor3A_190, %broadcast_in_dim3A_192 : vector<16xi32>
        %and3A_194 = arith.constant 255 : i32
        %and3A_195 = vector.broadcast %and3A_194 : i32 to vector<16xi32>
        %and3A_196 = arith.andi %shift_right_logical3A_193, %and3A_195 : vector<16xi32>
        %mul3A_197 = arith.constant 16 : i32
        %mul3A_198 = vector.broadcast %mul3A_197 : i32 to vector<16xi32>
        %mul3A_199 = arith.muli %and3A_196, %mul3A_198 : vector<16xi32>
        %add3A_200 = arith.addi %mul3A_199, %iota3A : vector<16xi32>
        tpu.vector_store_idx %arg7[%add3A_200], %broadcast_in_dim3A_4 {add = true} : memref<4096xi32, #tpu.memory_space<vmem>>[vector<16xi32>], vector<16xi32>,
        %mul3A_201 = arith.constant 8 : i32
        %mul3A_202 = arith.muli %scan3A_118, %mul3A_201 : i32
        %add3A_203 = arith.constant 4 : i32
        %add3A_204 = arith.addi %mul3A_202, %add3A_203 : i32
        %mul3A_205 = arith.constant 16 : i32
        %mul3A_206 = arith.muli %add3A_204, %mul3A_205 : i32
        %get3A_207 = arith.index_cast %mul3A_206 : i32 to index
        %get3A_208 = tpu.vector_load %arg5[%get3A_207] {strides = array<i32>} : memref<8192xi32, #tpu.memory_space<vmem>>, vector<16xi32>,
        %xor3A_209 = arith.constant -2147483648 : i32
        %xor3A_210 = vector.broadcast %xor3A_209 : i32 to vector<16xi32>
        %xor3A_211 = arith.xori %get3A_208, %xor3A_210 : vector<16xi32>
        %broadcast_in_dim3A_212 = arith.constant 24 : i32
        %broadcast_in_dim3A_213 = vector.broadcast %broadcast_in_dim3A_212 : i32 to vector<16xi32>
        %shift_right_logical3A_214 = arith.shrui %xor3A_211, %broadcast_in_dim3A_213 : vector<16xi32>
        %and3A_215 = arith.constant 255 : i32
        %and3A_216 = vector.broadcast %and3A_215 : i32 to vector<16xi32>
        %and3A_217 = arith.andi %shift_right_logical3A_214, %and3A_216 : vector<16xi32>
        %mul3A_218 = arith.constant 16 : i32
        %mul3A_219 = vector.broadcast %mul3A_218 : i32 to vector<16xi32>
        %mul3A_220 = arith.muli %and3A_217, %mul3A_219 : vector<16xi32>
        %add3A_221 = arith.addi %mul3A_220, %iota3A : vector<16xi32>
        tpu.vector_store_idx %arg7[%add3A_221], %broadcast_in_dim3A_4 {add = true} : memref<4096xi32, #tpu.memory_space<vmem>>[vector<16xi32>], vector<16xi32>,
        %mul3A_222 = arith.constant 8 : i32
        %mul3A_223 = arith.muli %scan3A_118, %mul3A_222 : i32
        %add3A_224 = arith.constant 5 : i32
        %add3A_225 = arith.addi %mul3A_223, %add3A_224 : i32
        %mul3A_226 = arith.constant 16 : i32
        %mul3A_227 = arith.muli %add3A_225, %mul3A_226 : i32
        %get3A_228 = arith.index_cast %mul3A_227 : i32 to index
        %get3A_229 = tpu.vector_load %arg5[%get3A_228] {strides = array<i32>} : memref<8192xi32, #tpu.memory_space<vmem>>, vector<16xi32>,
        %xor3A_230 = arith.constant -2147483648 : i32
        %xor3A_231 = vector.broadcast %xor3A_230 : i32 to vector<16xi32>
        %xor3A_232 = arith.xori %get3A_229, %xor3A_231 : vector<16xi32>
        %broadcast_in_dim3A_233 = arith.constant 24 : i32
        %broadcast_in_dim3A_234 = vector.broadcast %broadcast_in_dim3A_233 : i32 to vector<16xi32>
        %shift_right_logical3A_235 = arith.shrui %xor3A_232, %broadcast_in_dim3A_234 : vector<16xi32>
        %and3A_236 = arith.constant 255 : i32
        %and3A_237 = vector.broadcast %and3A_236 : i32 to vector<16xi32>
        %and3A_238 = arith.andi %shift_right_logical3A_235, %and3A_237 : vector<16xi32>
        %mul3A_239 = arith.constant 16 : i32
        %mul3A_240 = vector.broadcast %mul3A_239 : i32 to vector<16xi32>
        %mul3A_241 = arith.muli %and3A_238, %mul3A_240 : vector<16xi32>
        %add3A_242 = arith.addi %mul3A_241, %iota3A : vector<16xi32>
        tpu.vector_store_idx %arg7[%add3A_242], %broadcast_in_dim3A_4 {add = true} : memref<4096xi32, #tpu.memory_space<vmem>>[vector<16xi32>], vector<16xi32>,
        %mul3A_243 = arith.constant 8 : i32
        %mul3A_244 = arith.muli %scan3A_118, %mul3A_243 : i32
        %add3A_245 = arith.constant 6 : i32
        %add3A_246 = arith.addi %mul3A_244, %add3A_245 : i32
        %mul3A_247 = arith.constant 16 : i32
        %mul3A_248 = arith.muli %add3A_246, %mul3A_247 : i32
        %get3A_249 = arith.index_cast %mul3A_248 : i32 to index
        %get3A_250 = tpu.vector_load %arg5[%get3A_249] {strides = array<i32>} : memref<8192xi32, #tpu.memory_space<vmem>>, vector<16xi32>,
        %xor3A_251 = arith.constant -2147483648 : i32
        %xor3A_252 = vector.broadcast %xor3A_251 : i32 to vector<16xi32>
        %xor3A_253 = arith.xori %get3A_250, %xor3A_252 : vector<16xi32>
        %broadcast_in_dim3A_254 = arith.constant 24 : i32
        %broadcast_in_dim3A_255 = vector.broadcast %broadcast_in_dim3A_254 : i32 to vector<16xi32>
        %shift_right_logical3A_256 = arith.shrui %xor3A_253, %broadcast_in_dim3A_255 : vector<16xi32>
        %and3A_257 = arith.constant 255 : i32
        %and3A_258 = vector.broadcast %and3A_257 : i32 to vector<16xi32>
        %and3A_259 = arith.andi %shift_right_logical3A_256, %and3A_258 : vector<16xi32>
        %mul3A_260 = arith.constant 16 : i32
        %mul3A_261 = vector.broadcast %mul3A_260 : i32 to vector<16xi32>
        %mul3A_262 = arith.muli %and3A_259, %mul3A_261 : vector<16xi32>
        %add3A_263 = arith.addi %mul3A_262, %iota3A : vector<16xi32>
        tpu.vector_store_idx %arg7[%add3A_263], %broadcast_in_dim3A_4 {add = true} : memref<4096xi32, #tpu.memory_space<vmem>>[vector<16xi32>], vector<16xi32>,
        %mul3A_264 = arith.constant 8 : i32
        %mul3A_265 = arith.muli %scan3A_118, %mul3A_264 : i32
        %add3A_266 = arith.constant 7 : i32
        %add3A_267 = arith.addi %mul3A_265, %add3A_266 : i32
        %mul3A_268 = arith.constant 16 : i32
        %mul3A_269 = arith.muli %add3A_267, %mul3A_268 : i32
        %get3A_270 = arith.index_cast %mul3A_269 : i32 to index
        %get3A_271 = tpu.vector_load %arg5[%get3A_270] {strides = array<i32>} : memref<8192xi32, #tpu.memory_space<vmem>>, vector<16xi32>,
        %xor3A_272 = arith.constant -2147483648 : i32
        %xor3A_273 = vector.broadcast %xor3A_272 : i32 to vector<16xi32>
        %xor3A_274 = arith.xori %get3A_271, %xor3A_273 : vector<16xi32>
        %broadcast_in_dim3A_275 = arith.constant 24 : i32
        %broadcast_in_dim3A_276 = vector.broadcast %broadcast_in_dim3A_275 : i32 to vector<16xi32>
        %shift_right_logical3A_277 = arith.shrui %xor3A_274, %broadcast_in_dim3A_276 : vector<16xi32>
        %and3A_278 = arith.constant 255 : i32
        %and3A_279 = vector.broadcast %and3A_278 : i32 to vector<16xi32>
        %and3A_280 = arith.andi %shift_right_logical3A_277, %and3A_279 : vector<16xi32>
        %mul3A_281 = arith.constant 16 : i32
        %mul3A_282 = vector.broadcast %mul3A_281 : i32 to vector<16xi32>
        %mul3A_283 = arith.muli %and3A_280, %mul3A_282 : vector<16xi32>
        %add3A_284 = arith.addi %mul3A_283, %iota3A : vector<16xi32>
        tpu.vector_store_idx %arg7[%add3A_284], %broadcast_in_dim3A_4 {add = true} : memref<4096xi32, #tpu.memory_space<vmem>>[vector<16xi32>], vector<16xi32>,
      }
      %scan3A_15 = arith.constant 64 : i32
      %while3A = arith.constant 2048 : i32
      %while3A_16 = arith.constant 0 : i32
      %while3A_17 = arith.constant 0 : i32
      %while3A_18 = arith.constant 0 : i32
      %while3A_19 = arith.constant 0 : i32
      %while3A_20:4 = scf.while (%while3A_118 = %while3A_16, %while3A_119 = %while3A_17, %while3A_120 = %while3A_18, %while3A_121 = %while3A_19) : (i32, i32, i32, i32) -> (i32, i32, i32, i32) {
        %lt3A = arith.constant 16 : i32
        %lt3A_122 = arith.cmpi slt, %while3A_118, %lt3A : i32
        %eq3A_123 = arith.constant 0 : i32
        %eq3A_124 = arith.cmpi eq, %while3A_121, %eq3A_123 : i32
        %and3A_125 = arith.andi %lt3A_122, %eq3A_124 : i1
        scf.condition(%and3A_125) %while3A_118, %while3A_119, %while3A_120, %while3A_121 : i32, i32, i32, i32
      } do {
      ^bb0(%while3A_118: i32, %while3A_119: i32, %while3A_120: i32, %while3A_121: i32):
        %add3A_122 = arith.constant 1 : i32
        %add3A_123 = arith.addi %while3A_118, %add3A_122 : i32
        %sub3A_124 = arith.constant 15 : i32
        %sub3A_125 = arith.subi %sub3A_124, %while3A_118 : i32
        %mul3A_126 = arith.constant 16 : i32
        %mul3A_127 = arith.muli %sub3A_125, %mul3A_126 : i32
        %add3A_128 = arith.constant 15 : i32
        %add3A_129 = arith.addi %mul3A_127, %add3A_128 : i32
        %sub3A_130 = arith.constant 0 : i32
        %sub3A_131 = arith.subi %add3A_129, %sub3A_130 : i32
        %mul3A_132 = arith.constant 16 : i32
        %mul3A_133 = arith.muli %sub3A_131, %mul3A_132 : i32
        %get3A = arith.index_cast %mul3A_133 : i32 to index
        %get3A_134 = tpu.vector_load %arg7[%get3A] {strides = array<i32>} : memref<4096xi32, #tpu.memory_space<vmem>>, vector<16xi32>,
        %reduce_sum3A_135 = arith.constant true
        %reduce_sum3A_136 = vector.broadcast %reduce_sum3A_135 : i1 to vector<16xi1>
        %reduce_sum3A_137 = tpu.scan <sum>, %get3A_134 masked %reduce_sum3A_136 : vector<16xi32>, vector<16xi1> -> vector<16xi32>
        %reduce_sum3A_138 = vector.extract %reduce_sum3A_137[15] : i32 from vector<16xi32>
        %add3A_139 = arith.constant 15 : i32
        %add3A_140 = arith.addi %mul3A_127, %add3A_139 : i32
        %sub3A_141 = arith.constant 1 : i32
        %sub3A_142 = arith.subi %add3A_140, %sub3A_141 : i32
        %mul3A_143 = arith.constant 16 : i32
        %mul3A_144 = arith.muli %sub3A_142, %mul3A_143 : i32
        %get3A_145 = arith.index_cast %mul3A_144 : i32 to index
        %get3A_146 = tpu.vector_load %arg7[%get3A_145] {strides = array<i32>} : memref<4096xi32, #tpu.memory_space<vmem>>, vector<16xi32>,
        %reduce_sum3A_147 = arith.constant true
        %reduce_sum3A_148 = vector.broadcast %reduce_sum3A_147 : i1 to vector<16xi1>
        %reduce_sum3A_149 = tpu.scan <sum>, %get3A_146 masked %reduce_sum3A_148 : vector<16xi32>, vector<16xi1> -> vector<16xi32>
        %reduce_sum3A_150 = vector.extract %reduce_sum3A_149[15] : i32 from vector<16xi32>
        %add3A_151 = arith.constant 15 : i32
        %add3A_152 = arith.addi %mul3A_127, %add3A_151 : i32
        %sub3A_153 = arith.constant 2 : i32
        %sub3A_154 = arith.subi %add3A_152, %sub3A_153 : i32
        %mul3A_155 = arith.constant 16 : i32
        %mul3A_156 = arith.muli %sub3A_154, %mul3A_155 : i32
        %get3A_157 = arith.index_cast %mul3A_156 : i32 to index
        %get3A_158 = tpu.vector_load %arg7[%get3A_157] {strides = array<i32>} : memref<4096xi32, #tpu.memory_space<vmem>>, vector<16xi32>,
        %reduce_sum3A_159 = arith.constant true
        %reduce_sum3A_160 = vector.broadcast %reduce_sum3A_159 : i1 to vector<16xi1>
        %reduce_sum3A_161 = tpu.scan <sum>, %get3A_158 masked %reduce_sum3A_160 : vector<16xi32>, vector<16xi1> -> vector<16xi32>
        %reduce_sum3A_162 = vector.extract %reduce_sum3A_161[15] : i32 from vector<16xi32>
        %add3A_163 = arith.constant 15 : i32
        %add3A_164 = arith.addi %mul3A_127, %add3A_163 : i32
        %sub3A_165 = arith.constant 3 : i32
        %sub3A_166 = arith.subi %add3A_164, %sub3A_165 : i32
        %mul3A_167 = arith.constant 16 : i32
        %mul3A_168 = arith.muli %sub3A_166, %mul3A_167 : i32
        %get3A_169 = arith.index_cast %mul3A_168 : i32 to index
        %get3A_170 = tpu.vector_load %arg7[%get3A_169] {strides = array<i32>} : memref<4096xi32, #tpu.memory_space<vmem>>, vector<16xi32>,
        %reduce_sum3A_171 = arith.constant true
        %reduce_sum3A_172 = vector.broadcast %reduce_sum3A_171 : i1 to vector<16xi1>
        %reduce_sum3A_173 = tpu.scan <sum>, %get3A_170 masked %reduce_sum3A_172 : vector<16xi32>, vector<16xi1> -> vector<16xi32>
        %reduce_sum3A_174 = vector.extract %reduce_sum3A_173[15] : i32 from vector<16xi32>
        %add3A_175 = arith.constant 15 : i32
        %add3A_176 = arith.addi %mul3A_127, %add3A_175 : i32
        %sub3A_177 = arith.constant 4 : i32
        %sub3A_178 = arith.subi %add3A_176, %sub3A_177 : i32
        %mul3A_179 = arith.constant 16 : i32
        %mul3A_180 = arith.muli %sub3A_178, %mul3A_179 : i32
        %get3A_181 = arith.index_cast %mul3A_180 : i32 to index
        %get3A_182 = tpu.vector_load %arg7[%get3A_181] {strides = array<i32>} : memref<4096xi32, #tpu.memory_space<vmem>>, vector<16xi32>,
        %reduce_sum3A_183 = arith.constant true
        %reduce_sum3A_184 = vector.broadcast %reduce_sum3A_183 : i1 to vector<16xi1>
        %reduce_sum3A_185 = tpu.scan <sum>, %get3A_182 masked %reduce_sum3A_184 : vector<16xi32>, vector<16xi1> -> vector<16xi32>
        %reduce_sum3A_186 = vector.extract %reduce_sum3A_185[15] : i32 from vector<16xi32>
        %add3A_187 = arith.constant 15 : i32
        %add3A_188 = arith.addi %mul3A_127, %add3A_187 : i32
        %sub3A_189 = arith.constant 5 : i32
        %sub3A_190 = arith.subi %add3A_188, %sub3A_189 : i32
        %mul3A_191 = arith.constant 16 : i32
        %mul3A_192 = arith.muli %sub3A_190, %mul3A_191 : i32
        %get3A_193 = arith.index_cast %mul3A_192 : i32 to index
        %get3A_194 = tpu.vector_load %arg7[%get3A_193] {strides = array<i32>} : memref<4096xi32, #tpu.memory_space<vmem>>, vector<16xi32>,
        %reduce_sum3A_195 = arith.constant true
        %reduce_sum3A_196 = vector.broadcast %reduce_sum3A_195 : i1 to vector<16xi1>
        %reduce_sum3A_197 = tpu.scan <sum>, %get3A_194 masked %reduce_sum3A_196 : vector<16xi32>, vector<16xi1> -> vector<16xi32>
        %reduce_sum3A_198 = vector.extract %reduce_sum3A_197[15] : i32 from vector<16xi32>
        %add3A_199 = arith.constant 15 : i32
        %add3A_200 = arith.addi %mul3A_127, %add3A_199 : i32
        %sub3A_201 = arith.constant 6 : i32
        %sub3A_202 = arith.subi %add3A_200, %sub3A_201 : i32
        %mul3A_203 = arith.constant 16 : i32
        %mul3A_204 = arith.muli %sub3A_202, %mul3A_203 : i32
        %get3A_205 = arith.index_cast %mul3A_204 : i32 to index
        %get3A_206 = tpu.vector_load %arg7[%get3A_205] {strides = array<i32>} : memref<4096xi32, #tpu.memory_space<vmem>>, vector<16xi32>,
        %reduce_sum3A_207 = arith.constant true
        %reduce_sum3A_208 = vector.broadcast %reduce_sum3A_207 : i1 to vector<16xi1>
        %reduce_sum3A_209 = tpu.scan <sum>, %get3A_206 masked %reduce_sum3A_208 : vector<16xi32>, vector<16xi1> -> vector<16xi32>
        %reduce_sum3A_210 = vector.extract %reduce_sum3A_209[15] : i32 from vector<16xi32>
        %add3A_211 = arith.constant 15 : i32
        %add3A_212 = arith.addi %mul3A_127, %add3A_211 : i32
        %sub3A_213 = arith.constant 7 : i32
        %sub3A_214 = arith.subi %add3A_212, %sub3A_213 : i32
        %mul3A_215 = arith.constant 16 : i32
        %mul3A_216 = arith.muli %sub3A_214, %mul3A_215 : i32
        %get3A_217 = arith.index_cast %mul3A_216 : i32 to index
        %get3A_218 = tpu.vector_load %arg7[%get3A_217] {strides = array<i32>} : memref<4096xi32, #tpu.memory_space<vmem>>, vector<16xi32>,
        %reduce_sum3A_219 = arith.constant true
        %reduce_sum3A_220 = vector.broadcast %reduce_sum3A_219 : i1 to vector<16xi1>
        %reduce_sum3A_221 = tpu.scan <sum>, %get3A_218 masked %reduce_sum3A_220 : vector<16xi32>, vector<16xi1> -> vector<16xi32>
        %reduce_sum3A_222 = vector.extract %reduce_sum3A_221[15] : i32 from vector<16xi32>
        %add3A_223 = arith.constant 15 : i32
        %add3A_224 = arith.addi %mul3A_127, %add3A_223 : i32
        %sub3A_225 = arith.constant 8 : i32
        %sub3A_226 = arith.subi %add3A_224, %sub3A_225 : i32
        %mul3A_227 = arith.constant 16 : i32
        %mul3A_228 = arith.muli %sub3A_226, %mul3A_227 : i32
        %get3A_229 = arith.index_cast %mul3A_228 : i32 to index
        %get3A_230 = tpu.vector_load %arg7[%get3A_229] {strides = array<i32>} : memref<4096xi32, #tpu.memory_space<vmem>>, vector<16xi32>,
        %reduce_sum3A_231 = arith.constant true
        %reduce_sum3A_232 = vector.broadcast %reduce_sum3A_231 : i1 to vector<16xi1>
        %reduce_sum3A_233 = tpu.scan <sum>, %get3A_230 masked %reduce_sum3A_232 : vector<16xi32>, vector<16xi1> -> vector<16xi32>
        %reduce_sum3A_234 = vector.extract %reduce_sum3A_233[15] : i32 from vector<16xi32>
        %add3A_235 = arith.constant 15 : i32
        %add3A_236 = arith.addi %mul3A_127, %add3A_235 : i32
        %sub3A_237 = arith.constant 9 : i32
        %sub3A_238 = arith.subi %add3A_236, %sub3A_237 : i32
        %mul3A_239 = arith.constant 16 : i32
        %mul3A_240 = arith.muli %sub3A_238, %mul3A_239 : i32
        %get3A_241 = arith.index_cast %mul3A_240 : i32 to index
        %get3A_242 = tpu.vector_load %arg7[%get3A_241] {strides = array<i32>} : memref<4096xi32, #tpu.memory_space<vmem>>, vector<16xi32>,
        %reduce_sum3A_243 = arith.constant true
        %reduce_sum3A_244 = vector.broadcast %reduce_sum3A_243 : i1 to vector<16xi1>
        %reduce_sum3A_245 = tpu.scan <sum>, %get3A_242 masked %reduce_sum3A_244 : vector<16xi32>, vector<16xi1> -> vector<16xi32>
        %reduce_sum3A_246 = vector.extract %reduce_sum3A_245[15] : i32 from vector<16xi32>
        %add3A_247 = arith.constant 15 : i32
        %add3A_248 = arith.addi %mul3A_127, %add3A_247 : i32
        %sub3A_249 = arith.constant 10 : i32
        %sub3A_250 = arith.subi %add3A_248, %sub3A_249 : i32
        %mul3A_251 = arith.constant 16 : i32
        %mul3A_252 = arith.muli %sub3A_250, %mul3A_251 : i32
        %get3A_253 = arith.index_cast %mul3A_252 : i32 to index
        %get3A_254 = tpu.vector_load %arg7[%get3A_253] {strides = array<i32>} : memref<4096xi32, #tpu.memory_space<vmem>>, vector<16xi32>,
        %reduce_sum3A_255 = arith.constant true
        %reduce_sum3A_256 = vector.broadcast %reduce_sum3A_255 : i1 to vector<16xi1>
        %reduce_sum3A_257 = tpu.scan <sum>, %get3A_254 masked %reduce_sum3A_256 : vector<16xi32>, vector<16xi1> -> vector<16xi32>
        %reduce_sum3A_258 = vector.extract %reduce_sum3A_257[15] : i32 from vector<16xi32>
        %add3A_259 = arith.constant 15 : i32
        %add3A_260 = arith.addi %mul3A_127, %add3A_259 : i32
        %sub3A_261 = arith.constant 11 : i32
        %sub3A_262 = arith.subi %add3A_260, %sub3A_261 : i32
        %mul3A_263 = arith.constant 16 : i32
        %mul3A_264 = arith.muli %sub3A_262, %mul3A_263 : i32
        %get3A_265 = arith.index_cast %mul3A_264 : i32 to index
        %get3A_266 = tpu.vector_load %arg7[%get3A_265] {strides = array<i32>} : memref<4096xi32, #tpu.memory_space<vmem>>, vector<16xi32>,
        %reduce_sum3A_267 = arith.constant true
        %reduce_sum3A_268 = vector.broadcast %reduce_sum3A_267 : i1 to vector<16xi1>
        %reduce_sum3A_269 = tpu.scan <sum>, %get3A_266 masked %reduce_sum3A_268 : vector<16xi32>, vector<16xi1> -> vector<16xi32>
        %reduce_sum3A_270 = vector.extract %reduce_sum3A_269[15] : i32 from vector<16xi32>
        %add3A_271 = arith.constant 15 : i32
        %add3A_272 = arith.addi %mul3A_127, %add3A_271 : i32
        %sub3A_273 = arith.constant 12 : i32
        %sub3A_274 = arith.subi %add3A_272, %sub3A_273 : i32
        %mul3A_275 = arith.constant 16 : i32
        %mul3A_276 = arith.muli %sub3A_274, %mul3A_275 : i32
        %get3A_277 = arith.index_cast %mul3A_276 : i32 to index
        %get3A_278 = tpu.vector_load %arg7[%get3A_277] {strides = array<i32>} : memref<4096xi32, #tpu.memory_space<vmem>>, vector<16xi32>,
        %reduce_sum3A_279 = arith.constant true
        %reduce_sum3A_280 = vector.broadcast %reduce_sum3A_279 : i1 to vector<16xi1>
        %reduce_sum3A_281 = tpu.scan <sum>, %get3A_278 masked %reduce_sum3A_280 : vector<16xi32>, vector<16xi1> -> vector<16xi32>
        %reduce_sum3A_282 = vector.extract %reduce_sum3A_281[15] : i32 from vector<16xi32>
        %add3A_283 = arith.constant 15 : i32
        %add3A_284 = arith.addi %mul3A_127, %add3A_283 : i32
        %sub3A_285 = arith.constant 13 : i32
        %sub3A_286 = arith.subi %add3A_284, %sub3A_285 : i32
        %mul3A_287 = arith.constant 16 : i32
        %mul3A_288 = arith.muli %sub3A_286, %mul3A_287 : i32
        %get3A_289 = arith.index_cast %mul3A_288 : i32 to index
        %get3A_290 = tpu.vector_load %arg7[%get3A_289] {strides = array<i32>} : memref<4096xi32, #tpu.memory_space<vmem>>, vector<16xi32>,
        %reduce_sum3A_291 = arith.constant true
        %reduce_sum3A_292 = vector.broadcast %reduce_sum3A_291 : i1 to vector<16xi1>
        %reduce_sum3A_293 = tpu.scan <sum>, %get3A_290 masked %reduce_sum3A_292 : vector<16xi32>, vector<16xi1> -> vector<16xi32>
        %reduce_sum3A_294 = vector.extract %reduce_sum3A_293[15] : i32 from vector<16xi32>
        %add3A_295 = arith.constant 15 : i32
        %add3A_296 = arith.addi %mul3A_127, %add3A_295 : i32
        %sub3A_297 = arith.constant 14 : i32
        %sub3A_298 = arith.subi %add3A_296, %sub3A_297 : i32
        %mul3A_299 = arith.constant 16 : i32
        %mul3A_300 = arith.muli %sub3A_298, %mul3A_299 : i32
        %get3A_301 = arith.index_cast %mul3A_300 : i32 to index
        %get3A_302 = tpu.vector_load %arg7[%get3A_301] {strides = array<i32>} : memref<4096xi32, #tpu.memory_space<vmem>>, vector<16xi32>,
        %reduce_sum3A_303 = arith.constant true
        %reduce_sum3A_304 = vector.broadcast %reduce_sum3A_303 : i1 to vector<16xi1>
        %reduce_sum3A_305 = tpu.scan <sum>, %get3A_302 masked %reduce_sum3A_304 : vector<16xi32>, vector<16xi1> -> vector<16xi32>
        %reduce_sum3A_306 = vector.extract %reduce_sum3A_305[15] : i32 from vector<16xi32>
        %add3A_307 = arith.constant 15 : i32
        %add3A_308 = arith.addi %mul3A_127, %add3A_307 : i32
        %sub3A_309 = arith.constant 15 : i32
        %sub3A_310 = arith.subi %add3A_308, %sub3A_309 : i32
        %mul3A_311 = arith.constant 16 : i32
        %mul3A_312 = arith.muli %sub3A_310, %mul3A_311 : i32
        %get3A_313 = arith.index_cast %mul3A_312 : i32 to index
        %get3A_314 = tpu.vector_load %arg7[%get3A_313] {strides = array<i32>} : memref<4096xi32, #tpu.memory_space<vmem>>, vector<16xi32>,
        %reduce_sum3A_315 = arith.constant true
        %reduce_sum3A_316 = vector.broadcast %reduce_sum3A_315 : i1 to vector<16xi1>
        %reduce_sum3A_317 = tpu.scan <sum>, %get3A_314 masked %reduce_sum3A_316 : vector<16xi32>, vector<16xi1> -> vector<16xi32>
        %reduce_sum3A_318 = vector.extract %reduce_sum3A_317[15] : i32 from vector<16xi32>
        %add3A_319 = arith.constant 15 : i32
        %add3A_320 = arith.addi %mul3A_127, %add3A_319 : i32
        %sub3A_321 = arith.constant 0 : i32
        %sub3A_322 = arith.subi %add3A_320, %sub3A_321 : i32
        %eq3A_323 = arith.constant 0 : i32
        %eq3A_324 = arith.cmpi eq, %while3A_121, %eq3A_323 : i32
        %add3A_325 = arith.addi %while3A_119, %reduce_sum3A_138 : i32
        %ge3A = arith.cmpi sge, %add3A_325, %while3A : i32
        %and3A_326 = arith.andi %eq3A_324, %ge3A : i1
        %select_n3A = arith.select %and3A_326, %sub3A_322, %while3A_120 : i32
        %jit3A = arith.constant 1 : i32
        %select_n3A_327 = arith.select %and3A_326, %jit3A, %while3A_121 : i32
        %eq3A_328 = arith.constant 1 : i32
        %eq3A_329 = arith.cmpi eq, %select_n3A_327, %eq3A_328 : i32
        %add3A_330 = arith.addi %while3A_119, %reduce_sum3A_138 : i32
        %select_n3A_331 = arith.select %eq3A_329, %while3A_119, %add3A_330 : i32
        %add3A_332 = arith.constant 15 : i32
        %add3A_333 = arith.addi %mul3A_127, %add3A_332 : i32
        %sub3A_334 = arith.constant 1 : i32
        %sub3A_335 = arith.subi %add3A_333, %sub3A_334 : i32
        %eq3A_336 = arith.constant 0 : i32
        %eq3A_337 = arith.cmpi eq, %select_n3A_327, %eq3A_336 : i32
        %add3A_338 = arith.addi %select_n3A_331, %reduce_sum3A_150 : i32
        %ge3A_339 = arith.cmpi sge, %add3A_338, %while3A : i32
        %and3A_340 = arith.andi %eq3A_337, %ge3A_339 : i1
        %select_n3A_341 = arith.select %and3A_340, %sub3A_335, %select_n3A : i32
        %jit3A_342 = arith.constant 1 : i32
        %select_n3A_343 = arith.select %and3A_340, %jit3A_342, %select_n3A_327 : i32
        %eq3A_344 = arith.constant 1 : i32
        %eq3A_345 = arith.cmpi eq, %select_n3A_343, %eq3A_344 : i32
        %add3A_346 = arith.addi %select_n3A_331, %reduce_sum3A_150 : i32
        %select_n3A_347 = arith.select %eq3A_345, %select_n3A_331, %add3A_346 : i32
        %add3A_348 = arith.constant 15 : i32
        %add3A_349 = arith.addi %mul3A_127, %add3A_348 : i32
        %sub3A_350 = arith.constant 2 : i32
        %sub3A_351 = arith.subi %add3A_349, %sub3A_350 : i32
        %eq3A_352 = arith.constant 0 : i32
        %eq3A_353 = arith.cmpi eq, %select_n3A_343, %eq3A_352 : i32
        %add3A_354 = arith.addi %select_n3A_347, %reduce_sum3A_162 : i32
        %ge3A_355 = arith.cmpi sge, %add3A_354, %while3A : i32
        %and3A_356 = arith.andi %eq3A_353, %ge3A_355 : i1
        %select_n3A_357 = arith.select %and3A_356, %sub3A_351, %select_n3A_341 : i32
        %jit3A_358 = arith.constant 1 : i32
        %select_n3A_359 = arith.select %and3A_356, %jit3A_358, %select_n3A_343 : i32
        %eq3A_360 = arith.constant 1 : i32
        %eq3A_361 = arith.cmpi eq, %select_n3A_359, %eq3A_360 : i32
        %add3A_362 = arith.addi %select_n3A_347, %reduce_sum3A_162 : i32
        %select_n3A_363 = arith.select %eq3A_361, %select_n3A_347, %add3A_362 : i32
        %add3A_364 = arith.constant 15 : i32
        %add3A_365 = arith.addi %mul3A_127, %add3A_364 : i32
        %sub3A_366 = arith.constant 3 : i32
        %sub3A_367 = arith.subi %add3A_365, %sub3A_366 : i32
        %eq3A_368 = arith.constant 0 : i32
        %eq3A_369 = arith.cmpi eq, %select_n3A_359, %eq3A_368 : i32
        %add3A_370 = arith.addi %select_n3A_363, %reduce_sum3A_174 : i32
        %ge3A_371 = arith.cmpi sge, %add3A_370, %while3A : i32
        %and3A_372 = arith.andi %eq3A_369, %ge3A_371 : i1
        %select_n3A_373 = arith.select %and3A_372, %sub3A_367, %select_n3A_357 : i32
        %jit3A_374 = arith.constant 1 : i32
        %select_n3A_375 = arith.select %and3A_372, %jit3A_374, %select_n3A_359 : i32
        %eq3A_376 = arith.constant 1 : i32
        %eq3A_377 = arith.cmpi eq, %select_n3A_375, %eq3A_376 : i32
        %add3A_378 = arith.addi %select_n3A_363, %reduce_sum3A_174 : i32
        %select_n3A_379 = arith.select %eq3A_377, %select_n3A_363, %add3A_378 : i32
        %add3A_380 = arith.constant 15 : i32
        %add3A_381 = arith.addi %mul3A_127, %add3A_380 : i32
        %sub3A_382 = arith.constant 4 : i32
        %sub3A_383 = arith.subi %add3A_381, %sub3A_382 : i32
        %eq3A_384 = arith.constant 0 : i32
        %eq3A_385 = arith.cmpi eq, %select_n3A_375, %eq3A_384 : i32
        %add3A_386 = arith.addi %select_n3A_379, %reduce_sum3A_186 : i32
        %ge3A_387 = arith.cmpi sge, %add3A_386, %while3A : i32
        %and3A_388 = arith.andi %eq3A_385, %ge3A_387 : i1
        %select_n3A_389 = arith.select %and3A_388, %sub3A_383, %select_n3A_373 : i32
        %jit3A_390 = arith.constant 1 : i32
        %select_n3A_391 = arith.select %and3A_388, %jit3A_390, %select_n3A_375 : i32
        %eq3A_392 = arith.constant 1 : i32
        %eq3A_393 = arith.cmpi eq, %select_n3A_391, %eq3A_392 : i32
        %add3A_394 = arith.addi %select_n3A_379, %reduce_sum3A_186 : i32
        %select_n3A_395 = arith.select %eq3A_393, %select_n3A_379, %add3A_394 : i32
        %add3A_396 = arith.constant 15 : i32
        %add3A_397 = arith.addi %mul3A_127, %add3A_396 : i32
        %sub3A_398 = arith.constant 5 : i32
        %sub3A_399 = arith.subi %add3A_397, %sub3A_398 : i32
        %eq3A_400 = arith.constant 0 : i32
        %eq3A_401 = arith.cmpi eq, %select_n3A_391, %eq3A_400 : i32
        %add3A_402 = arith.addi %select_n3A_395, %reduce_sum3A_198 : i32
        %ge3A_403 = arith.cmpi sge, %add3A_402, %while3A : i32
        %and3A_404 = arith.andi %eq3A_401, %ge3A_403 : i1
        %select_n3A_405 = arith.select %and3A_404, %sub3A_399, %select_n3A_389 : i32
        %jit3A_406 = arith.constant 1 : i32
        %select_n3A_407 = arith.select %and3A_404, %jit3A_406, %select_n3A_391 : i32
        %eq3A_408 = arith.constant 1 : i32
        %eq3A_409 = arith.cmpi eq, %select_n3A_407, %eq3A_408 : i32
        %add3A_410 = arith.addi %select_n3A_395, %reduce_sum3A_198 : i32
        %select_n3A_411 = arith.select %eq3A_409, %select_n3A_395, %add3A_410 : i32
        %add3A_412 = arith.constant 15 : i32
        %add3A_413 = arith.addi %mul3A_127, %add3A_412 : i32
        %sub3A_414 = arith.constant 6 : i32
        %sub3A_415 = arith.subi %add3A_413, %sub3A_414 : i32
        %eq3A_416 = arith.constant 0 : i32
        %eq3A_417 = arith.cmpi eq, %select_n3A_407, %eq3A_416 : i32
        %add3A_418 = arith.addi %select_n3A_411, %reduce_sum3A_210 : i32
        %ge3A_419 = arith.cmpi sge, %add3A_418, %while3A : i32
        %and3A_420 = arith.andi %eq3A_417, %ge3A_419 : i1
        %select_n3A_421 = arith.select %and3A_420, %sub3A_415, %select_n3A_405 : i32
        %jit3A_422 = arith.constant 1 : i32
        %select_n3A_423 = arith.select %and3A_420, %jit3A_422, %select_n3A_407 : i32
        %eq3A_424 = arith.constant 1 : i32
        %eq3A_425 = arith.cmpi eq, %select_n3A_423, %eq3A_424 : i32
        %add3A_426 = arith.addi %select_n3A_411, %reduce_sum3A_210 : i32
        %select_n3A_427 = arith.select %eq3A_425, %select_n3A_411, %add3A_426 : i32
        %add3A_428 = arith.constant 15 : i32
        %add3A_429 = arith.addi %mul3A_127, %add3A_428 : i32
        %sub3A_430 = arith.constant 7 : i32
        %sub3A_431 = arith.subi %add3A_429, %sub3A_430 : i32
        %eq3A_432 = arith.constant 0 : i32
        %eq3A_433 = arith.cmpi eq, %select_n3A_423, %eq3A_432 : i32
        %add3A_434 = arith.addi %select_n3A_427, %reduce_sum3A_222 : i32
        %ge3A_435 = arith.cmpi sge, %add3A_434, %while3A : i32
        %and3A_436 = arith.andi %eq3A_433, %ge3A_435 : i1
        %select_n3A_437 = arith.select %and3A_436, %sub3A_431, %select_n3A_421 : i32
        %jit3A_438 = arith.constant 1 : i32
        %select_n3A_439 = arith.select %and3A_436, %jit3A_438, %select_n3A_423 : i32
        %eq3A_440 = arith.constant 1 : i32
        %eq3A_441 = arith.cmpi eq, %select_n3A_439, %eq3A_440 : i32
        %add3A_442 = arith.addi %select_n3A_427, %reduce_sum3A_222 : i32
        %select_n3A_443 = arith.select %eq3A_441, %select_n3A_427, %add3A_442 : i32
        %add3A_444 = arith.constant 15 : i32
        %add3A_445 = arith.addi %mul3A_127, %add3A_444 : i32
        %sub3A_446 = arith.constant 8 : i32
        %sub3A_447 = arith.subi %add3A_445, %sub3A_446 : i32
        %eq3A_448 = arith.constant 0 : i32
        %eq3A_449 = arith.cmpi eq, %select_n3A_439, %eq3A_448 : i32
        %add3A_450 = arith.addi %select_n3A_443, %reduce_sum3A_234 : i32
        %ge3A_451 = arith.cmpi sge, %add3A_450, %while3A : i32
        %and3A_452 = arith.andi %eq3A_449, %ge3A_451 : i1
        %select_n3A_453 = arith.select %and3A_452, %sub3A_447, %select_n3A_437 : i32
        %jit3A_454 = arith.constant 1 : i32
        %select_n3A_455 = arith.select %and3A_452, %jit3A_454, %select_n3A_439 : i32
        %eq3A_456 = arith.constant 1 : i32
        %eq3A_457 = arith.cmpi eq, %select_n3A_455, %eq3A_456 : i32
        %add3A_458 = arith.addi %select_n3A_443, %reduce_sum3A_234 : i32
        %select_n3A_459 = arith.select %eq3A_457, %select_n3A_443, %add3A_458 : i32
        %add3A_460 = arith.constant 15 : i32
        %add3A_461 = arith.addi %mul3A_127, %add3A_460 : i32
        %sub3A_462 = arith.constant 9 : i32
        %sub3A_463 = arith.subi %add3A_461, %sub3A_462 : i32
        %eq3A_464 = arith.constant 0 : i32
        %eq3A_465 = arith.cmpi eq, %select_n3A_455, %eq3A_464 : i32
        %add3A_466 = arith.addi %select_n3A_459, %reduce_sum3A_246 : i32
        %ge3A_467 = arith.cmpi sge, %add3A_466, %while3A : i32
        %and3A_468 = arith.andi %eq3A_465, %ge3A_467 : i1
        %select_n3A_469 = arith.select %and3A_468, %sub3A_463, %select_n3A_453 : i32
        %jit3A_470 = arith.constant 1 : i32
        %select_n3A_471 = arith.select %and3A_468, %jit3A_470, %select_n3A_455 : i32
        %eq3A_472 = arith.constant 1 : i32
        %eq3A_473 = arith.cmpi eq, %select_n3A_471, %eq3A_472 : i32
        %add3A_474 = arith.addi %select_n3A_459, %reduce_sum3A_246 : i32
        %select_n3A_475 = arith.select %eq3A_473, %select_n3A_459, %add3A_474 : i32
        %add3A_476 = arith.constant 15 : i32
        %add3A_477 = arith.addi %mul3A_127, %add3A_476 : i32
        %sub3A_478 = arith.constant 10 : i32
        %sub3A_479 = arith.subi %add3A_477, %sub3A_478 : i32
        %eq3A_480 = arith.constant 0 : i32
        %eq3A_481 = arith.cmpi eq, %select_n3A_471, %eq3A_480 : i32
        %add3A_482 = arith.addi %select_n3A_475, %reduce_sum3A_258 : i32
        %ge3A_483 = arith.cmpi sge, %add3A_482, %while3A : i32
        %and3A_484 = arith.andi %eq3A_481, %ge3A_483 : i1
        %select_n3A_485 = arith.select %and3A_484, %sub3A_479, %select_n3A_469 : i32
        %jit3A_486 = arith.constant 1 : i32
        %select_n3A_487 = arith.select %and3A_484, %jit3A_486, %select_n3A_471 : i32
        %eq3A_488 = arith.constant 1 : i32
        %eq3A_489 = arith.cmpi eq, %select_n3A_487, %eq3A_488 : i32
        %add3A_490 = arith.addi %select_n3A_475, %reduce_sum3A_258 : i32
        %select_n3A_491 = arith.select %eq3A_489, %select_n3A_475, %add3A_490 : i32
        %add3A_492 = arith.constant 15 : i32
        %add3A_493 = arith.addi %mul3A_127, %add3A_492 : i32
        %sub3A_494 = arith.constant 11 : i32
        %sub3A_495 = arith.subi %add3A_493, %sub3A_494 : i32
        %eq3A_496 = arith.constant 0 : i32
        %eq3A_497 = arith.cmpi eq, %select_n3A_487, %eq3A_496 : i32
        %add3A_498 = arith.addi %select_n3A_491, %reduce_sum3A_270 : i32
        %ge3A_499 = arith.cmpi sge, %add3A_498, %while3A : i32
        %and3A_500 = arith.andi %eq3A_497, %ge3A_499 : i1
        %select_n3A_501 = arith.select %and3A_500, %sub3A_495, %select_n3A_485 : i32
        %jit3A_502 = arith.constant 1 : i32
        %select_n3A_503 = arith.select %and3A_500, %jit3A_502, %select_n3A_487 : i32
        %eq3A_504 = arith.constant 1 : i32
        %eq3A_505 = arith.cmpi eq, %select_n3A_503, %eq3A_504 : i32
        %add3A_506 = arith.addi %select_n3A_491, %reduce_sum3A_270 : i32
        %select_n3A_507 = arith.select %eq3A_505, %select_n3A_491, %add3A_506 : i32
        %add3A_508 = arith.constant 15 : i32
        %add3A_509 = arith.addi %mul3A_127, %add3A_508 : i32
        %sub3A_510 = arith.constant 12 : i32
        %sub3A_511 = arith.subi %add3A_509, %sub3A_510 : i32
        %eq3A_512 = arith.constant 0 : i32
        %eq3A_513 = arith.cmpi eq, %select_n3A_503, %eq3A_512 : i32
        %add3A_514 = arith.addi %select_n3A_507, %reduce_sum3A_282 : i32
        %ge3A_515 = arith.cmpi sge, %add3A_514, %while3A : i32
        %and3A_516 = arith.andi %eq3A_513, %ge3A_515 : i1
        %select_n3A_517 = arith.select %and3A_516, %sub3A_511, %select_n3A_501 : i32
        %jit3A_518 = arith.constant 1 : i32
        %select_n3A_519 = arith.select %and3A_516, %jit3A_518, %select_n3A_503 : i32
        %eq3A_520 = arith.constant 1 : i32
        %eq3A_521 = arith.cmpi eq, %select_n3A_519, %eq3A_520 : i32
        %add3A_522 = arith.addi %select_n3A_507, %reduce_sum3A_282 : i32
        %select_n3A_523 = arith.select %eq3A_521, %select_n3A_507, %add3A_522 : i32
        %add3A_524 = arith.constant 15 : i32
        %add3A_525 = arith.addi %mul3A_127, %add3A_524 : i32
        %sub3A_526 = arith.constant 13 : i32
        %sub3A_527 = arith.subi %add3A_525, %sub3A_526 : i32
        %eq3A_528 = arith.constant 0 : i32
        %eq3A_529 = arith.cmpi eq, %select_n3A_519, %eq3A_528 : i32
        %add3A_530 = arith.addi %select_n3A_523, %reduce_sum3A_294 : i32
        %ge3A_531 = arith.cmpi sge, %add3A_530, %while3A : i32
        %and3A_532 = arith.andi %eq3A_529, %ge3A_531 : i1
        %select_n3A_533 = arith.select %and3A_532, %sub3A_527, %select_n3A_517 : i32
        %jit3A_534 = arith.constant 1 : i32
        %select_n3A_535 = arith.select %and3A_532, %jit3A_534, %select_n3A_519 : i32
        %eq3A_536 = arith.constant 1 : i32
        %eq3A_537 = arith.cmpi eq, %select_n3A_535, %eq3A_536 : i32
        %add3A_538 = arith.addi %select_n3A_523, %reduce_sum3A_294 : i32
        %select_n3A_539 = arith.select %eq3A_537, %select_n3A_523, %add3A_538 : i32
        %add3A_540 = arith.constant 15 : i32
        %add3A_541 = arith.addi %mul3A_127, %add3A_540 : i32
        %sub3A_542 = arith.constant 14 : i32
        %sub3A_543 = arith.subi %add3A_541, %sub3A_542 : i32
        %eq3A_544 = arith.constant 0 : i32
        %eq3A_545 = arith.cmpi eq, %select_n3A_535, %eq3A_544 : i32
        %add3A_546 = arith.addi %select_n3A_539, %reduce_sum3A_306 : i32
        %ge3A_547 = arith.cmpi sge, %add3A_546, %while3A : i32
        %and3A_548 = arith.andi %eq3A_545, %ge3A_547 : i1
        %select_n3A_549 = arith.select %and3A_548, %sub3A_543, %select_n3A_533 : i32
        %jit3A_550 = arith.constant 1 : i32
        %select_n3A_551 = arith.select %and3A_548, %jit3A_550, %select_n3A_535 : i32
        %eq3A_552 = arith.constant 1 : i32
        %eq3A_553 = arith.cmpi eq, %select_n3A_551, %eq3A_552 : i32
        %add3A_554 = arith.addi %select_n3A_539, %reduce_sum3A_306 : i32
        %select_n3A_555 = arith.select %eq3A_553, %select_n3A_539, %add3A_554 : i32
        %add3A_556 = arith.constant 15 : i32
        %add3A_557 = arith.addi %mul3A_127, %add3A_556 : i32
        %sub3A_558 = arith.constant 15 : i32
        %sub3A_559 = arith.subi %add3A_557, %sub3A_558 : i32
        %eq3A_560 = arith.constant 0 : i32
        %eq3A_561 = arith.cmpi eq, %select_n3A_551, %eq3A_560 : i32
        %add3A_562 = arith.addi %select_n3A_555, %reduce_sum3A_318 : i32
        %ge3A_563 = arith.cmpi sge, %add3A_562, %while3A : i32
        %and3A_564 = arith.andi %eq3A_561, %ge3A_563 : i1
        %select_n3A_565 = arith.select %and3A_564, %sub3A_559, %select_n3A_549 : i32
        %jit3A_566 = arith.constant 1 : i32
        %select_n3A_567 = arith.select %and3A_564, %jit3A_566, %select_n3A_551 : i32
        %eq3A_568 = arith.constant 1 : i32
        %eq3A_569 = arith.cmpi eq, %select_n3A_567, %eq3A_568 : i32
        %add3A_570 = arith.addi %select_n3A_555, %reduce_sum3A_318 : i32
        %select_n3A_571 = arith.select %eq3A_569, %select_n3A_555, %add3A_570 : i32
        scf.yield %add3A_123, %select_n3A_571, %select_n3A_565, %select_n3A_567 : i32, i32, i32, i32
      }
      %sub3A = arith.constant 2048 : i32
      %sub3A_21 = arith.subi %sub3A, %while3A_20#1 : i32
      %shift_left3A = arith.constant 24 : i32
      %shift_left3A_22 = arith.shli %while3A_20#2, %shift_left3A : i32
      %or3A = arith.constant 0 : i32
      %or3A_23 = arith.ori %or3A, %shift_left3A_22 : i32
      %scan3A_24 = arith.constant 0 : i32
      %scan3A_25 = arith.constant 0 : i32
      %scan3A_26 = arith.constant 32 : i32
      %scan3A_27 = arith.addi %scan3A_25, %scan3A_26 : i32
      %scan3A_28 = arith.constant 1 : i32
      scf.for %scan3A_118 = %scan3A_25 to %scan3A_27 step %scan3A_28  : i32 {
        %broadcast_in_dim3A_119 = arith.constant 0 : i32
        %broadcast_in_dim3A_120 = vector.broadcast %broadcast_in_dim3A_119 : i32 to vector<16xi32>
        %mul3A_121 = arith.constant 8 : i32
        %mul3A_122 = arith.muli %scan3A_118, %mul3A_121 : i32
        %add3A_123 = arith.constant 0 : i32
        %add3A_124 = arith.addi %mul3A_122, %add3A_123 : i32
        %mul3A_125 = arith.constant 16 : i32
        %mul3A_126 = arith.muli %add3A_124, %mul3A_125 : i32
        %swap3A_127 = arith.index_cast %mul3A_126 : i32 to index
        %swap3A_128 = tpu.vector_load %arg7[%swap3A_127] {strides = array<i32>} : memref<4096xi32, #tpu.memory_space<vmem>>, vector<16xi32>,
        tpu.vector_store %arg7[%swap3A_127], %broadcast_in_dim3A_120 {strides = array<i32>} : memref<4096xi32, #tpu.memory_space<vmem>>, vector<16xi32>,
        %broadcast_in_dim3A_129 = arith.constant 0 : i32
        %broadcast_in_dim3A_130 = vector.broadcast %broadcast_in_dim3A_129 : i32 to vector<16xi32>
        %mul3A_131 = arith.constant 8 : i32
        %mul3A_132 = arith.muli %scan3A_118, %mul3A_131 : i32
        %add3A_133 = arith.constant 1 : i32
        %add3A_134 = arith.addi %mul3A_132, %add3A_133 : i32
        %mul3A_135 = arith.constant 16 : i32
        %mul3A_136 = arith.muli %add3A_134, %mul3A_135 : i32
        %swap3A_137 = arith.index_cast %mul3A_136 : i32 to index
        %swap3A_138 = tpu.vector_load %arg7[%swap3A_137] {strides = array<i32>} : memref<4096xi32, #tpu.memory_space<vmem>>, vector<16xi32>,
        tpu.vector_store %arg7[%swap3A_137], %broadcast_in_dim3A_130 {strides = array<i32>} : memref<4096xi32, #tpu.memory_space<vmem>>, vector<16xi32>,
        %broadcast_in_dim3A_139 = arith.constant 0 : i32
        %broadcast_in_dim3A_140 = vector.broadcast %broadcast_in_dim3A_139 : i32 to vector<16xi32>
        %mul3A_141 = arith.constant 8 : i32
        %mul3A_142 = arith.muli %scan3A_118, %mul3A_141 : i32
        %add3A_143 = arith.constant 2 : i32
        %add3A_144 = arith.addi %mul3A_142, %add3A_143 : i32
        %mul3A_145 = arith.constant 16 : i32
        %mul3A_146 = arith.muli %add3A_144, %mul3A_145 : i32
        %swap3A_147 = arith.index_cast %mul3A_146 : i32 to index
        %swap3A_148 = tpu.vector_load %arg7[%swap3A_147] {strides = array<i32>} : memref<4096xi32, #tpu.memory_space<vmem>>, vector<16xi32>,
        tpu.vector_store %arg7[%swap3A_147], %broadcast_in_dim3A_140 {strides = array<i32>} : memref<4096xi32, #tpu.memory_space<vmem>>, vector<16xi32>,
        %broadcast_in_dim3A_149 = arith.constant 0 : i32
        %broadcast_in_dim3A_150 = vector.broadcast %broadcast_in_dim3A_149 : i32 to vector<16xi32>
        %mul3A_151 = arith.constant 8 : i32
        %mul3A_152 = arith.muli %scan3A_118, %mul3A_151 : i32
        %add3A_153 = arith.constant 3 : i32
        %add3A_154 = arith.addi %mul3A_152, %add3A_153 : i32
        %mul3A_155 = arith.constant 16 : i32
        %mul3A_156 = arith.muli %add3A_154, %mul3A_155 : i32
        %swap3A_157 = arith.index_cast %mul3A_156 : i32 to index
        %swap3A_158 = tpu.vector_load %arg7[%swap3A_157] {strides = array<i32>} : memref<4096xi32, #tpu.memory_space<vmem>>, vector<16xi32>,
        tpu.vector_store %arg7[%swap3A_157], %broadcast_in_dim3A_150 {strides = array<i32>} : memref<4096xi32, #tpu.memory_space<vmem>>, vector<16xi32>,
        %broadcast_in_dim3A_159 = arith.constant 0 : i32
        %broadcast_in_dim3A_160 = vector.broadcast %broadcast_in_dim3A_159 : i32 to vector<16xi32>
        %mul3A_161 = arith.constant 8 : i32
        %mul3A_162 = arith.muli %scan3A_118, %mul3A_161 : i32
        %add3A_163 = arith.constant 4 : i32
        %add3A_164 = arith.addi %mul3A_162, %add3A_163 : i32
        %mul3A_165 = arith.constant 16 : i32
        %mul3A_166 = arith.muli %add3A_164, %mul3A_165 : i32
        %swap3A_167 = arith.index_cast %mul3A_166 : i32 to index
        %swap3A_168 = tpu.vector_load %arg7[%swap3A_167] {strides = array<i32>} : memref<4096xi32, #tpu.memory_space<vmem>>, vector<16xi32>,
        tpu.vector_store %arg7[%swap3A_167], %broadcast_in_dim3A_160 {strides = array<i32>} : memref<4096xi32, #tpu.memory_space<vmem>>, vector<16xi32>,
        %broadcast_in_dim3A_169 = arith.constant 0 : i32
        %broadcast_in_dim3A_170 = vector.broadcast %broadcast_in_dim3A_169 : i32 to vector<16xi32>
        %mul3A_171 = arith.constant 8 : i32
        %mul3A_172 = arith.muli %scan3A_118, %mul3A_171 : i32
        %add3A_173 = arith.constant 5 : i32
        %add3A_174 = arith.addi %mul3A_172, %add3A_173 : i32
        %mul3A_175 = arith.constant 16 : i32
        %mul3A_176 = arith.muli %add3A_174, %mul3A_175 : i32
        %swap3A_177 = arith.index_cast %mul3A_176 : i32 to index
        %swap3A_178 = tpu.vector_load %arg7[%swap3A_177] {strides = array<i32>} : memref<4096xi32, #tpu.memory_space<vmem>>, vector<16xi32>,
        tpu.vector_store %arg7[%swap3A_177], %broadcast_in_dim3A_170 {strides = array<i32>} : memref<4096xi32, #tpu.memory_space<vmem>>, vector<16xi32>,
        %broadcast_in_dim3A_179 = arith.constant 0 : i32
        %broadcast_in_dim3A_180 = vector.broadcast %broadcast_in_dim3A_179 : i32 to vector<16xi32>
        %mul3A_181 = arith.constant 8 : i32
        %mul3A_182 = arith.muli %scan3A_118, %mul3A_181 : i32
        %add3A_183 = arith.constant 6 : i32
        %add3A_184 = arith.addi %mul3A_182, %add3A_183 : i32
        %mul3A_185 = arith.constant 16 : i32
        %mul3A_186 = arith.muli %add3A_184, %mul3A_185 : i32
        %swap3A_187 = arith.index_cast %mul3A_186 : i32 to index
        %swap3A_188 = tpu.vector_load %arg7[%swap3A_187] {strides = array<i32>} : memref<4096xi32, #tpu.memory_space<vmem>>, vector<16xi32>,
        tpu.vector_store %arg7[%swap3A_187], %broadcast_in_dim3A_180 {strides = array<i32>} : memref<4096xi32, #tpu.memory_space<vmem>>, vector<16xi32>,
        %broadcast_in_dim3A_189 = arith.constant 0 : i32
        %broadcast_in_dim3A_190 = vector.broadcast %broadcast_in_dim3A_189 : i32 to vector<16xi32>
        %mul3A_191 = arith.constant 8 : i32
        %mul3A_192 = arith.muli %scan3A_118, %mul3A_191 : i32
        %add3A_193 = arith.constant 7 : i32
        %add3A_194 = arith.addi %mul3A_192, %add3A_193 : i32
        %mul3A_195 = arith.constant 16 : i32
        %mul3A_196 = arith.muli %add3A_194, %mul3A_195 : i32
        %swap3A_197 = arith.index_cast %mul3A_196 : i32 to index
        %swap3A_198 = tpu.vector_load %arg7[%swap3A_197] {strides = array<i32>} : memref<4096xi32, #tpu.memory_space<vmem>>, vector<16xi32>,
        tpu.vector_store %arg7[%swap3A_197], %broadcast_in_dim3A_190 {strides = array<i32>} : memref<4096xi32, #tpu.memory_space<vmem>>, vector<16xi32>,
      }
      %scan3A_29 = arith.constant 32 : i32
      %scan3A_30 = arith.constant 0 : i32
      %scan3A_31 = arith.constant 0 : i32
      %scan3A_32 = arith.constant 64 : i32
      %scan3A_33 = arith.addi %scan3A_31, %scan3A_32 : i32
      %scan3A_34 = arith.constant 1 : i32
      scf.for %scan3A_118 = %scan3A_31 to %scan3A_33 step %scan3A_34  : i32 {
        %mul3A_119 = arith.constant 8 : i32
        %mul3A_120 = arith.muli %scan3A_118, %mul3A_119 : i32
        %add3A_121 = arith.constant 0 : i32
        %add3A_122 = arith.addi %mul3A_120, %add3A_121 : i32
        %mul3A_123 = arith.constant 16 : i32
        %mul3A_124 = arith.muli %add3A_122, %mul3A_123 : i32
        %get3A = arith.index_cast %mul3A_124 : i32 to index
        %get3A_125 = tpu.vector_load %arg5[%get3A] {strides = array<i32>} : memref<8192xi32, #tpu.memory_space<vmem>>, vector<16xi32>,
        %xor3A_126 = arith.constant -2147483648 : i32
        %xor3A_127 = vector.broadcast %xor3A_126 : i32 to vector<16xi32>
        %xor3A_128 = arith.xori %get3A_125, %xor3A_127 : vector<16xi32>
        %broadcast_in_dim3A_129 = arith.constant 16 : i32
        %broadcast_in_dim3A_130 = vector.broadcast %broadcast_in_dim3A_129 : i32 to vector<16xi32>
        %shift_right_logical3A = arith.shrui %xor3A_128, %broadcast_in_dim3A_130 : vector<16xi32>
        %and3A_131 = arith.constant 255 : i32
        %and3A_132 = vector.broadcast %and3A_131 : i32 to vector<16xi32>
        %and3A_133 = arith.andi %shift_right_logical3A, %and3A_132 : vector<16xi32>
        %and3A_134 = arith.constant -16777216 : i32
        %and3A_135 = vector.broadcast %and3A_134 : i32 to vector<16xi32>
        %and3A_136 = arith.andi %xor3A_128, %and3A_135 : vector<16xi32>
        %eq3A_137 = vector.broadcast %or3A_23 : i32 to vector<16xi32>
        %eq3A_138 = arith.cmpi eq, %and3A_136, %eq3A_137 : vector<16xi32>
        %mul3A_139 = arith.constant 16 : i32
        %mul3A_140 = vector.broadcast %mul3A_139 : i32 to vector<16xi32>
        %mul3A_141 = arith.muli %and3A_133, %mul3A_140 : vector<16xi32>
        %add3A_142 = arith.addi %mul3A_141, %iota3A : vector<16xi32>
        tpu.vector_store_idx %arg7[%add3A_142], %broadcast_in_dim3A_4 masked %eq3A_138 {add = true} : memref<4096xi32, #tpu.memory_space<vmem>>[vector<16xi32>], vector<16xi32>, vector<16xi1>
        %mul3A_143 = arith.constant 8 : i32
        %mul3A_144 = arith.muli %scan3A_118, %mul3A_143 : i32
        %add3A_145 = arith.constant 1 : i32
        %add3A_146 = arith.addi %mul3A_144, %add3A_145 : i32
        %mul3A_147 = arith.constant 16 : i32
        %mul3A_148 = arith.muli %add3A_146, %mul3A_147 : i32
        %get3A_149 = arith.index_cast %mul3A_148 : i32 to index
        %get3A_150 = tpu.vector_load %arg5[%get3A_149] {strides = array<i32>} : memref<8192xi32, #tpu.memory_space<vmem>>, vector<16xi32>,
        %xor3A_151 = arith.constant -2147483648 : i32
        %xor3A_152 = vector.broadcast %xor3A_151 : i32 to vector<16xi32>
        %xor3A_153 = arith.xori %get3A_150, %xor3A_152 : vector<16xi32>
        %broadcast_in_dim3A_154 = arith.constant 16 : i32
        %broadcast_in_dim3A_155 = vector.broadcast %broadcast_in_dim3A_154 : i32 to vector<16xi32>
        %shift_right_logical3A_156 = arith.shrui %xor3A_153, %broadcast_in_dim3A_155 : vector<16xi32>
        %and3A_157 = arith.constant 255 : i32
        %and3A_158 = vector.broadcast %and3A_157 : i32 to vector<16xi32>
        %and3A_159 = arith.andi %shift_right_logical3A_156, %and3A_158 : vector<16xi32>
        %and3A_160 = arith.constant -16777216 : i32
        %and3A_161 = vector.broadcast %and3A_160 : i32 to vector<16xi32>
        %and3A_162 = arith.andi %xor3A_153, %and3A_161 : vector<16xi32>
        %eq3A_163 = vector.broadcast %or3A_23 : i32 to vector<16xi32>
        %eq3A_164 = arith.cmpi eq, %and3A_162, %eq3A_163 : vector<16xi32>
        %mul3A_165 = arith.constant 16 : i32
        %mul3A_166 = vector.broadcast %mul3A_165 : i32 to vector<16xi32>
        %mul3A_167 = arith.muli %and3A_159, %mul3A_166 : vector<16xi32>
        %add3A_168 = arith.addi %mul3A_167, %iota3A : vector<16xi32>
        tpu.vector_store_idx %arg7[%add3A_168], %broadcast_in_dim3A_4 masked %eq3A_164 {add = true} : memref<4096xi32, #tpu.memory_space<vmem>>[vector<16xi32>], vector<16xi32>, vector<16xi1>
        %mul3A_169 = arith.constant 8 : i32
        %mul3A_170 = arith.muli %scan3A_118, %mul3A_169 : i32
        %add3A_171 = arith.constant 2 : i32
        %add3A_172 = arith.addi %mul3A_170, %add3A_171 : i32
        %mul3A_173 = arith.constant 16 : i32
        %mul3A_174 = arith.muli %add3A_172, %mul3A_173 : i32
        %get3A_175 = arith.index_cast %mul3A_174 : i32 to index
        %get3A_176 = tpu.vector_load %arg5[%get3A_175] {strides = array<i32>} : memref<8192xi32, #tpu.memory_space<vmem>>, vector<16xi32>,
        %xor3A_177 = arith.constant -2147483648 : i32
        %xor3A_178 = vector.broadcast %xor3A_177 : i32 to vector<16xi32>
        %xor3A_179 = arith.xori %get3A_176, %xor3A_178 : vector<16xi32>
        %broadcast_in_dim3A_180 = arith.constant 16 : i32
        %broadcast_in_dim3A_181 = vector.broadcast %broadcast_in_dim3A_180 : i32 to vector<16xi32>
        %shift_right_logical3A_182 = arith.shrui %xor3A_179, %broadcast_in_dim3A_181 : vector<16xi32>
        %and3A_183 = arith.constant 255 : i32
        %and3A_184 = vector.broadcast %and3A_183 : i32 to vector<16xi32>
        %and3A_185 = arith.andi %shift_right_logical3A_182, %and3A_184 : vector<16xi32>
        %and3A_186 = arith.constant -16777216 : i32
        %and3A_187 = vector.broadcast %and3A_186 : i32 to vector<16xi32>
        %and3A_188 = arith.andi %xor3A_179, %and3A_187 : vector<16xi32>
        %eq3A_189 = vector.broadcast %or3A_23 : i32 to vector<16xi32>
        %eq3A_190 = arith.cmpi eq, %and3A_188, %eq3A_189 : vector<16xi32>
        %mul3A_191 = arith.constant 16 : i32
        %mul3A_192 = vector.broadcast %mul3A_191 : i32 to vector<16xi32>
        %mul3A_193 = arith.muli %and3A_185, %mul3A_192 : vector<16xi32>
        %add3A_194 = arith.addi %mul3A_193, %iota3A : vector<16xi32>
        tpu.vector_store_idx %arg7[%add3A_194], %broadcast_in_dim3A_4 masked %eq3A_190 {add = true} : memref<4096xi32, #tpu.memory_space<vmem>>[vector<16xi32>], vector<16xi32>, vector<16xi1>
        %mul3A_195 = arith.constant 8 : i32
        %mul3A_196 = arith.muli %scan3A_118, %mul3A_195 : i32
        %add3A_197 = arith.constant 3 : i32
        %add3A_198 = arith.addi %mul3A_196, %add3A_197 : i32
        %mul3A_199 = arith.constant 16 : i32
        %mul3A_200 = arith.muli %add3A_198, %mul3A_199 : i32
        %get3A_201 = arith.index_cast %mul3A_200 : i32 to index
        %get3A_202 = tpu.vector_load %arg5[%get3A_201] {strides = array<i32>} : memref<8192xi32, #tpu.memory_space<vmem>>, vector<16xi32>,
        %xor3A_203 = arith.constant -2147483648 : i32
        %xor3A_204 = vector.broadcast %xor3A_203 : i32 to vector<16xi32>
        %xor3A_205 = arith.xori %get3A_202, %xor3A_204 : vector<16xi32>
        %broadcast_in_dim3A_206 = arith.constant 16 : i32
        %broadcast_in_dim3A_207 = vector.broadcast %broadcast_in_dim3A_206 : i32 to vector<16xi32>
        %shift_right_logical3A_208 = arith.shrui %xor3A_205, %broadcast_in_dim3A_207 : vector<16xi32>
        %and3A_209 = arith.constant 255 : i32
        %and3A_210 = vector.broadcast %and3A_209 : i32 to vector<16xi32>
        %and3A_211 = arith.andi %shift_right_logical3A_208, %and3A_210 : vector<16xi32>
        %and3A_212 = arith.constant -16777216 : i32
        %and3A_213 = vector.broadcast %and3A_212 : i32 to vector<16xi32>
        %and3A_214 = arith.andi %xor3A_205, %and3A_213 : vector<16xi32>
        %eq3A_215 = vector.broadcast %or3A_23 : i32 to vector<16xi32>
        %eq3A_216 = arith.cmpi eq, %and3A_214, %eq3A_215 : vector<16xi32>
        %mul3A_217 = arith.constant 16 : i32
        %mul3A_218 = vector.broadcast %mul3A_217 : i32 to vector<16xi32>
        %mul3A_219 = arith.muli %and3A_211, %mul3A_218 : vector<16xi32>
        %add3A_220 = arith.addi %mul3A_219, %iota3A : vector<16xi32>
        tpu.vector_store_idx %arg7[%add3A_220], %broadcast_in_dim3A_4 masked %eq3A_216 {add = true} : memref<4096xi32, #tpu.memory_space<vmem>>[vector<16xi32>], vector<16xi32>, vector<16xi1>
        %mul3A_221 = arith.constant 8 : i32
        %mul3A_222 = arith.muli %scan3A_118, %mul3A_221 : i32
        %add3A_223 = arith.constant 4 : i32
        %add3A_224 = arith.addi %mul3A_222, %add3A_223 : i32
        %mul3A_225 = arith.constant 16 : i32
        %mul3A_226 = arith.muli %add3A_224, %mul3A_225 : i32
        %get3A_227 = arith.index_cast %mul3A_226 : i32 to index
        %get3A_228 = tpu.vector_load %arg5[%get3A_227] {strides = array<i32>} : memref<8192xi32, #tpu.memory_space<vmem>>, vector<16xi32>,
        %xor3A_229 = arith.constant -2147483648 : i32
        %xor3A_230 = vector.broadcast %xor3A_229 : i32 to vector<16xi32>
        %xor3A_231 = arith.xori %get3A_228, %xor3A_230 : vector<16xi32>
        %broadcast_in_dim3A_232 = arith.constant 16 : i32
        %broadcast_in_dim3A_233 = vector.broadcast %broadcast_in_dim3A_232 : i32 to vector<16xi32>
        %shift_right_logical3A_234 = arith.shrui %xor3A_231, %broadcast_in_dim3A_233 : vector<16xi32>
        %and3A_235 = arith.constant 255 : i32
        %and3A_236 = vector.broadcast %and3A_235 : i32 to vector<16xi32>
        %and3A_237 = arith.andi %shift_right_logical3A_234, %and3A_236 : vector<16xi32>
        %and3A_238 = arith.constant -16777216 : i32
        %and3A_239 = vector.broadcast %and3A_238 : i32 to vector<16xi32>
        %and3A_240 = arith.andi %xor3A_231, %and3A_239 : vector<16xi32>
        %eq3A_241 = vector.broadcast %or3A_23 : i32 to vector<16xi32>
        %eq3A_242 = arith.cmpi eq, %and3A_240, %eq3A_241 : vector<16xi32>
        %mul3A_243 = arith.constant 16 : i32
        %mul3A_244 = vector.broadcast %mul3A_243 : i32 to vector<16xi32>
        %mul3A_245 = arith.muli %and3A_237, %mul3A_244 : vector<16xi32>
        %add3A_246 = arith.addi %mul3A_245, %iota3A : vector<16xi32>
        tpu.vector_store_idx %arg7[%add3A_246], %broadcast_in_dim3A_4 masked %eq3A_242 {add = true} : memref<4096xi32, #tpu.memory_space<vmem>>[vector<16xi32>], vector<16xi32>, vector<16xi1>
        %mul3A_247 = arith.constant 8 : i32
        %mul3A_248 = arith.muli %scan3A_118, %mul3A_247 : i32
        %add3A_249 = arith.constant 5 : i32
        %add3A_250 = arith.addi %mul3A_248, %add3A_249 : i32
        %mul3A_251 = arith.constant 16 : i32
        %mul3A_252 = arith.muli %add3A_250, %mul3A_251 : i32
        %get3A_253 = arith.index_cast %mul3A_252 : i32 to index
        %get3A_254 = tpu.vector_load %arg5[%get3A_253] {strides = array<i32>} : memref<8192xi32, #tpu.memory_space<vmem>>, vector<16xi32>,
        %xor3A_255 = arith.constant -2147483648 : i32
        %xor3A_256 = vector.broadcast %xor3A_255 : i32 to vector<16xi32>
        %xor3A_257 = arith.xori %get3A_254, %xor3A_256 : vector<16xi32>
        %broadcast_in_dim3A_258 = arith.constant 16 : i32
        %broadcast_in_dim3A_259 = vector.broadcast %broadcast_in_dim3A_258 : i32 to vector<16xi32>
        %shift_right_logical3A_260 = arith.shrui %xor3A_257, %broadcast_in_dim3A_259 : vector<16xi32>
        %and3A_261 = arith.constant 255 : i32
        %and3A_262 = vector.broadcast %and3A_261 : i32 to vector<16xi32>
        %and3A_263 = arith.andi %shift_right_logical3A_260, %and3A_262 : vector<16xi32>
        %and3A_264 = arith.constant -16777216 : i32
        %and3A_265 = vector.broadcast %and3A_264 : i32 to vector<16xi32>
        %and3A_266 = arith.andi %xor3A_257, %and3A_265 : vector<16xi32>
        %eq3A_267 = vector.broadcast %or3A_23 : i32 to vector<16xi32>
        %eq3A_268 = arith.cmpi eq, %and3A_266, %eq3A_267 : vector<16xi32>
        %mul3A_269 = arith.constant 16 : i32
        %mul3A_270 = vector.broadcast %mul3A_269 : i32 to vector<16xi32>
        %mul3A_271 = arith.muli %and3A_263, %mul3A_270 : vector<16xi32>
        %add3A_272 = arith.addi %mul3A_271, %iota3A : vector<16xi32>
        tpu.vector_store_idx %arg7[%add3A_272], %broadcast_in_dim3A_4 masked %eq3A_268 {add = true} : memref<4096xi32, #tpu.memory_space<vmem>>[vector<16xi32>], vector<16xi32>, vector<16xi1>
        %mul3A_273 = arith.constant 8 : i32
        %mul3A_274 = arith.muli %scan3A_118, %mul3A_273 : i32
        %add3A_275 = arith.constant 6 : i32
        %add3A_276 = arith.addi %mul3A_274, %add3A_275 : i32
        %mul3A_277 = arith.constant 16 : i32
        %mul3A_278 = arith.muli %add3A_276, %mul3A_277 : i32
        %get3A_279 = arith.index_cast %mul3A_278 : i32 to index
        %get3A_280 = tpu.vector_load %arg5[%get3A_279] {strides = array<i32>} : memref<8192xi32, #tpu.memory_space<vmem>>, vector<16xi32>,
        %xor3A_281 = arith.constant -2147483648 : i32
        %xor3A_282 = vector.broadcast %xor3A_281 : i32 to vector<16xi32>
        %xor3A_283 = arith.xori %get3A_280, %xor3A_282 : vector<16xi32>
        %broadcast_in_dim3A_284 = arith.constant 16 : i32
        %broadcast_in_dim3A_285 = vector.broadcast %broadcast_in_dim3A_284 : i32 to vector<16xi32>
        %shift_right_logical3A_286 = arith.shrui %xor3A_283, %broadcast_in_dim3A_285 : vector<16xi32>
        %and3A_287 = arith.constant 255 : i32
        %and3A_288 = vector.broadcast %and3A_287 : i32 to vector<16xi32>
        %and3A_289 = arith.andi %shift_right_logical3A_286, %and3A_288 : vector<16xi32>
        %and3A_290 = arith.constant -16777216 : i32
        %and3A_291 = vector.broadcast %and3A_290 : i32 to vector<16xi32>
        %and3A_292 = arith.andi %xor3A_283, %and3A_291 : vector<16xi32>
        %eq3A_293 = vector.broadcast %or3A_23 : i32 to vector<16xi32>
        %eq3A_294 = arith.cmpi eq, %and3A_292, %eq3A_293 : vector<16xi32>
        %mul3A_295 = arith.constant 16 : i32
        %mul3A_296 = vector.broadcast %mul3A_295 : i32 to vector<16xi32>
        %mul3A_297 = arith.muli %and3A_289, %mul3A_296 : vector<16xi32>
        %add3A_298 = arith.addi %mul3A_297, %iota3A : vector<16xi32>
        tpu.vector_store_idx %arg7[%add3A_298], %broadcast_in_dim3A_4 masked %eq3A_294 {add = true} : memref<4096xi32, #tpu.memory_space<vmem>>[vector<16xi32>], vector<16xi32>, vector<16xi1>
        %mul3A_299 = arith.constant 8 : i32
        %mul3A_300 = arith.muli %scan3A_118, %mul3A_299 : i32
        %add3A_301 = arith.constant 7 : i32
        %add3A_302 = arith.addi %mul3A_300, %add3A_301 : i32
        %mul3A_303 = arith.constant 16 : i32
        %mul3A_304 = arith.muli %add3A_302, %mul3A_303 : i32
        %get3A_305 = arith.index_cast %mul3A_304 : i32 to index
        %get3A_306 = tpu.vector_load %arg5[%get3A_305] {strides = array<i32>} : memref<8192xi32, #tpu.memory_space<vmem>>, vector<16xi32>,
        %xor3A_307 = arith.constant -2147483648 : i32
        %xor3A_308 = vector.broadcast %xor3A_307 : i32 to vector<16xi32>
        %xor3A_309 = arith.xori %get3A_306, %xor3A_308 : vector<16xi32>
        %broadcast_in_dim3A_310 = arith.constant 16 : i32
        %broadcast_in_dim3A_311 = vector.broadcast %broadcast_in_dim3A_310 : i32 to vector<16xi32>
        %shift_right_logical3A_312 = arith.shrui %xor3A_309, %broadcast_in_dim3A_311 : vector<16xi32>
        %and3A_313 = arith.constant 255 : i32
        %and3A_314 = vector.broadcast %and3A_313 : i32 to vector<16xi32>
        %and3A_315 = arith.andi %shift_right_logical3A_312, %and3A_314 : vector<16xi32>
        %and3A_316 = arith.constant -16777216 : i32
        %and3A_317 = vector.broadcast %and3A_316 : i32 to vector<16xi32>
        %and3A_318 = arith.andi %xor3A_309, %and3A_317 : vector<16xi32>
        %eq3A_319 = vector.broadcast %or3A_23 : i32 to vector<16xi32>
        %eq3A_320 = arith.cmpi eq, %and3A_318, %eq3A_319 : vector<16xi32>
        %mul3A_321 = arith.constant 16 : i32
        %mul3A_322 = vector.broadcast %mul3A_321 : i32 to vector<16xi32>
        %mul3A_323 = arith.muli %and3A_315, %mul3A_322 : vector<16xi32>
        %add3A_324 = arith.addi %mul3A_323, %iota3A : vector<16xi32>
        tpu.vector_store_idx %arg7[%add3A_324], %broadcast_in_dim3A_4 masked %eq3A_320 {add = true} : memref<4096xi32, #tpu.memory_space<vmem>>[vector<16xi32>], vector<16xi32>, vector<16xi1>
      }
      %scan3A_35 = arith.constant 64 : i32
      %while3A_36 = arith.constant 0 : i32
      %while3A_37 = arith.constant 0 : i32
      %while3A_38 = arith.constant 0 : i32
      %while3A_39 = arith.constant 0 : i32
      %while3A_40:4 = scf.while (%while3A_118 = %while3A_36, %while3A_119 = %while3A_37, %while3A_120 = %while3A_38, %while3A_121 = %while3A_39) : (i32, i32, i32, i32) -> (i32, i32, i32, i32) {
        %lt3A = arith.constant 16 : i32
        %lt3A_122 = arith.cmpi slt, %while3A_118, %lt3A : i32
        %eq3A_123 = arith.constant 0 : i32
        %eq3A_124 = arith.cmpi eq, %while3A_121, %eq3A_123 : i32
        %and3A_125 = arith.andi %lt3A_122, %eq3A_124 : i1
        scf.condition(%and3A_125) %while3A_118, %while3A_119, %while3A_120, %while3A_121 : i32, i32, i32, i32
      } do {
      ^bb0(%while3A_118: i32, %while3A_119: i32, %while3A_120: i32, %while3A_121: i32):
        %add3A_122 = arith.constant 1 : i32
        %add3A_123 = arith.addi %while3A_118, %add3A_122 : i32
        %sub3A_124 = arith.constant 15 : i32
        %sub3A_125 = arith.subi %sub3A_124, %while3A_118 : i32
        %mul3A_126 = arith.constant 16 : i32
        %mul3A_127 = arith.muli %sub3A_125, %mul3A_126 : i32
        %add3A_128 = arith.constant 15 : i32
        %add3A_129 = arith.addi %mul3A_127, %add3A_128 : i32
        %sub3A_130 = arith.constant 0 : i32
        %sub3A_131 = arith.subi %add3A_129, %sub3A_130 : i32
        %mul3A_132 = arith.constant 16 : i32
        %mul3A_133 = arith.muli %sub3A_131, %mul3A_132 : i32
        %get3A = arith.index_cast %mul3A_133 : i32 to index
        %get3A_134 = tpu.vector_load %arg7[%get3A] {strides = array<i32>} : memref<4096xi32, #tpu.memory_space<vmem>>, vector<16xi32>,
        %reduce_sum3A_135 = arith.constant true
        %reduce_sum3A_136 = vector.broadcast %reduce_sum3A_135 : i1 to vector<16xi1>
        %reduce_sum3A_137 = tpu.scan <sum>, %get3A_134 masked %reduce_sum3A_136 : vector<16xi32>, vector<16xi1> -> vector<16xi32>
        %reduce_sum3A_138 = vector.extract %reduce_sum3A_137[15] : i32 from vector<16xi32>
        %add3A_139 = arith.constant 15 : i32
        %add3A_140 = arith.addi %mul3A_127, %add3A_139 : i32
        %sub3A_141 = arith.constant 1 : i32
        %sub3A_142 = arith.subi %add3A_140, %sub3A_141 : i32
        %mul3A_143 = arith.constant 16 : i32
        %mul3A_144 = arith.muli %sub3A_142, %mul3A_143 : i32
        %get3A_145 = arith.index_cast %mul3A_144 : i32 to index
        %get3A_146 = tpu.vector_load %arg7[%get3A_145] {strides = array<i32>} : memref<4096xi32, #tpu.memory_space<vmem>>, vector<16xi32>,
        %reduce_sum3A_147 = arith.constant true
        %reduce_sum3A_148 = vector.broadcast %reduce_sum3A_147 : i1 to vector<16xi1>
        %reduce_sum3A_149 = tpu.scan <sum>, %get3A_146 masked %reduce_sum3A_148 : vector<16xi32>, vector<16xi1> -> vector<16xi32>
        %reduce_sum3A_150 = vector.extract %reduce_sum3A_149[15] : i32 from vector<16xi32>
        %add3A_151 = arith.constant 15 : i32
        %add3A_152 = arith.addi %mul3A_127, %add3A_151 : i32
        %sub3A_153 = arith.constant 2 : i32
        %sub3A_154 = arith.subi %add3A_152, %sub3A_153 : i32
        %mul3A_155 = arith.constant 16 : i32
        %mul3A_156 = arith.muli %sub3A_154, %mul3A_155 : i32
        %get3A_157 = arith.index_cast %mul3A_156 : i32 to index
        %get3A_158 = tpu.vector_load %arg7[%get3A_157] {strides = array<i32>} : memref<4096xi32, #tpu.memory_space<vmem>>, vector<16xi32>,
        %reduce_sum3A_159 = arith.constant true
        %reduce_sum3A_160 = vector.broadcast %reduce_sum3A_159 : i1 to vector<16xi1>
        %reduce_sum3A_161 = tpu.scan <sum>, %get3A_158 masked %reduce_sum3A_160 : vector<16xi32>, vector<16xi1> -> vector<16xi32>
        %reduce_sum3A_162 = vector.extract %reduce_sum3A_161[15] : i32 from vector<16xi32>
        %add3A_163 = arith.constant 15 : i32
        %add3A_164 = arith.addi %mul3A_127, %add3A_163 : i32
        %sub3A_165 = arith.constant 3 : i32
        %sub3A_166 = arith.subi %add3A_164, %sub3A_165 : i32
        %mul3A_167 = arith.constant 16 : i32
        %mul3A_168 = arith.muli %sub3A_166, %mul3A_167 : i32
        %get3A_169 = arith.index_cast %mul3A_168 : i32 to index
        %get3A_170 = tpu.vector_load %arg7[%get3A_169] {strides = array<i32>} : memref<4096xi32, #tpu.memory_space<vmem>>, vector<16xi32>,
        %reduce_sum3A_171 = arith.constant true
        %reduce_sum3A_172 = vector.broadcast %reduce_sum3A_171 : i1 to vector<16xi1>
        %reduce_sum3A_173 = tpu.scan <sum>, %get3A_170 masked %reduce_sum3A_172 : vector<16xi32>, vector<16xi1> -> vector<16xi32>
        %reduce_sum3A_174 = vector.extract %reduce_sum3A_173[15] : i32 from vector<16xi32>
        %add3A_175 = arith.constant 15 : i32
        %add3A_176 = arith.addi %mul3A_127, %add3A_175 : i32
        %sub3A_177 = arith.constant 4 : i32
        %sub3A_178 = arith.subi %add3A_176, %sub3A_177 : i32
        %mul3A_179 = arith.constant 16 : i32
        %mul3A_180 = arith.muli %sub3A_178, %mul3A_179 : i32
        %get3A_181 = arith.index_cast %mul3A_180 : i32 to index
        %get3A_182 = tpu.vector_load %arg7[%get3A_181] {strides = array<i32>} : memref<4096xi32, #tpu.memory_space<vmem>>, vector<16xi32>,
        %reduce_sum3A_183 = arith.constant true
        %reduce_sum3A_184 = vector.broadcast %reduce_sum3A_183 : i1 to vector<16xi1>
        %reduce_sum3A_185 = tpu.scan <sum>, %get3A_182 masked %reduce_sum3A_184 : vector<16xi32>, vector<16xi1> -> vector<16xi32>
        %reduce_sum3A_186 = vector.extract %reduce_sum3A_185[15] : i32 from vector<16xi32>
        %add3A_187 = arith.constant 15 : i32
        %add3A_188 = arith.addi %mul3A_127, %add3A_187 : i32
        %sub3A_189 = arith.constant 5 : i32
        %sub3A_190 = arith.subi %add3A_188, %sub3A_189 : i32
        %mul3A_191 = arith.constant 16 : i32
        %mul3A_192 = arith.muli %sub3A_190, %mul3A_191 : i32
        %get3A_193 = arith.index_cast %mul3A_192 : i32 to index
        %get3A_194 = tpu.vector_load %arg7[%get3A_193] {strides = array<i32>} : memref<4096xi32, #tpu.memory_space<vmem>>, vector<16xi32>,
        %reduce_sum3A_195 = arith.constant true
        %reduce_sum3A_196 = vector.broadcast %reduce_sum3A_195 : i1 to vector<16xi1>
        %reduce_sum3A_197 = tpu.scan <sum>, %get3A_194 masked %reduce_sum3A_196 : vector<16xi32>, vector<16xi1> -> vector<16xi32>
        %reduce_sum3A_198 = vector.extract %reduce_sum3A_197[15] : i32 from vector<16xi32>
        %add3A_199 = arith.constant 15 : i32
        %add3A_200 = arith.addi %mul3A_127, %add3A_199 : i32
        %sub3A_201 = arith.constant 6 : i32
        %sub3A_202 = arith.subi %add3A_200, %sub3A_201 : i32
        %mul3A_203 = arith.constant 16 : i32
        %mul3A_204 = arith.muli %sub3A_202, %mul3A_203 : i32
        %get3A_205 = arith.index_cast %mul3A_204 : i32 to index
        %get3A_206 = tpu.vector_load %arg7[%get3A_205] {strides = array<i32>} : memref<4096xi32, #tpu.memory_space<vmem>>, vector<16xi32>,
        %reduce_sum3A_207 = arith.constant true
        %reduce_sum3A_208 = vector.broadcast %reduce_sum3A_207 : i1 to vector<16xi1>
        %reduce_sum3A_209 = tpu.scan <sum>, %get3A_206 masked %reduce_sum3A_208 : vector<16xi32>, vector<16xi1> -> vector<16xi32>
        %reduce_sum3A_210 = vector.extract %reduce_sum3A_209[15] : i32 from vector<16xi32>
        %add3A_211 = arith.constant 15 : i32
        %add3A_212 = arith.addi %mul3A_127, %add3A_211 : i32
        %sub3A_213 = arith.constant 7 : i32
        %sub3A_214 = arith.subi %add3A_212, %sub3A_213 : i32
        %mul3A_215 = arith.constant 16 : i32
        %mul3A_216 = arith.muli %sub3A_214, %mul3A_215 : i32
        %get3A_217 = arith.index_cast %mul3A_216 : i32 to index
        %get3A_218 = tpu.vector_load %arg7[%get3A_217] {strides = array<i32>} : memref<4096xi32, #tpu.memory_space<vmem>>, vector<16xi32>,
        %reduce_sum3A_219 = arith.constant true
        %reduce_sum3A_220 = vector.broadcast %reduce_sum3A_219 : i1 to vector<16xi1>
        %reduce_sum3A_221 = tpu.scan <sum>, %get3A_218 masked %reduce_sum3A_220 : vector<16xi32>, vector<16xi1> -> vector<16xi32>
        %reduce_sum3A_222 = vector.extract %reduce_sum3A_221[15] : i32 from vector<16xi32>
        %add3A_223 = arith.constant 15 : i32
        %add3A_224 = arith.addi %mul3A_127, %add3A_223 : i32
        %sub3A_225 = arith.constant 8 : i32
        %sub3A_226 = arith.subi %add3A_224, %sub3A_225 : i32
        %mul3A_227 = arith.constant 16 : i32
        %mul3A_228 = arith.muli %sub3A_226, %mul3A_227 : i32
        %get3A_229 = arith.index_cast %mul3A_228 : i32 to index
        %get3A_230 = tpu.vector_load %arg7[%get3A_229] {strides = array<i32>} : memref<4096xi32, #tpu.memory_space<vmem>>, vector<16xi32>,
        %reduce_sum3A_231 = arith.constant true
        %reduce_sum3A_232 = vector.broadcast %reduce_sum3A_231 : i1 to vector<16xi1>
        %reduce_sum3A_233 = tpu.scan <sum>, %get3A_230 masked %reduce_sum3A_232 : vector<16xi32>, vector<16xi1> -> vector<16xi32>
        %reduce_sum3A_234 = vector.extract %reduce_sum3A_233[15] : i32 from vector<16xi32>
        %add3A_235 = arith.constant 15 : i32
        %add3A_236 = arith.addi %mul3A_127, %add3A_235 : i32
        %sub3A_237 = arith.constant 9 : i32
        %sub3A_238 = arith.subi %add3A_236, %sub3A_237 : i32
        %mul3A_239 = arith.constant 16 : i32
        %mul3A_240 = arith.muli %sub3A_238, %mul3A_239 : i32
        %get3A_241 = arith.index_cast %mul3A_240 : i32 to index
        %get3A_242 = tpu.vector_load %arg7[%get3A_241] {strides = array<i32>} : memref<4096xi32, #tpu.memory_space<vmem>>, vector<16xi32>,
        %reduce_sum3A_243 = arith.constant true
        %reduce_sum3A_244 = vector.broadcast %reduce_sum3A_243 : i1 to vector<16xi1>
        %reduce_sum3A_245 = tpu.scan <sum>, %get3A_242 masked %reduce_sum3A_244 : vector<16xi32>, vector<16xi1> -> vector<16xi32>
        %reduce_sum3A_246 = vector.extract %reduce_sum3A_245[15] : i32 from vector<16xi32>
        %add3A_247 = arith.constant 15 : i32
        %add3A_248 = arith.addi %mul3A_127, %add3A_247 : i32
        %sub3A_249 = arith.constant 10 : i32
        %sub3A_250 = arith.subi %add3A_248, %sub3A_249 : i32
        %mul3A_251 = arith.constant 16 : i32
        %mul3A_252 = arith.muli %sub3A_250, %mul3A_251 : i32
        %get3A_253 = arith.index_cast %mul3A_252 : i32 to index
        %get3A_254 = tpu.vector_load %arg7[%get3A_253] {strides = array<i32>} : memref<4096xi32, #tpu.memory_space<vmem>>, vector<16xi32>,
        %reduce_sum3A_255 = arith.constant true
        %reduce_sum3A_256 = vector.broadcast %reduce_sum3A_255 : i1 to vector<16xi1>
        %reduce_sum3A_257 = tpu.scan <sum>, %get3A_254 masked %reduce_sum3A_256 : vector<16xi32>, vector<16xi1> -> vector<16xi32>
        %reduce_sum3A_258 = vector.extract %reduce_sum3A_257[15] : i32 from vector<16xi32>
        %add3A_259 = arith.constant 15 : i32
        %add3A_260 = arith.addi %mul3A_127, %add3A_259 : i32
        %sub3A_261 = arith.constant 11 : i32
        %sub3A_262 = arith.subi %add3A_260, %sub3A_261 : i32
        %mul3A_263 = arith.constant 16 : i32
        %mul3A_264 = arith.muli %sub3A_262, %mul3A_263 : i32
        %get3A_265 = arith.index_cast %mul3A_264 : i32 to index
        %get3A_266 = tpu.vector_load %arg7[%get3A_265] {strides = array<i32>} : memref<4096xi32, #tpu.memory_space<vmem>>, vector<16xi32>,
        %reduce_sum3A_267 = arith.constant true
        %reduce_sum3A_268 = vector.broadcast %reduce_sum3A_267 : i1 to vector<16xi1>
        %reduce_sum3A_269 = tpu.scan <sum>, %get3A_266 masked %reduce_sum3A_268 : vector<16xi32>, vector<16xi1> -> vector<16xi32>
        %reduce_sum3A_270 = vector.extract %reduce_sum3A_269[15] : i32 from vector<16xi32>
        %add3A_271 = arith.constant 15 : i32
        %add3A_272 = arith.addi %mul3A_127, %add3A_271 : i32
        %sub3A_273 = arith.constant 12 : i32
        %sub3A_274 = arith.subi %add3A_272, %sub3A_273 : i32
        %mul3A_275 = arith.constant 16 : i32
        %mul3A_276 = arith.muli %sub3A_274, %mul3A_275 : i32
        %get3A_277 = arith.index_cast %mul3A_276 : i32 to index
        %get3A_278 = tpu.vector_load %arg7[%get3A_277] {strides = array<i32>} : memref<4096xi32, #tpu.memory_space<vmem>>, vector<16xi32>,
        %reduce_sum3A_279 = arith.constant true
        %reduce_sum3A_280 = vector.broadcast %reduce_sum3A_279 : i1 to vector<16xi1>
        %reduce_sum3A_281 = tpu.scan <sum>, %get3A_278 masked %reduce_sum3A_280 : vector<16xi32>, vector<16xi1> -> vector<16xi32>
        %reduce_sum3A_282 = vector.extract %reduce_sum3A_281[15] : i32 from vector<16xi32>
        %add3A_283 = arith.constant 15 : i32
        %add3A_284 = arith.addi %mul3A_127, %add3A_283 : i32
        %sub3A_285 = arith.constant 13 : i32
        %sub3A_286 = arith.subi %add3A_284, %sub3A_285 : i32
        %mul3A_287 = arith.constant 16 : i32
        %mul3A_288 = arith.muli %sub3A_286, %mul3A_287 : i32
        %get3A_289 = arith.index_cast %mul3A_288 : i32 to index
        %get3A_290 = tpu.vector_load %arg7[%get3A_289] {strides = array<i32>} : memref<4096xi32, #tpu.memory_space<vmem>>, vector<16xi32>,
        %reduce_sum3A_291 = arith.constant true
        %reduce_sum3A_292 = vector.broadcast %reduce_sum3A_291 : i1 to vector<16xi1>
        %reduce_sum3A_293 = tpu.scan <sum>, %get3A_290 masked %reduce_sum3A_292 : vector<16xi32>, vector<16xi1> -> vector<16xi32>
        %reduce_sum3A_294 = vector.extract %reduce_sum3A_293[15] : i32 from vector<16xi32>
        %add3A_295 = arith.constant 15 : i32
        %add3A_296 = arith.addi %mul3A_127, %add3A_295 : i32
        %sub3A_297 = arith.constant 14 : i32
        %sub3A_298 = arith.subi %add3A_296, %sub3A_297 : i32
        %mul3A_299 = arith.constant 16 : i32
        %mul3A_300 = arith.muli %sub3A_298, %mul3A_299 : i32
        %get3A_301 = arith.index_cast %mul3A_300 : i32 to index
        %get3A_302 = tpu.vector_load %arg7[%get3A_301] {strides = array<i32>} : memref<4096xi32, #tpu.memory_space<vmem>>, vector<16xi32>,
        %reduce_sum3A_303 = arith.constant true
        %reduce_sum3A_304 = vector.broadcast %reduce_sum3A_303 : i1 to vector<16xi1>
        %reduce_sum3A_305 = tpu.scan <sum>, %get3A_302 masked %reduce_sum3A_304 : vector<16xi32>, vector<16xi1> -> vector<16xi32>
        %reduce_sum3A_306 = vector.extract %reduce_sum3A_305[15] : i32 from vector<16xi32>
        %add3A_307 = arith.constant 15 : i32
        %add3A_308 = arith.addi %mul3A_127, %add3A_307 : i32
        %sub3A_309 = arith.constant 15 : i32
        %sub3A_310 = arith.subi %add3A_308, %sub3A_309 : i32
        %mul3A_311 = arith.constant 16 : i32
        %mul3A_312 = arith.muli %sub3A_310, %mul3A_311 : i32
        %get3A_313 = arith.index_cast %mul3A_312 : i32 to index
        %get3A_314 = tpu.vector_load %arg7[%get3A_313] {strides = array<i32>} : memref<4096xi32, #tpu.memory_space<vmem>>, vector<16xi32>,
        %reduce_sum3A_315 = arith.constant true
        %reduce_sum3A_316 = vector.broadcast %reduce_sum3A_315 : i1 to vector<16xi1>
        %reduce_sum3A_317 = tpu.scan <sum>, %get3A_314 masked %reduce_sum3A_316 : vector<16xi32>, vector<16xi1> -> vector<16xi32>
        %reduce_sum3A_318 = vector.extract %reduce_sum3A_317[15] : i32 from vector<16xi32>
        %add3A_319 = arith.constant 15 : i32
        %add3A_320 = arith.addi %mul3A_127, %add3A_319 : i32
        %sub3A_321 = arith.constant 0 : i32
        %sub3A_322 = arith.subi %add3A_320, %sub3A_321 : i32
        %eq3A_323 = arith.constant 0 : i32
        %eq3A_324 = arith.cmpi eq, %while3A_121, %eq3A_323 : i32
        %add3A_325 = arith.addi %while3A_119, %reduce_sum3A_138 : i32
        %ge3A = arith.cmpi sge, %add3A_325, %sub3A_21 : i32
        %and3A_326 = arith.andi %eq3A_324, %ge3A : i1
        %select_n3A = arith.select %and3A_326, %sub3A_322, %while3A_120 : i32
        %jit3A = arith.constant 1 : i32
        %select_n3A_327 = arith.select %and3A_326, %jit3A, %while3A_121 : i32
        %eq3A_328 = arith.constant 1 : i32
        %eq3A_329 = arith.cmpi eq, %select_n3A_327, %eq3A_328 : i32
        %add3A_330 = arith.addi %while3A_119, %reduce_sum3A_138 : i32
        %select_n3A_331 = arith.select %eq3A_329, %while3A_119, %add3A_330 : i32
        %add3A_332 = arith.constant 15 : i32
        %add3A_333 = arith.addi %mul3A_127, %add3A_332 : i32
        %sub3A_334 = arith.constant 1 : i32
        %sub3A_335 = arith.subi %add3A_333, %sub3A_334 : i32
        %eq3A_336 = arith.constant 0 : i32
        %eq3A_337 = arith.cmpi eq, %select_n3A_327, %eq3A_336 : i32
        %add3A_338 = arith.addi %select_n3A_331, %reduce_sum3A_150 : i32
        %ge3A_339 = arith.cmpi sge, %add3A_338, %sub3A_21 : i32
        %and3A_340 = arith.andi %eq3A_337, %ge3A_339 : i1
        %select_n3A_341 = arith.select %and3A_340, %sub3A_335, %select_n3A : i32
        %jit3A_342 = arith.constant 1 : i32
        %select_n3A_343 = arith.select %and3A_340, %jit3A_342, %select_n3A_327 : i32
        %eq3A_344 = arith.constant 1 : i32
        %eq3A_345 = arith.cmpi eq, %select_n3A_343, %eq3A_344 : i32
        %add3A_346 = arith.addi %select_n3A_331, %reduce_sum3A_150 : i32
        %select_n3A_347 = arith.select %eq3A_345, %select_n3A_331, %add3A_346 : i32
        %add3A_348 = arith.constant 15 : i32
        %add3A_349 = arith.addi %mul3A_127, %add3A_348 : i32
        %sub3A_350 = arith.constant 2 : i32
        %sub3A_351 = arith.subi %add3A_349, %sub3A_350 : i32
        %eq3A_352 = arith.constant 0 : i32
        %eq3A_353 = arith.cmpi eq, %select_n3A_343, %eq3A_352 : i32
        %add3A_354 = arith.addi %select_n3A_347, %reduce_sum3A_162 : i32
        %ge3A_355 = arith.cmpi sge, %add3A_354, %sub3A_21 : i32
        %and3A_356 = arith.andi %eq3A_353, %ge3A_355 : i1
        %select_n3A_357 = arith.select %and3A_356, %sub3A_351, %select_n3A_341 : i32
        %jit3A_358 = arith.constant 1 : i32
        %select_n3A_359 = arith.select %and3A_356, %jit3A_358, %select_n3A_343 : i32
        %eq3A_360 = arith.constant 1 : i32
        %eq3A_361 = arith.cmpi eq, %select_n3A_359, %eq3A_360 : i32
        %add3A_362 = arith.addi %select_n3A_347, %reduce_sum3A_162 : i32
        %select_n3A_363 = arith.select %eq3A_361, %select_n3A_347, %add3A_362 : i32
        %add3A_364 = arith.constant 15 : i32
        %add3A_365 = arith.addi %mul3A_127, %add3A_364 : i32
        %sub3A_366 = arith.constant 3 : i32
        %sub3A_367 = arith.subi %add3A_365, %sub3A_366 : i32
        %eq3A_368 = arith.constant 0 : i32
        %eq3A_369 = arith.cmpi eq, %select_n3A_359, %eq3A_368 : i32
        %add3A_370 = arith.addi %select_n3A_363, %reduce_sum3A_174 : i32
        %ge3A_371 = arith.cmpi sge, %add3A_370, %sub3A_21 : i32
        %and3A_372 = arith.andi %eq3A_369, %ge3A_371 : i1
        %select_n3A_373 = arith.select %and3A_372, %sub3A_367, %select_n3A_357 : i32
        %jit3A_374 = arith.constant 1 : i32
        %select_n3A_375 = arith.select %and3A_372, %jit3A_374, %select_n3A_359 : i32
        %eq3A_376 = arith.constant 1 : i32
        %eq3A_377 = arith.cmpi eq, %select_n3A_375, %eq3A_376 : i32
        %add3A_378 = arith.addi %select_n3A_363, %reduce_sum3A_174 : i32
        %select_n3A_379 = arith.select %eq3A_377, %select_n3A_363, %add3A_378 : i32
        %add3A_380 = arith.constant 15 : i32
        %add3A_381 = arith.addi %mul3A_127, %add3A_380 : i32
        %sub3A_382 = arith.constant 4 : i32
        %sub3A_383 = arith.subi %add3A_381, %sub3A_382 : i32
        %eq3A_384 = arith.constant 0 : i32
        %eq3A_385 = arith.cmpi eq, %select_n3A_375, %eq3A_384 : i32
        %add3A_386 = arith.addi %select_n3A_379, %reduce_sum3A_186 : i32
        %ge3A_387 = arith.cmpi sge, %add3A_386, %sub3A_21 : i32
        %and3A_388 = arith.andi %eq3A_385, %ge3A_387 : i1
        %select_n3A_389 = arith.select %and3A_388, %sub3A_383, %select_n3A_373 : i32
        %jit3A_390 = arith.constant 1 : i32
        %select_n3A_391 = arith.select %and3A_388, %jit3A_390, %select_n3A_375 : i32
        %eq3A_392 = arith.constant 1 : i32
        %eq3A_393 = arith.cmpi eq, %select_n3A_391, %eq3A_392 : i32
        %add3A_394 = arith.addi %select_n3A_379, %reduce_sum3A_186 : i32
        %select_n3A_395 = arith.select %eq3A_393, %select_n3A_379, %add3A_394 : i32
        %add3A_396 = arith.constant 15 : i32
        %add3A_397 = arith.addi %mul3A_127, %add3A_396 : i32
        %sub3A_398 = arith.constant 5 : i32
        %sub3A_399 = arith.subi %add3A_397, %sub3A_398 : i32
        %eq3A_400 = arith.constant 0 : i32
        %eq3A_401 = arith.cmpi eq, %select_n3A_391, %eq3A_400 : i32
        %add3A_402 = arith.addi %select_n3A_395, %reduce_sum3A_198 : i32
        %ge3A_403 = arith.cmpi sge, %add3A_402, %sub3A_21 : i32
        %and3A_404 = arith.andi %eq3A_401, %ge3A_403 : i1
        %select_n3A_405 = arith.select %and3A_404, %sub3A_399, %select_n3A_389 : i32
        %jit3A_406 = arith.constant 1 : i32
        %select_n3A_407 = arith.select %and3A_404, %jit3A_406, %select_n3A_391 : i32
        %eq3A_408 = arith.constant 1 : i32
        %eq3A_409 = arith.cmpi eq, %select_n3A_407, %eq3A_408 : i32
        %add3A_410 = arith.addi %select_n3A_395, %reduce_sum3A_198 : i32
        %select_n3A_411 = arith.select %eq3A_409, %select_n3A_395, %add3A_410 : i32
        %add3A_412 = arith.constant 15 : i32
        %add3A_413 = arith.addi %mul3A_127, %add3A_412 : i32
        %sub3A_414 = arith.constant 6 : i32
        %sub3A_415 = arith.subi %add3A_413, %sub3A_414 : i32
        %eq3A_416 = arith.constant 0 : i32
        %eq3A_417 = arith.cmpi eq, %select_n3A_407, %eq3A_416 : i32
        %add3A_418 = arith.addi %select_n3A_411, %reduce_sum3A_210 : i32
        %ge3A_419 = arith.cmpi sge, %add3A_418, %sub3A_21 : i32
        %and3A_420 = arith.andi %eq3A_417, %ge3A_419 : i1
        %select_n3A_421 = arith.select %and3A_420, %sub3A_415, %select_n3A_405 : i32
        %jit3A_422 = arith.constant 1 : i32
        %select_n3A_423 = arith.select %and3A_420, %jit3A_422, %select_n3A_407 : i32
        %eq3A_424 = arith.constant 1 : i32
        %eq3A_425 = arith.cmpi eq, %select_n3A_423, %eq3A_424 : i32
        %add3A_426 = arith.addi %select_n3A_411, %reduce_sum3A_210 : i32
        %select_n3A_427 = arith.select %eq3A_425, %select_n3A_411, %add3A_426 : i32
        %add3A_428 = arith.constant 15 : i32
        %add3A_429 = arith.addi %mul3A_127, %add3A_428 : i32
        %sub3A_430 = arith.constant 7 : i32
        %sub3A_431 = arith.subi %add3A_429, %sub3A_430 : i32
        %eq3A_432 = arith.constant 0 : i32
        %eq3A_433 = arith.cmpi eq, %select_n3A_423, %eq3A_432 : i32
        %add3A_434 = arith.addi %select_n3A_427, %reduce_sum3A_222 : i32
        %ge3A_435 = arith.cmpi sge, %add3A_434, %sub3A_21 : i32
        %and3A_436 = arith.andi %eq3A_433, %ge3A_435 : i1
        %select_n3A_437 = arith.select %and3A_436, %sub3A_431, %select_n3A_421 : i32
        %jit3A_438 = arith.constant 1 : i32
        %select_n3A_439 = arith.select %and3A_436, %jit3A_438, %select_n3A_423 : i32
        %eq3A_440 = arith.constant 1 : i32
        %eq3A_441 = arith.cmpi eq, %select_n3A_439, %eq3A_440 : i32
        %add3A_442 = arith.addi %select_n3A_427, %reduce_sum3A_222 : i32
        %select_n3A_443 = arith.select %eq3A_441, %select_n3A_427, %add3A_442 : i32
        %add3A_444 = arith.constant 15 : i32
        %add3A_445 = arith.addi %mul3A_127, %add3A_444 : i32
        %sub3A_446 = arith.constant 8 : i32
        %sub3A_447 = arith.subi %add3A_445, %sub3A_446 : i32
        %eq3A_448 = arith.constant 0 : i32
        %eq3A_449 = arith.cmpi eq, %select_n3A_439, %eq3A_448 : i32
        %add3A_450 = arith.addi %select_n3A_443, %reduce_sum3A_234 : i32
        %ge3A_451 = arith.cmpi sge, %add3A_450, %sub3A_21 : i32
        %and3A_452 = arith.andi %eq3A_449, %ge3A_451 : i1
        %select_n3A_453 = arith.select %and3A_452, %sub3A_447, %select_n3A_437 : i32
        %jit3A_454 = arith.constant 1 : i32
        %select_n3A_455 = arith.select %and3A_452, %jit3A_454, %select_n3A_439 : i32
        %eq3A_456 = arith.constant 1 : i32
        %eq3A_457 = arith.cmpi eq, %select_n3A_455, %eq3A_456 : i32
        %add3A_458 = arith.addi %select_n3A_443, %reduce_sum3A_234 : i32
        %select_n3A_459 = arith.select %eq3A_457, %select_n3A_443, %add3A_458 : i32
        %add3A_460 = arith.constant 15 : i32
        %add3A_461 = arith.addi %mul3A_127, %add3A_460 : i32
        %sub3A_462 = arith.constant 9 : i32
        %sub3A_463 = arith.subi %add3A_461, %sub3A_462 : i32
        %eq3A_464 = arith.constant 0 : i32
        %eq3A_465 = arith.cmpi eq, %select_n3A_455, %eq3A_464 : i32
        %add3A_466 = arith.addi %select_n3A_459, %reduce_sum3A_246 : i32
        %ge3A_467 = arith.cmpi sge, %add3A_466, %sub3A_21 : i32
        %and3A_468 = arith.andi %eq3A_465, %ge3A_467 : i1
        %select_n3A_469 = arith.select %and3A_468, %sub3A_463, %select_n3A_453 : i32
        %jit3A_470 = arith.constant 1 : i32
        %select_n3A_471 = arith.select %and3A_468, %jit3A_470, %select_n3A_455 : i32
        %eq3A_472 = arith.constant 1 : i32
        %eq3A_473 = arith.cmpi eq, %select_n3A_471, %eq3A_472 : i32
        %add3A_474 = arith.addi %select_n3A_459, %reduce_sum3A_246 : i32
        %select_n3A_475 = arith.select %eq3A_473, %select_n3A_459, %add3A_474 : i32
        %add3A_476 = arith.constant 15 : i32
        %add3A_477 = arith.addi %mul3A_127, %add3A_476 : i32
        %sub3A_478 = arith.constant 10 : i32
        %sub3A_479 = arith.subi %add3A_477, %sub3A_478 : i32
        %eq3A_480 = arith.constant 0 : i32
        %eq3A_481 = arith.cmpi eq, %select_n3A_471, %eq3A_480 : i32
        %add3A_482 = arith.addi %select_n3A_475, %reduce_sum3A_258 : i32
        %ge3A_483 = arith.cmpi sge, %add3A_482, %sub3A_21 : i32
        %and3A_484 = arith.andi %eq3A_481, %ge3A_483 : i1
        %select_n3A_485 = arith.select %and3A_484, %sub3A_479, %select_n3A_469 : i32
        %jit3A_486 = arith.constant 1 : i32
        %select_n3A_487 = arith.select %and3A_484, %jit3A_486, %select_n3A_471 : i32
        %eq3A_488 = arith.constant 1 : i32
        %eq3A_489 = arith.cmpi eq, %select_n3A_487, %eq3A_488 : i32
        %add3A_490 = arith.addi %select_n3A_475, %reduce_sum3A_258 : i32
        %select_n3A_491 = arith.select %eq3A_489, %select_n3A_475, %add3A_490 : i32
        %add3A_492 = arith.constant 15 : i32
        %add3A_493 = arith.addi %mul3A_127, %add3A_492 : i32
        %sub3A_494 = arith.constant 11 : i32
        %sub3A_495 = arith.subi %add3A_493, %sub3A_494 : i32
        %eq3A_496 = arith.constant 0 : i32
        %eq3A_497 = arith.cmpi eq, %select_n3A_487, %eq3A_496 : i32
        %add3A_498 = arith.addi %select_n3A_491, %reduce_sum3A_270 : i32
        %ge3A_499 = arith.cmpi sge, %add3A_498, %sub3A_21 : i32
        %and3A_500 = arith.andi %eq3A_497, %ge3A_499 : i1
        %select_n3A_501 = arith.select %and3A_500, %sub3A_495, %select_n3A_485 : i32
        %jit3A_502 = arith.constant 1 : i32
        %select_n3A_503 = arith.select %and3A_500, %jit3A_502, %select_n3A_487 : i32
        %eq3A_504 = arith.constant 1 : i32
        %eq3A_505 = arith.cmpi eq, %select_n3A_503, %eq3A_504 : i32
        %add3A_506 = arith.addi %select_n3A_491, %reduce_sum3A_270 : i32
        %select_n3A_507 = arith.select %eq3A_505, %select_n3A_491, %add3A_506 : i32
        %add3A_508 = arith.constant 15 : i32
        %add3A_509 = arith.addi %mul3A_127, %add3A_508 : i32
        %sub3A_510 = arith.constant 12 : i32
        %sub3A_511 = arith.subi %add3A_509, %sub3A_510 : i32
        %eq3A_512 = arith.constant 0 : i32
        %eq3A_513 = arith.cmpi eq, %select_n3A_503, %eq3A_512 : i32
        %add3A_514 = arith.addi %select_n3A_507, %reduce_sum3A_282 : i32
        %ge3A_515 = arith.cmpi sge, %add3A_514, %sub3A_21 : i32
        %and3A_516 = arith.andi %eq3A_513, %ge3A_515 : i1
        %select_n3A_517 = arith.select %and3A_516, %sub3A_511, %select_n3A_501 : i32
        %jit3A_518 = arith.constant 1 : i32
        %select_n3A_519 = arith.select %and3A_516, %jit3A_518, %select_n3A_503 : i32
        %eq3A_520 = arith.constant 1 : i32
        %eq3A_521 = arith.cmpi eq, %select_n3A_519, %eq3A_520 : i32
        %add3A_522 = arith.addi %select_n3A_507, %reduce_sum3A_282 : i32
        %select_n3A_523 = arith.select %eq3A_521, %select_n3A_507, %add3A_522 : i32
        %add3A_524 = arith.constant 15 : i32
        %add3A_525 = arith.addi %mul3A_127, %add3A_524 : i32
        %sub3A_526 = arith.constant 13 : i32
        %sub3A_527 = arith.subi %add3A_525, %sub3A_526 : i32
        %eq3A_528 = arith.constant 0 : i32
        %eq3A_529 = arith.cmpi eq, %select_n3A_519, %eq3A_528 : i32
        %add3A_530 = arith.addi %select_n3A_523, %reduce_sum3A_294 : i32
        %ge3A_531 = arith.cmpi sge, %add3A_530, %sub3A_21 : i32
        %and3A_532 = arith.andi %eq3A_529, %ge3A_531 : i1
        %select_n3A_533 = arith.select %and3A_532, %sub3A_527, %select_n3A_517 : i32
        %jit3A_534 = arith.constant 1 : i32
        %select_n3A_535 = arith.select %and3A_532, %jit3A_534, %select_n3A_519 : i32
        %eq3A_536 = arith.constant 1 : i32
        %eq3A_537 = arith.cmpi eq, %select_n3A_535, %eq3A_536 : i32
        %add3A_538 = arith.addi %select_n3A_523, %reduce_sum3A_294 : i32
        %select_n3A_539 = arith.select %eq3A_537, %select_n3A_523, %add3A_538 : i32
        %add3A_540 = arith.constant 15 : i32
        %add3A_541 = arith.addi %mul3A_127, %add3A_540 : i32
        %sub3A_542 = arith.constant 14 : i32
        %sub3A_543 = arith.subi %add3A_541, %sub3A_542 : i32
        %eq3A_544 = arith.constant 0 : i32
        %eq3A_545 = arith.cmpi eq, %select_n3A_535, %eq3A_544 : i32
        %add3A_546 = arith.addi %select_n3A_539, %reduce_sum3A_306 : i32
        %ge3A_547 = arith.cmpi sge, %add3A_546, %sub3A_21 : i32
        %and3A_548 = arith.andi %eq3A_545, %ge3A_547 : i1
        %select_n3A_549 = arith.select %and3A_548, %sub3A_543, %select_n3A_533 : i32
        %jit3A_550 = arith.constant 1 : i32
        %select_n3A_551 = arith.select %and3A_548, %jit3A_550, %select_n3A_535 : i32
        %eq3A_552 = arith.constant 1 : i32
        %eq3A_553 = arith.cmpi eq, %select_n3A_551, %eq3A_552 : i32
        %add3A_554 = arith.addi %select_n3A_539, %reduce_sum3A_306 : i32
        %select_n3A_555 = arith.select %eq3A_553, %select_n3A_539, %add3A_554 : i32
        %add3A_556 = arith.constant 15 : i32
        %add3A_557 = arith.addi %mul3A_127, %add3A_556 : i32
        %sub3A_558 = arith.constant 15 : i32
        %sub3A_559 = arith.subi %add3A_557, %sub3A_558 : i32
        %eq3A_560 = arith.constant 0 : i32
        %eq3A_561 = arith.cmpi eq, %select_n3A_551, %eq3A_560 : i32
        %add3A_562 = arith.addi %select_n3A_555, %reduce_sum3A_318 : i32
        %ge3A_563 = arith.cmpi sge, %add3A_562, %sub3A_21 : i32
        %and3A_564 = arith.andi %eq3A_561, %ge3A_563 : i1
        %select_n3A_565 = arith.select %and3A_564, %sub3A_559, %select_n3A_549 : i32
        %jit3A_566 = arith.constant 1 : i32
        %select_n3A_567 = arith.select %and3A_564, %jit3A_566, %select_n3A_551 : i32
        %eq3A_568 = arith.constant 1 : i32
        %eq3A_569 = arith.cmpi eq, %select_n3A_567, %eq3A_568 : i32
        %add3A_570 = arith.addi %select_n3A_555, %reduce_sum3A_318 : i32
        %select_n3A_571 = arith.select %eq3A_569, %select_n3A_555, %add3A_570 : i32
        scf.yield %add3A_123, %select_n3A_571, %select_n3A_565, %select_n3A_567 : i32, i32, i32, i32
      }
      %sub3A_41 = arith.subi %sub3A_21, %while3A_40#1 : i32
      %shift_left3A_42 = arith.constant 16 : i32
      %shift_left3A_43 = arith.shli %while3A_40#2, %shift_left3A_42 : i32
      %or3A_44 = arith.ori %or3A_23, %shift_left3A_43 : i32
      %scan3A_45 = arith.constant 0 : i32
      %scan3A_46 = arith.constant 0 : i32
      %scan3A_47 = arith.constant 32 : i32
      %scan3A_48 = arith.addi %scan3A_46, %scan3A_47 : i32
      %scan3A_49 = arith.constant 1 : i32
      scf.for %scan3A_118 = %scan3A_46 to %scan3A_48 step %scan3A_49  : i32 {
        %broadcast_in_dim3A_119 = arith.constant 0 : i32
        %broadcast_in_dim3A_120 = vector.broadcast %broadcast_in_dim3A_119 : i32 to vector<16xi32>
        %mul3A_121 = arith.constant 8 : i32
        %mul3A_122 = arith.muli %scan3A_118, %mul3A_121 : i32
        %add3A_123 = arith.constant 0 : i32
        %add3A_124 = arith.addi %mul3A_122, %add3A_123 : i32
        %mul3A_125 = arith.constant 16 : i32
        %mul3A_126 = arith.muli %add3A_124, %mul3A_125 : i32
        %swap3A_127 = arith.index_cast %mul3A_126 : i32 to index
        %swap3A_128 = tpu.vector_load %arg7[%swap3A_127] {strides = array<i32>} : memref<4096xi32, #tpu.memory_space<vmem>>, vector<16xi32>,
        tpu.vector_store %arg7[%swap3A_127], %broadcast_in_dim3A_120 {strides = array<i32>} : memref<4096xi32, #tpu.memory_space<vmem>>, vector<16xi32>,
        %broadcast_in_dim3A_129 = arith.constant 0 : i32
        %broadcast_in_dim3A_130 = vector.broadcast %broadcast_in_dim3A_129 : i32 to vector<16xi32>
        %mul3A_131 = arith.constant 8 : i32
        %mul3A_132 = arith.muli %scan3A_118, %mul3A_131 : i32
        %add3A_133 = arith.constant 1 : i32
        %add3A_134 = arith.addi %mul3A_132, %add3A_133 : i32
        %mul3A_135 = arith.constant 16 : i32
        %mul3A_136 = arith.muli %add3A_134, %mul3A_135 : i32
        %swap3A_137 = arith.index_cast %mul3A_136 : i32 to index
        %swap3A_138 = tpu.vector_load %arg7[%swap3A_137] {strides = array<i32>} : memref<4096xi32, #tpu.memory_space<vmem>>, vector<16xi32>,
        tpu.vector_store %arg7[%swap3A_137], %broadcast_in_dim3A_130 {strides = array<i32>} : memref<4096xi32, #tpu.memory_space<vmem>>, vector<16xi32>,
        %broadcast_in_dim3A_139 = arith.constant 0 : i32
        %broadcast_in_dim3A_140 = vector.broadcast %broadcast_in_dim3A_139 : i32 to vector<16xi32>
        %mul3A_141 = arith.constant 8 : i32
        %mul3A_142 = arith.muli %scan3A_118, %mul3A_141 : i32
        %add3A_143 = arith.constant 2 : i32
        %add3A_144 = arith.addi %mul3A_142, %add3A_143 : i32
        %mul3A_145 = arith.constant 16 : i32
        %mul3A_146 = arith.muli %add3A_144, %mul3A_145 : i32
        %swap3A_147 = arith.index_cast %mul3A_146 : i32 to index
        %swap3A_148 = tpu.vector_load %arg7[%swap3A_147] {strides = array<i32>} : memref<4096xi32, #tpu.memory_space<vmem>>, vector<16xi32>,
        tpu.vector_store %arg7[%swap3A_147], %broadcast_in_dim3A_140 {strides = array<i32>} : memref<4096xi32, #tpu.memory_space<vmem>>, vector<16xi32>,
        %broadcast_in_dim3A_149 = arith.constant 0 : i32
        %broadcast_in_dim3A_150 = vector.broadcast %broadcast_in_dim3A_149 : i32 to vector<16xi32>
        %mul3A_151 = arith.constant 8 : i32
        %mul3A_152 = arith.muli %scan3A_118, %mul3A_151 : i32
        %add3A_153 = arith.constant 3 : i32
        %add3A_154 = arith.addi %mul3A_152, %add3A_153 : i32
        %mul3A_155 = arith.constant 16 : i32
        %mul3A_156 = arith.muli %add3A_154, %mul3A_155 : i32
        %swap3A_157 = arith.index_cast %mul3A_156 : i32 to index
        %swap3A_158 = tpu.vector_load %arg7[%swap3A_157] {strides = array<i32>} : memref<4096xi32, #tpu.memory_space<vmem>>, vector<16xi32>,
        tpu.vector_store %arg7[%swap3A_157], %broadcast_in_dim3A_150 {strides = array<i32>} : memref<4096xi32, #tpu.memory_space<vmem>>, vector<16xi32>,
        %broadcast_in_dim3A_159 = arith.constant 0 : i32
        %broadcast_in_dim3A_160 = vector.broadcast %broadcast_in_dim3A_159 : i32 to vector<16xi32>
        %mul3A_161 = arith.constant 8 : i32
        %mul3A_162 = arith.muli %scan3A_118, %mul3A_161 : i32
        %add3A_163 = arith.constant 4 : i32
        %add3A_164 = arith.addi %mul3A_162, %add3A_163 : i32
        %mul3A_165 = arith.constant 16 : i32
        %mul3A_166 = arith.muli %add3A_164, %mul3A_165 : i32
        %swap3A_167 = arith.index_cast %mul3A_166 : i32 to index
        %swap3A_168 = tpu.vector_load %arg7[%swap3A_167] {strides = array<i32>} : memref<4096xi32, #tpu.memory_space<vmem>>, vector<16xi32>,
        tpu.vector_store %arg7[%swap3A_167], %broadcast_in_dim3A_160 {strides = array<i32>} : memref<4096xi32, #tpu.memory_space<vmem>>, vector<16xi32>,
        %broadcast_in_dim3A_169 = arith.constant 0 : i32
        %broadcast_in_dim3A_170 = vector.broadcast %broadcast_in_dim3A_169 : i32 to vector<16xi32>
        %mul3A_171 = arith.constant 8 : i32
        %mul3A_172 = arith.muli %scan3A_118, %mul3A_171 : i32
        %add3A_173 = arith.constant 5 : i32
        %add3A_174 = arith.addi %mul3A_172, %add3A_173 : i32
        %mul3A_175 = arith.constant 16 : i32
        %mul3A_176 = arith.muli %add3A_174, %mul3A_175 : i32
        %swap3A_177 = arith.index_cast %mul3A_176 : i32 to index
        %swap3A_178 = tpu.vector_load %arg7[%swap3A_177] {strides = array<i32>} : memref<4096xi32, #tpu.memory_space<vmem>>, vector<16xi32>,
        tpu.vector_store %arg7[%swap3A_177], %broadcast_in_dim3A_170 {strides = array<i32>} : memref<4096xi32, #tpu.memory_space<vmem>>, vector<16xi32>,
        %broadcast_in_dim3A_179 = arith.constant 0 : i32
        %broadcast_in_dim3A_180 = vector.broadcast %broadcast_in_dim3A_179 : i32 to vector<16xi32>
        %mul3A_181 = arith.constant 8 : i32
        %mul3A_182 = arith.muli %scan3A_118, %mul3A_181 : i32
        %add3A_183 = arith.constant 6 : i32
        %add3A_184 = arith.addi %mul3A_182, %add3A_183 : i32
        %mul3A_185 = arith.constant 16 : i32
        %mul3A_186 = arith.muli %add3A_184, %mul3A_185 : i32
        %swap3A_187 = arith.index_cast %mul3A_186 : i32 to index
        %swap3A_188 = tpu.vector_load %arg7[%swap3A_187] {strides = array<i32>} : memref<4096xi32, #tpu.memory_space<vmem>>, vector<16xi32>,
        tpu.vector_store %arg7[%swap3A_187], %broadcast_in_dim3A_180 {strides = array<i32>} : memref<4096xi32, #tpu.memory_space<vmem>>, vector<16xi32>,
        %broadcast_in_dim3A_189 = arith.constant 0 : i32
        %broadcast_in_dim3A_190 = vector.broadcast %broadcast_in_dim3A_189 : i32 to vector<16xi32>
        %mul3A_191 = arith.constant 8 : i32
        %mul3A_192 = arith.muli %scan3A_118, %mul3A_191 : i32
        %add3A_193 = arith.constant 7 : i32
        %add3A_194 = arith.addi %mul3A_192, %add3A_193 : i32
        %mul3A_195 = arith.constant 16 : i32
        %mul3A_196 = arith.muli %add3A_194, %mul3A_195 : i32
        %swap3A_197 = arith.index_cast %mul3A_196 : i32 to index
        %swap3A_198 = tpu.vector_load %arg7[%swap3A_197] {strides = array<i32>} : memref<4096xi32, #tpu.memory_space<vmem>>, vector<16xi32>,
        tpu.vector_store %arg7[%swap3A_197], %broadcast_in_dim3A_190 {strides = array<i32>} : memref<4096xi32, #tpu.memory_space<vmem>>, vector<16xi32>,
      }
      %scan3A_50 = arith.constant 32 : i32
      %scan3A_51 = arith.constant 0 : i32
      %scan3A_52 = arith.constant 0 : i32
      %scan3A_53 = arith.constant 64 : i32
      %scan3A_54 = arith.addi %scan3A_52, %scan3A_53 : i32
      %scan3A_55 = arith.constant 1 : i32
      scf.for %scan3A_118 = %scan3A_52 to %scan3A_54 step %scan3A_55  : i32 {
        %mul3A_119 = arith.constant 8 : i32
        %mul3A_120 = arith.muli %scan3A_118, %mul3A_119 : i32
        %add3A_121 = arith.constant 0 : i32
        %add3A_122 = arith.addi %mul3A_120, %add3A_121 : i32
        %mul3A_123 = arith.constant 16 : i32
        %mul3A_124 = arith.muli %add3A_122, %mul3A_123 : i32
        %get3A = arith.index_cast %mul3A_124 : i32 to index
        %get3A_125 = tpu.vector_load %arg5[%get3A] {strides = array<i32>} : memref<8192xi32, #tpu.memory_space<vmem>>, vector<16xi32>,
        %xor3A_126 = arith.constant -2147483648 : i32
        %xor3A_127 = vector.broadcast %xor3A_126 : i32 to vector<16xi32>
        %xor3A_128 = arith.xori %get3A_125, %xor3A_127 : vector<16xi32>
        %broadcast_in_dim3A_129 = arith.constant 8 : i32
        %broadcast_in_dim3A_130 = vector.broadcast %broadcast_in_dim3A_129 : i32 to vector<16xi32>
        %shift_right_logical3A = arith.shrui %xor3A_128, %broadcast_in_dim3A_130 : vector<16xi32>
        %and3A_131 = arith.constant 255 : i32
        %and3A_132 = vector.broadcast %and3A_131 : i32 to vector<16xi32>
        %and3A_133 = arith.andi %shift_right_logical3A, %and3A_132 : vector<16xi32>
        %and3A_134 = arith.constant -65536 : i32
        %and3A_135 = vector.broadcast %and3A_134 : i32 to vector<16xi32>
        %and3A_136 = arith.andi %xor3A_128, %and3A_135 : vector<16xi32>
        %eq3A_137 = vector.broadcast %or3A_44 : i32 to vector<16xi32>
        %eq3A_138 = arith.cmpi eq, %and3A_136, %eq3A_137 : vector<16xi32>
        %mul3A_139 = arith.constant 16 : i32
        %mul3A_140 = vector.broadcast %mul3A_139 : i32 to vector<16xi32>
        %mul3A_141 = arith.muli %and3A_133, %mul3A_140 : vector<16xi32>
        %add3A_142 = arith.addi %mul3A_141, %iota3A : vector<16xi32>
        tpu.vector_store_idx %arg7[%add3A_142], %broadcast_in_dim3A_4 masked %eq3A_138 {add = true} : memref<4096xi32, #tpu.memory_space<vmem>>[vector<16xi32>], vector<16xi32>, vector<16xi1>
        %mul3A_143 = arith.constant 8 : i32
        %mul3A_144 = arith.muli %scan3A_118, %mul3A_143 : i32
        %add3A_145 = arith.constant 1 : i32
        %add3A_146 = arith.addi %mul3A_144, %add3A_145 : i32
        %mul3A_147 = arith.constant 16 : i32
        %mul3A_148 = arith.muli %add3A_146, %mul3A_147 : i32
        %get3A_149 = arith.index_cast %mul3A_148 : i32 to index
        %get3A_150 = tpu.vector_load %arg5[%get3A_149] {strides = array<i32>} : memref<8192xi32, #tpu.memory_space<vmem>>, vector<16xi32>,
        %xor3A_151 = arith.constant -2147483648 : i32
        %xor3A_152 = vector.broadcast %xor3A_151 : i32 to vector<16xi32>
        %xor3A_153 = arith.xori %get3A_150, %xor3A_152 : vector<16xi32>
        %broadcast_in_dim3A_154 = arith.constant 8 : i32
        %broadcast_in_dim3A_155 = vector.broadcast %broadcast_in_dim3A_154 : i32 to vector<16xi32>
        %shift_right_logical3A_156 = arith.shrui %xor3A_153, %broadcast_in_dim3A_155 : vector<16xi32>
        %and3A_157 = arith.constant 255 : i32
        %and3A_158 = vector.broadcast %and3A_157 : i32 to vector<16xi32>
        %and3A_159 = arith.andi %shift_right_logical3A_156, %and3A_158 : vector<16xi32>
        %and3A_160 = arith.constant -65536 : i32
        %and3A_161 = vector.broadcast %and3A_160 : i32 to vector<16xi32>
        %and3A_162 = arith.andi %xor3A_153, %and3A_161 : vector<16xi32>
        %eq3A_163 = vector.broadcast %or3A_44 : i32 to vector<16xi32>
        %eq3A_164 = arith.cmpi eq, %and3A_162, %eq3A_163 : vector<16xi32>
        %mul3A_165 = arith.constant 16 : i32
        %mul3A_166 = vector.broadcast %mul3A_165 : i32 to vector<16xi32>
        %mul3A_167 = arith.muli %and3A_159, %mul3A_166 : vector<16xi32>
        %add3A_168 = arith.addi %mul3A_167, %iota3A : vector<16xi32>
        tpu.vector_store_idx %arg7[%add3A_168], %broadcast_in_dim3A_4 masked %eq3A_164 {add = true} : memref<4096xi32, #tpu.memory_space<vmem>>[vector<16xi32>], vector<16xi32>, vector<16xi1>
        %mul3A_169 = arith.constant 8 : i32
        %mul3A_170 = arith.muli %scan3A_118, %mul3A_169 : i32
        %add3A_171 = arith.constant 2 : i32
        %add3A_172 = arith.addi %mul3A_170, %add3A_171 : i32
        %mul3A_173 = arith.constant 16 : i32
        %mul3A_174 = arith.muli %add3A_172, %mul3A_173 : i32
        %get3A_175 = arith.index_cast %mul3A_174 : i32 to index
        %get3A_176 = tpu.vector_load %arg5[%get3A_175] {strides = array<i32>} : memref<8192xi32, #tpu.memory_space<vmem>>, vector<16xi32>,
        %xor3A_177 = arith.constant -2147483648 : i32
        %xor3A_178 = vector.broadcast %xor3A_177 : i32 to vector<16xi32>
        %xor3A_179 = arith.xori %get3A_176, %xor3A_178 : vector<16xi32>
        %broadcast_in_dim3A_180 = arith.constant 8 : i32
        %broadcast_in_dim3A_181 = vector.broadcast %broadcast_in_dim3A_180 : i32 to vector<16xi32>
        %shift_right_logical3A_182 = arith.shrui %xor3A_179, %broadcast_in_dim3A_181 : vector<16xi32>
        %and3A_183 = arith.constant 255 : i32
        %and3A_184 = vector.broadcast %and3A_183 : i32 to vector<16xi32>
        %and3A_185 = arith.andi %shift_right_logical3A_182, %and3A_184 : vector<16xi32>
        %and3A_186 = arith.constant -65536 : i32
        %and3A_187 = vector.broadcast %and3A_186 : i32 to vector<16xi32>
        %and3A_188 = arith.andi %xor3A_179, %and3A_187 : vector<16xi32>
        %eq3A_189 = vector.broadcast %or3A_44 : i32 to vector<16xi32>
        %eq3A_190 = arith.cmpi eq, %and3A_188, %eq3A_189 : vector<16xi32>
        %mul3A_191 = arith.constant 16 : i32
        %mul3A_192 = vector.broadcast %mul3A_191 : i32 to vector<16xi32>
        %mul3A_193 = arith.muli %and3A_185, %mul3A_192 : vector<16xi32>
        %add3A_194 = arith.addi %mul3A_193, %iota3A : vector<16xi32>
        tpu.vector_store_idx %arg7[%add3A_194], %broadcast_in_dim3A_4 masked %eq3A_190 {add = true} : memref<4096xi32, #tpu.memory_space<vmem>>[vector<16xi32>], vector<16xi32>, vector<16xi1>
        %mul3A_195 = arith.constant 8 : i32
        %mul3A_196 = arith.muli %scan3A_118, %mul3A_195 : i32
        %add3A_197 = arith.constant 3 : i32
        %add3A_198 = arith.addi %mul3A_196, %add3A_197 : i32
        %mul3A_199 = arith.constant 16 : i32
        %mul3A_200 = arith.muli %add3A_198, %mul3A_199 : i32
        %get3A_201 = arith.index_cast %mul3A_200 : i32 to index
        %get3A_202 = tpu.vector_load %arg5[%get3A_201] {strides = array<i32>} : memref<8192xi32, #tpu.memory_space<vmem>>, vector<16xi32>,
        %xor3A_203 = arith.constant -2147483648 : i32
        %xor3A_204 = vector.broadcast %xor3A_203 : i32 to vector<16xi32>
        %xor3A_205 = arith.xori %get3A_202, %xor3A_204 : vector<16xi32>
        %broadcast_in_dim3A_206 = arith.constant 8 : i32
        %broadcast_in_dim3A_207 = vector.broadcast %broadcast_in_dim3A_206 : i32 to vector<16xi32>
        %shift_right_logical3A_208 = arith.shrui %xor3A_205, %broadcast_in_dim3A_207 : vector<16xi32>
        %and3A_209 = arith.constant 255 : i32
        %and3A_210 = vector.broadcast %and3A_209 : i32 to vector<16xi32>
        %and3A_211 = arith.andi %shift_right_logical3A_208, %and3A_210 : vector<16xi32>
        %and3A_212 = arith.constant -65536 : i32
        %and3A_213 = vector.broadcast %and3A_212 : i32 to vector<16xi32>
        %and3A_214 = arith.andi %xor3A_205, %and3A_213 : vector<16xi32>
        %eq3A_215 = vector.broadcast %or3A_44 : i32 to vector<16xi32>
        %eq3A_216 = arith.cmpi eq, %and3A_214, %eq3A_215 : vector<16xi32>
        %mul3A_217 = arith.constant 16 : i32
        %mul3A_218 = vector.broadcast %mul3A_217 : i32 to vector<16xi32>
        %mul3A_219 = arith.muli %and3A_211, %mul3A_218 : vector<16xi32>
        %add3A_220 = arith.addi %mul3A_219, %iota3A : vector<16xi32>
        tpu.vector_store_idx %arg7[%add3A_220], %broadcast_in_dim3A_4 masked %eq3A_216 {add = true} : memref<4096xi32, #tpu.memory_space<vmem>>[vector<16xi32>], vector<16xi32>, vector<16xi1>
        %mul3A_221 = arith.constant 8 : i32
        %mul3A_222 = arith.muli %scan3A_118, %mul3A_221 : i32
        %add3A_223 = arith.constant 4 : i32
        %add3A_224 = arith.addi %mul3A_222, %add3A_223 : i32
        %mul3A_225 = arith.constant 16 : i32
        %mul3A_226 = arith.muli %add3A_224, %mul3A_225 : i32
        %get3A_227 = arith.index_cast %mul3A_226 : i32 to index
        %get3A_228 = tpu.vector_load %arg5[%get3A_227] {strides = array<i32>} : memref<8192xi32, #tpu.memory_space<vmem>>, vector<16xi32>,
        %xor3A_229 = arith.constant -2147483648 : i32
        %xor3A_230 = vector.broadcast %xor3A_229 : i32 to vector<16xi32>
        %xor3A_231 = arith.xori %get3A_228, %xor3A_230 : vector<16xi32>
        %broadcast_in_dim3A_232 = arith.constant 8 : i32
        %broadcast_in_dim3A_233 = vector.broadcast %broadcast_in_dim3A_232 : i32 to vector<16xi32>
        %shift_right_logical3A_234 = arith.shrui %xor3A_231, %broadcast_in_dim3A_233 : vector<16xi32>
        %and3A_235 = arith.constant 255 : i32
        %and3A_236 = vector.broadcast %and3A_235 : i32 to vector<16xi32>
        %and3A_237 = arith.andi %shift_right_logical3A_234, %and3A_236 : vector<16xi32>
        %and3A_238 = arith.constant -65536 : i32
        %and3A_239 = vector.broadcast %and3A_238 : i32 to vector<16xi32>
        %and3A_240 = arith.andi %xor3A_231, %and3A_239 : vector<16xi32>
        %eq3A_241 = vector.broadcast %or3A_44 : i32 to vector<16xi32>
        %eq3A_242 = arith.cmpi eq, %and3A_240, %eq3A_241 : vector<16xi32>
        %mul3A_243 = arith.constant 16 : i32
        %mul3A_244 = vector.broadcast %mul3A_243 : i32 to vector<16xi32>
        %mul3A_245 = arith.muli %and3A_237, %mul3A_244 : vector<16xi32>
        %add3A_246 = arith.addi %mul3A_245, %iota3A : vector<16xi32>
        tpu.vector_store_idx %arg7[%add3A_246], %broadcast_in_dim3A_4 masked %eq3A_242 {add = true} : memref<4096xi32, #tpu.memory_space<vmem>>[vector<16xi32>], vector<16xi32>, vector<16xi1>
        %mul3A_247 = arith.constant 8 : i32
        %mul3A_248 = arith.muli %scan3A_118, %mul3A_247 : i32
        %add3A_249 = arith.constant 5 : i32
        %add3A_250 = arith.addi %mul3A_248, %add3A_249 : i32
        %mul3A_251 = arith.constant 16 : i32
        %mul3A_252 = arith.muli %add3A_250, %mul3A_251 : i32
        %get3A_253 = arith.index_cast %mul3A_252 : i32 to index
        %get3A_254 = tpu.vector_load %arg5[%get3A_253] {strides = array<i32>} : memref<8192xi32, #tpu.memory_space<vmem>>, vector<16xi32>,
        %xor3A_255 = arith.constant -2147483648 : i32
        %xor3A_256 = vector.broadcast %xor3A_255 : i32 to vector<16xi32>
        %xor3A_257 = arith.xori %get3A_254, %xor3A_256 : vector<16xi32>
        %broadcast_in_dim3A_258 = arith.constant 8 : i32
        %broadcast_in_dim3A_259 = vector.broadcast %broadcast_in_dim3A_258 : i32 to vector<16xi32>
        %shift_right_logical3A_260 = arith.shrui %xor3A_257, %broadcast_in_dim3A_259 : vector<16xi32>
        %and3A_261 = arith.constant 255 : i32
        %and3A_262 = vector.broadcast %and3A_261 : i32 to vector<16xi32>
        %and3A_263 = arith.andi %shift_right_logical3A_260, %and3A_262 : vector<16xi32>
        %and3A_264 = arith.constant -65536 : i32
        %and3A_265 = vector.broadcast %and3A_264 : i32 to vector<16xi32>
        %and3A_266 = arith.andi %xor3A_257, %and3A_265 : vector<16xi32>
        %eq3A_267 = vector.broadcast %or3A_44 : i32 to vector<16xi32>
        %eq3A_268 = arith.cmpi eq, %and3A_266, %eq3A_267 : vector<16xi32>
        %mul3A_269 = arith.constant 16 : i32
        %mul3A_270 = vector.broadcast %mul3A_269 : i32 to vector<16xi32>
        %mul3A_271 = arith.muli %and3A_263, %mul3A_270 : vector<16xi32>
        %add3A_272 = arith.addi %mul3A_271, %iota3A : vector<16xi32>
        tpu.vector_store_idx %arg7[%add3A_272], %broadcast_in_dim3A_4 masked %eq3A_268 {add = true} : memref<4096xi32, #tpu.memory_space<vmem>>[vector<16xi32>], vector<16xi32>, vector<16xi1>
        %mul3A_273 = arith.constant 8 : i32
        %mul3A_274 = arith.muli %scan3A_118, %mul3A_273 : i32
        %add3A_275 = arith.constant 6 : i32
        %add3A_276 = arith.addi %mul3A_274, %add3A_275 : i32
        %mul3A_277 = arith.constant 16 : i32
        %mul3A_278 = arith.muli %add3A_276, %mul3A_277 : i32
        %get3A_279 = arith.index_cast %mul3A_278 : i32 to index
        %get3A_280 = tpu.vector_load %arg5[%get3A_279] {strides = array<i32>} : memref<8192xi32, #tpu.memory_space<vmem>>, vector<16xi32>,
        %xor3A_281 = arith.constant -2147483648 : i32
        %xor3A_282 = vector.broadcast %xor3A_281 : i32 to vector<16xi32>
        %xor3A_283 = arith.xori %get3A_280, %xor3A_282 : vector<16xi32>
        %broadcast_in_dim3A_284 = arith.constant 8 : i32
        %broadcast_in_dim3A_285 = vector.broadcast %broadcast_in_dim3A_284 : i32 to vector<16xi32>
        %shift_right_logical3A_286 = arith.shrui %xor3A_283, %broadcast_in_dim3A_285 : vector<16xi32>
        %and3A_287 = arith.constant 255 : i32
        %and3A_288 = vector.broadcast %and3A_287 : i32 to vector<16xi32>
        %and3A_289 = arith.andi %shift_right_logical3A_286, %and3A_288 : vector<16xi32>
        %and3A_290 = arith.constant -65536 : i32
        %and3A_291 = vector.broadcast %and3A_290 : i32 to vector<16xi32>
        %and3A_292 = arith.andi %xor3A_283, %and3A_291 : vector<16xi32>
        %eq3A_293 = vector.broadcast %or3A_44 : i32 to vector<16xi32>
        %eq3A_294 = arith.cmpi eq, %and3A_292, %eq3A_293 : vector<16xi32>
        %mul3A_295 = arith.constant 16 : i32
        %mul3A_296 = vector.broadcast %mul3A_295 : i32 to vector<16xi32>
        %mul3A_297 = arith.muli %and3A_289, %mul3A_296 : vector<16xi32>
        %add3A_298 = arith.addi %mul3A_297, %iota3A : vector<16xi32>
        tpu.vector_store_idx %arg7[%add3A_298], %broadcast_in_dim3A_4 masked %eq3A_294 {add = true} : memref<4096xi32, #tpu.memory_space<vmem>>[vector<16xi32>], vector<16xi32>, vector<16xi1>
        %mul3A_299 = arith.constant 8 : i32
        %mul3A_300 = arith.muli %scan3A_118, %mul3A_299 : i32
        %add3A_301 = arith.constant 7 : i32
        %add3A_302 = arith.addi %mul3A_300, %add3A_301 : i32
        %mul3A_303 = arith.constant 16 : i32
        %mul3A_304 = arith.muli %add3A_302, %mul3A_303 : i32
        %get3A_305 = arith.index_cast %mul3A_304 : i32 to index
        %get3A_306 = tpu.vector_load %arg5[%get3A_305] {strides = array<i32>} : memref<8192xi32, #tpu.memory_space<vmem>>, vector<16xi32>,
        %xor3A_307 = arith.constant -2147483648 : i32
        %xor3A_308 = vector.broadcast %xor3A_307 : i32 to vector<16xi32>
        %xor3A_309 = arith.xori %get3A_306, %xor3A_308 : vector<16xi32>
        %broadcast_in_dim3A_310 = arith.constant 8 : i32
        %broadcast_in_dim3A_311 = vector.broadcast %broadcast_in_dim3A_310 : i32 to vector<16xi32>
        %shift_right_logical3A_312 = arith.shrui %xor3A_309, %broadcast_in_dim3A_311 : vector<16xi32>
        %and3A_313 = arith.constant 255 : i32
        %and3A_314 = vector.broadcast %and3A_313 : i32 to vector<16xi32>
        %and3A_315 = arith.andi %shift_right_logical3A_312, %and3A_314 : vector<16xi32>
        %and3A_316 = arith.constant -65536 : i32
        %and3A_317 = vector.broadcast %and3A_316 : i32 to vector<16xi32>
        %and3A_318 = arith.andi %xor3A_309, %and3A_317 : vector<16xi32>
        %eq3A_319 = vector.broadcast %or3A_44 : i32 to vector<16xi32>
        %eq3A_320 = arith.cmpi eq, %and3A_318, %eq3A_319 : vector<16xi32>
        %mul3A_321 = arith.constant 16 : i32
        %mul3A_322 = vector.broadcast %mul3A_321 : i32 to vector<16xi32>
        %mul3A_323 = arith.muli %and3A_315, %mul3A_322 : vector<16xi32>
        %add3A_324 = arith.addi %mul3A_323, %iota3A : vector<16xi32>
        tpu.vector_store_idx %arg7[%add3A_324], %broadcast_in_dim3A_4 masked %eq3A_320 {add = true} : memref<4096xi32, #tpu.memory_space<vmem>>[vector<16xi32>], vector<16xi32>, vector<16xi1>
      }
      %scan3A_56 = arith.constant 64 : i32
      %while3A_57 = arith.constant 0 : i32
      %while3A_58 = arith.constant 0 : i32
      %while3A_59 = arith.constant 0 : i32
      %while3A_60 = arith.constant 0 : i32
      %while3A_61:4 = scf.while (%while3A_118 = %while3A_57, %while3A_119 = %while3A_58, %while3A_120 = %while3A_59, %while3A_121 = %while3A_60) : (i32, i32, i32, i32) -> (i32, i32, i32, i32) {
        %lt3A = arith.constant 16 : i32
        %lt3A_122 = arith.cmpi slt, %while3A_118, %lt3A : i32
        %eq3A_123 = arith.constant 0 : i32
        %eq3A_124 = arith.cmpi eq, %while3A_121, %eq3A_123 : i32
        %and3A_125 = arith.andi %lt3A_122, %eq3A_124 : i1
        scf.condition(%and3A_125) %while3A_118, %while3A_119, %while3A_120, %while3A_121 : i32, i32, i32, i32
      } do {
      ^bb0(%while3A_118: i32, %while3A_119: i32, %while3A_120: i32, %while3A_121: i32):
        %add3A_122 = arith.constant 1 : i32
        %add3A_123 = arith.addi %while3A_118, %add3A_122 : i32
        %sub3A_124 = arith.constant 15 : i32
        %sub3A_125 = arith.subi %sub3A_124, %while3A_118 : i32
        %mul3A_126 = arith.constant 16 : i32
        %mul3A_127 = arith.muli %sub3A_125, %mul3A_126 : i32
        %add3A_128 = arith.constant 15 : i32
        %add3A_129 = arith.addi %mul3A_127, %add3A_128 : i32
        %sub3A_130 = arith.constant 0 : i32
        %sub3A_131 = arith.subi %add3A_129, %sub3A_130 : i32
        %mul3A_132 = arith.constant 16 : i32
        %mul3A_133 = arith.muli %sub3A_131, %mul3A_132 : i32
        %get3A = arith.index_cast %mul3A_133 : i32 to index
        %get3A_134 = tpu.vector_load %arg7[%get3A] {strides = array<i32>} : memref<4096xi32, #tpu.memory_space<vmem>>, vector<16xi32>,
        %reduce_sum3A_135 = arith.constant true
        %reduce_sum3A_136 = vector.broadcast %reduce_sum3A_135 : i1 to vector<16xi1>
        %reduce_sum3A_137 = tpu.scan <sum>, %get3A_134 masked %reduce_sum3A_136 : vector<16xi32>, vector<16xi1> -> vector<16xi32>
        %reduce_sum3A_138 = vector.extract %reduce_sum3A_137[15] : i32 from vector<16xi32>
        %add3A_139 = arith.constant 15 : i32
        %add3A_140 = arith.addi %mul3A_127, %add3A_139 : i32
        %sub3A_141 = arith.constant 1 : i32
        %sub3A_142 = arith.subi %add3A_140, %sub3A_141 : i32
        %mul3A_143 = arith.constant 16 : i32
        %mul3A_144 = arith.muli %sub3A_142, %mul3A_143 : i32
        %get3A_145 = arith.index_cast %mul3A_144 : i32 to index
        %get3A_146 = tpu.vector_load %arg7[%get3A_145] {strides = array<i32>} : memref<4096xi32, #tpu.memory_space<vmem>>, vector<16xi32>,
        %reduce_sum3A_147 = arith.constant true
        %reduce_sum3A_148 = vector.broadcast %reduce_sum3A_147 : i1 to vector<16xi1>
        %reduce_sum3A_149 = tpu.scan <sum>, %get3A_146 masked %reduce_sum3A_148 : vector<16xi32>, vector<16xi1> -> vector<16xi32>
        %reduce_sum3A_150 = vector.extract %reduce_sum3A_149[15] : i32 from vector<16xi32>
        %add3A_151 = arith.constant 15 : i32
        %add3A_152 = arith.addi %mul3A_127, %add3A_151 : i32
        %sub3A_153 = arith.constant 2 : i32
        %sub3A_154 = arith.subi %add3A_152, %sub3A_153 : i32
        %mul3A_155 = arith.constant 16 : i32
        %mul3A_156 = arith.muli %sub3A_154, %mul3A_155 : i32
        %get3A_157 = arith.index_cast %mul3A_156 : i32 to index
        %get3A_158 = tpu.vector_load %arg7[%get3A_157] {strides = array<i32>} : memref<4096xi32, #tpu.memory_space<vmem>>, vector<16xi32>,
        %reduce_sum3A_159 = arith.constant true
        %reduce_sum3A_160 = vector.broadcast %reduce_sum3A_159 : i1 to vector<16xi1>
        %reduce_sum3A_161 = tpu.scan <sum>, %get3A_158 masked %reduce_sum3A_160 : vector<16xi32>, vector<16xi1> -> vector<16xi32>
        %reduce_sum3A_162 = vector.extract %reduce_sum3A_161[15] : i32 from vector<16xi32>
        %add3A_163 = arith.constant 15 : i32
        %add3A_164 = arith.addi %mul3A_127, %add3A_163 : i32
        %sub3A_165 = arith.constant 3 : i32
        %sub3A_166 = arith.subi %add3A_164, %sub3A_165 : i32
        %mul3A_167 = arith.constant 16 : i32
        %mul3A_168 = arith.muli %sub3A_166, %mul3A_167 : i32
        %get3A_169 = arith.index_cast %mul3A_168 : i32 to index
        %get3A_170 = tpu.vector_load %arg7[%get3A_169] {strides = array<i32>} : memref<4096xi32, #tpu.memory_space<vmem>>, vector<16xi32>,
        %reduce_sum3A_171 = arith.constant true
        %reduce_sum3A_172 = vector.broadcast %reduce_sum3A_171 : i1 to vector<16xi1>
        %reduce_sum3A_173 = tpu.scan <sum>, %get3A_170 masked %reduce_sum3A_172 : vector<16xi32>, vector<16xi1> -> vector<16xi32>
        %reduce_sum3A_174 = vector.extract %reduce_sum3A_173[15] : i32 from vector<16xi32>
        %add3A_175 = arith.constant 15 : i32
        %add3A_176 = arith.addi %mul3A_127, %add3A_175 : i32
        %sub3A_177 = arith.constant 4 : i32
        %sub3A_178 = arith.subi %add3A_176, %sub3A_177 : i32
        %mul3A_179 = arith.constant 16 : i32
        %mul3A_180 = arith.muli %sub3A_178, %mul3A_179 : i32
        %get3A_181 = arith.index_cast %mul3A_180 : i32 to index
        %get3A_182 = tpu.vector_load %arg7[%get3A_181] {strides = array<i32>} : memref<4096xi32, #tpu.memory_space<vmem>>, vector<16xi32>,
        %reduce_sum3A_183 = arith.constant true
        %reduce_sum3A_184 = vector.broadcast %reduce_sum3A_183 : i1 to vector<16xi1>
        %reduce_sum3A_185 = tpu.scan <sum>, %get3A_182 masked %reduce_sum3A_184 : vector<16xi32>, vector<16xi1> -> vector<16xi32>
        %reduce_sum3A_186 = vector.extract %reduce_sum3A_185[15] : i32 from vector<16xi32>
        %add3A_187 = arith.constant 15 : i32
        %add3A_188 = arith.addi %mul3A_127, %add3A_187 : i32
        %sub3A_189 = arith.constant 5 : i32
        %sub3A_190 = arith.subi %add3A_188, %sub3A_189 : i32
        %mul3A_191 = arith.constant 16 : i32
        %mul3A_192 = arith.muli %sub3A_190, %mul3A_191 : i32
        %get3A_193 = arith.index_cast %mul3A_192 : i32 to index
        %get3A_194 = tpu.vector_load %arg7[%get3A_193] {strides = array<i32>} : memref<4096xi32, #tpu.memory_space<vmem>>, vector<16xi32>,
        %reduce_sum3A_195 = arith.constant true
        %reduce_sum3A_196 = vector.broadcast %reduce_sum3A_195 : i1 to vector<16xi1>
        %reduce_sum3A_197 = tpu.scan <sum>, %get3A_194 masked %reduce_sum3A_196 : vector<16xi32>, vector<16xi1> -> vector<16xi32>
        %reduce_sum3A_198 = vector.extract %reduce_sum3A_197[15] : i32 from vector<16xi32>
        %add3A_199 = arith.constant 15 : i32
        %add3A_200 = arith.addi %mul3A_127, %add3A_199 : i32
        %sub3A_201 = arith.constant 6 : i32
        %sub3A_202 = arith.subi %add3A_200, %sub3A_201 : i32
        %mul3A_203 = arith.constant 16 : i32
        %mul3A_204 = arith.muli %sub3A_202, %mul3A_203 : i32
        %get3A_205 = arith.index_cast %mul3A_204 : i32 to index
        %get3A_206 = tpu.vector_load %arg7[%get3A_205] {strides = array<i32>} : memref<4096xi32, #tpu.memory_space<vmem>>, vector<16xi32>,
        %reduce_sum3A_207 = arith.constant true
        %reduce_sum3A_208 = vector.broadcast %reduce_sum3A_207 : i1 to vector<16xi1>
        %reduce_sum3A_209 = tpu.scan <sum>, %get3A_206 masked %reduce_sum3A_208 : vector<16xi32>, vector<16xi1> -> vector<16xi32>
        %reduce_sum3A_210 = vector.extract %reduce_sum3A_209[15] : i32 from vector<16xi32>
        %add3A_211 = arith.constant 15 : i32
        %add3A_212 = arith.addi %mul3A_127, %add3A_211 : i32
        %sub3A_213 = arith.constant 7 : i32
        %sub3A_214 = arith.subi %add3A_212, %sub3A_213 : i32
        %mul3A_215 = arith.constant 16 : i32
        %mul3A_216 = arith.muli %sub3A_214, %mul3A_215 : i32
        %get3A_217 = arith.index_cast %mul3A_216 : i32 to index
        %get3A_218 = tpu.vector_load %arg7[%get3A_217] {strides = array<i32>} : memref<4096xi32, #tpu.memory_space<vmem>>, vector<16xi32>,
        %reduce_sum3A_219 = arith.constant true
        %reduce_sum3A_220 = vector.broadcast %reduce_sum3A_219 : i1 to vector<16xi1>
        %reduce_sum3A_221 = tpu.scan <sum>, %get3A_218 masked %reduce_sum3A_220 : vector<16xi32>, vector<16xi1> -> vector<16xi32>
        %reduce_sum3A_222 = vector.extract %reduce_sum3A_221[15] : i32 from vector<16xi32>
        %add3A_223 = arith.constant 15 : i32
        %add3A_224 = arith.addi %mul3A_127, %add3A_223 : i32
        %sub3A_225 = arith.constant 8 : i32
        %sub3A_226 = arith.subi %add3A_224, %sub3A_225 : i32
        %mul3A_227 = arith.constant 16 : i32
        %mul3A_228 = arith.muli %sub3A_226, %mul3A_227 : i32
        %get3A_229 = arith.index_cast %mul3A_228 : i32 to index
        %get3A_230 = tpu.vector_load %arg7[%get3A_229] {strides = array<i32>} : memref<4096xi32, #tpu.memory_space<vmem>>, vector<16xi32>,
        %reduce_sum3A_231 = arith.constant true
        %reduce_sum3A_232 = vector.broadcast %reduce_sum3A_231 : i1 to vector<16xi1>
        %reduce_sum3A_233 = tpu.scan <sum>, %get3A_230 masked %reduce_sum3A_232 : vector<16xi32>, vector<16xi1> -> vector<16xi32>
        %reduce_sum3A_234 = vector.extract %reduce_sum3A_233[15] : i32 from vector<16xi32>
        %add3A_235 = arith.constant 15 : i32
        %add3A_236 = arith.addi %mul3A_127, %add3A_235 : i32
        %sub3A_237 = arith.constant 9 : i32
        %sub3A_238 = arith.subi %add3A_236, %sub3A_237 : i32
        %mul3A_239 = arith.constant 16 : i32
        %mul3A_240 = arith.muli %sub3A_238, %mul3A_239 : i32
        %get3A_241 = arith.index_cast %mul3A_240 : i32 to index
        %get3A_242 = tpu.vector_load %arg7[%get3A_241] {strides = array<i32>} : memref<4096xi32, #tpu.memory_space<vmem>>, vector<16xi32>,
        %reduce_sum3A_243 = arith.constant true
        %reduce_sum3A_244 = vector.broadcast %reduce_sum3A_243 : i1 to vector<16xi1>
        %reduce_sum3A_245 = tpu.scan <sum>, %get3A_242 masked %reduce_sum3A_244 : vector<16xi32>, vector<16xi1> -> vector<16xi32>
        %reduce_sum3A_246 = vector.extract %reduce_sum3A_245[15] : i32 from vector<16xi32>
        %add3A_247 = arith.constant 15 : i32
        %add3A_248 = arith.addi %mul3A_127, %add3A_247 : i32
        %sub3A_249 = arith.constant 10 : i32
        %sub3A_250 = arith.subi %add3A_248, %sub3A_249 : i32
        %mul3A_251 = arith.constant 16 : i32
        %mul3A_252 = arith.muli %sub3A_250, %mul3A_251 : i32
        %get3A_253 = arith.index_cast %mul3A_252 : i32 to index
        %get3A_254 = tpu.vector_load %arg7[%get3A_253] {strides = array<i32>} : memref<4096xi32, #tpu.memory_space<vmem>>, vector<16xi32>,
        %reduce_sum3A_255 = arith.constant true
        %reduce_sum3A_256 = vector.broadcast %reduce_sum3A_255 : i1 to vector<16xi1>
        %reduce_sum3A_257 = tpu.scan <sum>, %get3A_254 masked %reduce_sum3A_256 : vector<16xi32>, vector<16xi1> -> vector<16xi32>
        %reduce_sum3A_258 = vector.extract %reduce_sum3A_257[15] : i32 from vector<16xi32>
        %add3A_259 = arith.constant 15 : i32
        %add3A_260 = arith.addi %mul3A_127, %add3A_259 : i32
        %sub3A_261 = arith.constant 11 : i32
        %sub3A_262 = arith.subi %add3A_260, %sub3A_261 : i32
        %mul3A_263 = arith.constant 16 : i32
        %mul3A_264 = arith.muli %sub3A_262, %mul3A_263 : i32
        %get3A_265 = arith.index_cast %mul3A_264 : i32 to index
        %get3A_266 = tpu.vector_load %arg7[%get3A_265] {strides = array<i32>} : memref<4096xi32, #tpu.memory_space<vmem>>, vector<16xi32>,
        %reduce_sum3A_267 = arith.constant true
        %reduce_sum3A_268 = vector.broadcast %reduce_sum3A_267 : i1 to vector<16xi1>
        %reduce_sum3A_269 = tpu.scan <sum>, %get3A_266 masked %reduce_sum3A_268 : vector<16xi32>, vector<16xi1> -> vector<16xi32>
        %reduce_sum3A_270 = vector.extract %reduce_sum3A_269[15] : i32 from vector<16xi32>
        %add3A_271 = arith.constant 15 : i32
        %add3A_272 = arith.addi %mul3A_127, %add3A_271 : i32
        %sub3A_273 = arith.constant 12 : i32
        %sub3A_274 = arith.subi %add3A_272, %sub3A_273 : i32
        %mul3A_275 = arith.constant 16 : i32
        %mul3A_276 = arith.muli %sub3A_274, %mul3A_275 : i32
        %get3A_277 = arith.index_cast %mul3A_276 : i32 to index
        %get3A_278 = tpu.vector_load %arg7[%get3A_277] {strides = array<i32>} : memref<4096xi32, #tpu.memory_space<vmem>>, vector<16xi32>,
        %reduce_sum3A_279 = arith.constant true
        %reduce_sum3A_280 = vector.broadcast %reduce_sum3A_279 : i1 to vector<16xi1>
        %reduce_sum3A_281 = tpu.scan <sum>, %get3A_278 masked %reduce_sum3A_280 : vector<16xi32>, vector<16xi1> -> vector<16xi32>
        %reduce_sum3A_282 = vector.extract %reduce_sum3A_281[15] : i32 from vector<16xi32>
        %add3A_283 = arith.constant 15 : i32
        %add3A_284 = arith.addi %mul3A_127, %add3A_283 : i32
        %sub3A_285 = arith.constant 13 : i32
        %sub3A_286 = arith.subi %add3A_284, %sub3A_285 : i32
        %mul3A_287 = arith.constant 16 : i32
        %mul3A_288 = arith.muli %sub3A_286, %mul3A_287 : i32
        %get3A_289 = arith.index_cast %mul3A_288 : i32 to index
        %get3A_290 = tpu.vector_load %arg7[%get3A_289] {strides = array<i32>} : memref<4096xi32, #tpu.memory_space<vmem>>, vector<16xi32>,
        %reduce_sum3A_291 = arith.constant true
        %reduce_sum3A_292 = vector.broadcast %reduce_sum3A_291 : i1 to vector<16xi1>
        %reduce_sum3A_293 = tpu.scan <sum>, %get3A_290 masked %reduce_sum3A_292 : vector<16xi32>, vector<16xi1> -> vector<16xi32>
        %reduce_sum3A_294 = vector.extract %reduce_sum3A_293[15] : i32 from vector<16xi32>
        %add3A_295 = arith.constant 15 : i32
        %add3A_296 = arith.addi %mul3A_127, %add3A_295 : i32
        %sub3A_297 = arith.constant 14 : i32
        %sub3A_298 = arith.subi %add3A_296, %sub3A_297 : i32
        %mul3A_299 = arith.constant 16 : i32
        %mul3A_300 = arith.muli %sub3A_298, %mul3A_299 : i32
        %get3A_301 = arith.index_cast %mul3A_300 : i32 to index
        %get3A_302 = tpu.vector_load %arg7[%get3A_301] {strides = array<i32>} : memref<4096xi32, #tpu.memory_space<vmem>>, vector<16xi32>,
        %reduce_sum3A_303 = arith.constant true
        %reduce_sum3A_304 = vector.broadcast %reduce_sum3A_303 : i1 to vector<16xi1>
        %reduce_sum3A_305 = tpu.scan <sum>, %get3A_302 masked %reduce_sum3A_304 : vector<16xi32>, vector<16xi1> -> vector<16xi32>
        %reduce_sum3A_306 = vector.extract %reduce_sum3A_305[15] : i32 from vector<16xi32>
        %add3A_307 = arith.constant 15 : i32
        %add3A_308 = arith.addi %mul3A_127, %add3A_307 : i32
        %sub3A_309 = arith.constant 15 : i32
        %sub3A_310 = arith.subi %add3A_308, %sub3A_309 : i32
        %mul3A_311 = arith.constant 16 : i32
        %mul3A_312 = arith.muli %sub3A_310, %mul3A_311 : i32
        %get3A_313 = arith.index_cast %mul3A_312 : i32 to index
        %get3A_314 = tpu.vector_load %arg7[%get3A_313] {strides = array<i32>} : memref<4096xi32, #tpu.memory_space<vmem>>, vector<16xi32>,
        %reduce_sum3A_315 = arith.constant true
        %reduce_sum3A_316 = vector.broadcast %reduce_sum3A_315 : i1 to vector<16xi1>
        %reduce_sum3A_317 = tpu.scan <sum>, %get3A_314 masked %reduce_sum3A_316 : vector<16xi32>, vector<16xi1> -> vector<16xi32>
        %reduce_sum3A_318 = vector.extract %reduce_sum3A_317[15] : i32 from vector<16xi32>
        %add3A_319 = arith.constant 15 : i32
        %add3A_320 = arith.addi %mul3A_127, %add3A_319 : i32
        %sub3A_321 = arith.constant 0 : i32
        %sub3A_322 = arith.subi %add3A_320, %sub3A_321 : i32
        %eq3A_323 = arith.constant 0 : i32
        %eq3A_324 = arith.cmpi eq, %while3A_121, %eq3A_323 : i32
        %add3A_325 = arith.addi %while3A_119, %reduce_sum3A_138 : i32
        %ge3A = arith.cmpi sge, %add3A_325, %sub3A_41 : i32
        %and3A_326 = arith.andi %eq3A_324, %ge3A : i1
        %select_n3A = arith.select %and3A_326, %sub3A_322, %while3A_120 : i32
        %jit3A = arith.constant 1 : i32
        %select_n3A_327 = arith.select %and3A_326, %jit3A, %while3A_121 : i32
        %eq3A_328 = arith.constant 1 : i32
        %eq3A_329 = arith.cmpi eq, %select_n3A_327, %eq3A_328 : i32
        %add3A_330 = arith.addi %while3A_119, %reduce_sum3A_138 : i32
        %select_n3A_331 = arith.select %eq3A_329, %while3A_119, %add3A_330 : i32
        %add3A_332 = arith.constant 15 : i32
        %add3A_333 = arith.addi %mul3A_127, %add3A_332 : i32
        %sub3A_334 = arith.constant 1 : i32
        %sub3A_335 = arith.subi %add3A_333, %sub3A_334 : i32
        %eq3A_336 = arith.constant 0 : i32
        %eq3A_337 = arith.cmpi eq, %select_n3A_327, %eq3A_336 : i32
        %add3A_338 = arith.addi %select_n3A_331, %reduce_sum3A_150 : i32
        %ge3A_339 = arith.cmpi sge, %add3A_338, %sub3A_41 : i32
        %and3A_340 = arith.andi %eq3A_337, %ge3A_339 : i1
        %select_n3A_341 = arith.select %and3A_340, %sub3A_335, %select_n3A : i32
        %jit3A_342 = arith.constant 1 : i32
        %select_n3A_343 = arith.select %and3A_340, %jit3A_342, %select_n3A_327 : i32
        %eq3A_344 = arith.constant 1 : i32
        %eq3A_345 = arith.cmpi eq, %select_n3A_343, %eq3A_344 : i32
        %add3A_346 = arith.addi %select_n3A_331, %reduce_sum3A_150 : i32
        %select_n3A_347 = arith.select %eq3A_345, %select_n3A_331, %add3A_346 : i32
        %add3A_348 = arith.constant 15 : i32
        %add3A_349 = arith.addi %mul3A_127, %add3A_348 : i32
        %sub3A_350 = arith.constant 2 : i32
        %sub3A_351 = arith.subi %add3A_349, %sub3A_350 : i32
        %eq3A_352 = arith.constant 0 : i32
        %eq3A_353 = arith.cmpi eq, %select_n3A_343, %eq3A_352 : i32
        %add3A_354 = arith.addi %select_n3A_347, %reduce_sum3A_162 : i32
        %ge3A_355 = arith.cmpi sge, %add3A_354, %sub3A_41 : i32
        %and3A_356 = arith.andi %eq3A_353, %ge3A_355 : i1
        %select_n3A_357 = arith.select %and3A_356, %sub3A_351, %select_n3A_341 : i32
        %jit3A_358 = arith.constant 1 : i32
        %select_n3A_359 = arith.select %and3A_356, %jit3A_358, %select_n3A_343 : i32
        %eq3A_360 = arith.constant 1 : i32
        %eq3A_361 = arith.cmpi eq, %select_n3A_359, %eq3A_360 : i32
        %add3A_362 = arith.addi %select_n3A_347, %reduce_sum3A_162 : i32
        %select_n3A_363 = arith.select %eq3A_361, %select_n3A_347, %add3A_362 : i32
        %add3A_364 = arith.constant 15 : i32
        %add3A_365 = arith.addi %mul3A_127, %add3A_364 : i32
        %sub3A_366 = arith.constant 3 : i32
        %sub3A_367 = arith.subi %add3A_365, %sub3A_366 : i32
        %eq3A_368 = arith.constant 0 : i32
        %eq3A_369 = arith.cmpi eq, %select_n3A_359, %eq3A_368 : i32
        %add3A_370 = arith.addi %select_n3A_363, %reduce_sum3A_174 : i32
        %ge3A_371 = arith.cmpi sge, %add3A_370, %sub3A_41 : i32
        %and3A_372 = arith.andi %eq3A_369, %ge3A_371 : i1
        %select_n3A_373 = arith.select %and3A_372, %sub3A_367, %select_n3A_357 : i32
        %jit3A_374 = arith.constant 1 : i32
        %select_n3A_375 = arith.select %and3A_372, %jit3A_374, %select_n3A_359 : i32
        %eq3A_376 = arith.constant 1 : i32
        %eq3A_377 = arith.cmpi eq, %select_n3A_375, %eq3A_376 : i32
        %add3A_378 = arith.addi %select_n3A_363, %reduce_sum3A_174 : i32
        %select_n3A_379 = arith.select %eq3A_377, %select_n3A_363, %add3A_378 : i32
        %add3A_380 = arith.constant 15 : i32
        %add3A_381 = arith.addi %mul3A_127, %add3A_380 : i32
        %sub3A_382 = arith.constant 4 : i32
        %sub3A_383 = arith.subi %add3A_381, %sub3A_382 : i32
        %eq3A_384 = arith.constant 0 : i32
        %eq3A_385 = arith.cmpi eq, %select_n3A_375, %eq3A_384 : i32
        %add3A_386 = arith.addi %select_n3A_379, %reduce_sum3A_186 : i32
        %ge3A_387 = arith.cmpi sge, %add3A_386, %sub3A_41 : i32
        %and3A_388 = arith.andi %eq3A_385, %ge3A_387 : i1
        %select_n3A_389 = arith.select %and3A_388, %sub3A_383, %select_n3A_373 : i32
        %jit3A_390 = arith.constant 1 : i32
        %select_n3A_391 = arith.select %and3A_388, %jit3A_390, %select_n3A_375 : i32
        %eq3A_392 = arith.constant 1 : i32
        %eq3A_393 = arith.cmpi eq, %select_n3A_391, %eq3A_392 : i32
        %add3A_394 = arith.addi %select_n3A_379, %reduce_sum3A_186 : i32
        %select_n3A_395 = arith.select %eq3A_393, %select_n3A_379, %add3A_394 : i32
        %add3A_396 = arith.constant 15 : i32
        %add3A_397 = arith.addi %mul3A_127, %add3A_396 : i32
        %sub3A_398 = arith.constant 5 : i32
        %sub3A_399 = arith.subi %add3A_397, %sub3A_398 : i32
        %eq3A_400 = arith.constant 0 : i32
        %eq3A_401 = arith.cmpi eq, %select_n3A_391, %eq3A_400 : i32
        %add3A_402 = arith.addi %select_n3A_395, %reduce_sum3A_198 : i32
        %ge3A_403 = arith.cmpi sge, %add3A_402, %sub3A_41 : i32
        %and3A_404 = arith.andi %eq3A_401, %ge3A_403 : i1
        %select_n3A_405 = arith.select %and3A_404, %sub3A_399, %select_n3A_389 : i32
        %jit3A_406 = arith.constant 1 : i32
        %select_n3A_407 = arith.select %and3A_404, %jit3A_406, %select_n3A_391 : i32
        %eq3A_408 = arith.constant 1 : i32
        %eq3A_409 = arith.cmpi eq, %select_n3A_407, %eq3A_408 : i32
        %add3A_410 = arith.addi %select_n3A_395, %reduce_sum3A_198 : i32
        %select_n3A_411 = arith.select %eq3A_409, %select_n3A_395, %add3A_410 : i32
        %add3A_412 = arith.constant 15 : i32
        %add3A_413 = arith.addi %mul3A_127, %add3A_412 : i32
        %sub3A_414 = arith.constant 6 : i32
        %sub3A_415 = arith.subi %add3A_413, %sub3A_414 : i32
        %eq3A_416 = arith.constant 0 : i32
        %eq3A_417 = arith.cmpi eq, %select_n3A_407, %eq3A_416 : i32
        %add3A_418 = arith.addi %select_n3A_411, %reduce_sum3A_210 : i32
        %ge3A_419 = arith.cmpi sge, %add3A_418, %sub3A_41 : i32
        %and3A_420 = arith.andi %eq3A_417, %ge3A_419 : i1
        %select_n3A_421 = arith.select %and3A_420, %sub3A_415, %select_n3A_405 : i32
        %jit3A_422 = arith.constant 1 : i32
        %select_n3A_423 = arith.select %and3A_420, %jit3A_422, %select_n3A_407 : i32
        %eq3A_424 = arith.constant 1 : i32
        %eq3A_425 = arith.cmpi eq, %select_n3A_423, %eq3A_424 : i32
        %add3A_426 = arith.addi %select_n3A_411, %reduce_sum3A_210 : i32
        %select_n3A_427 = arith.select %eq3A_425, %select_n3A_411, %add3A_426 : i32
        %add3A_428 = arith.constant 15 : i32
        %add3A_429 = arith.addi %mul3A_127, %add3A_428 : i32
        %sub3A_430 = arith.constant 7 : i32
        %sub3A_431 = arith.subi %add3A_429, %sub3A_430 : i32
        %eq3A_432 = arith.constant 0 : i32
        %eq3A_433 = arith.cmpi eq, %select_n3A_423, %eq3A_432 : i32
        %add3A_434 = arith.addi %select_n3A_427, %reduce_sum3A_222 : i32
        %ge3A_435 = arith.cmpi sge, %add3A_434, %sub3A_41 : i32
        %and3A_436 = arith.andi %eq3A_433, %ge3A_435 : i1
        %select_n3A_437 = arith.select %and3A_436, %sub3A_431, %select_n3A_421 : i32
        %jit3A_438 = arith.constant 1 : i32
        %select_n3A_439 = arith.select %and3A_436, %jit3A_438, %select_n3A_423 : i32
        %eq3A_440 = arith.constant 1 : i32
        %eq3A_441 = arith.cmpi eq, %select_n3A_439, %eq3A_440 : i32
        %add3A_442 = arith.addi %select_n3A_427, %reduce_sum3A_222 : i32
        %select_n3A_443 = arith.select %eq3A_441, %select_n3A_427, %add3A_442 : i32
        %add3A_444 = arith.constant 15 : i32
        %add3A_445 = arith.addi %mul3A_127, %add3A_444 : i32
        %sub3A_446 = arith.constant 8 : i32
        %sub3A_447 = arith.subi %add3A_445, %sub3A_446 : i32
        %eq3A_448 = arith.constant 0 : i32
        %eq3A_449 = arith.cmpi eq, %select_n3A_439, %eq3A_448 : i32
        %add3A_450 = arith.addi %select_n3A_443, %reduce_sum3A_234 : i32
        %ge3A_451 = arith.cmpi sge, %add3A_450, %sub3A_41 : i32
        %and3A_452 = arith.andi %eq3A_449, %ge3A_451 : i1
        %select_n3A_453 = arith.select %and3A_452, %sub3A_447, %select_n3A_437 : i32
        %jit3A_454 = arith.constant 1 : i32
        %select_n3A_455 = arith.select %and3A_452, %jit3A_454, %select_n3A_439 : i32
        %eq3A_456 = arith.constant 1 : i32
        %eq3A_457 = arith.cmpi eq, %select_n3A_455, %eq3A_456 : i32
        %add3A_458 = arith.addi %select_n3A_443, %reduce_sum3A_234 : i32
        %select_n3A_459 = arith.select %eq3A_457, %select_n3A_443, %add3A_458 : i32
        %add3A_460 = arith.constant 15 : i32
        %add3A_461 = arith.addi %mul3A_127, %add3A_460 : i32
        %sub3A_462 = arith.constant 9 : i32
        %sub3A_463 = arith.subi %add3A_461, %sub3A_462 : i32
        %eq3A_464 = arith.constant 0 : i32
        %eq3A_465 = arith.cmpi eq, %select_n3A_455, %eq3A_464 : i32
        %add3A_466 = arith.addi %select_n3A_459, %reduce_sum3A_246 : i32
        %ge3A_467 = arith.cmpi sge, %add3A_466, %sub3A_41 : i32
        %and3A_468 = arith.andi %eq3A_465, %ge3A_467 : i1
        %select_n3A_469 = arith.select %and3A_468, %sub3A_463, %select_n3A_453 : i32
        %jit3A_470 = arith.constant 1 : i32
        %select_n3A_471 = arith.select %and3A_468, %jit3A_470, %select_n3A_455 : i32
        %eq3A_472 = arith.constant 1 : i32
        %eq3A_473 = arith.cmpi eq, %select_n3A_471, %eq3A_472 : i32
        %add3A_474 = arith.addi %select_n3A_459, %reduce_sum3A_246 : i32
        %select_n3A_475 = arith.select %eq3A_473, %select_n3A_459, %add3A_474 : i32
        %add3A_476 = arith.constant 15 : i32
        %add3A_477 = arith.addi %mul3A_127, %add3A_476 : i32
        %sub3A_478 = arith.constant 10 : i32
        %sub3A_479 = arith.subi %add3A_477, %sub3A_478 : i32
        %eq3A_480 = arith.constant 0 : i32
        %eq3A_481 = arith.cmpi eq, %select_n3A_471, %eq3A_480 : i32
        %add3A_482 = arith.addi %select_n3A_475, %reduce_sum3A_258 : i32
        %ge3A_483 = arith.cmpi sge, %add3A_482, %sub3A_41 : i32
        %and3A_484 = arith.andi %eq3A_481, %ge3A_483 : i1
        %select_n3A_485 = arith.select %and3A_484, %sub3A_479, %select_n3A_469 : i32
        %jit3A_486 = arith.constant 1 : i32
        %select_n3A_487 = arith.select %and3A_484, %jit3A_486, %select_n3A_471 : i32
        %eq3A_488 = arith.constant 1 : i32
        %eq3A_489 = arith.cmpi eq, %select_n3A_487, %eq3A_488 : i32
        %add3A_490 = arith.addi %select_n3A_475, %reduce_sum3A_258 : i32
        %select_n3A_491 = arith.select %eq3A_489, %select_n3A_475, %add3A_490 : i32
        %add3A_492 = arith.constant 15 : i32
        %add3A_493 = arith.addi %mul3A_127, %add3A_492 : i32
        %sub3A_494 = arith.constant 11 : i32
        %sub3A_495 = arith.subi %add3A_493, %sub3A_494 : i32
        %eq3A_496 = arith.constant 0 : i32
        %eq3A_497 = arith.cmpi eq, %select_n3A_487, %eq3A_496 : i32
        %add3A_498 = arith.addi %select_n3A_491, %reduce_sum3A_270 : i32
        %ge3A_499 = arith.cmpi sge, %add3A_498, %sub3A_41 : i32
        %and3A_500 = arith.andi %eq3A_497, %ge3A_499 : i1
        %select_n3A_501 = arith.select %and3A_500, %sub3A_495, %select_n3A_485 : i32
        %jit3A_502 = arith.constant 1 : i32
        %select_n3A_503 = arith.select %and3A_500, %jit3A_502, %select_n3A_487 : i32
        %eq3A_504 = arith.constant 1 : i32
        %eq3A_505 = arith.cmpi eq, %select_n3A_503, %eq3A_504 : i32
        %add3A_506 = arith.addi %select_n3A_491, %reduce_sum3A_270 : i32
        %select_n3A_507 = arith.select %eq3A_505, %select_n3A_491, %add3A_506 : i32
        %add3A_508 = arith.constant 15 : i32
        %add3A_509 = arith.addi %mul3A_127, %add3A_508 : i32
        %sub3A_510 = arith.constant 12 : i32
        %sub3A_511 = arith.subi %add3A_509, %sub3A_510 : i32
        %eq3A_512 = arith.constant 0 : i32
        %eq3A_513 = arith.cmpi eq, %select_n3A_503, %eq3A_512 : i32
        %add3A_514 = arith.addi %select_n3A_507, %reduce_sum3A_282 : i32
        %ge3A_515 = arith.cmpi sge, %add3A_514, %sub3A_41 : i32
        %and3A_516 = arith.andi %eq3A_513, %ge3A_515 : i1
        %select_n3A_517 = arith.select %and3A_516, %sub3A_511, %select_n3A_501 : i32
        %jit3A_518 = arith.constant 1 : i32
        %select_n3A_519 = arith.select %and3A_516, %jit3A_518, %select_n3A_503 : i32
        %eq3A_520 = arith.constant 1 : i32
        %eq3A_521 = arith.cmpi eq, %select_n3A_519, %eq3A_520 : i32
        %add3A_522 = arith.addi %select_n3A_507, %reduce_sum3A_282 : i32
        %select_n3A_523 = arith.select %eq3A_521, %select_n3A_507, %add3A_522 : i32
        %add3A_524 = arith.constant 15 : i32
        %add3A_525 = arith.addi %mul3A_127, %add3A_524 : i32
        %sub3A_526 = arith.constant 13 : i32
        %sub3A_527 = arith.subi %add3A_525, %sub3A_526 : i32
        %eq3A_528 = arith.constant 0 : i32
        %eq3A_529 = arith.cmpi eq, %select_n3A_519, %eq3A_528 : i32
        %add3A_530 = arith.addi %select_n3A_523, %reduce_sum3A_294 : i32
        %ge3A_531 = arith.cmpi sge, %add3A_530, %sub3A_41 : i32
        %and3A_532 = arith.andi %eq3A_529, %ge3A_531 : i1
        %select_n3A_533 = arith.select %and3A_532, %sub3A_527, %select_n3A_517 : i32
        %jit3A_534 = arith.constant 1 : i32
        %select_n3A_535 = arith.select %and3A_532, %jit3A_534, %select_n3A_519 : i32
        %eq3A_536 = arith.constant 1 : i32
        %eq3A_537 = arith.cmpi eq, %select_n3A_535, %eq3A_536 : i32
        %add3A_538 = arith.addi %select_n3A_523, %reduce_sum3A_294 : i32
        %select_n3A_539 = arith.select %eq3A_537, %select_n3A_523, %add3A_538 : i32
        %add3A_540 = arith.constant 15 : i32
        %add3A_541 = arith.addi %mul3A_127, %add3A_540 : i32
        %sub3A_542 = arith.constant 14 : i32
        %sub3A_543 = arith.subi %add3A_541, %sub3A_542 : i32
        %eq3A_544 = arith.constant 0 : i32
        %eq3A_545 = arith.cmpi eq, %select_n3A_535, %eq3A_544 : i32
        %add3A_546 = arith.addi %select_n3A_539, %reduce_sum3A_306 : i32
        %ge3A_547 = arith.cmpi sge, %add3A_546, %sub3A_41 : i32
        %and3A_548 = arith.andi %eq3A_545, %ge3A_547 : i1
        %select_n3A_549 = arith.select %and3A_548, %sub3A_543, %select_n3A_533 : i32
        %jit3A_550 = arith.constant 1 : i32
        %select_n3A_551 = arith.select %and3A_548, %jit3A_550, %select_n3A_535 : i32
        %eq3A_552 = arith.constant 1 : i32
        %eq3A_553 = arith.cmpi eq, %select_n3A_551, %eq3A_552 : i32
        %add3A_554 = arith.addi %select_n3A_539, %reduce_sum3A_306 : i32
        %select_n3A_555 = arith.select %eq3A_553, %select_n3A_539, %add3A_554 : i32
        %add3A_556 = arith.constant 15 : i32
        %add3A_557 = arith.addi %mul3A_127, %add3A_556 : i32
        %sub3A_558 = arith.constant 15 : i32
        %sub3A_559 = arith.subi %add3A_557, %sub3A_558 : i32
        %eq3A_560 = arith.constant 0 : i32
        %eq3A_561 = arith.cmpi eq, %select_n3A_551, %eq3A_560 : i32
        %add3A_562 = arith.addi %select_n3A_555, %reduce_sum3A_318 : i32
        %ge3A_563 = arith.cmpi sge, %add3A_562, %sub3A_41 : i32
        %and3A_564 = arith.andi %eq3A_561, %ge3A_563 : i1
        %select_n3A_565 = arith.select %and3A_564, %sub3A_559, %select_n3A_549 : i32
        %jit3A_566 = arith.constant 1 : i32
        %select_n3A_567 = arith.select %and3A_564, %jit3A_566, %select_n3A_551 : i32
        %eq3A_568 = arith.constant 1 : i32
        %eq3A_569 = arith.cmpi eq, %select_n3A_567, %eq3A_568 : i32
        %add3A_570 = arith.addi %select_n3A_555, %reduce_sum3A_318 : i32
        %select_n3A_571 = arith.select %eq3A_569, %select_n3A_555, %add3A_570 : i32
        scf.yield %add3A_123, %select_n3A_571, %select_n3A_565, %select_n3A_567 : i32, i32, i32, i32
      }
      %sub3A_62 = arith.subi %sub3A_41, %while3A_61#1 : i32
      %shift_left3A_63 = arith.constant 8 : i32
      %shift_left3A_64 = arith.shli %while3A_61#2, %shift_left3A_63 : i32
      %or3A_65 = arith.ori %or3A_44, %shift_left3A_64 : i32
      %scan3A_66 = arith.constant 0 : i32
      %scan3A_67 = arith.constant 0 : i32
      %scan3A_68 = arith.constant 32 : i32
      %scan3A_69 = arith.addi %scan3A_67, %scan3A_68 : i32
      %scan3A_70 = arith.constant 1 : i32
      scf.for %scan3A_118 = %scan3A_67 to %scan3A_69 step %scan3A_70  : i32 {
        %broadcast_in_dim3A_119 = arith.constant 0 : i32
        %broadcast_in_dim3A_120 = vector.broadcast %broadcast_in_dim3A_119 : i32 to vector<16xi32>
        %mul3A_121 = arith.constant 8 : i32
        %mul3A_122 = arith.muli %scan3A_118, %mul3A_121 : i32
        %add3A_123 = arith.constant 0 : i32
        %add3A_124 = arith.addi %mul3A_122, %add3A_123 : i32
        %mul3A_125 = arith.constant 16 : i32
        %mul3A_126 = arith.muli %add3A_124, %mul3A_125 : i32
        %swap3A_127 = arith.index_cast %mul3A_126 : i32 to index
        %swap3A_128 = tpu.vector_load %arg7[%swap3A_127] {strides = array<i32>} : memref<4096xi32, #tpu.memory_space<vmem>>, vector<16xi32>,
        tpu.vector_store %arg7[%swap3A_127], %broadcast_in_dim3A_120 {strides = array<i32>} : memref<4096xi32, #tpu.memory_space<vmem>>, vector<16xi32>,
        %broadcast_in_dim3A_129 = arith.constant 0 : i32
        %broadcast_in_dim3A_130 = vector.broadcast %broadcast_in_dim3A_129 : i32 to vector<16xi32>
        %mul3A_131 = arith.constant 8 : i32
        %mul3A_132 = arith.muli %scan3A_118, %mul3A_131 : i32
        %add3A_133 = arith.constant 1 : i32
        %add3A_134 = arith.addi %mul3A_132, %add3A_133 : i32
        %mul3A_135 = arith.constant 16 : i32
        %mul3A_136 = arith.muli %add3A_134, %mul3A_135 : i32
        %swap3A_137 = arith.index_cast %mul3A_136 : i32 to index
        %swap3A_138 = tpu.vector_load %arg7[%swap3A_137] {strides = array<i32>} : memref<4096xi32, #tpu.memory_space<vmem>>, vector<16xi32>,
        tpu.vector_store %arg7[%swap3A_137], %broadcast_in_dim3A_130 {strides = array<i32>} : memref<4096xi32, #tpu.memory_space<vmem>>, vector<16xi32>,
        %broadcast_in_dim3A_139 = arith.constant 0 : i32
        %broadcast_in_dim3A_140 = vector.broadcast %broadcast_in_dim3A_139 : i32 to vector<16xi32>
        %mul3A_141 = arith.constant 8 : i32
        %mul3A_142 = arith.muli %scan3A_118, %mul3A_141 : i32
        %add3A_143 = arith.constant 2 : i32
        %add3A_144 = arith.addi %mul3A_142, %add3A_143 : i32
        %mul3A_145 = arith.constant 16 : i32
        %mul3A_146 = arith.muli %add3A_144, %mul3A_145 : i32
        %swap3A_147 = arith.index_cast %mul3A_146 : i32 to index
        %swap3A_148 = tpu.vector_load %arg7[%swap3A_147] {strides = array<i32>} : memref<4096xi32, #tpu.memory_space<vmem>>, vector<16xi32>,
        tpu.vector_store %arg7[%swap3A_147], %broadcast_in_dim3A_140 {strides = array<i32>} : memref<4096xi32, #tpu.memory_space<vmem>>, vector<16xi32>,
        %broadcast_in_dim3A_149 = arith.constant 0 : i32
        %broadcast_in_dim3A_150 = vector.broadcast %broadcast_in_dim3A_149 : i32 to vector<16xi32>
        %mul3A_151 = arith.constant 8 : i32
        %mul3A_152 = arith.muli %scan3A_118, %mul3A_151 : i32
        %add3A_153 = arith.constant 3 : i32
        %add3A_154 = arith.addi %mul3A_152, %add3A_153 : i32
        %mul3A_155 = arith.constant 16 : i32
        %mul3A_156 = arith.muli %add3A_154, %mul3A_155 : i32
        %swap3A_157 = arith.index_cast %mul3A_156 : i32 to index
        %swap3A_158 = tpu.vector_load %arg7[%swap3A_157] {strides = array<i32>} : memref<4096xi32, #tpu.memory_space<vmem>>, vector<16xi32>,
        tpu.vector_store %arg7[%swap3A_157], %broadcast_in_dim3A_150 {strides = array<i32>} : memref<4096xi32, #tpu.memory_space<vmem>>, vector<16xi32>,
        %broadcast_in_dim3A_159 = arith.constant 0 : i32
        %broadcast_in_dim3A_160 = vector.broadcast %broadcast_in_dim3A_159 : i32 to vector<16xi32>
        %mul3A_161 = arith.constant 8 : i32
        %mul3A_162 = arith.muli %scan3A_118, %mul3A_161 : i32
        %add3A_163 = arith.constant 4 : i32
        %add3A_164 = arith.addi %mul3A_162, %add3A_163 : i32
        %mul3A_165 = arith.constant 16 : i32
        %mul3A_166 = arith.muli %add3A_164, %mul3A_165 : i32
        %swap3A_167 = arith.index_cast %mul3A_166 : i32 to index
        %swap3A_168 = tpu.vector_load %arg7[%swap3A_167] {strides = array<i32>} : memref<4096xi32, #tpu.memory_space<vmem>>, vector<16xi32>,
        tpu.vector_store %arg7[%swap3A_167], %broadcast_in_dim3A_160 {strides = array<i32>} : memref<4096xi32, #tpu.memory_space<vmem>>, vector<16xi32>,
        %broadcast_in_dim3A_169 = arith.constant 0 : i32
        %broadcast_in_dim3A_170 = vector.broadcast %broadcast_in_dim3A_169 : i32 to vector<16xi32>
        %mul3A_171 = arith.constant 8 : i32
        %mul3A_172 = arith.muli %scan3A_118, %mul3A_171 : i32
        %add3A_173 = arith.constant 5 : i32
        %add3A_174 = arith.addi %mul3A_172, %add3A_173 : i32
        %mul3A_175 = arith.constant 16 : i32
        %mul3A_176 = arith.muli %add3A_174, %mul3A_175 : i32
        %swap3A_177 = arith.index_cast %mul3A_176 : i32 to index
        %swap3A_178 = tpu.vector_load %arg7[%swap3A_177] {strides = array<i32>} : memref<4096xi32, #tpu.memory_space<vmem>>, vector<16xi32>,
        tpu.vector_store %arg7[%swap3A_177], %broadcast_in_dim3A_170 {strides = array<i32>} : memref<4096xi32, #tpu.memory_space<vmem>>, vector<16xi32>,
        %broadcast_in_dim3A_179 = arith.constant 0 : i32
        %broadcast_in_dim3A_180 = vector.broadcast %broadcast_in_dim3A_179 : i32 to vector<16xi32>
        %mul3A_181 = arith.constant 8 : i32
        %mul3A_182 = arith.muli %scan3A_118, %mul3A_181 : i32
        %add3A_183 = arith.constant 6 : i32
        %add3A_184 = arith.addi %mul3A_182, %add3A_183 : i32
        %mul3A_185 = arith.constant 16 : i32
        %mul3A_186 = arith.muli %add3A_184, %mul3A_185 : i32
        %swap3A_187 = arith.index_cast %mul3A_186 : i32 to index
        %swap3A_188 = tpu.vector_load %arg7[%swap3A_187] {strides = array<i32>} : memref<4096xi32, #tpu.memory_space<vmem>>, vector<16xi32>,
        tpu.vector_store %arg7[%swap3A_187], %broadcast_in_dim3A_180 {strides = array<i32>} : memref<4096xi32, #tpu.memory_space<vmem>>, vector<16xi32>,
        %broadcast_in_dim3A_189 = arith.constant 0 : i32
        %broadcast_in_dim3A_190 = vector.broadcast %broadcast_in_dim3A_189 : i32 to vector<16xi32>
        %mul3A_191 = arith.constant 8 : i32
        %mul3A_192 = arith.muli %scan3A_118, %mul3A_191 : i32
        %add3A_193 = arith.constant 7 : i32
        %add3A_194 = arith.addi %mul3A_192, %add3A_193 : i32
        %mul3A_195 = arith.constant 16 : i32
        %mul3A_196 = arith.muli %add3A_194, %mul3A_195 : i32
        %swap3A_197 = arith.index_cast %mul3A_196 : i32 to index
        %swap3A_198 = tpu.vector_load %arg7[%swap3A_197] {strides = array<i32>} : memref<4096xi32, #tpu.memory_space<vmem>>, vector<16xi32>,
        tpu.vector_store %arg7[%swap3A_197], %broadcast_in_dim3A_190 {strides = array<i32>} : memref<4096xi32, #tpu.memory_space<vmem>>, vector<16xi32>,
      }
      %scan3A_71 = arith.constant 32 : i32
      %scan3A_72 = arith.constant 0 : i32
      %scan3A_73 = arith.constant 0 : i32
      %scan3A_74 = arith.constant 64 : i32
      %scan3A_75 = arith.addi %scan3A_73, %scan3A_74 : i32
      %scan3A_76 = arith.constant 1 : i32
      scf.for %scan3A_118 = %scan3A_73 to %scan3A_75 step %scan3A_76  : i32 {
        %mul3A_119 = arith.constant 8 : i32
        %mul3A_120 = arith.muli %scan3A_118, %mul3A_119 : i32
        %add3A_121 = arith.constant 0 : i32
        %add3A_122 = arith.addi %mul3A_120, %add3A_121 : i32
        %mul3A_123 = arith.constant 16 : i32
        %mul3A_124 = arith.muli %add3A_122, %mul3A_123 : i32
        %get3A = arith.index_cast %mul3A_124 : i32 to index
        %get3A_125 = tpu.vector_load %arg5[%get3A] {strides = array<i32>} : memref<8192xi32, #tpu.memory_space<vmem>>, vector<16xi32>,
        %xor3A_126 = arith.constant -2147483648 : i32
        %xor3A_127 = vector.broadcast %xor3A_126 : i32 to vector<16xi32>
        %xor3A_128 = arith.xori %get3A_125, %xor3A_127 : vector<16xi32>
        %broadcast_in_dim3A_129 = arith.constant 0 : i32
        %broadcast_in_dim3A_130 = vector.broadcast %broadcast_in_dim3A_129 : i32 to vector<16xi32>
        %shift_right_logical3A = arith.shrui %xor3A_128, %broadcast_in_dim3A_130 : vector<16xi32>
        %and3A_131 = arith.constant 255 : i32
        %and3A_132 = vector.broadcast %and3A_131 : i32 to vector<16xi32>
        %and3A_133 = arith.andi %shift_right_logical3A, %and3A_132 : vector<16xi32>
        %and3A_134 = arith.constant -256 : i32
        %and3A_135 = vector.broadcast %and3A_134 : i32 to vector<16xi32>
        %and3A_136 = arith.andi %xor3A_128, %and3A_135 : vector<16xi32>
        %eq3A_137 = vector.broadcast %or3A_65 : i32 to vector<16xi32>
        %eq3A_138 = arith.cmpi eq, %and3A_136, %eq3A_137 : vector<16xi32>
        %mul3A_139 = arith.constant 16 : i32
        %mul3A_140 = vector.broadcast %mul3A_139 : i32 to vector<16xi32>
        %mul3A_141 = arith.muli %and3A_133, %mul3A_140 : vector<16xi32>
        %add3A_142 = arith.addi %mul3A_141, %iota3A : vector<16xi32>
        tpu.vector_store_idx %arg7[%add3A_142], %broadcast_in_dim3A_4 masked %eq3A_138 {add = true} : memref<4096xi32, #tpu.memory_space<vmem>>[vector<16xi32>], vector<16xi32>, vector<16xi1>
        %mul3A_143 = arith.constant 8 : i32
        %mul3A_144 = arith.muli %scan3A_118, %mul3A_143 : i32
        %add3A_145 = arith.constant 1 : i32
        %add3A_146 = arith.addi %mul3A_144, %add3A_145 : i32
        %mul3A_147 = arith.constant 16 : i32
        %mul3A_148 = arith.muli %add3A_146, %mul3A_147 : i32
        %get3A_149 = arith.index_cast %mul3A_148 : i32 to index
        %get3A_150 = tpu.vector_load %arg5[%get3A_149] {strides = array<i32>} : memref<8192xi32, #tpu.memory_space<vmem>>, vector<16xi32>,
        %xor3A_151 = arith.constant -2147483648 : i32
        %xor3A_152 = vector.broadcast %xor3A_151 : i32 to vector<16xi32>
        %xor3A_153 = arith.xori %get3A_150, %xor3A_152 : vector<16xi32>
        %broadcast_in_dim3A_154 = arith.constant 0 : i32
        %broadcast_in_dim3A_155 = vector.broadcast %broadcast_in_dim3A_154 : i32 to vector<16xi32>
        %shift_right_logical3A_156 = arith.shrui %xor3A_153, %broadcast_in_dim3A_155 : vector<16xi32>
        %and3A_157 = arith.constant 255 : i32
        %and3A_158 = vector.broadcast %and3A_157 : i32 to vector<16xi32>
        %and3A_159 = arith.andi %shift_right_logical3A_156, %and3A_158 : vector<16xi32>
        %and3A_160 = arith.constant -256 : i32
        %and3A_161 = vector.broadcast %and3A_160 : i32 to vector<16xi32>
        %and3A_162 = arith.andi %xor3A_153, %and3A_161 : vector<16xi32>
        %eq3A_163 = vector.broadcast %or3A_65 : i32 to vector<16xi32>
        %eq3A_164 = arith.cmpi eq, %and3A_162, %eq3A_163 : vector<16xi32>
        %mul3A_165 = arith.constant 16 : i32
        %mul3A_166 = vector.broadcast %mul3A_165 : i32 to vector<16xi32>
        %mul3A_167 = arith.muli %and3A_159, %mul3A_166 : vector<16xi32>
        %add3A_168 = arith.addi %mul3A_167, %iota3A : vector<16xi32>
        tpu.vector_store_idx %arg7[%add3A_168], %broadcast_in_dim3A_4 masked %eq3A_164 {add = true} : memref<4096xi32, #tpu.memory_space<vmem>>[vector<16xi32>], vector<16xi32>, vector<16xi1>
        %mul3A_169 = arith.constant 8 : i32
        %mul3A_170 = arith.muli %scan3A_118, %mul3A_169 : i32
        %add3A_171 = arith.constant 2 : i32
        %add3A_172 = arith.addi %mul3A_170, %add3A_171 : i32
        %mul3A_173 = arith.constant 16 : i32
        %mul3A_174 = arith.muli %add3A_172, %mul3A_173 : i32
        %get3A_175 = arith.index_cast %mul3A_174 : i32 to index
        %get3A_176 = tpu.vector_load %arg5[%get3A_175] {strides = array<i32>} : memref<8192xi32, #tpu.memory_space<vmem>>, vector<16xi32>,
        %xor3A_177 = arith.constant -2147483648 : i32
        %xor3A_178 = vector.broadcast %xor3A_177 : i32 to vector<16xi32>
        %xor3A_179 = arith.xori %get3A_176, %xor3A_178 : vector<16xi32>
        %broadcast_in_dim3A_180 = arith.constant 0 : i32
        %broadcast_in_dim3A_181 = vector.broadcast %broadcast_in_dim3A_180 : i32 to vector<16xi32>
        %shift_right_logical3A_182 = arith.shrui %xor3A_179, %broadcast_in_dim3A_181 : vector<16xi32>
        %and3A_183 = arith.constant 255 : i32
        %and3A_184 = vector.broadcast %and3A_183 : i32 to vector<16xi32>
        %and3A_185 = arith.andi %shift_right_logical3A_182, %and3A_184 : vector<16xi32>
        %and3A_186 = arith.constant -256 : i32
        %and3A_187 = vector.broadcast %and3A_186 : i32 to vector<16xi32>
        %and3A_188 = arith.andi %xor3A_179, %and3A_187 : vector<16xi32>
        %eq3A_189 = vector.broadcast %or3A_65 : i32 to vector<16xi32>
        %eq3A_190 = arith.cmpi eq, %and3A_188, %eq3A_189 : vector<16xi32>
        %mul3A_191 = arith.constant 16 : i32
        %mul3A_192 = vector.broadcast %mul3A_191 : i32 to vector<16xi32>
        %mul3A_193 = arith.muli %and3A_185, %mul3A_192 : vector<16xi32>
        %add3A_194 = arith.addi %mul3A_193, %iota3A : vector<16xi32>
        tpu.vector_store_idx %arg7[%add3A_194], %broadcast_in_dim3A_4 masked %eq3A_190 {add = true} : memref<4096xi32, #tpu.memory_space<vmem>>[vector<16xi32>], vector<16xi32>, vector<16xi1>
        %mul3A_195 = arith.constant 8 : i32
        %mul3A_196 = arith.muli %scan3A_118, %mul3A_195 : i32
        %add3A_197 = arith.constant 3 : i32
        %add3A_198 = arith.addi %mul3A_196, %add3A_197 : i32
        %mul3A_199 = arith.constant 16 : i32
        %mul3A_200 = arith.muli %add3A_198, %mul3A_199 : i32
        %get3A_201 = arith.index_cast %mul3A_200 : i32 to index
        %get3A_202 = tpu.vector_load %arg5[%get3A_201] {strides = array<i32>} : memref<8192xi32, #tpu.memory_space<vmem>>, vector<16xi32>,
        %xor3A_203 = arith.constant -2147483648 : i32
        %xor3A_204 = vector.broadcast %xor3A_203 : i32 to vector<16xi32>
        %xor3A_205 = arith.xori %get3A_202, %xor3A_204 : vector<16xi32>
        %broadcast_in_dim3A_206 = arith.constant 0 : i32
        %broadcast_in_dim3A_207 = vector.broadcast %broadcast_in_dim3A_206 : i32 to vector<16xi32>
        %shift_right_logical3A_208 = arith.shrui %xor3A_205, %broadcast_in_dim3A_207 : vector<16xi32>
        %and3A_209 = arith.constant 255 : i32
        %and3A_210 = vector.broadcast %and3A_209 : i32 to vector<16xi32>
        %and3A_211 = arith.andi %shift_right_logical3A_208, %and3A_210 : vector<16xi32>
        %and3A_212 = arith.constant -256 : i32
        %and3A_213 = vector.broadcast %and3A_212 : i32 to vector<16xi32>
        %and3A_214 = arith.andi %xor3A_205, %and3A_213 : vector<16xi32>
        %eq3A_215 = vector.broadcast %or3A_65 : i32 to vector<16xi32>
        %eq3A_216 = arith.cmpi eq, %and3A_214, %eq3A_215 : vector<16xi32>
        %mul3A_217 = arith.constant 16 : i32
        %mul3A_218 = vector.broadcast %mul3A_217 : i32 to vector<16xi32>
        %mul3A_219 = arith.muli %and3A_211, %mul3A_218 : vector<16xi32>
        %add3A_220 = arith.addi %mul3A_219, %iota3A : vector<16xi32>
        tpu.vector_store_idx %arg7[%add3A_220], %broadcast_in_dim3A_4 masked %eq3A_216 {add = true} : memref<4096xi32, #tpu.memory_space<vmem>>[vector<16xi32>], vector<16xi32>, vector<16xi1>
        %mul3A_221 = arith.constant 8 : i32
        %mul3A_222 = arith.muli %scan3A_118, %mul3A_221 : i32
        %add3A_223 = arith.constant 4 : i32
        %add3A_224 = arith.addi %mul3A_222, %add3A_223 : i32
        %mul3A_225 = arith.constant 16 : i32
        %mul3A_226 = arith.muli %add3A_224, %mul3A_225 : i32
        %get3A_227 = arith.index_cast %mul3A_226 : i32 to index
        %get3A_228 = tpu.vector_load %arg5[%get3A_227] {strides = array<i32>} : memref<8192xi32, #tpu.memory_space<vmem>>, vector<16xi32>,
        %xor3A_229 = arith.constant -2147483648 : i32
        %xor3A_230 = vector.broadcast %xor3A_229 : i32 to vector<16xi32>
        %xor3A_231 = arith.xori %get3A_228, %xor3A_230 : vector<16xi32>
        %broadcast_in_dim3A_232 = arith.constant 0 : i32
        %broadcast_in_dim3A_233 = vector.broadcast %broadcast_in_dim3A_232 : i32 to vector<16xi32>
        %shift_right_logical3A_234 = arith.shrui %xor3A_231, %broadcast_in_dim3A_233 : vector<16xi32>
        %and3A_235 = arith.constant 255 : i32
        %and3A_236 = vector.broadcast %and3A_235 : i32 to vector<16xi32>
        %and3A_237 = arith.andi %shift_right_logical3A_234, %and3A_236 : vector<16xi32>
        %and3A_238 = arith.constant -256 : i32
        %and3A_239 = vector.broadcast %and3A_238 : i32 to vector<16xi32>
        %and3A_240 = arith.andi %xor3A_231, %and3A_239 : vector<16xi32>
        %eq3A_241 = vector.broadcast %or3A_65 : i32 to vector<16xi32>
        %eq3A_242 = arith.cmpi eq, %and3A_240, %eq3A_241 : vector<16xi32>
        %mul3A_243 = arith.constant 16 : i32
        %mul3A_244 = vector.broadcast %mul3A_243 : i32 to vector<16xi32>
        %mul3A_245 = arith.muli %and3A_237, %mul3A_244 : vector<16xi32>
        %add3A_246 = arith.addi %mul3A_245, %iota3A : vector<16xi32>
        tpu.vector_store_idx %arg7[%add3A_246], %broadcast_in_dim3A_4 masked %eq3A_242 {add = true} : memref<4096xi32, #tpu.memory_space<vmem>>[vector<16xi32>], vector<16xi32>, vector<16xi1>
        %mul3A_247 = arith.constant 8 : i32
        %mul3A_248 = arith.muli %scan3A_118, %mul3A_247 : i32
        %add3A_249 = arith.constant 5 : i32
        %add3A_250 = arith.addi %mul3A_248, %add3A_249 : i32
        %mul3A_251 = arith.constant 16 : i32
        %mul3A_252 = arith.muli %add3A_250, %mul3A_251 : i32
        %get3A_253 = arith.index_cast %mul3A_252 : i32 to index
        %get3A_254 = tpu.vector_load %arg5[%get3A_253] {strides = array<i32>} : memref<8192xi32, #tpu.memory_space<vmem>>, vector<16xi32>,
        %xor3A_255 = arith.constant -2147483648 : i32
        %xor3A_256 = vector.broadcast %xor3A_255 : i32 to vector<16xi32>
        %xor3A_257 = arith.xori %get3A_254, %xor3A_256 : vector<16xi32>
        %broadcast_in_dim3A_258 = arith.constant 0 : i32
        %broadcast_in_dim3A_259 = vector.broadcast %broadcast_in_dim3A_258 : i32 to vector<16xi32>
        %shift_right_logical3A_260 = arith.shrui %xor3A_257, %broadcast_in_dim3A_259 : vector<16xi32>
        %and3A_261 = arith.constant 255 : i32
        %and3A_262 = vector.broadcast %and3A_261 : i32 to vector<16xi32>
        %and3A_263 = arith.andi %shift_right_logical3A_260, %and3A_262 : vector<16xi32>
        %and3A_264 = arith.constant -256 : i32
        %and3A_265 = vector.broadcast %and3A_264 : i32 to vector<16xi32>
        %and3A_266 = arith.andi %xor3A_257, %and3A_265 : vector<16xi32>
        %eq3A_267 = vector.broadcast %or3A_65 : i32 to vector<16xi32>
        %eq3A_268 = arith.cmpi eq, %and3A_266, %eq3A_267 : vector<16xi32>
        %mul3A_269 = arith.constant 16 : i32
        %mul3A_270 = vector.broadcast %mul3A_269 : i32 to vector<16xi32>
        %mul3A_271 = arith.muli %and3A_263, %mul3A_270 : vector<16xi32>
        %add3A_272 = arith.addi %mul3A_271, %iota3A : vector<16xi32>
        tpu.vector_store_idx %arg7[%add3A_272], %broadcast_in_dim3A_4 masked %eq3A_268 {add = true} : memref<4096xi32, #tpu.memory_space<vmem>>[vector<16xi32>], vector<16xi32>, vector<16xi1>
        %mul3A_273 = arith.constant 8 : i32
        %mul3A_274 = arith.muli %scan3A_118, %mul3A_273 : i32
        %add3A_275 = arith.constant 6 : i32
        %add3A_276 = arith.addi %mul3A_274, %add3A_275 : i32
        %mul3A_277 = arith.constant 16 : i32
        %mul3A_278 = arith.muli %add3A_276, %mul3A_277 : i32
        %get3A_279 = arith.index_cast %mul3A_278 : i32 to index
        %get3A_280 = tpu.vector_load %arg5[%get3A_279] {strides = array<i32>} : memref<8192xi32, #tpu.memory_space<vmem>>, vector<16xi32>,
        %xor3A_281 = arith.constant -2147483648 : i32
        %xor3A_282 = vector.broadcast %xor3A_281 : i32 to vector<16xi32>
        %xor3A_283 = arith.xori %get3A_280, %xor3A_282 : vector<16xi32>
        %broadcast_in_dim3A_284 = arith.constant 0 : i32
        %broadcast_in_dim3A_285 = vector.broadcast %broadcast_in_dim3A_284 : i32 to vector<16xi32>
        %shift_right_logical3A_286 = arith.shrui %xor3A_283, %broadcast_in_dim3A_285 : vector<16xi32>
        %and3A_287 = arith.constant 255 : i32
        %and3A_288 = vector.broadcast %and3A_287 : i32 to vector<16xi32>
        %and3A_289 = arith.andi %shift_right_logical3A_286, %and3A_288 : vector<16xi32>
        %and3A_290 = arith.constant -256 : i32
        %and3A_291 = vector.broadcast %and3A_290 : i32 to vector<16xi32>
        %and3A_292 = arith.andi %xor3A_283, %and3A_291 : vector<16xi32>
        %eq3A_293 = vector.broadcast %or3A_65 : i32 to vector<16xi32>
        %eq3A_294 = arith.cmpi eq, %and3A_292, %eq3A_293 : vector<16xi32>
        %mul3A_295 = arith.constant 16 : i32
        %mul3A_296 = vector.broadcast %mul3A_295 : i32 to vector<16xi32>
        %mul3A_297 = arith.muli %and3A_289, %mul3A_296 : vector<16xi32>
        %add3A_298 = arith.addi %mul3A_297, %iota3A : vector<16xi32>
        tpu.vector_store_idx %arg7[%add3A_298], %broadcast_in_dim3A_4 masked %eq3A_294 {add = true} : memref<4096xi32, #tpu.memory_space<vmem>>[vector<16xi32>], vector<16xi32>, vector<16xi1>
        %mul3A_299 = arith.constant 8 : i32
        %mul3A_300 = arith.muli %scan3A_118, %mul3A_299 : i32
        %add3A_301 = arith.constant 7 : i32
        %add3A_302 = arith.addi %mul3A_300, %add3A_301 : i32
        %mul3A_303 = arith.constant 16 : i32
        %mul3A_304 = arith.muli %add3A_302, %mul3A_303 : i32
        %get3A_305 = arith.index_cast %mul3A_304 : i32 to index
        %get3A_306 = tpu.vector_load %arg5[%get3A_305] {strides = array<i32>} : memref<8192xi32, #tpu.memory_space<vmem>>, vector<16xi32>,
        %xor3A_307 = arith.constant -2147483648 : i32
        %xor3A_308 = vector.broadcast %xor3A_307 : i32 to vector<16xi32>
        %xor3A_309 = arith.xori %get3A_306, %xor3A_308 : vector<16xi32>
        %broadcast_in_dim3A_310 = arith.constant 0 : i32
        %broadcast_in_dim3A_311 = vector.broadcast %broadcast_in_dim3A_310 : i32 to vector<16xi32>
        %shift_right_logical3A_312 = arith.shrui %xor3A_309, %broadcast_in_dim3A_311 : vector<16xi32>
        %and3A_313 = arith.constant 255 : i32
        %and3A_314 = vector.broadcast %and3A_313 : i32 to vector<16xi32>
        %and3A_315 = arith.andi %shift_right_logical3A_312, %and3A_314 : vector<16xi32>
        %and3A_316 = arith.constant -256 : i32
        %and3A_317 = vector.broadcast %and3A_316 : i32 to vector<16xi32>
        %and3A_318 = arith.andi %xor3A_309, %and3A_317 : vector<16xi32>
        %eq3A_319 = vector.broadcast %or3A_65 : i32 to vector<16xi32>
        %eq3A_320 = arith.cmpi eq, %and3A_318, %eq3A_319 : vector<16xi32>
        %mul3A_321 = arith.constant 16 : i32
        %mul3A_322 = vector.broadcast %mul3A_321 : i32 to vector<16xi32>
        %mul3A_323 = arith.muli %and3A_315, %mul3A_322 : vector<16xi32>
        %add3A_324 = arith.addi %mul3A_323, %iota3A : vector<16xi32>
        tpu.vector_store_idx %arg7[%add3A_324], %broadcast_in_dim3A_4 masked %eq3A_320 {add = true} : memref<4096xi32, #tpu.memory_space<vmem>>[vector<16xi32>], vector<16xi32>, vector<16xi1>
      }
      %scan3A_77 = arith.constant 64 : i32
      %while3A_78 = arith.constant 0 : i32
      %while3A_79 = arith.constant 0 : i32
      %while3A_80 = arith.constant 0 : i32
      %while3A_81 = arith.constant 0 : i32
      %while3A_82:4 = scf.while (%while3A_118 = %while3A_78, %while3A_119 = %while3A_79, %while3A_120 = %while3A_80, %while3A_121 = %while3A_81) : (i32, i32, i32, i32) -> (i32, i32, i32, i32) {
        %lt3A = arith.constant 16 : i32
        %lt3A_122 = arith.cmpi slt, %while3A_118, %lt3A : i32
        %eq3A_123 = arith.constant 0 : i32
        %eq3A_124 = arith.cmpi eq, %while3A_121, %eq3A_123 : i32
        %and3A_125 = arith.andi %lt3A_122, %eq3A_124 : i1
        scf.condition(%and3A_125) %while3A_118, %while3A_119, %while3A_120, %while3A_121 : i32, i32, i32, i32
      } do {
      ^bb0(%while3A_118: i32, %while3A_119: i32, %while3A_120: i32, %while3A_121: i32):
        %add3A_122 = arith.constant 1 : i32
        %add3A_123 = arith.addi %while3A_118, %add3A_122 : i32
        %sub3A_124 = arith.constant 15 : i32
        %sub3A_125 = arith.subi %sub3A_124, %while3A_118 : i32
        %mul3A_126 = arith.constant 16 : i32
        %mul3A_127 = arith.muli %sub3A_125, %mul3A_126 : i32
        %add3A_128 = arith.constant 15 : i32
        %add3A_129 = arith.addi %mul3A_127, %add3A_128 : i32
        %sub3A_130 = arith.constant 0 : i32
        %sub3A_131 = arith.subi %add3A_129, %sub3A_130 : i32
        %mul3A_132 = arith.constant 16 : i32
        %mul3A_133 = arith.muli %sub3A_131, %mul3A_132 : i32
        %get3A = arith.index_cast %mul3A_133 : i32 to index
        %get3A_134 = tpu.vector_load %arg7[%get3A] {strides = array<i32>} : memref<4096xi32, #tpu.memory_space<vmem>>, vector<16xi32>,
        %reduce_sum3A_135 = arith.constant true
        %reduce_sum3A_136 = vector.broadcast %reduce_sum3A_135 : i1 to vector<16xi1>
        %reduce_sum3A_137 = tpu.scan <sum>, %get3A_134 masked %reduce_sum3A_136 : vector<16xi32>, vector<16xi1> -> vector<16xi32>
        %reduce_sum3A_138 = vector.extract %reduce_sum3A_137[15] : i32 from vector<16xi32>
        %add3A_139 = arith.constant 15 : i32
        %add3A_140 = arith.addi %mul3A_127, %add3A_139 : i32
        %sub3A_141 = arith.constant 1 : i32
        %sub3A_142 = arith.subi %add3A_140, %sub3A_141 : i32
        %mul3A_143 = arith.constant 16 : i32
        %mul3A_144 = arith.muli %sub3A_142, %mul3A_143 : i32
        %get3A_145 = arith.index_cast %mul3A_144 : i32 to index
        %get3A_146 = tpu.vector_load %arg7[%get3A_145] {strides = array<i32>} : memref<4096xi32, #tpu.memory_space<vmem>>, vector<16xi32>,
        %reduce_sum3A_147 = arith.constant true
        %reduce_sum3A_148 = vector.broadcast %reduce_sum3A_147 : i1 to vector<16xi1>
        %reduce_sum3A_149 = tpu.scan <sum>, %get3A_146 masked %reduce_sum3A_148 : vector<16xi32>, vector<16xi1> -> vector<16xi32>
        %reduce_sum3A_150 = vector.extract %reduce_sum3A_149[15] : i32 from vector<16xi32>
        %add3A_151 = arith.constant 15 : i32
        %add3A_152 = arith.addi %mul3A_127, %add3A_151 : i32
        %sub3A_153 = arith.constant 2 : i32
        %sub3A_154 = arith.subi %add3A_152, %sub3A_153 : i32
        %mul3A_155 = arith.constant 16 : i32
        %mul3A_156 = arith.muli %sub3A_154, %mul3A_155 : i32
        %get3A_157 = arith.index_cast %mul3A_156 : i32 to index
        %get3A_158 = tpu.vector_load %arg7[%get3A_157] {strides = array<i32>} : memref<4096xi32, #tpu.memory_space<vmem>>, vector<16xi32>,
        %reduce_sum3A_159 = arith.constant true
        %reduce_sum3A_160 = vector.broadcast %reduce_sum3A_159 : i1 to vector<16xi1>
        %reduce_sum3A_161 = tpu.scan <sum>, %get3A_158 masked %reduce_sum3A_160 : vector<16xi32>, vector<16xi1> -> vector<16xi32>
        %reduce_sum3A_162 = vector.extract %reduce_sum3A_161[15] : i32 from vector<16xi32>
        %add3A_163 = arith.constant 15 : i32
        %add3A_164 = arith.addi %mul3A_127, %add3A_163 : i32
        %sub3A_165 = arith.constant 3 : i32
        %sub3A_166 = arith.subi %add3A_164, %sub3A_165 : i32
        %mul3A_167 = arith.constant 16 : i32
        %mul3A_168 = arith.muli %sub3A_166, %mul3A_167 : i32
        %get3A_169 = arith.index_cast %mul3A_168 : i32 to index
        %get3A_170 = tpu.vector_load %arg7[%get3A_169] {strides = array<i32>} : memref<4096xi32, #tpu.memory_space<vmem>>, vector<16xi32>,
        %reduce_sum3A_171 = arith.constant true
        %reduce_sum3A_172 = vector.broadcast %reduce_sum3A_171 : i1 to vector<16xi1>
        %reduce_sum3A_173 = tpu.scan <sum>, %get3A_170 masked %reduce_sum3A_172 : vector<16xi32>, vector<16xi1> -> vector<16xi32>
        %reduce_sum3A_174 = vector.extract %reduce_sum3A_173[15] : i32 from vector<16xi32>
        %add3A_175 = arith.constant 15 : i32
        %add3A_176 = arith.addi %mul3A_127, %add3A_175 : i32
        %sub3A_177 = arith.constant 4 : i32
        %sub3A_178 = arith.subi %add3A_176, %sub3A_177 : i32
        %mul3A_179 = arith.constant 16 : i32
        %mul3A_180 = arith.muli %sub3A_178, %mul3A_179 : i32
        %get3A_181 = arith.index_cast %mul3A_180 : i32 to index
        %get3A_182 = tpu.vector_load %arg7[%get3A_181] {strides = array<i32>} : memref<4096xi32, #tpu.memory_space<vmem>>, vector<16xi32>,
        %reduce_sum3A_183 = arith.constant true
        %reduce_sum3A_184 = vector.broadcast %reduce_sum3A_183 : i1 to vector<16xi1>
        %reduce_sum3A_185 = tpu.scan <sum>, %get3A_182 masked %reduce_sum3A_184 : vector<16xi32>, vector<16xi1> -> vector<16xi32>
        %reduce_sum3A_186 = vector.extract %reduce_sum3A_185[15] : i32 from vector<16xi32>
        %add3A_187 = arith.constant 15 : i32
        %add3A_188 = arith.addi %mul3A_127, %add3A_187 : i32
        %sub3A_189 = arith.constant 5 : i32
        %sub3A_190 = arith.subi %add3A_188, %sub3A_189 : i32
        %mul3A_191 = arith.constant 16 : i32
        %mul3A_192 = arith.muli %sub3A_190, %mul3A_191 : i32
        %get3A_193 = arith.index_cast %mul3A_192 : i32 to index
        %get3A_194 = tpu.vector_load %arg7[%get3A_193] {strides = array<i32>} : memref<4096xi32, #tpu.memory_space<vmem>>, vector<16xi32>,
        %reduce_sum3A_195 = arith.constant true
        %reduce_sum3A_196 = vector.broadcast %reduce_sum3A_195 : i1 to vector<16xi1>
        %reduce_sum3A_197 = tpu.scan <sum>, %get3A_194 masked %reduce_sum3A_196 : vector<16xi32>, vector<16xi1> -> vector<16xi32>
        %reduce_sum3A_198 = vector.extract %reduce_sum3A_197[15] : i32 from vector<16xi32>
        %add3A_199 = arith.constant 15 : i32
        %add3A_200 = arith.addi %mul3A_127, %add3A_199 : i32
        %sub3A_201 = arith.constant 6 : i32
        %sub3A_202 = arith.subi %add3A_200, %sub3A_201 : i32
        %mul3A_203 = arith.constant 16 : i32
        %mul3A_204 = arith.muli %sub3A_202, %mul3A_203 : i32
        %get3A_205 = arith.index_cast %mul3A_204 : i32 to index
        %get3A_206 = tpu.vector_load %arg7[%get3A_205] {strides = array<i32>} : memref<4096xi32, #tpu.memory_space<vmem>>, vector<16xi32>,
        %reduce_sum3A_207 = arith.constant true
        %reduce_sum3A_208 = vector.broadcast %reduce_sum3A_207 : i1 to vector<16xi1>
        %reduce_sum3A_209 = tpu.scan <sum>, %get3A_206 masked %reduce_sum3A_208 : vector<16xi32>, vector<16xi1> -> vector<16xi32>
        %reduce_sum3A_210 = vector.extract %reduce_sum3A_209[15] : i32 from vector<16xi32>
        %add3A_211 = arith.constant 15 : i32
        %add3A_212 = arith.addi %mul3A_127, %add3A_211 : i32
        %sub3A_213 = arith.constant 7 : i32
        %sub3A_214 = arith.subi %add3A_212, %sub3A_213 : i32
        %mul3A_215 = arith.constant 16 : i32
        %mul3A_216 = arith.muli %sub3A_214, %mul3A_215 : i32
        %get3A_217 = arith.index_cast %mul3A_216 : i32 to index
        %get3A_218 = tpu.vector_load %arg7[%get3A_217] {strides = array<i32>} : memref<4096xi32, #tpu.memory_space<vmem>>, vector<16xi32>,
        %reduce_sum3A_219 = arith.constant true
        %reduce_sum3A_220 = vector.broadcast %reduce_sum3A_219 : i1 to vector<16xi1>
        %reduce_sum3A_221 = tpu.scan <sum>, %get3A_218 masked %reduce_sum3A_220 : vector<16xi32>, vector<16xi1> -> vector<16xi32>
        %reduce_sum3A_222 = vector.extract %reduce_sum3A_221[15] : i32 from vector<16xi32>
        %add3A_223 = arith.constant 15 : i32
        %add3A_224 = arith.addi %mul3A_127, %add3A_223 : i32
        %sub3A_225 = arith.constant 8 : i32
        %sub3A_226 = arith.subi %add3A_224, %sub3A_225 : i32
        %mul3A_227 = arith.constant 16 : i32
        %mul3A_228 = arith.muli %sub3A_226, %mul3A_227 : i32
        %get3A_229 = arith.index_cast %mul3A_228 : i32 to index
        %get3A_230 = tpu.vector_load %arg7[%get3A_229] {strides = array<i32>} : memref<4096xi32, #tpu.memory_space<vmem>>, vector<16xi32>,
        %reduce_sum3A_231 = arith.constant true
        %reduce_sum3A_232 = vector.broadcast %reduce_sum3A_231 : i1 to vector<16xi1>
        %reduce_sum3A_233 = tpu.scan <sum>, %get3A_230 masked %reduce_sum3A_232 : vector<16xi32>, vector<16xi1> -> vector<16xi32>
        %reduce_sum3A_234 = vector.extract %reduce_sum3A_233[15] : i32 from vector<16xi32>
        %add3A_235 = arith.constant 15 : i32
        %add3A_236 = arith.addi %mul3A_127, %add3A_235 : i32
        %sub3A_237 = arith.constant 9 : i32
        %sub3A_238 = arith.subi %add3A_236, %sub3A_237 : i32
        %mul3A_239 = arith.constant 16 : i32
        %mul3A_240 = arith.muli %sub3A_238, %mul3A_239 : i32
        %get3A_241 = arith.index_cast %mul3A_240 : i32 to index
        %get3A_242 = tpu.vector_load %arg7[%get3A_241] {strides = array<i32>} : memref<4096xi32, #tpu.memory_space<vmem>>, vector<16xi32>,
        %reduce_sum3A_243 = arith.constant true
        %reduce_sum3A_244 = vector.broadcast %reduce_sum3A_243 : i1 to vector<16xi1>
        %reduce_sum3A_245 = tpu.scan <sum>, %get3A_242 masked %reduce_sum3A_244 : vector<16xi32>, vector<16xi1> -> vector<16xi32>
        %reduce_sum3A_246 = vector.extract %reduce_sum3A_245[15] : i32 from vector<16xi32>
        %add3A_247 = arith.constant 15 : i32
        %add3A_248 = arith.addi %mul3A_127, %add3A_247 : i32
        %sub3A_249 = arith.constant 10 : i32
        %sub3A_250 = arith.subi %add3A_248, %sub3A_249 : i32
        %mul3A_251 = arith.constant 16 : i32
        %mul3A_252 = arith.muli %sub3A_250, %mul3A_251 : i32
        %get3A_253 = arith.index_cast %mul3A_252 : i32 to index
        %get3A_254 = tpu.vector_load %arg7[%get3A_253] {strides = array<i32>} : memref<4096xi32, #tpu.memory_space<vmem>>, vector<16xi32>,
        %reduce_sum3A_255 = arith.constant true
        %reduce_sum3A_256 = vector.broadcast %reduce_sum3A_255 : i1 to vector<16xi1>
        %reduce_sum3A_257 = tpu.scan <sum>, %get3A_254 masked %reduce_sum3A_256 : vector<16xi32>, vector<16xi1> -> vector<16xi32>
        %reduce_sum3A_258 = vector.extract %reduce_sum3A_257[15] : i32 from vector<16xi32>
        %add3A_259 = arith.constant 15 : i32
        %add3A_260 = arith.addi %mul3A_127, %add3A_259 : i32
        %sub3A_261 = arith.constant 11 : i32
        %sub3A_262 = arith.subi %add3A_260, %sub3A_261 : i32
        %mul3A_263 = arith.constant 16 : i32
        %mul3A_264 = arith.muli %sub3A_262, %mul3A_263 : i32
        %get3A_265 = arith.index_cast %mul3A_264 : i32 to index
        %get3A_266 = tpu.vector_load %arg7[%get3A_265] {strides = array<i32>} : memref<4096xi32, #tpu.memory_space<vmem>>, vector<16xi32>,
        %reduce_sum3A_267 = arith.constant true
        %reduce_sum3A_268 = vector.broadcast %reduce_sum3A_267 : i1 to vector<16xi1>
        %reduce_sum3A_269 = tpu.scan <sum>, %get3A_266 masked %reduce_sum3A_268 : vector<16xi32>, vector<16xi1> -> vector<16xi32>
        %reduce_sum3A_270 = vector.extract %reduce_sum3A_269[15] : i32 from vector<16xi32>
        %add3A_271 = arith.constant 15 : i32
        %add3A_272 = arith.addi %mul3A_127, %add3A_271 : i32
        %sub3A_273 = arith.constant 12 : i32
        %sub3A_274 = arith.subi %add3A_272, %sub3A_273 : i32
        %mul3A_275 = arith.constant 16 : i32
        %mul3A_276 = arith.muli %sub3A_274, %mul3A_275 : i32
        %get3A_277 = arith.index_cast %mul3A_276 : i32 to index
        %get3A_278 = tpu.vector_load %arg7[%get3A_277] {strides = array<i32>} : memref<4096xi32, #tpu.memory_space<vmem>>, vector<16xi32>,
        %reduce_sum3A_279 = arith.constant true
        %reduce_sum3A_280 = vector.broadcast %reduce_sum3A_279 : i1 to vector<16xi1>
        %reduce_sum3A_281 = tpu.scan <sum>, %get3A_278 masked %reduce_sum3A_280 : vector<16xi32>, vector<16xi1> -> vector<16xi32>
        %reduce_sum3A_282 = vector.extract %reduce_sum3A_281[15] : i32 from vector<16xi32>
        %add3A_283 = arith.constant 15 : i32
        %add3A_284 = arith.addi %mul3A_127, %add3A_283 : i32
        %sub3A_285 = arith.constant 13 : i32
        %sub3A_286 = arith.subi %add3A_284, %sub3A_285 : i32
        %mul3A_287 = arith.constant 16 : i32
        %mul3A_288 = arith.muli %sub3A_286, %mul3A_287 : i32
        %get3A_289 = arith.index_cast %mul3A_288 : i32 to index
        %get3A_290 = tpu.vector_load %arg7[%get3A_289] {strides = array<i32>} : memref<4096xi32, #tpu.memory_space<vmem>>, vector<16xi32>,
        %reduce_sum3A_291 = arith.constant true
        %reduce_sum3A_292 = vector.broadcast %reduce_sum3A_291 : i1 to vector<16xi1>
        %reduce_sum3A_293 = tpu.scan <sum>, %get3A_290 masked %reduce_sum3A_292 : vector<16xi32>, vector<16xi1> -> vector<16xi32>
        %reduce_sum3A_294 = vector.extract %reduce_sum3A_293[15] : i32 from vector<16xi32>
        %add3A_295 = arith.constant 15 : i32
        %add3A_296 = arith.addi %mul3A_127, %add3A_295 : i32
        %sub3A_297 = arith.constant 14 : i32
        %sub3A_298 = arith.subi %add3A_296, %sub3A_297 : i32
        %mul3A_299 = arith.constant 16 : i32
        %mul3A_300 = arith.muli %sub3A_298, %mul3A_299 : i32
        %get3A_301 = arith.index_cast %mul3A_300 : i32 to index
        %get3A_302 = tpu.vector_load %arg7[%get3A_301] {strides = array<i32>} : memref<4096xi32, #tpu.memory_space<vmem>>, vector<16xi32>,
        %reduce_sum3A_303 = arith.constant true
        %reduce_sum3A_304 = vector.broadcast %reduce_sum3A_303 : i1 to vector<16xi1>
        %reduce_sum3A_305 = tpu.scan <sum>, %get3A_302 masked %reduce_sum3A_304 : vector<16xi32>, vector<16xi1> -> vector<16xi32>
        %reduce_sum3A_306 = vector.extract %reduce_sum3A_305[15] : i32 from vector<16xi32>
        %add3A_307 = arith.constant 15 : i32
        %add3A_308 = arith.addi %mul3A_127, %add3A_307 : i32
        %sub3A_309 = arith.constant 15 : i32
        %sub3A_310 = arith.subi %add3A_308, %sub3A_309 : i32
        %mul3A_311 = arith.constant 16 : i32
        %mul3A_312 = arith.muli %sub3A_310, %mul3A_311 : i32
        %get3A_313 = arith.index_cast %mul3A_312 : i32 to index
        %get3A_314 = tpu.vector_load %arg7[%get3A_313] {strides = array<i32>} : memref<4096xi32, #tpu.memory_space<vmem>>, vector<16xi32>,
        %reduce_sum3A_315 = arith.constant true
        %reduce_sum3A_316 = vector.broadcast %reduce_sum3A_315 : i1 to vector<16xi1>
        %reduce_sum3A_317 = tpu.scan <sum>, %get3A_314 masked %reduce_sum3A_316 : vector<16xi32>, vector<16xi1> -> vector<16xi32>
        %reduce_sum3A_318 = vector.extract %reduce_sum3A_317[15] : i32 from vector<16xi32>
        %add3A_319 = arith.constant 15 : i32
        %add3A_320 = arith.addi %mul3A_127, %add3A_319 : i32
        %sub3A_321 = arith.constant 0 : i32
        %sub3A_322 = arith.subi %add3A_320, %sub3A_321 : i32
        %eq3A_323 = arith.constant 0 : i32
        %eq3A_324 = arith.cmpi eq, %while3A_121, %eq3A_323 : i32
        %add3A_325 = arith.addi %while3A_119, %reduce_sum3A_138 : i32
        %ge3A = arith.cmpi sge, %add3A_325, %sub3A_62 : i32
        %and3A_326 = arith.andi %eq3A_324, %ge3A : i1
        %select_n3A = arith.select %and3A_326, %sub3A_322, %while3A_120 : i32
        %jit3A = arith.constant 1 : i32
        %select_n3A_327 = arith.select %and3A_326, %jit3A, %while3A_121 : i32
        %eq3A_328 = arith.constant 1 : i32
        %eq3A_329 = arith.cmpi eq, %select_n3A_327, %eq3A_328 : i32
        %add3A_330 = arith.addi %while3A_119, %reduce_sum3A_138 : i32
        %select_n3A_331 = arith.select %eq3A_329, %while3A_119, %add3A_330 : i32
        %add3A_332 = arith.constant 15 : i32
        %add3A_333 = arith.addi %mul3A_127, %add3A_332 : i32
        %sub3A_334 = arith.constant 1 : i32
        %sub3A_335 = arith.subi %add3A_333, %sub3A_334 : i32
        %eq3A_336 = arith.constant 0 : i32
        %eq3A_337 = arith.cmpi eq, %select_n3A_327, %eq3A_336 : i32
        %add3A_338 = arith.addi %select_n3A_331, %reduce_sum3A_150 : i32
        %ge3A_339 = arith.cmpi sge, %add3A_338, %sub3A_62 : i32
        %and3A_340 = arith.andi %eq3A_337, %ge3A_339 : i1
        %select_n3A_341 = arith.select %and3A_340, %sub3A_335, %select_n3A : i32
        %jit3A_342 = arith.constant 1 : i32
        %select_n3A_343 = arith.select %and3A_340, %jit3A_342, %select_n3A_327 : i32
        %eq3A_344 = arith.constant 1 : i32
        %eq3A_345 = arith.cmpi eq, %select_n3A_343, %eq3A_344 : i32
        %add3A_346 = arith.addi %select_n3A_331, %reduce_sum3A_150 : i32
        %select_n3A_347 = arith.select %eq3A_345, %select_n3A_331, %add3A_346 : i32
        %add3A_348 = arith.constant 15 : i32
        %add3A_349 = arith.addi %mul3A_127, %add3A_348 : i32
        %sub3A_350 = arith.constant 2 : i32
        %sub3A_351 = arith.subi %add3A_349, %sub3A_350 : i32
        %eq3A_352 = arith.constant 0 : i32
        %eq3A_353 = arith.cmpi eq, %select_n3A_343, %eq3A_352 : i32
        %add3A_354 = arith.addi %select_n3A_347, %reduce_sum3A_162 : i32
        %ge3A_355 = arith.cmpi sge, %add3A_354, %sub3A_62 : i32
        %and3A_356 = arith.andi %eq3A_353, %ge3A_355 : i1
        %select_n3A_357 = arith.select %and3A_356, %sub3A_351, %select_n3A_341 : i32
        %jit3A_358 = arith.constant 1 : i32
        %select_n3A_359 = arith.select %and3A_356, %jit3A_358, %select_n3A_343 : i32
        %eq3A_360 = arith.constant 1 : i32
        %eq3A_361 = arith.cmpi eq, %select_n3A_359, %eq3A_360 : i32
        %add3A_362 = arith.addi %select_n3A_347, %reduce_sum3A_162 : i32
        %select_n3A_363 = arith.select %eq3A_361, %select_n3A_347, %add3A_362 : i32
        %add3A_364 = arith.constant 15 : i32
        %add3A_365 = arith.addi %mul3A_127, %add3A_364 : i32
        %sub3A_366 = arith.constant 3 : i32
        %sub3A_367 = arith.subi %add3A_365, %sub3A_366 : i32
        %eq3A_368 = arith.constant 0 : i32
        %eq3A_369 = arith.cmpi eq, %select_n3A_359, %eq3A_368 : i32
        %add3A_370 = arith.addi %select_n3A_363, %reduce_sum3A_174 : i32
        %ge3A_371 = arith.cmpi sge, %add3A_370, %sub3A_62 : i32
        %and3A_372 = arith.andi %eq3A_369, %ge3A_371 : i1
        %select_n3A_373 = arith.select %and3A_372, %sub3A_367, %select_n3A_357 : i32
        %jit3A_374 = arith.constant 1 : i32
        %select_n3A_375 = arith.select %and3A_372, %jit3A_374, %select_n3A_359 : i32
        %eq3A_376 = arith.constant 1 : i32
        %eq3A_377 = arith.cmpi eq, %select_n3A_375, %eq3A_376 : i32
        %add3A_378 = arith.addi %select_n3A_363, %reduce_sum3A_174 : i32
        %select_n3A_379 = arith.select %eq3A_377, %select_n3A_363, %add3A_378 : i32
        %add3A_380 = arith.constant 15 : i32
        %add3A_381 = arith.addi %mul3A_127, %add3A_380 : i32
        %sub3A_382 = arith.constant 4 : i32
        %sub3A_383 = arith.subi %add3A_381, %sub3A_382 : i32
        %eq3A_384 = arith.constant 0 : i32
        %eq3A_385 = arith.cmpi eq, %select_n3A_375, %eq3A_384 : i32
        %add3A_386 = arith.addi %select_n3A_379, %reduce_sum3A_186 : i32
        %ge3A_387 = arith.cmpi sge, %add3A_386, %sub3A_62 : i32
        %and3A_388 = arith.andi %eq3A_385, %ge3A_387 : i1
        %select_n3A_389 = arith.select %and3A_388, %sub3A_383, %select_n3A_373 : i32
        %jit3A_390 = arith.constant 1 : i32
        %select_n3A_391 = arith.select %and3A_388, %jit3A_390, %select_n3A_375 : i32
        %eq3A_392 = arith.constant 1 : i32
        %eq3A_393 = arith.cmpi eq, %select_n3A_391, %eq3A_392 : i32
        %add3A_394 = arith.addi %select_n3A_379, %reduce_sum3A_186 : i32
        %select_n3A_395 = arith.select %eq3A_393, %select_n3A_379, %add3A_394 : i32
        %add3A_396 = arith.constant 15 : i32
        %add3A_397 = arith.addi %mul3A_127, %add3A_396 : i32
        %sub3A_398 = arith.constant 5 : i32
        %sub3A_399 = arith.subi %add3A_397, %sub3A_398 : i32
        %eq3A_400 = arith.constant 0 : i32
        %eq3A_401 = arith.cmpi eq, %select_n3A_391, %eq3A_400 : i32
        %add3A_402 = arith.addi %select_n3A_395, %reduce_sum3A_198 : i32
        %ge3A_403 = arith.cmpi sge, %add3A_402, %sub3A_62 : i32
        %and3A_404 = arith.andi %eq3A_401, %ge3A_403 : i1
        %select_n3A_405 = arith.select %and3A_404, %sub3A_399, %select_n3A_389 : i32
        %jit3A_406 = arith.constant 1 : i32
        %select_n3A_407 = arith.select %and3A_404, %jit3A_406, %select_n3A_391 : i32
        %eq3A_408 = arith.constant 1 : i32
        %eq3A_409 = arith.cmpi eq, %select_n3A_407, %eq3A_408 : i32
        %add3A_410 = arith.addi %select_n3A_395, %reduce_sum3A_198 : i32
        %select_n3A_411 = arith.select %eq3A_409, %select_n3A_395, %add3A_410 : i32
        %add3A_412 = arith.constant 15 : i32
        %add3A_413 = arith.addi %mul3A_127, %add3A_412 : i32
        %sub3A_414 = arith.constant 6 : i32
        %sub3A_415 = arith.subi %add3A_413, %sub3A_414 : i32
        %eq3A_416 = arith.constant 0 : i32
        %eq3A_417 = arith.cmpi eq, %select_n3A_407, %eq3A_416 : i32
        %add3A_418 = arith.addi %select_n3A_411, %reduce_sum3A_210 : i32
        %ge3A_419 = arith.cmpi sge, %add3A_418, %sub3A_62 : i32
        %and3A_420 = arith.andi %eq3A_417, %ge3A_419 : i1
        %select_n3A_421 = arith.select %and3A_420, %sub3A_415, %select_n3A_405 : i32
        %jit3A_422 = arith.constant 1 : i32
        %select_n3A_423 = arith.select %and3A_420, %jit3A_422, %select_n3A_407 : i32
        %eq3A_424 = arith.constant 1 : i32
        %eq3A_425 = arith.cmpi eq, %select_n3A_423, %eq3A_424 : i32
        %add3A_426 = arith.addi %select_n3A_411, %reduce_sum3A_210 : i32
        %select_n3A_427 = arith.select %eq3A_425, %select_n3A_411, %add3A_426 : i32
        %add3A_428 = arith.constant 15 : i32
        %add3A_429 = arith.addi %mul3A_127, %add3A_428 : i32
        %sub3A_430 = arith.constant 7 : i32
        %sub3A_431 = arith.subi %add3A_429, %sub3A_430 : i32
        %eq3A_432 = arith.constant 0 : i32
        %eq3A_433 = arith.cmpi eq, %select_n3A_423, %eq3A_432 : i32
        %add3A_434 = arith.addi %select_n3A_427, %reduce_sum3A_222 : i32
        %ge3A_435 = arith.cmpi sge, %add3A_434, %sub3A_62 : i32
        %and3A_436 = arith.andi %eq3A_433, %ge3A_435 : i1
        %select_n3A_437 = arith.select %and3A_436, %sub3A_431, %select_n3A_421 : i32
        %jit3A_438 = arith.constant 1 : i32
        %select_n3A_439 = arith.select %and3A_436, %jit3A_438, %select_n3A_423 : i32
        %eq3A_440 = arith.constant 1 : i32
        %eq3A_441 = arith.cmpi eq, %select_n3A_439, %eq3A_440 : i32
        %add3A_442 = arith.addi %select_n3A_427, %reduce_sum3A_222 : i32
        %select_n3A_443 = arith.select %eq3A_441, %select_n3A_427, %add3A_442 : i32
        %add3A_444 = arith.constant 15 : i32
        %add3A_445 = arith.addi %mul3A_127, %add3A_444 : i32
        %sub3A_446 = arith.constant 8 : i32
        %sub3A_447 = arith.subi %add3A_445, %sub3A_446 : i32
        %eq3A_448 = arith.constant 0 : i32
        %eq3A_449 = arith.cmpi eq, %select_n3A_439, %eq3A_448 : i32
        %add3A_450 = arith.addi %select_n3A_443, %reduce_sum3A_234 : i32
        %ge3A_451 = arith.cmpi sge, %add3A_450, %sub3A_62 : i32
        %and3A_452 = arith.andi %eq3A_449, %ge3A_451 : i1
        %select_n3A_453 = arith.select %and3A_452, %sub3A_447, %select_n3A_437 : i32
        %jit3A_454 = arith.constant 1 : i32
        %select_n3A_455 = arith.select %and3A_452, %jit3A_454, %select_n3A_439 : i32
        %eq3A_456 = arith.constant 1 : i32
        %eq3A_457 = arith.cmpi eq, %select_n3A_455, %eq3A_456 : i32
        %add3A_458 = arith.addi %select_n3A_443, %reduce_sum3A_234 : i32
        %select_n3A_459 = arith.select %eq3A_457, %select_n3A_443, %add3A_458 : i32
        %add3A_460 = arith.constant 15 : i32
        %add3A_461 = arith.addi %mul3A_127, %add3A_460 : i32
        %sub3A_462 = arith.constant 9 : i32
        %sub3A_463 = arith.subi %add3A_461, %sub3A_462 : i32
        %eq3A_464 = arith.constant 0 : i32
        %eq3A_465 = arith.cmpi eq, %select_n3A_455, %eq3A_464 : i32
        %add3A_466 = arith.addi %select_n3A_459, %reduce_sum3A_246 : i32
        %ge3A_467 = arith.cmpi sge, %add3A_466, %sub3A_62 : i32
        %and3A_468 = arith.andi %eq3A_465, %ge3A_467 : i1
        %select_n3A_469 = arith.select %and3A_468, %sub3A_463, %select_n3A_453 : i32
        %jit3A_470 = arith.constant 1 : i32
        %select_n3A_471 = arith.select %and3A_468, %jit3A_470, %select_n3A_455 : i32
        %eq3A_472 = arith.constant 1 : i32
        %eq3A_473 = arith.cmpi eq, %select_n3A_471, %eq3A_472 : i32
        %add3A_474 = arith.addi %select_n3A_459, %reduce_sum3A_246 : i32
        %select_n3A_475 = arith.select %eq3A_473, %select_n3A_459, %add3A_474 : i32
        %add3A_476 = arith.constant 15 : i32
        %add3A_477 = arith.addi %mul3A_127, %add3A_476 : i32
        %sub3A_478 = arith.constant 10 : i32
        %sub3A_479 = arith.subi %add3A_477, %sub3A_478 : i32
        %eq3A_480 = arith.constant 0 : i32
        %eq3A_481 = arith.cmpi eq, %select_n3A_471, %eq3A_480 : i32
        %add3A_482 = arith.addi %select_n3A_475, %reduce_sum3A_258 : i32
        %ge3A_483 = arith.cmpi sge, %add3A_482, %sub3A_62 : i32
        %and3A_484 = arith.andi %eq3A_481, %ge3A_483 : i1
        %select_n3A_485 = arith.select %and3A_484, %sub3A_479, %select_n3A_469 : i32
        %jit3A_486 = arith.constant 1 : i32
        %select_n3A_487 = arith.select %and3A_484, %jit3A_486, %select_n3A_471 : i32
        %eq3A_488 = arith.constant 1 : i32
        %eq3A_489 = arith.cmpi eq, %select_n3A_487, %eq3A_488 : i32
        %add3A_490 = arith.addi %select_n3A_475, %reduce_sum3A_258 : i32
        %select_n3A_491 = arith.select %eq3A_489, %select_n3A_475, %add3A_490 : i32
        %add3A_492 = arith.constant 15 : i32
        %add3A_493 = arith.addi %mul3A_127, %add3A_492 : i32
        %sub3A_494 = arith.constant 11 : i32
        %sub3A_495 = arith.subi %add3A_493, %sub3A_494 : i32
        %eq3A_496 = arith.constant 0 : i32
        %eq3A_497 = arith.cmpi eq, %select_n3A_487, %eq3A_496 : i32
        %add3A_498 = arith.addi %select_n3A_491, %reduce_sum3A_270 : i32
        %ge3A_499 = arith.cmpi sge, %add3A_498, %sub3A_62 : i32
        %and3A_500 = arith.andi %eq3A_497, %ge3A_499 : i1
        %select_n3A_501 = arith.select %and3A_500, %sub3A_495, %select_n3A_485 : i32
        %jit3A_502 = arith.constant 1 : i32
        %select_n3A_503 = arith.select %and3A_500, %jit3A_502, %select_n3A_487 : i32
        %eq3A_504 = arith.constant 1 : i32
        %eq3A_505 = arith.cmpi eq, %select_n3A_503, %eq3A_504 : i32
        %add3A_506 = arith.addi %select_n3A_491, %reduce_sum3A_270 : i32
        %select_n3A_507 = arith.select %eq3A_505, %select_n3A_491, %add3A_506 : i32
        %add3A_508 = arith.constant 15 : i32
        %add3A_509 = arith.addi %mul3A_127, %add3A_508 : i32
        %sub3A_510 = arith.constant 12 : i32
        %sub3A_511 = arith.subi %add3A_509, %sub3A_510 : i32
        %eq3A_512 = arith.constant 0 : i32
        %eq3A_513 = arith.cmpi eq, %select_n3A_503, %eq3A_512 : i32
        %add3A_514 = arith.addi %select_n3A_507, %reduce_sum3A_282 : i32
        %ge3A_515 = arith.cmpi sge, %add3A_514, %sub3A_62 : i32
        %and3A_516 = arith.andi %eq3A_513, %ge3A_515 : i1
        %select_n3A_517 = arith.select %and3A_516, %sub3A_511, %select_n3A_501 : i32
        %jit3A_518 = arith.constant 1 : i32
        %select_n3A_519 = arith.select %and3A_516, %jit3A_518, %select_n3A_503 : i32
        %eq3A_520 = arith.constant 1 : i32
        %eq3A_521 = arith.cmpi eq, %select_n3A_519, %eq3A_520 : i32
        %add3A_522 = arith.addi %select_n3A_507, %reduce_sum3A_282 : i32
        %select_n3A_523 = arith.select %eq3A_521, %select_n3A_507, %add3A_522 : i32
        %add3A_524 = arith.constant 15 : i32
        %add3A_525 = arith.addi %mul3A_127, %add3A_524 : i32
        %sub3A_526 = arith.constant 13 : i32
        %sub3A_527 = arith.subi %add3A_525, %sub3A_526 : i32
        %eq3A_528 = arith.constant 0 : i32
        %eq3A_529 = arith.cmpi eq, %select_n3A_519, %eq3A_528 : i32
        %add3A_530 = arith.addi %select_n3A_523, %reduce_sum3A_294 : i32
        %ge3A_531 = arith.cmpi sge, %add3A_530, %sub3A_62 : i32
        %and3A_532 = arith.andi %eq3A_529, %ge3A_531 : i1
        %select_n3A_533 = arith.select %and3A_532, %sub3A_527, %select_n3A_517 : i32
        %jit3A_534 = arith.constant 1 : i32
        %select_n3A_535 = arith.select %and3A_532, %jit3A_534, %select_n3A_519 : i32
        %eq3A_536 = arith.constant 1 : i32
        %eq3A_537 = arith.cmpi eq, %select_n3A_535, %eq3A_536 : i32
        %add3A_538 = arith.addi %select_n3A_523, %reduce_sum3A_294 : i32
        %select_n3A_539 = arith.select %eq3A_537, %select_n3A_523, %add3A_538 : i32
        %add3A_540 = arith.constant 15 : i32
        %add3A_541 = arith.addi %mul3A_127, %add3A_540 : i32
        %sub3A_542 = arith.constant 14 : i32
        %sub3A_543 = arith.subi %add3A_541, %sub3A_542 : i32
        %eq3A_544 = arith.constant 0 : i32
        %eq3A_545 = arith.cmpi eq, %select_n3A_535, %eq3A_544 : i32
        %add3A_546 = arith.addi %select_n3A_539, %reduce_sum3A_306 : i32
        %ge3A_547 = arith.cmpi sge, %add3A_546, %sub3A_62 : i32
        %and3A_548 = arith.andi %eq3A_545, %ge3A_547 : i1
        %select_n3A_549 = arith.select %and3A_548, %sub3A_543, %select_n3A_533 : i32
        %jit3A_550 = arith.constant 1 : i32
        %select_n3A_551 = arith.select %and3A_548, %jit3A_550, %select_n3A_535 : i32
        %eq3A_552 = arith.constant 1 : i32
        %eq3A_553 = arith.cmpi eq, %select_n3A_551, %eq3A_552 : i32
        %add3A_554 = arith.addi %select_n3A_539, %reduce_sum3A_306 : i32
        %select_n3A_555 = arith.select %eq3A_553, %select_n3A_539, %add3A_554 : i32
        %add3A_556 = arith.constant 15 : i32
        %add3A_557 = arith.addi %mul3A_127, %add3A_556 : i32
        %sub3A_558 = arith.constant 15 : i32
        %sub3A_559 = arith.subi %add3A_557, %sub3A_558 : i32
        %eq3A_560 = arith.constant 0 : i32
        %eq3A_561 = arith.cmpi eq, %select_n3A_551, %eq3A_560 : i32
        %add3A_562 = arith.addi %select_n3A_555, %reduce_sum3A_318 : i32
        %ge3A_563 = arith.cmpi sge, %add3A_562, %sub3A_62 : i32
        %and3A_564 = arith.andi %eq3A_561, %ge3A_563 : i1
        %select_n3A_565 = arith.select %and3A_564, %sub3A_559, %select_n3A_549 : i32
        %jit3A_566 = arith.constant 1 : i32
        %select_n3A_567 = arith.select %and3A_564, %jit3A_566, %select_n3A_551 : i32
        %eq3A_568 = arith.constant 1 : i32
        %eq3A_569 = arith.cmpi eq, %select_n3A_567, %eq3A_568 : i32
        %add3A_570 = arith.addi %select_n3A_555, %reduce_sum3A_318 : i32
        %select_n3A_571 = arith.select %eq3A_569, %select_n3A_555, %add3A_570 : i32
        scf.yield %add3A_123, %select_n3A_571, %select_n3A_565, %select_n3A_567 : i32, i32, i32, i32
      }
      %sub3A_83 = arith.subi %sub3A_62, %while3A_82#1 : i32
      %shift_left3A_84 = arith.constant 0 : i32
      %shift_left3A_85 = arith.shli %while3A_82#2, %shift_left3A_84 : i32
      %or3A_86 = arith.ori %or3A_65, %shift_left3A_85 : i32
      %xor3A = arith.constant -2147483648 : i32
      %xor3A_87 = arith.xori %or3A_86, %xor3A : i32
      %broadcast_in_dim3A_88 = arith.constant 0.000000e+00 : f32
      %broadcast_in_dim3A_89 = vector.broadcast %broadcast_in_dim3A_88 : f32 to vector<16xf32>
      %broadcast_in_dim3A_90 = arith.constant 0 : i32
      %broadcast_in_dim3A_91 = vector.broadcast %broadcast_in_dim3A_90 : i32 to vector<16xi32>
      %scan3A_92 = arith.constant 0 : i32
      %scan3A_93 = arith.constant 64 : i32
      %scan3A_94 = arith.addi %scan3A_92, %scan3A_93 : i32
      %scan3A_95 = arith.constant 1 : i32
      %scan3A_96:3 = scf.for %scan3A_118 = %scan3A_92 to %scan3A_94 step %scan3A_95 iter_args(%scan3A_119 = %broadcast_in_dim3A_89, %scan3A_120 = %broadcast_in_dim3A_89, %scan3A_121 = %broadcast_in_dim3A_91) -> (vector<16xf32>, vector<16xf32>, vector<16xi32>)  : i32 {
        %mul3A_122 = arith.constant 8 : i32
        %mul3A_123 = arith.muli %scan3A_118, %mul3A_122 : i32
        %add3A_124 = arith.constant 0 : i32
        %add3A_125 = arith.addi %mul3A_123, %add3A_124 : i32
        %mul3A_126 = arith.constant 16 : i32
        %mul3A_127 = arith.muli %add3A_125, %mul3A_126 : i32
        %get3A = arith.index_cast %mul3A_127 : i32 to index
        %get3A_128 = tpu.vector_load %arg5[%get3A] {strides = array<i32>} : memref<8192xi32, #tpu.memory_space<vmem>>, vector<16xi32>,
        %mul3A_129 = arith.constant 16 : i32
        %mul3A_130 = arith.muli %add3A_125, %mul3A_129 : i32
        %get3A_131 = arith.index_cast %mul3A_130 : i32 to index
        %get3A_132 = tpu.vector_load %arg6[%get3A_131] {strides = array<i32>} : memref<8192xf32, #tpu.memory_space<vmem>>, vector<16xf32>,
        %gt3A = vector.broadcast %xor3A_87 : i32 to vector<16xi32>
        %gt3A_133 = arith.cmpi sgt, %get3A_128, %gt3A : vector<16xi32>
        %eq3A_134 = vector.broadcast %xor3A_87 : i32 to vector<16xi32>
        %eq3A_135 = arith.cmpi eq, %get3A_128, %eq3A_134 : vector<16xi32>
        %select_n3A = arith.select %gt3A_133, %get3A_132, %broadcast_in_dim3A_89 : vector<16xi1>, vector<16xf32>
        %add3A_136 = arith.addf %scan3A_119, %select_n3A : vector<16xf32>
        %select_n3A_137 = arith.select %eq3A_135, %get3A_132, %broadcast_in_dim3A_89 : vector<16xi1>, vector<16xf32>
        %add3A_138 = arith.addf %scan3A_120, %select_n3A_137 : vector<16xf32>
        %select_n3A_139 = arith.select %eq3A_135, %broadcast_in_dim3A_4, %broadcast_in_dim3A_91 : vector<16xi1>, vector<16xi32>
        %add3A_140 = arith.addi %scan3A_121, %select_n3A_139 : vector<16xi32>
        %mul3A_141 = arith.constant 8 : i32
        %mul3A_142 = arith.muli %scan3A_118, %mul3A_141 : i32
        %add3A_143 = arith.constant 1 : i32
        %add3A_144 = arith.addi %mul3A_142, %add3A_143 : i32
        %mul3A_145 = arith.constant 16 : i32
        %mul3A_146 = arith.muli %add3A_144, %mul3A_145 : i32
        %get3A_147 = arith.index_cast %mul3A_146 : i32 to index
        %get3A_148 = tpu.vector_load %arg5[%get3A_147] {strides = array<i32>} : memref<8192xi32, #tpu.memory_space<vmem>>, vector<16xi32>,
        %mul3A_149 = arith.constant 16 : i32
        %mul3A_150 = arith.muli %add3A_144, %mul3A_149 : i32
        %get3A_151 = arith.index_cast %mul3A_150 : i32 to index
        %get3A_152 = tpu.vector_load %arg6[%get3A_151] {strides = array<i32>} : memref<8192xf32, #tpu.memory_space<vmem>>, vector<16xf32>,
        %gt3A_153 = vector.broadcast %xor3A_87 : i32 to vector<16xi32>
        %gt3A_154 = arith.cmpi sgt, %get3A_148, %gt3A_153 : vector<16xi32>
        %eq3A_155 = vector.broadcast %xor3A_87 : i32 to vector<16xi32>
        %eq3A_156 = arith.cmpi eq, %get3A_148, %eq3A_155 : vector<16xi32>
        %select_n3A_157 = arith.select %gt3A_154, %get3A_152, %broadcast_in_dim3A_89 : vector<16xi1>, vector<16xf32>
        %add3A_158 = arith.addf %add3A_136, %select_n3A_157 : vector<16xf32>
        %select_n3A_159 = arith.select %eq3A_156, %get3A_152, %broadcast_in_dim3A_89 : vector<16xi1>, vector<16xf32>
        %add3A_160 = arith.addf %add3A_138, %select_n3A_159 : vector<16xf32>
        %select_n3A_161 = arith.select %eq3A_156, %broadcast_in_dim3A_4, %broadcast_in_dim3A_91 : vector<16xi1>, vector<16xi32>
        %add3A_162 = arith.addi %add3A_140, %select_n3A_161 : vector<16xi32>
        %mul3A_163 = arith.constant 8 : i32
        %mul3A_164 = arith.muli %scan3A_118, %mul3A_163 : i32
        %add3A_165 = arith.constant 2 : i32
        %add3A_166 = arith.addi %mul3A_164, %add3A_165 : i32
        %mul3A_167 = arith.constant 16 : i32
        %mul3A_168 = arith.muli %add3A_166, %mul3A_167 : i32
        %get3A_169 = arith.index_cast %mul3A_168 : i32 to index
        %get3A_170 = tpu.vector_load %arg5[%get3A_169] {strides = array<i32>} : memref<8192xi32, #tpu.memory_space<vmem>>, vector<16xi32>,
        %mul3A_171 = arith.constant 16 : i32
        %mul3A_172 = arith.muli %add3A_166, %mul3A_171 : i32
        %get3A_173 = arith.index_cast %mul3A_172 : i32 to index
        %get3A_174 = tpu.vector_load %arg6[%get3A_173] {strides = array<i32>} : memref<8192xf32, #tpu.memory_space<vmem>>, vector<16xf32>,
        %gt3A_175 = vector.broadcast %xor3A_87 : i32 to vector<16xi32>
        %gt3A_176 = arith.cmpi sgt, %get3A_170, %gt3A_175 : vector<16xi32>
        %eq3A_177 = vector.broadcast %xor3A_87 : i32 to vector<16xi32>
        %eq3A_178 = arith.cmpi eq, %get3A_170, %eq3A_177 : vector<16xi32>
        %select_n3A_179 = arith.select %gt3A_176, %get3A_174, %broadcast_in_dim3A_89 : vector<16xi1>, vector<16xf32>
        %add3A_180 = arith.addf %add3A_158, %select_n3A_179 : vector<16xf32>
        %select_n3A_181 = arith.select %eq3A_178, %get3A_174, %broadcast_in_dim3A_89 : vector<16xi1>, vector<16xf32>
        %add3A_182 = arith.addf %add3A_160, %select_n3A_181 : vector<16xf32>
        %select_n3A_183 = arith.select %eq3A_178, %broadcast_in_dim3A_4, %broadcast_in_dim3A_91 : vector<16xi1>, vector<16xi32>
        %add3A_184 = arith.addi %add3A_162, %select_n3A_183 : vector<16xi32>
        %mul3A_185 = arith.constant 8 : i32
        %mul3A_186 = arith.muli %scan3A_118, %mul3A_185 : i32
        %add3A_187 = arith.constant 3 : i32
        %add3A_188 = arith.addi %mul3A_186, %add3A_187 : i32
        %mul3A_189 = arith.constant 16 : i32
        %mul3A_190 = arith.muli %add3A_188, %mul3A_189 : i32
        %get3A_191 = arith.index_cast %mul3A_190 : i32 to index
        %get3A_192 = tpu.vector_load %arg5[%get3A_191] {strides = array<i32>} : memref<8192xi32, #tpu.memory_space<vmem>>, vector<16xi32>,
        %mul3A_193 = arith.constant 16 : i32
        %mul3A_194 = arith.muli %add3A_188, %mul3A_193 : i32
        %get3A_195 = arith.index_cast %mul3A_194 : i32 to index
        %get3A_196 = tpu.vector_load %arg6[%get3A_195] {strides = array<i32>} : memref<8192xf32, #tpu.memory_space<vmem>>, vector<16xf32>,
        %gt3A_197 = vector.broadcast %xor3A_87 : i32 to vector<16xi32>
        %gt3A_198 = arith.cmpi sgt, %get3A_192, %gt3A_197 : vector<16xi32>
        %eq3A_199 = vector.broadcast %xor3A_87 : i32 to vector<16xi32>
        %eq3A_200 = arith.cmpi eq, %get3A_192, %eq3A_199 : vector<16xi32>
        %select_n3A_201 = arith.select %gt3A_198, %get3A_196, %broadcast_in_dim3A_89 : vector<16xi1>, vector<16xf32>
        %add3A_202 = arith.addf %add3A_180, %select_n3A_201 : vector<16xf32>
        %select_n3A_203 = arith.select %eq3A_200, %get3A_196, %broadcast_in_dim3A_89 : vector<16xi1>, vector<16xf32>
        %add3A_204 = arith.addf %add3A_182, %select_n3A_203 : vector<16xf32>
        %select_n3A_205 = arith.select %eq3A_200, %broadcast_in_dim3A_4, %broadcast_in_dim3A_91 : vector<16xi1>, vector<16xi32>
        %add3A_206 = arith.addi %add3A_184, %select_n3A_205 : vector<16xi32>
        %mul3A_207 = arith.constant 8 : i32
        %mul3A_208 = arith.muli %scan3A_118, %mul3A_207 : i32
        %add3A_209 = arith.constant 4 : i32
        %add3A_210 = arith.addi %mul3A_208, %add3A_209 : i32
        %mul3A_211 = arith.constant 16 : i32
        %mul3A_212 = arith.muli %add3A_210, %mul3A_211 : i32
        %get3A_213 = arith.index_cast %mul3A_212 : i32 to index
        %get3A_214 = tpu.vector_load %arg5[%get3A_213] {strides = array<i32>} : memref<8192xi32, #tpu.memory_space<vmem>>, vector<16xi32>,
        %mul3A_215 = arith.constant 16 : i32
        %mul3A_216 = arith.muli %add3A_210, %mul3A_215 : i32
        %get3A_217 = arith.index_cast %mul3A_216 : i32 to index
        %get3A_218 = tpu.vector_load %arg6[%get3A_217] {strides = array<i32>} : memref<8192xf32, #tpu.memory_space<vmem>>, vector<16xf32>,
        %gt3A_219 = vector.broadcast %xor3A_87 : i32 to vector<16xi32>
        %gt3A_220 = arith.cmpi sgt, %get3A_214, %gt3A_219 : vector<16xi32>
        %eq3A_221 = vector.broadcast %xor3A_87 : i32 to vector<16xi32>
        %eq3A_222 = arith.cmpi eq, %get3A_214, %eq3A_221 : vector<16xi32>
        %select_n3A_223 = arith.select %gt3A_220, %get3A_218, %broadcast_in_dim3A_89 : vector<16xi1>, vector<16xf32>
        %add3A_224 = arith.addf %add3A_202, %select_n3A_223 : vector<16xf32>
        %select_n3A_225 = arith.select %eq3A_222, %get3A_218, %broadcast_in_dim3A_89 : vector<16xi1>, vector<16xf32>
        %add3A_226 = arith.addf %add3A_204, %select_n3A_225 : vector<16xf32>
        %select_n3A_227 = arith.select %eq3A_222, %broadcast_in_dim3A_4, %broadcast_in_dim3A_91 : vector<16xi1>, vector<16xi32>
        %add3A_228 = arith.addi %add3A_206, %select_n3A_227 : vector<16xi32>
        %mul3A_229 = arith.constant 8 : i32
        %mul3A_230 = arith.muli %scan3A_118, %mul3A_229 : i32
        %add3A_231 = arith.constant 5 : i32
        %add3A_232 = arith.addi %mul3A_230, %add3A_231 : i32
        %mul3A_233 = arith.constant 16 : i32
        %mul3A_234 = arith.muli %add3A_232, %mul3A_233 : i32
        %get3A_235 = arith.index_cast %mul3A_234 : i32 to index
        %get3A_236 = tpu.vector_load %arg5[%get3A_235] {strides = array<i32>} : memref<8192xi32, #tpu.memory_space<vmem>>, vector<16xi32>,
        %mul3A_237 = arith.constant 16 : i32
        %mul3A_238 = arith.muli %add3A_232, %mul3A_237 : i32
        %get3A_239 = arith.index_cast %mul3A_238 : i32 to index
        %get3A_240 = tpu.vector_load %arg6[%get3A_239] {strides = array<i32>} : memref<8192xf32, #tpu.memory_space<vmem>>, vector<16xf32>,
        %gt3A_241 = vector.broadcast %xor3A_87 : i32 to vector<16xi32>
        %gt3A_242 = arith.cmpi sgt, %get3A_236, %gt3A_241 : vector<16xi32>
        %eq3A_243 = vector.broadcast %xor3A_87 : i32 to vector<16xi32>
        %eq3A_244 = arith.cmpi eq, %get3A_236, %eq3A_243 : vector<16xi32>
        %select_n3A_245 = arith.select %gt3A_242, %get3A_240, %broadcast_in_dim3A_89 : vector<16xi1>, vector<16xf32>
        %add3A_246 = arith.addf %add3A_224, %select_n3A_245 : vector<16xf32>
        %select_n3A_247 = arith.select %eq3A_244, %get3A_240, %broadcast_in_dim3A_89 : vector<16xi1>, vector<16xf32>
        %add3A_248 = arith.addf %add3A_226, %select_n3A_247 : vector<16xf32>
        %select_n3A_249 = arith.select %eq3A_244, %broadcast_in_dim3A_4, %broadcast_in_dim3A_91 : vector<16xi1>, vector<16xi32>
        %add3A_250 = arith.addi %add3A_228, %select_n3A_249 : vector<16xi32>
        %mul3A_251 = arith.constant 8 : i32
        %mul3A_252 = arith.muli %scan3A_118, %mul3A_251 : i32
        %add3A_253 = arith.constant 6 : i32
        %add3A_254 = arith.addi %mul3A_252, %add3A_253 : i32
        %mul3A_255 = arith.constant 16 : i32
        %mul3A_256 = arith.muli %add3A_254, %mul3A_255 : i32
        %get3A_257 = arith.index_cast %mul3A_256 : i32 to index
        %get3A_258 = tpu.vector_load %arg5[%get3A_257] {strides = array<i32>} : memref<8192xi32, #tpu.memory_space<vmem>>, vector<16xi32>,
        %mul3A_259 = arith.constant 16 : i32
        %mul3A_260 = arith.muli %add3A_254, %mul3A_259 : i32
        %get3A_261 = arith.index_cast %mul3A_260 : i32 to index
        %get3A_262 = tpu.vector_load %arg6[%get3A_261] {strides = array<i32>} : memref<8192xf32, #tpu.memory_space<vmem>>, vector<16xf32>,
        %gt3A_263 = vector.broadcast %xor3A_87 : i32 to vector<16xi32>
        %gt3A_264 = arith.cmpi sgt, %get3A_258, %gt3A_263 : vector<16xi32>
        %eq3A_265 = vector.broadcast %xor3A_87 : i32 to vector<16xi32>
        %eq3A_266 = arith.cmpi eq, %get3A_258, %eq3A_265 : vector<16xi32>
        %select_n3A_267 = arith.select %gt3A_264, %get3A_262, %broadcast_in_dim3A_89 : vector<16xi1>, vector<16xf32>
        %add3A_268 = arith.addf %add3A_246, %select_n3A_267 : vector<16xf32>
        %select_n3A_269 = arith.select %eq3A_266, %get3A_262, %broadcast_in_dim3A_89 : vector<16xi1>, vector<16xf32>
        %add3A_270 = arith.addf %add3A_248, %select_n3A_269 : vector<16xf32>
        %select_n3A_271 = arith.select %eq3A_266, %broadcast_in_dim3A_4, %broadcast_in_dim3A_91 : vector<16xi1>, vector<16xi32>
        %add3A_272 = arith.addi %add3A_250, %select_n3A_271 : vector<16xi32>
        %mul3A_273 = arith.constant 8 : i32
        %mul3A_274 = arith.muli %scan3A_118, %mul3A_273 : i32
        %add3A_275 = arith.constant 7 : i32
        %add3A_276 = arith.addi %mul3A_274, %add3A_275 : i32
        %mul3A_277 = arith.constant 16 : i32
        %mul3A_278 = arith.muli %add3A_276, %mul3A_277 : i32
        %get3A_279 = arith.index_cast %mul3A_278 : i32 to index
        %get3A_280 = tpu.vector_load %arg5[%get3A_279] {strides = array<i32>} : memref<8192xi32, #tpu.memory_space<vmem>>, vector<16xi32>,
        %mul3A_281 = arith.constant 16 : i32
        %mul3A_282 = arith.muli %add3A_276, %mul3A_281 : i32
        %get3A_283 = arith.index_cast %mul3A_282 : i32 to index
        %get3A_284 = tpu.vector_load %arg6[%get3A_283] {strides = array<i32>} : memref<8192xf32, #tpu.memory_space<vmem>>, vector<16xf32>,
        %gt3A_285 = vector.broadcast %xor3A_87 : i32 to vector<16xi32>
        %gt3A_286 = arith.cmpi sgt, %get3A_280, %gt3A_285 : vector<16xi32>
        %eq3A_287 = vector.broadcast %xor3A_87 : i32 to vector<16xi32>
        %eq3A_288 = arith.cmpi eq, %get3A_280, %eq3A_287 : vector<16xi32>
        %select_n3A_289 = arith.select %gt3A_286, %get3A_284, %broadcast_in_dim3A_89 : vector<16xi1>, vector<16xf32>
        %add3A_290 = arith.addf %add3A_268, %select_n3A_289 : vector<16xf32>
        %select_n3A_291 = arith.select %eq3A_288, %get3A_284, %broadcast_in_dim3A_89 : vector<16xi1>, vector<16xf32>
        %add3A_292 = arith.addf %add3A_270, %select_n3A_291 : vector<16xf32>
        %select_n3A_293 = arith.select %eq3A_288, %broadcast_in_dim3A_4, %broadcast_in_dim3A_91 : vector<16xi1>, vector<16xi32>
        %add3A_294 = arith.addi %add3A_272, %select_n3A_293 : vector<16xi32>
        scf.yield %add3A_290, %add3A_292, %add3A_294 : vector<16xf32>, vector<16xf32>, vector<16xi32>
      }
      %scan3A_97 = arith.constant 64 : i32
      %reduce_sum3A = arith.constant true
      %reduce_sum3A_98 = vector.broadcast %reduce_sum3A : i1 to vector<16xi1>
      %reduce_sum3A_99 = tpu.scan <sum>, %scan3A_96#0 masked %reduce_sum3A_98 : vector<16xf32>, vector<16xi1> -> vector<16xf32>
      %reduce_sum3A_100 = vector.extract %reduce_sum3A_99[15] : f32 from vector<16xf32>
      %reduce_sum3A_101 = arith.constant true
      %reduce_sum3A_102 = vector.broadcast %reduce_sum3A_101 : i1 to vector<16xi1>
      %reduce_sum3A_103 = tpu.scan <sum>, %scan3A_96#1 masked %reduce_sum3A_102 : vector<16xf32>, vector<16xi1> -> vector<16xf32>
      %reduce_sum3A_104 = vector.extract %reduce_sum3A_103[15] : f32 from vector<16xf32>
      %reduce_sum3A_105 = arith.constant true
      %reduce_sum3A_106 = vector.broadcast %reduce_sum3A_105 : i1 to vector<16xi1>
      %reduce_sum3A_107 = tpu.scan <sum>, %scan3A_96#2 masked %reduce_sum3A_106 : vector<16xi32>, vector<16xi1> -> vector<16xi32>
      %reduce_sum3A_108 = vector.extract %reduce_sum3A_107[15] : i32 from vector<16xi32>
      %eq3A_109 = arith.cmpi eq, %reduce_sum3A_108, %sub3A_83 : i32
      %convert_element_type3A_110 = arith.extui %eq3A_109 : i1 to i32
      %cond3A_111 = arith.constant 0 : i32
      %cond3A_112 = arith.constant 0 : i32
      %cond3A_113 = arith.cmpi ne, %convert_element_type3A_110, %cond3A_112 : i32
      %cond3A_114 = scf.if %cond3A_113 -> (f32) {
        scf.yield %reduce_sum3A_104 : f32
      } else {
        %scan3A_118 = arith.constant 0.000000e+00 : f32
        %scan3A_119 = arith.constant 0 : i32
        %scan3A_120 = arith.constant 0 : i32
        %scan3A_121 = arith.constant 512 : i32
        %scan3A_122 = arith.addi %scan3A_120, %scan3A_121 : i32
        %scan3A_123 = arith.constant 1 : i32
        %scan3A_124:2 = scf.for %scan3A_126 = %scan3A_120 to %scan3A_122 step %scan3A_123 iter_args(%scan3A_127 = %scan3A_118, %scan3A_128 = %scan3A_119) -> (f32, i32)  : i32 {
          %mul3A_129 = arith.constant 16 : i32
          %mul3A_130 = arith.muli %scan3A_126, %mul3A_129 : i32
          %get3A = arith.index_cast %mul3A_130 : i32 to index
          %get3A_131 = tpu.vector_load %arg5[%get3A] {strides = array<i32>} : memref<8192xi32, #tpu.memory_space<vmem>>, vector<16xi32>,
          %mul3A_132 = arith.constant 16 : i32
          %mul3A_133 = arith.muli %scan3A_126, %mul3A_132 : i32
          %get3A_134 = arith.index_cast %mul3A_133 : i32 to index
          %get3A_135 = tpu.vector_load %arg6[%get3A_134] {strides = array<i32>} : memref<8192xf32, #tpu.memory_space<vmem>>, vector<16xf32>,
          %eq3A_136 = vector.broadcast %xor3A_87 : i32 to vector<16xi32>
          %eq3A_137 = arith.cmpi eq, %get3A_131, %eq3A_136 : vector<16xi32>
          %convert_element_type3A_138 = arith.extui %eq3A_137 : vector<16xi1> to vector<16xi32>
          %cumsum3A = arith.constant true
          %cumsum3A_139 = vector.broadcast %cumsum3A : i1 to vector<16xi1>
          %cumsum3A_140 = tpu.scan <sum>, %convert_element_type3A_138 masked %cumsum3A_139 : vector<16xi32>, vector<16xi1> -> vector<16xi32>
          %add3A_141 = vector.broadcast %scan3A_128 : i32 to vector<16xi32>
          %add3A_142 = arith.addi %cumsum3A_140, %add3A_141 : vector<16xi32>
          %eq3A_143 = arith.constant 1 : i32
          %eq3A_144 = vector.broadcast %eq3A_143 : i32 to vector<16xi32>
          %eq3A_145 = arith.cmpi eq, %convert_element_type3A_138, %eq3A_144 : vector<16xi32>
          %le3A = vector.broadcast %sub3A_83 : i32 to vector<16xi32>
          %le3A_146 = arith.cmpi sle, %add3A_142, %le3A : vector<16xi32>
          %and3A_147 = arith.andi %eq3A_145, %le3A_146 : vector<16xi1>
          %jit3A = arith.constant 0.000000e+00 : f32
          %broadcast_in_dim3A_148 = vector.broadcast %jit3A : f32 to vector<16xf32>
          %select_n3A = arith.select %and3A_147, %get3A_135, %broadcast_in_dim3A_148 : vector<16xi1>, vector<16xf32>
          %reduce_sum3A_149 = arith.constant true
          %reduce_sum3A_150 = vector.broadcast %reduce_sum3A_149 : i1 to vector<16xi1>
          %reduce_sum3A_151 = tpu.scan <sum>, %select_n3A masked %reduce_sum3A_150 : vector<16xf32>, vector<16xi1> -> vector<16xf32>
          %reduce_sum3A_152 = vector.extract %reduce_sum3A_151[15] : f32 from vector<16xf32>
          %add3A_153 = arith.addf %scan3A_127, %reduce_sum3A_152 : f32
          %reduce_sum3A_154 = arith.constant true
          %reduce_sum3A_155 = vector.broadcast %reduce_sum3A_154 : i1 to vector<16xi1>
          %reduce_sum3A_156 = tpu.scan <sum>, %convert_element_type3A_138 masked %reduce_sum3A_155 : vector<16xi32>, vector<16xi1> -> vector<16xi32>
          %reduce_sum3A_157 = vector.extract %reduce_sum3A_156[15] : i32 from vector<16xi32>
          %add3A_158 = arith.addi %scan3A_128, %reduce_sum3A_157 : i32
          scf.yield %add3A_153, %add3A_158 : f32, i32
        }
        %scan3A_125 = arith.constant 512 : i32
        scf.yield %scan3A_124#0 : f32
      }
      %add3A = arith.addf %reduce_sum3A_100, %cond3A_114 : f32
      %mul3A = arith.constant 4.8828125E-4 : f32
      %mul3A_115 = arith.mulf %add3A, %mul3A : f32
      %broadcast_in_dim3A_116 = vector.broadcast %mul3A_115 : f32 to vector<16xf32>
      %swap3A = arith.constant 0 : index
      %swap3A_117 = tpu.vector_load %arg8[%swap3A] {strides = array<i32>} : memref<16xf32, #tpu.memory_space<vmem>>, vector<16xf32>,
      tpu.vector_store %arg8[%swap3A], %broadcast_in_dim3A_116 {strides = array<i32>} : memref<16xf32, #tpu.memory_space<vmem>>, vector<16xf32>,
      "tpu.region"() ({
        %run_scoped3A = tpu.sem_alloc : memref<!tpu.dma_semaphore, #tpu.memory_space<semaphore_mem>>
        tpu.enqueue_dma source(%arg8 : memref<16xf32, #tpu.memory_space<vmem>>) target(%arg4 : memref<16xf32, #tpu.memory_space<hbm>>) target_semaphore(%run_scoped3A : memref<!tpu.dma_semaphore, #tpu.memory_space<semaphore_mem>>)
        tpu.wait_dma2 semaphore(%run_scoped3A : memref<!tpu.dma_semaphore, #tpu.memory_space<semaphore_mem>>) src(%arg8 : memref<16xf32, #tpu.memory_space<vmem>>) dst(%arg4 : memref<16xf32, #tpu.memory_space<hbm>>)
        tpu.yield
      }) : () -> ()
    } else {
    }
    return
  }
}

module attributes {stable_mosaic.version = 14 : i64} {
  func.func @_stats_body(%arg0: i32, %arg1: memref<256x1xi32, #tpu.memory_space<vmem>>, %arg2: memref<256x8192xf32, #tpu.memory_space<vmem>>, %arg3: memref<256x1xi32, #tpu.memory_space<vmem>>, %arg4: memref<256x1xf32, #tpu.memory_space<vmem>>) attributes {dimension_semantics = [#tpu.dimension_semantics<arbitrary>], iteration_bounds = array<i64: 32>, scalar_prefetch = 0 : i64, scratch_operands = 0 : i64, tpu.core_type = #tpu.core_type<tc>, window_params = [{transform_indices = @transform_0, window_bounds = array<i64: 256, 1>}, {transform_indices = @transform_1, window_bounds = array<i64: 256, 8192>}, {transform_indices = @transform_2, window_bounds = array<i64: 256, 1>}, {transform_indices = @transform_3, window_bounds = array<i64: 256, 1>}]} {
    %get3A = arith.constant 0 : index
    %get3A_0 = arith.constant 0 : index
    %get3A_1 = vector.load %arg2[%get3A, %get3A_0] : memref<256x8192xf32, #tpu.memory_space<vmem>>, vector<256x8192xf32>
    %get3A_2 = arith.constant 0 : index
    %get3A_3 = arith.constant 0 : index
    %get3A_4 = vector.load %arg1[%get3A_2, %get3A_3] : memref<256x1xi32, #tpu.memory_space<vmem>>, vector<256x1xi32>
    %iota3A = tpu.iota {dimensions = array<i32: 1>} : vector<256x8192xi32>
    %reduce_max3A = arith.constant dense<0xFF800000> : vector<256xf32>
    %reduce_max3A_5 = vector.multi_reduction <maximumf>, %get3A_1, %reduce_max3A [1] : vector<256x8192xf32> to vector<256xf32>
    %broadcast_in_dim3A = vector.shape_cast %reduce_max3A_5 : vector<256xf32> to vector<256x1xf32>
    %eq3A = vector.broadcast %get3A_4 : vector<256x1xi32> to vector<256x8192xi32>
    %eq3A_6 = arith.cmpi eq, %iota3A, %eq3A : vector<256x8192xi32>
    %jit3A = arith.constant 0.000000e+00 : f32
    %broadcast_in_dim3A_7 = vector.broadcast %jit3A : f32 to vector<256x8192xf32>
    %select_n3A = arith.select %eq3A_6, %get3A_1, %broadcast_in_dim3A_7 : vector<256x8192xi1>, vector<256x8192xf32>
    %reduce_sum3A = arith.constant dense<0.000000e+00> : vector<256xf32>
    %reduce_sum3A_8 = vector.multi_reduction <add>, %select_n3A, %reduce_sum3A [1] : vector<256x8192xf32> to vector<256xf32>
    %broadcast_in_dim3A_9 = vector.shape_cast %reduce_sum3A_8 : vector<256xf32> to vector<256x1xf32>
    %sub3A = vector.broadcast %broadcast_in_dim3A : vector<256x1xf32> to vector<256x8192xf32>
    %sub3A_10 = arith.subf %get3A_1, %sub3A : vector<256x8192xf32>
    %exp3A = math.exp %sub3A_10 : vector<256x8192xf32>
    %reduce_sum3A_11 = arith.constant dense<0.000000e+00> : vector<256xf32>
    %reduce_sum3A_12 = vector.multi_reduction <add>, %exp3A, %reduce_sum3A_11 [1] : vector<256x8192xf32> to vector<256xf32>
    %broadcast_in_dim3A_13 = vector.shape_cast %reduce_sum3A_12 : vector<256xf32> to vector<256x1xf32>
    %mul3A = arith.mulf %exp3A, %sub3A_10 : vector<256x8192xf32>
    %reduce_sum3A_14 = arith.constant dense<0.000000e+00> : vector<256xf32>
    %reduce_sum3A_15 = vector.multi_reduction <add>, %mul3A, %reduce_sum3A_14 [1] : vector<256x8192xf32> to vector<256xf32>
    %broadcast_in_dim3A_16 = vector.shape_cast %reduce_sum3A_15 : vector<256xf32> to vector<256x1xf32>
    %log3A = math.log %broadcast_in_dim3A_13 : vector<256x1xf32>
    %div3A = arith.divf %broadcast_in_dim3A_16, %broadcast_in_dim3A_13 : vector<256x1xf32>
    %sub3A_17 = arith.subf %log3A, %div3A : vector<256x1xf32>
    %add3A = arith.addf %broadcast_in_dim3A, %log3A : vector<256x1xf32>
    %sub3A_18 = arith.subf %add3A, %broadcast_in_dim3A_9 : vector<256x1xf32>
    %bitcast_convert_type3A = tpu.bitcast %sub3A_17 : vector<256x1xf32> -> vector<256x1xi32>
    %lt3A = arith.constant 0 : i32
    %lt3A_19 = vector.broadcast %lt3A : i32 to vector<256x1xi32>
    %lt3A_20 = arith.cmpi slt, %bitcast_convert_type3A, %lt3A_19 : vector<256x1xi32>
    %xor3A = arith.constant 2147483647 : i32
    %xor3A_21 = vector.broadcast %xor3A : i32 to vector<256x1xi32>
    %xor3A_22 = arith.xori %bitcast_convert_type3A, %xor3A_21 : vector<256x1xi32>
    %select_n3A_23 = arith.select %lt3A_20, %xor3A_22, %bitcast_convert_type3A : vector<256x1xi1>, vector<256x1xi32>
    %swap3A = arith.constant 0 : index
    %swap3A_24 = arith.constant 0 : index
    %swap3A_25 = vector.load %arg3[%swap3A, %swap3A_24] : memref<256x1xi32, #tpu.memory_space<vmem>>, vector<256x1xi32>
    tpu.vector_store %arg3[%swap3A, %swap3A_24], %select_n3A_23 {strides = array<i32>} : memref<256x1xi32, #tpu.memory_space<vmem>>, vector<256x1xi32>,
    %swap3A_26 = arith.constant 0 : index
    %swap3A_27 = arith.constant 0 : index
    %swap3A_28 = vector.load %arg4[%swap3A_26, %swap3A_27] : memref<256x1xf32, #tpu.memory_space<vmem>>, vector<256x1xf32>
    tpu.vector_store %arg4[%swap3A_26, %swap3A_27], %sub3A_18 {strides = array<i32>} : memref<256x1xf32, #tpu.memory_space<vmem>>, vector<256x1xf32>,
    return
  }
  func.func @transform_0(%arg0: i32) -> (i32, i32) {
    %c0_i32 = arith.constant 0 : i32
    %c0_i32_0 = arith.constant 0 : i32
    return %arg0, %c0_i32 : i32, i32
  }
  func.func @transform_1(%arg0: i32) -> (i32, i32) {
    %c0_i32 = arith.constant 0 : i32
    %c0_i32_0 = arith.constant 0 : i32
    return %arg0, %c0_i32 : i32, i32
  }
  func.func @transform_2(%arg0: i32) -> (i32, i32) {
    %c0_i32 = arith.constant 0 : i32
    %c0_i32_0 = arith.constant 0 : i32
    return %arg0, %c0_i32 : i32, i32
  }
  func.func @transform_3(%arg0: i32) -> (i32, i32) {
    %c0_i32 = arith.constant 0 : i32
    %c0_i32_0 = arith.constant 0 : i32
    return %arg0, %c0_i32 : i32, i32
  }
}

</mosaic_0001>

<sc_bundles>
// kernel: kernel.4.cloned.1.call-start
scs
__scs_entry_jumppad:
0x0: {  	(pc) =	sbr.rel $0x88, $3  }
0x1: {  	(tag) =	ssettag $0x0;
	lr =	simm.s32 $0x1  }
0x2: {  	[smem:$0x3F9F] =	sst lr;
	_ =	strace $0xD0000000  }
0x3: {  	_ = 	snop  }
0x4: {  	_ = 	snop  }
0x5: {  	_ = 	snop  }
0x6: {  	_ = 	snop  }
0x7: {  	_ = 	snop  }
__scs_overlays_trampoline_lowered:
0x8: {  	[smem:$0x3FAE] =	sst s0  }
0x9: {  	[smem:$0x3FAF] =	sst s1  }
0xa: {  	[smem:$0x3FB0] =	sst s2  }
0xb: {  	[smem:$0x3FB1] =	sst s3  }
0xc: {  	[smem:$0x3FB2] =	sst s4  }
0xd: {  	[smem:$0x3FB3] =	sst s5  }
0xe: {  	[smem:$0x3FB4] =	sst s6  }
0xf: {  	[smem:$0x3FB5] =	sst s7  }
0x10: {  	[smem:$0x3FB6] =	sst s8  }
0x11: {  	[smem:$0x3FB7] =	sst s9;
	s0 =	simm.s32 @!p0 $0x0  }
0x12: {  	s1 =	sld [smem:$0x3F9D];
	s0 =	simm.s32 @p0 $0x1  }
0x13: {  	[smem:$0x3FB8] =	sst s0;
	s0 =	simm.s32 @!p1 $0x0  }
0x14: {  	s2 =	sld [smem:$0x3F9C];
	s0 =	simm.s32 @p1 $0x1  }
0x15: {  	[smem:$0x3FB9] =	sst s0;
	s0 =	simm.s32 @!p2 $0x0  }
0x16: {  	s3 =	sld [smem:$0x3FDB];
	s0 =	simm.s32 @p2 $0x1  }
0x17: {  	s4 =	simm.s32 $0x1BF5;
	[smem:$0x3FBB] =	sst s0  }
0x18: {  	s0 =	sld [smem:$0x3F9E];
	_ =	swait.ge [sflag:s4], $0x0  }
0x19: {  	s7 =	sld [smem:$0x3F9F]  }
0x1a: {  	s8 =	sadd.s32 $0xFFFFE003, lr  }
0x1b: {  	s9 =	sadd.s32 $0xFFFFFEF7, lr;
	s5 =	simm.s32 $0xFFFFFFFF;
	p2 =	slt.u32 s8, $0xFFFFF086  }
0x1c: {  	p1 =	slt.u32 s9, $0xF7A;
	s5 =	simm.s32 @!p2 $0x0  }
0x1d: {  	s5 =	simm.s32 @p1 $0x1;
	p0 =	seq.s32 s7, s2  }
0x1e: {  	s7 =	smul.u32 @!p0 $0xF7A, s2;
	p2 =	seq.s32 @!p0 s5, $0x0  }
0x1f: {  	s9 =	smul.u32 $0xF7A, s1;
	s8 =	simm.s32 @!p0 $0x1BF5;
	p2 =	por !p2, p0  }
0x20: {  	[sflag:s8] =	ssyncset.s32 @!p0 $0xFFFFF086;
	s6 =	sadd.s32 @!p0 s3, s7;
	s7 =	simm.s32 @!p0 $0x108  }
0x21: {  	s3 =	sadd.s32 s3, s9;
	s6 =	sadd.s32 @!p0 $0x88, s6;
	s7 =	simm.s32 @p2 $0x1082  }
0x22: {  	[simem:s7], [sflag:s8] =	dma.local @!p0 [hbm:s6], $0xF7A  }
0x23: {  	s9 =	sor.u32 $0xD0000000, s2;
	s6 =	simm.s32 $0x108;
	_ =	swait.ge @!p0 [sflag:s8], $0x0  }
0x24: {  	s3 =	sadd.s32 $0x88, s3;
	s6 =	simm.s32 @!p1 $0x1082;
	[sflag:s4] =	ssyncset.s32 $0xFFFFF086  }
0x25: {  	[simem:s6], [sflag:s4] =	dma.local [hbm:s3], $0xF7A  }
0x26: {  	[smem:$0x3F9F] =	sst s1;
	(tag) =	ssettag s2;
	_ =	strace s9  }
0x27: {  	s1 =	sld [smem:$0x3FAF]  }
0x28: {  	s2 =	sld [smem:$0x3FB0]  }
0x29: {  	s4 =	sld [smem:$0x3FB2]  }
0x2a: {  	p0 =	seq.s32 s5, $0x0;
	s5 =	sld [smem:$0x3FB3]  }
0x2b: {  	s6 =	sld [smem:$0x3FB4]  }
0x2c: {  	s7 =	sld [smem:$0x3FB5]  }
0x2d: {  	s3 =	simm.s32 $0x108;
	s8 =	sld [smem:$0x3FB6]  }
0x2e: {  	s3 =	simm.s32 @!p0 $0x1082;
	s9 =	sld [smem:$0x3FB7]  }
0x2f: {  	lr =	sadd.s32 s0, s3;
	s0 =	sld [smem:$0x3FAE]  }
0x30: {  	s3 =	sld [smem:$0x3FB1]  }
0x31: {  	[smem:$0x3FBA] =	sst s10  }
0x32: {  	s10 =	sld [smem:$0x3FB8];
	_ =	sdelay $0x3  }
0x33: {  	p0 =	seq.s32 s10, $0x1;
	s10 =	sld [smem:$0x3FBA];
	_ =	sdelay $0x3  }
0x34: {  	[smem:$0x3FBA] =	sst s10  }
0x35: {  	s10 =	sld [smem:$0x3FB9];
	_ =	sdelay $0x3  }
0x36: {  	p1 =	seq.s32 s10, $0x1;
	s10 =	sld [smem:$0x3FBA];
	_ =	sdelay $0x3  }
0x37: {  	[smem:$0x3FBA] =	sst s10  }
0x38: {  	s10 =	sld [smem:$0x3FBB]  }
0x39: {  	_ = 	snop;
	(pc) =	sbr.ind lr, $3  }
0x3a: {  	_ = 	snop  }
0x3b: {  	_ = 	snop  }
0x3c: {  	p2 =	seq.s32 s10, $0x1;
	s10 =	sld [smem:$0x3FBA]  }
0x3d: {  	_ =	shalt  }
0x3e: {  	_ =	shalt  }
0x3f: {  	_ =	shalt  }
0x40: {  	_ =	shalt  }
0x41: {  	_ =	shalt  }
0x42: {  	_ =	shalt  }
0x43: {  	_ =	shalt  }
0x44: {  	_ =	shalt  }
0x45: {  	_ =	shalt  }
0x46: {  	_ =	shalt  }
0x47: {  	_ =	shalt  }
0x48: {  	_ =	shalt  }
0x49: {  	_ =	shalt  }
0x4a: {  	_ =	shalt  }
0x4b: {  	_ =	shalt  }
0x4c: {  	_ =	shalt  }
0x4d: {  	_ =	shalt  }
0x4e: {  	_ =	shalt  }
0x4f: {  	_ =	shalt  }
0x50: {  	_ =	shalt  }
0x51: {  	_ =	shalt  }
0x52: {  	_ =	shalt  }
0x53: {  	_ =	shalt  }
0x54: {  	_ =	shalt  }
0x55: {  	_ =	shalt  }
0x56: {  	_ =	shalt  }
0x57: {  	_ =	shalt  }
0x58: {  	_ =	shalt  }
0x59: {  	_ =	shalt  }
0x5a: {  	_ =	shalt  }
0x5b: {  	_ =	shalt  }
0x5c: {  	_ =	shalt  }
0x5d: {  	_ =	shalt  }
0x5e: {  	_ =	shalt  }
0x5f: {  	_ =	shalt  }
0x60: {  	_ =	shalt  }
0x61: {  	_ =	shalt  }
0x62: {  	_ =	shalt  }
0x63: {  	_ =	shalt  }
0x64: {  	_ =	shalt  }
0x65: {  	_ =	shalt  }
0x66: {  	_ =	shalt  }
0x67: {  	_ =	shalt  }
0x68: {  	_ =	shalt  }
0x69: {  	_ =	shalt  }
0x6a: {  	_ =	shalt  }
0x6b: {  	_ =	shalt  }
0x6c: {  	_ =	shalt  }
0x6d: {  	_ =	shalt  }
0x6e: {  	_ =	shalt  }
0x6f: {  	_ =	shalt  }
0x70: {  	_ =	shalt  }
0x71: {  	_ =	shalt  }
0x72: {  	_ =	shalt  }
0x73: {  	_ =	shalt  }
0x74: {  	_ =	shalt  }
0x75: {  	_ =	shalt  }
0x76: {  	_ =	shalt  }
0x77: {  	_ =	shalt  }
0x78: {  	_ =	shalt  }
0x79: {  	_ =	shalt  }
0x7a: {  	_ =	shalt  }
0x7b: {  	_ =	shalt  }
0x7c: {  	_ =	shalt  }
0x7d: {  	_ =	shalt  }
0x7e: {  	_ =	shalt  }
0x7f: {  	_ =	shalt  }
0x80: {  	_ =	shalt  }
0x81: {  	_ =	shalt  }
0x82: {  	_ =	shalt  }
0x83: {  	_ =	shalt  }
0x84: {  	_ =	shalt  }
0x85: {  	_ =	shalt  }
0x86: {  	_ =	shalt  }
0x87: {  	_ =	shalt  }
.Lfunc_end0:
.L_simem_size_0:
called_computation_lowered:
.L_overlay_start_0:
0x88: {  	s2 =	sld [smem:$0x3FD9]  }
0x89: {  	s3 =	sld [smem:$0x3FFE];
	_ =	sdelay $0x1  }
0x8a: {  	s1 =	srdreg.scid  }
0x8b: {  	s0 =	sand.u32 $0x1, s1  }
0x8c: {  	s17 =	sshll.u32 s0, $0xA;
	s2 =	sadd.s32 s3, s2  }
0x8d: {  	s2 =	sadd.s32 s2, s17  }
0x8e: {  	[smem:$0x3FC6] =	sst s2  }
0x8f: {  	_ = 	snop  }
0x90: {  	s2 =	sld [smem:$0x3FD0];
	(tm) =	ssettm $0x1  }
0x91: {  	s18 =	sld [smem:$0x3FFB];
	_ =	sdelay $0x3  }
0x92: {  	_ =	strace s18  }
0x93: {  	s3 =	sld [smem:$0x3FFC];
	_ =	sdelay $0x3  }
0x94: {  	_ =	strace s3  }
0x95: {  	s3 =	sld [smem:$0x3FFD];
	_ =	sdelay $0x3  }
0x96: {  	_ =	strace s3  }
0x97: {  	_ =	strace $0x8FFFFFFF  }
0x98: {  	s19 =	sld [smem:$0x3FDB];
	_ =	sdelay $0x1  }
0x99: {  	s4 =	simm.s32 $_scs_section_size  }
0x9a: {  	s5 =	simm.s32 $_size__tile_overlayer_lowered;
	s6 =	simm.s32 $_tile_overlayer_lowered  }
0x9b: {  	s22 =	simm.s32 $0x1BFF;
	s21 =	sshll.u32 s6, $0x1;
	s3 =	sadd.s32 s4, s19  }
0x9c: {  	s7 =	simm.s32 $0x0;
	s20 =	sshll.u32 s5, $0x1;
	s5 =	sadd.s32 s21, s3  }
0x9d: {  	[timem:s7], [sflag:s22] =	dma.local [hbm:s5], s20  }
0x9e: {  	_ =	swait.ge [sflag:s22], s20  }
0x9f: {  	s4 =	ssub.s32 $0x0, s20;
	[sflag:s22] =	ssyncset.done $0x0  }
0xa0: {  	[sflag:s22] =	ssyncadd.s32 s4;
	_ =	sdelay $0x1  }
0xa1: {  	s23 =	simm.s32 $0x1B8B  }
0xa2: {  	_ =	swait.ge [sflag:s23], $0x1  }
0xa3: {  	[sflag:s23] =	ssyncset.done $0x0  }
0xa4: {  	s25 =	simm.s32 $0x1B8E;
	s24 =	sld [smem:$0x3FFE];
	[sflag:s23] =	ssyncadd.s32 $0xFFFFFFFF  }
0xa5: {  	s26 =	simm.s32 $execute0_lowered;
	[smem:$0x3FD2] =	sst s25  }
0xa6: {  	s5 =	sshll.u32 s26, $0x1;
	_ =	strace $0x80000046;
	[dreg:$0x1] =	wrdreg $0xFFFFFFFF  }
0xa7: {  	s28 =	simm.s32 $_size_execute0_lowered;
	s3 =	sadd.s32 s3, s5;
	[dreg:$0x0] =	wrdreg $0x0  }
0xa8: {  	s5 =	sshll.u32 s28, $0x1;
	[dreg:$0x2] =	wrdreg s3  }
0xa9: {  	[dreg:$0x3] =	wrdreg s5  }
0xaa: {  	[dreg:$0x4] =	wrdreg $0xC0  }
0xab: {  	_ =	task [dreg:s7], $0x5FFFF  }
0xac: {  	[dreg:$0x1] =	wrdreg $0xFFFFFFFF  }
0xad: {  	[dreg:$0x0] =	wrdreg $0x60  }
0xae: {  	[dreg:$0x2] =	wrdreg s24  }
0xaf: {  	[dreg:$0x3] =	wrdreg s2  }
0xb0: {  	[dreg:$0x4] =	wrdreg $0x9  }
0xb1: {  	_ =	task.clear_ibuf [dreg:s7], $0x5FFFF;
	_ =	strace $0x90000046  }
0xb2: {  	s29 =	simm.s32 $0x9;
	_ =	strace $0x80000048  }
0xb3: {  	_ =	swait.ge [sflag:s29], $0x1  }
0xb4: {  	[sflag:s29] =	ssyncadd.s32 $0xFFFFFFFF  }
0xb5: {  	_ =	strace $0x90000048  }
0xb6: {  	_ =	sfence  }
0xb7: {  	s30 =	sld [smem:$0x0];
	_ =	sdelay $0x2  }
0xb8: {  	s31 =	sshll.u32 s1, $0xD;
	s1 =	sshrl.u32 s1, $0x2  }
0xb9: {  	s3 =	sand.u32 $0x4000, s31;
	s1 =	sadd.s32 s1, s30  }
0xba: {  	s0 =	sor.u32 s3, s0;
	s1 =	sshll.u32 s1, $0x11  }
0xbb: {  	s0 =	sor.u32 s1, s0  }
0xbc: {  	s0 =	sadd.s32 $0x8F2B, s0  }
0xbd: {  	[sflag:s0] =	ssyncadd.remote.s32 $0x1  }
0xbe: {  	_ =	sfence.sel $0xFFFF  }
0xbf: {  	[dreg:$0x0] =	wrdreg $0xFFFFFFFF;
	(pc) =	sbr.abs _section_cstart, $3  }
0xc0: {  	[dreg:$0x1] =	wrdreg $0xFFFFFFFF  }
0xc1: {  	_ =	task.clear_ibuf [dreg:s7], $0x2FFFF;
	_ =	strace $0x9FFFFFFF  }
0xc2: {  	(tm) =	ssettm $0x7FFFFFFF  }
0xc3: {  	_ =	shalt  }
tec
execute0_lowered:
.L_overlay_start_1:
0x0: {  	(tag) =	ssettag $0x1  }
0x1: {  	s0 =	srdreg.scid  }
0x2: {  	s4 =	sand.u32 $0x1, s0;
	s0 =	stileid.u32  }
0x3: {  	s5 =	sor.u32 s0, s4  }
0x4: {  	p0 =	sne.s32 s5, $0x0  }
.Ltmp0:
0x5: {  	_ = 	snop;
	(pc) =	sbr.rel @!p0 .LBB2_1-.Ltmp0, $4  }
0x6: {  	_ = 	snop  }
0x7: {  	s2 =	rddreg [dreg:$0x0]  }
0x8: {  	s3 =	rddreg [dreg:$0x1]  }
0x9: {  	s1 =	rddreg [dreg:$0x2];
	_ =	strace $0x80000047  }
.LBB2_33:
0xa: {  	_ =	sfence.sel $0x180000  }
0xb: {  	[bflag:$0x0] =	sbarrier.arrive $0xFFFF  }
0xc: {  	p0 =	sne.s32 s0, $0x0;
	_ =	strace $0x90000047  }
0xd: {  	s0 =	sadd.s32 @!p0 $0x100000, s1;
	[bflag:$0x2] =	sbarrier.arrive $0xFFFF  }
0xe: {  	[sflag:s0] =	ssyncadd.tile.s32 @!p0 $0x1;
	_ =	shalt  }
.LBB2_1:
.Ltmp1:
0xf: {  	(pc) =	sbr.rel .LBB2_2-.Ltmp1, $4  }
0x10: {  	s5 =	ssub.s32 $0x2, s4;
	s4 =	sadd.s32 $0x400, s2  }
0x11: {  	s7 =	simm.s32 $0x2000;
	s8 =	simm.s32 $0x1;
	s9 =	simm.s32 $0x4000  }
0x12: {  	v0 =	vlaneseq.u32;
	s10 =	simm.s32 $0x5000;
	s11 =	simm.s32 $0x2;
	s6 =	sshrl.u32 s5, $0x1  }
0x13: {  	v1 =	vimm.s32 $0x0;
	v3 =	vimm.s32 $0x1;
	s12 =	simm.s32 $0x0;
	v2 =	vor.u32 $0x800, v0;
	s5 =	ssub.s32 s5, s6;
	s6 =	simm.s32 $0x0  }
.LBB2_32:
0x14: {  	s13 =	sadd.f32 s15, s14;
	_ =	sdelay $0x1  }
0x15: {  	s13 =	smul.f32 $4.882812500e-04, s13  }
0x16: {  	s12 =	sadd.s32 $0x1, s12  }
0x17: {  	p0 =	sne.s32 s12, s5;
	v4 =	vmov s13  }
.Ltmp2:
0x18: {  	[tilespmem:$0x5000] =	vst v4;
	(pc) =	sbr.rel @!p0 .LBB2_33-.Ltmp2, $4  }
0x19: {  	[hbm4b:s3+s6] =	stream.linear.scatter [tilespmem:s10], [sflag:$0x2], $0x80, $0x38;
	[tilespmem:$0x5080] =	vst v63  }
0x1a: {  	_ =	swait.ge [sflag:s11], $0x80  }
0x1b: {  	[sflag:s11] =	ssyncset.done $0x0  }
0x1c: {  	[sflag:s11] =	ssyncadd.s32 $0xFFFFFF80  }
.LBB2_2:
0x1d: {  	[tilespmem:s6], [sflag:$0x1] =	stream.linear.gather [hbm4b:s2+s6], $0x2000, $0x38;
	[tilespmem:$0x5080] =	vst v63  }
0x1e: {  	_ = 	snop  }
0x1f: {  	[tilespmem:s7], [sflag:$0x1] =	stream.linear.gather [hbm4b:s4+s6], $0x2000, $0x38;
	[tilespmem:$0x5080] =	vst v63  }
0x20: {  	_ =	swait.ge [sflag:s8], $0x2000  }
0x21: {  	[sflag:s8] =	ssyncset.done $0x0  }
0x22: {  	[sflag:s8] =	ssyncadd.s32 $0xFFFFE000  }
0x23: {  	_ =	swait.ge [sflag:s8], $0x2000  }
0x24: {  	[sflag:s8] =	ssyncset.done $0x0  }
0x25: {  	s13 =	simm.s32 $0x0;
	s14 =	simm.s32 $0x200;
	[sflag:s8] =	ssyncadd.s32 $0xFFFFE000  }
.LBB2_3:
0x26: {  	p0 =	sne.s32 s14, $0x3E00;
	[tilespmem:s13+$0x4070] =	vst v1  }
0x27: {  	[tilespmem:s13+$0x4000] =	vst v1  }
0x28: {  	[tilespmem:s13+$0x4010] =	vst v1  }
.Ltmp3:
0x29: {  	[tilespmem:s13+$0x4020] =	vst v1;
	(pc) =	sbr.rel @p0 .LBB2_3-.Ltmp3, $4  }
0x2a: {  	[tilespmem:s13+$0x4030] =	vst v1  }
0x2b: {  	[tilespmem:s13+$0x4040] =	vst v1  }
0x2c: {  	[tilespmem:s13+$0x4050] =	vst v1  }
0x2d: {  	[tilespmem:s13+$0x4060] =	vst v1;
	s13 =	sshra.s32 s14, $0x2;
	s14 =	sadd.s32 $0x200, s14  }
0x2e: {  	[tilespmem:s13+$0x4070] =	vst v1  }
0x2f: {  	[tilespmem:s13+$0x4000] =	vst v1  }
0x30: {  	[tilespmem:s13+$0x4010] =	vst v1  }
0x31: {  	[tilespmem:s13+$0x4020] =	vst v1  }
0x32: {  	[tilespmem:s13+$0x4030] =	vst v1  }
0x33: {  	[tilespmem:s13+$0x4040] =	vst v1  }
0x34: {  	[tilespmem:s13+$0x4050] =	vst v1  }
0x35: {  	s15 =	simm.s32 $0x0;
	[tilespmem:s13+$0x4060] =	vst v1;
	s16 =	simm.s32 $0x0  }
.LBB2_5:
0x36: {  	s13 =	sshra.s32 s16, $0x2  }
0x37: {  	v4 =	vld [tilespmem:s13+$0x0];
	_ =	sdelay $0x4  }
0x38: {  	v4 =	vshrl.u32 v4, $0x14  }
0x39: {  	v4 =	vand.u32 $0xFF0, v4  }
0x3a: {  	v4 =	vxor.u32 v2, v4;
	_ =	sdelay $0x4  }
0x3b: {  	[tilespmem:v4+s9+$0x0] =	vst.idx.add.s32.msk $0xffff, v3  }
0x3c: {  	v4 =	vld [tilespmem:s13+$0x10];
	_ =	sdelay $0x4  }
0x3d: {  	v4 =	vshrl.u32 v4, $0x14  }
0x3e: {  	v4 =	vand.u32 $0xFF0, v4  }
0x3f: {  	v4 =	vxor.u32 v2, v4;
	_ =	sdelay $0x4  }
0x40: {  	[tilespmem:v4+s9+$0x0] =	vst.idx.add.s32.msk $0xffff, v3  }
0x41: {  	v4 =	vld [tilespmem:s13+$0x20];
	_ =	sdelay $0x4  }
0x42: {  	v4 =	vshrl.u32 v4, $0x14  }
0x43: {  	v4 =	vand.u32 $0xFF0, v4  }
0x44: {  	v4 =	vxor.u32 v2, v4;
	_ =	sdelay $0x4  }
0x45: {  	[tilespmem:v4+s9+$0x0] =	vst.idx.add.s32.msk $0xffff, v3  }
0x46: {  	v4 =	vld [tilespmem:s13+$0x30];
	_ =	sdelay $0x4  }
0x47: {  	v4 =	vshrl.u32 v4, $0x14  }
0x48: {  	v4 =	vand.u32 $0xFF0, v4  }
0x49: {  	v4 =	vxor.u32 v2, v4;
	_ =	sdelay $0x4  }
0x4a: {  	[tilespmem:v4+s9+$0x0] =	vst.idx.add.s32.msk $0xffff, v3  }
0x4b: {  	v4 =	vld [tilespmem:s13+$0x40];
	_ =	sdelay $0x4  }
0x4c: {  	v4 =	vshrl.u32 v4, $0x14  }
0x4d: {  	v4 =	vand.u32 $0xFF0, v4  }
0x4e: {  	v4 =	vxor.u32 v2, v4;
	_ =	sdelay $0x4  }
0x4f: {  	[tilespmem:v4+s9+$0x0] =	vst.idx.add.s32.msk $0xffff, v3  }
0x50: {  	v4 =	vld [tilespmem:s13+$0x50];
	_ =	sdelay $0x4  }
0x51: {  	v4 =	vshrl.u32 v4, $0x14  }
0x52: {  	v4 =	vand.u32 $0xFF0, v4  }
0x53: {  	v4 =	vxor.u32 v2, v4;
	_ =	sdelay $0x4  }
0x54: {  	[tilespmem:v4+s9+$0x0] =	vst.idx.add.s32.msk $0xffff, v3  }
0x55: {  	v4 =	vld [tilespmem:s13+$0x60];
	_ =	sdelay $0x4  }
0x56: {  	v4 =	vshrl.u32 v4, $0x14  }
0x57: {  	v4 =	vand.u32 $0xFF0, v4  }
0x58: {  	v4 =	vxor.u32 v2, v4;
	_ =	sdelay $0x4  }
0x59: {  	[tilespmem:v4+s9+$0x0] =	vst.idx.add.s32.msk $0xffff, v3  }
0x5a: {  	v4 =	vld [tilespmem:s13+$0x70];
	_ =	sdelay $0x4  }
0x5b: {  	v4 =	vshrl.u32 v4, $0x14  }
0x5c: {  	v4 =	vand.u32 $0xFF0, v4  }
0x5d: {  	p0 =	sne.s32 s16, $0x7E00;
	v4 =	vxor.u32 v2, v4  }
.Ltmp4:
0x5e: {  	_ = 	snop;
	(pc) =	sbr.rel @p0 .LBB2_5-.Ltmp4, $2  }
0x5f: {  	_ =	sdelay $0x2  }
0x60: {  	s16 =	sadd.s32 $0x200, s16;
	s14 =	simm.s32 $0x4FF0;
	s13 =	simm.s32 $0xFF;
	[tilespmem:v4+s9+$0x0] =	vst.idx.add.s32.msk $0xffff, v3  }
0x61: {  	s17 =	simm.s32 $0x0;
	s16 =	simm.s32 $0x0  }
.LBB2_7:
0x62: {  	v4 =	vld [tilespmem:s14+$0x0];
	_ =	sdelay $0x2  }
0x63: {  	v5 =	vld [tilespmem:s14+$0xFFFFFFF0];
	_ =	sdelay $0x1  }
0x64: {  	(xrf0) =	vadd.scan.msk.s32 $0xffff, v4;
	_ =	sdelay $0x1  }
0x65: {  	v4 =	vld [tilespmem:s14+$0xFFFFFFE0]  }
0x66: {  	(xrf0) =	vadd.scan.msk.s32 $0xffff, v5;
	_ =	sdelay $0x2  }
0x67: {  	v6 =	vld [tilespmem:s14+$0xFFFFFFD0];
	v5, _, _ =	vpop (xrf0)  }
0x68: {  	(xrf0) =	vadd.scan.msk.s32 $0xffff, v4;
	(v2sf) =	vpush v5, $0xF;
	_ =	sdelay $0x1  }
0x69: {  	v4, _, _ =	vpop (xrf0)  }
0x6a: {  	(v2sf) =	vpush v4, $0xF  }
0x6b: {  	(xrf0) =	vadd.scan.msk.s32 $0xffff, v6;
	v4 =	vld [tilespmem:s14+$0xFFFFFFC0];
	_ =	sdelay $0x1  }
0x6c: {  	v5, _, _ =	vpop (xrf0)  }
0x6d: {  	(v2sf) =	vpush v5, $0xF;
	v5 =	vld [tilespmem:s14+$0xFFFFFFB0];
	_ =	sdelay $0x1  }
0x6e: {  	(xrf0) =	vadd.scan.msk.s32 $0xffff, v4  }
0x6f: {  	v4, _, _ =	vpop (xrf0)  }
0x70: {  	(v2sf) =	vpush v4, $0xF;
	v4 =	vld [tilespmem:s14+$0xFFFFFFA0]  }
0x71: {  	(xrf0) =	vadd.scan.msk.s32 $0xffff, v5;
	_ =	sdelay $0x2  }
0x72: {  	v5, _, _ =	vpop (xrf0);
	s18 =	spop (v2sf)  }
0x73: {  	(xrf0) =	vadd.scan.msk.s32 $0xffff, v4;
	(v2sf) =	vpush v5, $0xF;
	v5 =	vld [tilespmem:s14+$0xFFFFFF90];
	s18 =	sadd.s32 s17, s18  }
0x74: {  	p4 =	sgt.s32 s18, $0x7FF  }
0x75: {  	s19 =	spop (v2sf);
	v4, _, _ =	vpop (xrf0);
	s18 =	smov.u32 @p4 s17  }
0x76: {  	(v2sf) =	vpush v4, $0xF;
	v4 =	vld [tilespmem:s14+$0xFFFFFF80];
	s17 =	sadd.s32 s19, s18  }
0x77: {  	p0 =	sgt.s32 s17, $0x7FF  }
0x78: {  	(xrf0) =	vadd.scan.msk.s32 $0xffff, v5;
	s19 =	simm.s32 @!p0 $0x0  }
0x79: {  	v5, _, _ =	vpop (xrf0);
	s19 =	simm.s32 @p0 $0x1;
	p0 =	por p4, p0  }
0x7a: {  	s21 =	spop (v2sf);
	(v2sf) =	vpush v5, $0xF;
	v5 =	vld [tilespmem:s14+$0xFFFFFF70];
	s17 =	smov.u32 @p0 s18  }
0x7b: {  	(xrf0) =	vadd.scan.msk.s32 $0xffff, v4;
	s18 =	sadd.s32 s21, s17  }
0x7c: {  	p1 =	sgt.s32 s18, $0x7FF  }
0x7d: {  	p1 =	por p0, p1  }
0x7e: {  	s22 =	spop (v2sf);
	p2 =	slt.s32 s18, $0x800;
	v4, _, _ =	vpop (xrf0);
	s18 =	smov.u32 @p1 s17  }
0x7f: {  	(xrf0) =	vadd.scan.msk.s32 $0xffff, v5;
	(v2sf) =	vpush v4, $0xF;
	s17 =	sadd.s32 s22, s18  }
0x80: {  	[smem:$0x7F7] =	sst s19;
	s19 =	simm.s32 @!p2 $0x0;
	v4 =	vld [tilespmem:s14+$0xFFFFFF60];
	p6 =	sgt.s32 s17, $0x7FF  }
0x81: {  	s19 =	simm.s32 @p2 $0x1;
	v5, _, _ =	vpop (xrf0);
	p5 =	por p1, p6  }
0x82: {  	p3 =	slt.s32 s17, $0x800;
	s23 =	spop (v2sf);
	(v2sf) =	vpush v5, $0xF;
	s17 =	smov.u32 @p5 s18  }
0x83: {  	[smem:$0x7F8] =	sst s19;
	s19 =	simm.s32 @!p3 $0x0;
	s18 =	sadd.s32 s23, s17  }
0x84: {  	s20 =	sld [smem:$0x7F7];
	s19 =	simm.s32 @p3 $0x1;
	p3 =	sgt.s32 s18, $0x7FF  }
0x85: {  	s28 =	sld [smem:$0x7F8];
	(xrf0) =	vadd.scan.msk.s32 $0xffff, v4;
	v4, _, _ =	vpop (xrf0);
	p2 =	por p5, p3  }
0x86: {  	v5 =	vld [tilespmem:s14+$0xFFFFFF50];
	s24 =	spop (v2sf);
	(v2sf) =	vpush v4, $0xF;
	p3 =	slt.s32 s18, $0x800;
	s18 =	smov.u32 @p2 s17  }
0x87: {  	[smem:$0x7F9] =	sst s19;
	s19 =	simm.s32 @!p3 $0x0;
	s17 =	sadd.s32 s24, s18  }
0x88: {  	s29 =	sld [smem:$0x7F9];
	s19 =	simm.s32 @p3 $0x1;
	p6 =	sgt.s32 s17, $0x7FF  }
0x89: {  	s25 =	spop (v2sf);
	p3 =	por p2, p6;
	p6 =	slt.s32 s17, $0x800  }
0x8a: {  	v4 =	vld [tilespmem:s14+$0xFFFFFF40];
	[smem:$0x7FA] =	sst s19;
	s19 =	simm.s32 @!p6 $0x0;
	s17 =	smov.u32 @p3 s18  }
0x8b: {  	(xrf0) =	vadd.scan.msk.s32 $0xffff, v5;
	s18 =	sadd.s32 $0xFFFFFFFF, s13;
	s19 =	simm.s32 @p6 $0x1;
	p6 =	seq.s32 s20, $0x1  }
0x8c: {  	[smem:$0x7FB] =	sst s19;
	s19 =	sadd.s32 s25, s17;
	s15 =	smov.u32 @p6 s18  }
0x8d: {  	v5, _, _ =	vpop (xrf0);
	s31 =	sld [smem:$0x7FA];
	p6 =	sgt.s32 s19, $0x7FF;
	s15 =	smov.u32 @p4 s13  }
0x8e: {  	(v2sf) =	vpush v5, $0xF;
	v5 =	vld [tilespmem:s14+$0xFFFFFF30];
	s26 =	spop (v2sf);
	p4 =	por p3, p6;
	p6 =	slt.s32 s19, $0x800  }
0x8f: {  	(xrf0) =	vadd.scan.msk.s32 $0xffff, v4;
	s22 =	sld [smem:$0x7FB];
	s18 =	simm.s32 @!p6 $0x0;
	s19 =	smov.u32 @p4 s17  }
0x90: {  	s18 =	simm.s32 @p6 $0x1;
	p6 =	seq.s32 s28, $0x1;
	s17 =	sadd.s32 s26, s19  }
0x91: {  	v4, _, _ =	vpop (xrf0);
	s30 =	spop (v2sf);
	[smem:$0x7FC] =	sst s18;
	s18 =	sadd.s32 $0xFFFFFFFE, s13  }
0x92: {  	(v2sf) =	vpush v4, $0xF;
	v4 =	vld [tilespmem:s14+$0xFFFFFF20];
	s18 =	smov.u32 @p6 s15;
	p6 =	seq.s32 s29, $0x1;
	s23 =	sld [smem:$0x7FC]  }
0x93: {  	(xrf0) =	vadd.scan.msk.s32 $0xffff, v5;
	s18 =	smov.u32 @p0 s15;
	s15 =	sadd.s32 $0xFFFFFFFD, s13;
	p0 =	sgt.s32 s17, $0x7FF  }
0x94: {  	s15 =	smov.u32 @p6 s18;
	p0 =	por p4, p0;
	p6 =	slt.s32 s17, $0x800  }
0x95: {  	v5, _, _ =	vpop (xrf0);
	s21 =	spop (v2sf);
	s20 =	simm.s32 @!p6 $0x0;
	s17 =	smov.u32 @p0 s19  }
0x96: {  	(v2sf) =	vpush v5, $0xF;
	s15 =	smov.u32 @p1 s18;
	s18 =	sadd.s32 $0xFFFFFFFC, s13;
	p1 =	seq.s32 s31, $0x1  }
0x97: {  	v5 =	vld [tilespmem:s14+$0xFFFFFF10];
	(xrf0) =	vadd.scan.msk.s32 $0xffff, v4;
	s20 =	simm.s32 @p6 $0x1;
	s19 =	sadd.s32 s30, s17;
	s18 =	smov.u32 @p1 s15  }
0x98: {  	[smem:$0x7FD] =	sst s20;
	p6 =	sgt.s32 s19, $0x7FF;
	s18 =	smov.u32 @p5 s15  }
0x99: {  	v4, _, _ =	vpop (xrf0);
	s15 =	sadd.s32 $0xFFFFFFFB, s13;
	p5 =	seq.s32 s22, $0x1;
	p1 =	por p0, p6  }
0x9a: {  	(v2sf) =	vpush v4, $0xF;
	p6 =	slt.s32 s19, $0x800;
	s15 =	smov.u32 @p5 s18;
	s19 =	smov.u32 @p1 s17  }
0x9b: {  	p5 =	seq.s32 s23, $0x1;
	s25 =	sld [smem:$0x7FD];
	s17 =	sadd.s32 s21, s19  }
0x9c: {  	(xrf0) =	vadd.scan.msk.s32 $0xffff, v5;
	s15 =	smov.u32 @p2 s18;
	s18 =	sadd.s32 $0xFFFFFFFA, s13;
	p2 =	sgt.s32 s17, $0x7FF  }
0x9d: {  	v4, _, _ =	vpop (xrf0);
	s24 =	spop (v2sf);
	s18 =	smov.u32 @p5 s15;
	p2 =	por p1, p2  }
0x9e: {  	(v2sf) =	vpush v4, $0xF;
	p5 =	slt.s32 s17, $0x800;
	s18 =	smov.u32 @p3 s15;
	s17 =	smov.u32 @p2 s19  }
0x9f: {  	s15 =	sadd.s32 $0xFFFFFFF9, s13;
	p3 =	seq.s32 s25, $0x1;
	s19 =	sadd.s32 s24, s17  }
0xa0: {  	s15 =	smov.u32 @p3 s18;
	p3 =	sgt.s32 s19, $0x7FF  }
0xa1: {  	s26 =	spop (v2sf);
	s15 =	smov.u32 @p4 s18;
	p3 =	por p2, p3  }
0xa2: {  	v4, _, _ =	vpop (xrf0);
	s18 =	sadd.s32 $0xFFFFFFF8, s13;
	p4 =	slt.s32 s19, $0x800;
	s19 =	smov.u32 @p3 s17  }
0xa3: {  	(v2sf) =	vpush v4, $0xF;
	s18 =	smov.u32 @p6 s15;
	s17 =	sadd.s32 s26, s19  }
0xa4: {  	s18 =	smov.u32 @p0 s15;
	p6 =	sgt.s32 s17, $0x7FF  }
0xa5: {  	s15 =	sadd.s32 $0xFFFFFFF7, s13;
	s28 =	spop (v2sf);
	p0 =	por p3, p6  }
0xa6: {  	s15 =	smov.u32 @p5 s18;
	p5 =	slt.s32 s17, $0x800;
	s17 =	smov.u32 @p0 s19  }
0xa7: {  	s15 =	smov.u32 @p1 s18;
	s18 =	sadd.s32 $0xFFFFFFF6, s13;
	s19 =	sadd.s32 s28, s17  }
0xa8: {  	s18 =	smov.u32 @p4 s15;
	p4 =	sgt.s32 s19, $0x7FF  }
0xa9: {  	s18 =	smov.u32 @p2 s15;
	s29 =	spop (v2sf);
	p1 =	por p0, p4  }
0xaa: {  	p2 =	slt.s32 s19, $0x800;
	s19 =	smov.u32 @p1 s17;
	s17 =	sadd.s32 $0xFFFFFFF5, s13  }
0xab: {  	s20 =	sadd.s32 $0xFFFFFFF3, s13;
	s17 =	smov.u32 @p5 s18;
	s15 =	sadd.s32 s29, s19  }
0xac: {  	s17 =	smov.u32 @p3 s18;
	s18 =	sadd.s32 $0xFFFFFFF4, s13;
	p6 =	sgt.s32 s15, $0x7FF  }
0xad: {  	s30 =	spop (v2sf);
	s18 =	smov.u32 @p2 s17;
	p2 =	por p1, p6  }
0xae: {  	p4 =	slt.s32 s15, $0x800;
	s15 =	smov.u32 @p2 s19;
	s18 =	smov.u32 @p0 s17  }
0xaf: {  	s19 =	sadd.s32 s30, s15;
	s20 =	smov.u32 @p4 s18  }
0xb0: {  	p5 =	sgt.s32 s19, $0x7FF;
	s20 =	smov.u32 @p1 s18  }
0xb1: {  	p1 =	slt.s32 s19, $0x800;
	s18 =	sadd.s32 $0xFFFFFFF2, s13;
	p3 =	por p2, p5  }
0xb2: {  	s31 =	spop (v2sf);
	s18 =	smov.u32 @p1 s20;
	s19 =	smov.u32 @p3 s15  }
0xb3: {  	s18 =	smov.u32 @p2 s20;
	s17 =	sadd.s32 s31, s19  }
0xb4: {  	s15 =	sadd.s32 $0xFFFFFFF1, s13;
	p0 =	slt.s32 s17, $0x800;
	p6 =	sgt.s32 s17, $0x7FF  }
0xb5: {  	s15 =	smov.u32 @p0 s18;
	p1 =	por p3, p6;
	p0 =	sgt.u32 s16, $0xE  }
0xb6: {  	p2 =	por p0, p1  }
.Ltmp5:
0xb7: {  	_ = 	snop;
	(pc) =	sbr.rel @!p2 .LBB2_7-.Ltmp5, $3  }
0xb8: {  	_ =	sdelay $0x1  }
0xb9: {  	s14 =	sadd.s32 $0xFFFFFF00, s14;
	s13 =	sadd.s32 $0xFFFFFFF0, s13  }
0xba: {  	s16 =	sadd.s32 $0x1, s16;
	s15 =	smov.u32 @p3 s18;
	s17 =	smov.u32 @p1 s19  }
0xbb: {  	s14 =	simm.s32 $0x0  }
0xbc: {  	s14 =	simm.s32 @p0 $0x0  }
0xbd: {  	p0 =	seq.s32 s14, $0x3E00  }
.Ltmp6:
0xbe: {  	_ = 	snop;
	(pc) =	sbr.rel @p0 .LBB2_10-.Ltmp6, $2  }
0xbf: {  	_ =	sdelay $0x2  }
0xc0: {  	s13 =	sshra.s32 s14, $0x2;
	s14 =	sadd.s32 $0x200, s14  }
.LBB2_9:
0xc1: {  	p0 =	seq.s32 s14, $0x3E00;
	[tilespmem:s13+$0x4070] =	vst v1  }
0xc2: {  	[tilespmem:s13+$0x4000] =	vst v1  }
0xc3: {  	[tilespmem:s13+$0x4010] =	vst v1  }
.Ltmp7:
0xc4: {  	[tilespmem:s13+$0x4020] =	vst v1;
	(pc) =	sbr.rel @!p0 .LBB2_9-.Ltmp7, $4  }
0xc5: {  	[tilespmem:s13+$0x4030] =	vst v1  }
0xc6: {  	[tilespmem:s13+$0x4040] =	vst v1  }
0xc7: {  	[tilespmem:s13+$0x4050] =	vst v1  }
0xc8: {  	[tilespmem:s13+$0x4060] =	vst v1;
	s13 =	sshra.s32 s14, $0x2;
	s14 =	sadd.s32 $0x200, s14  }
.LBB2_10:
0xc9: {  	[tilespmem:s13+$0x4070] =	vst v1  }
0xca: {  	[tilespmem:s13+$0x4000] =	vst v1  }
0xcb: {  	[tilespmem:s13+$0x4010] =	vst v1  }
0xcc: {  	[tilespmem:s13+$0x4020] =	vst v1  }
0xcd: {  	[tilespmem:s13+$0x4030] =	vst v1  }
0xce: {  	[tilespmem:s13+$0x4040] =	vst v1  }
0xcf: {  	[tilespmem:s13+$0x4050] =	vst v1  }
0xd0: {  	[tilespmem:s13+$0x4060] =	vst v1;
	s13 =	sshll.u32 s15, $0x18  }
0xd1: {  	s14 =	simm.s32 $0x0;
	v4 =	vmov s13  }
.LBB2_11:
0xd2: {  	s15 =	sshra.s32 s14, $0x2  }
0xd3: {  	v5 =	vld [tilespmem:s15+$0x0];
	_ =	sdelay $0x4  }
0xd4: {  	v6 =	vand.u32 $0xFF000000, v5  }
0xd5: {  	v5 =	vshrl.u32 v5, $0xC;
	v6 =	vxor.u32 v4, v6  }
0xd6: {  	v5 =	vand.u32 $0xFF0, v5;
	vm0 =	veq.s32 v6, $0x80000000  }
0xd7: {  	v5 =	vor.u32 v0, v5;
	_ =	sdelay $0x4  }
0xd8: {  	[tilespmem:v5+s9+$0x0] =	vst.idx.add.s32.msk vm0, v3  }
0xd9: {  	v5 =	vld [tilespmem:s15+$0x10];
	_ =	sdelay $0x4  }
0xda: {  	v6 =	vand.u32 $0xFF000000, v5  }
0xdb: {  	v5 =	vshrl.u32 v5, $0xC;
	v6 =	vxor.u32 v4, v6  }
0xdc: {  	v5 =	vand.u32 $0xFF0, v5;
	vm9 =	veq.s32 v6, $0x80000000  }
0xdd: {  	v5 =	vor.u32 v0, v5;
	_ =	sdelay $0x4  }
0xde: {  	[tilespmem:v5+s9+$0x0] =	vst.idx.add.s32.msk vm9, v3  }
0xdf: {  	v5 =	vld [tilespmem:s15+$0x20];
	_ =	sdelay $0x4  }
0xe0: {  	v6 =	vand.u32 $0xFF000000, v5  }
0xe1: {  	v5 =	vshrl.u32 v5, $0xC;
	v6 =	vxor.u32 v4, v6  }
0xe2: {  	v5 =	vand.u32 $0xFF0, v5;
	vm10 =	veq.s32 v6, $0x80000000  }
0xe3: {  	v5 =	vor.u32 v0, v5;
	_ =	sdelay $0x4  }
0xe4: {  	[tilespmem:v5+s9+$0x0] =	vst.idx.add.s32.msk vm10, v3  }
0xe5: {  	v5 =	vld [tilespmem:s15+$0x30];
	_ =	sdelay $0x4  }
0xe6: {  	v6 =	vand.u32 $0xFF000000, v5  }
0xe7: {  	v5 =	vshrl.u32 v5, $0xC;
	v6 =	vxor.u32 v4, v6  }
0xe8: {  	v5 =	vand.u32 $0xFF0, v5;
	vm11 =	veq.s32 v6, $0x80000000  }
0xe9: {  	v5 =	vor.u32 v0, v5;
	_ =	sdelay $0x4  }
0xea: {  	[tilespmem:v5+s9+$0x0] =	vst.idx.add.s32.msk vm11, v3  }
0xeb: {  	v5 =	vld [tilespmem:s15+$0x40];
	_ =	sdelay $0x4  }
0xec: {  	v6 =	vand.u32 $0xFF000000, v5  }
0xed: {  	v5 =	vshrl.u32 v5, $0xC;
	v6 =	vxor.u32 v4, v6  }
0xee: {  	v5 =	vand.u32 $0xFF0, v5;
	vm12 =	veq.s32 v6, $0x80000000  }
0xef: {  	v5 =	vor.u32 v0, v5;
	_ =	sdelay $0x4  }
0xf0: {  	[tilespmem:v5+s9+$0x0] =	vst.idx.add.s32.msk vm12, v3  }
0xf1: {  	v5 =	vld [tilespmem:s15+$0x50];
	_ =	sdelay $0x4  }
0xf2: {  	v6 =	vand.u32 $0xFF000000, v5  }
0xf3: {  	v5 =	vshrl.u32 v5, $0xC;
	v6 =	vxor.u32 v4, v6  }
0xf4: {  	v5 =	vand.u32 $0xFF0, v5;
	vm13 =	veq.s32 v6, $0x80000000  }
0xf5: {  	v5 =	vor.u32 v0, v5;
	_ =	sdelay $0x4  }
0xf6: {  	[tilespmem:v5+s9+$0x0] =	vst.idx.add.s32.msk vm13, v3  }
0xf7: {  	v5 =	vld [tilespmem:s15+$0x60];
	_ =	sdelay $0x4  }
0xf8: {  	v6 =	vand.u32 $0xFF000000, v5  }
0xf9: {  	v5 =	vshrl.u32 v5, $0xC;
	v6 =	vxor.u32 v4, v6  }
0xfa: {  	v5 =	vand.u32 $0xFF0, v5;
	vm14 =	veq.s32 v6, $0x80000000  }
0xfb: {  	v5 =	vor.u32 v0, v5;
	_ =	sdelay $0x4  }
0xfc: {  	[tilespmem:v5+s9+$0x0] =	vst.idx.add.s32.msk vm14, v3  }
0xfd: {  	v5 =	vld [tilespmem:s15+$0x70];
	_ =	sdelay $0x4  }
0xfe: {  	v6 =	vand.u32 $0xFF000000, v5  }
0xff: {  	v5 =	vshrl.u32 v5, $0xC;
	v6 =	vxor.u32 v4, v6  }
0x100: {  	v5 =	vand.u32 $0xFF0, v5;
	vm15 =	veq.s32 v6, $0x80000000  }
0x101: {  	p0 =	sne.s32 s14, $0x7E00;
	v5 =	vor.u32 v0, v5  }
.Ltmp8:
0x102: {  	_ = 	snop;
	(pc) =	sbr.rel @p0 .LBB2_11-.Ltmp8, $2  }
0x103: {  	_ =	sdelay $0x2  }
0x104: {  	s14 =	sadd.s32 $0x200, s14;
	[tilespmem:v5+s9+$0x0] =	vst.idx.add.s32.msk vm15, v3  }
0x105: {  	s14 =	ssub.s32 $0x800, s17;
	s19 =	simm.s32 $0x0;
	s15 =	simm.s32 $0xFF  }
0x106: {  	s16 =	simm.s32 $0x4FF0;
	s18 =	simm.s32 $0x0;
	s17 =	simm.s32 $0x0  }
.LBB2_13:
0x107: {  	v4 =	vld [tilespmem:s16+$0x0];
	_ =	sdelay $0x2  }
0x108: {  	v5 =	vld [tilespmem:s16+$0xFFFFFFF0];
	_ =	sdelay $0x1  }
0x109: {  	(xrf0) =	vadd.scan.msk.s32 $0xffff, v4;
	_ =	sdelay $0x2  }
0x10a: {  	v4 =	vld [tilespmem:s16+$0xFFFFFFE0];
	(xrf0) =	vadd.scan.msk.s32 $0xffff, v5;
	_ =	sdelay $0x2  }
0x10b: {  	v5, _, _ =	vpop (xrf0)  }
0x10c: {  	(v2sf) =	vpush v5, $0xF;
	v5 =	vld [tilespmem:s16+$0xFFFFFFD0]  }
0x10d: {  	(xrf0) =	vadd.scan.msk.s32 $0xffff, v4  }
0x10e: {  	v4, _, _ =	vpop (xrf0)  }
0x10f: {  	(v2sf) =	vpush v4, $0xF  }
0x110: {  	v4 =	vld [tilespmem:s16+$0xFFFFFFC0]  }
0x111: {  	(xrf0) =	vadd.scan.msk.s32 $0xffff, v5;
	_ =	sdelay $0x1  }
0x112: {  	v5, _, _ =	vpop (xrf0)  }
0x113: {  	(v2sf) =	vpush v5, $0xF;
	v5 =	vld [tilespmem:s16+$0xFFFFFFB0]  }
0x114: {  	(xrf0) =	vadd.scan.msk.s32 $0xffff, v4;
	_ =	sdelay $0x1  }
0x115: {  	v4, _, _ =	vpop (xrf0)  }
0x116: {  	(v2sf) =	vpush v4, $0xF  }
0x117: {  	(xrf0) =	vadd.scan.msk.s32 $0xffff, v5;
	v4 =	vld [tilespmem:s16+$0xFFFFFFA0];
	_ =	sdelay $0x1  }
0x118: {  	v5, _, _ =	vpop (xrf0);
	s20 =	spop (v2sf)  }
0x119: {  	(v2sf) =	vpush v5, $0xF;
	v5 =	vld [tilespmem:s16+$0xFFFFFF90];
	s20 =	sadd.s32 s18, s20  }
0x11a: {  	p5 =	slt.s32 s20, s14  }
0x11b: {  	s21 =	spop (v2sf);
	(xrf0) =	vadd.scan.msk.s32 $0xffff, v4;
	s18 =	smov.u32 @p5 s20  }
0x11c: {  	v4, _, _ =	vpop (xrf0);
	s20 =	sadd.s32 s21, s18  }
0x11d: {  	(v2sf) =	vpush v4, $0xF;
	v4 =	vld [tilespmem:s16+$0xFFFFFF80];
	p1 =	slt.s32 s20, s14  }
0x11e: {  	(xrf0) =	vadd.scan.msk.s32 $0xffff, v5;
	p0 =	por !p5, !p1  }
0x11f: {  	p2 =	por !p0, !p0  }
0x120: {  	s30 =	spop (v2sf);
	s18 =	smov.u32 @p2 s20  }
0x121: {  	s21 =	simm.s32 @!p2 $0x0;
	v5, _, _ =	vpop (xrf0);
	s20 =	sadd.s32 s30, s18  }
0x122: {  	(xrf0) =	vadd.scan.msk.s32 $0xffff, v4;
	s21 =	simm.s32 @p2 $0x1;
	(v2sf) =	vpush v5, $0xF;
	p2 =	sge.s32 s20, s14  }
0x123: {  	v5 =	vld [tilespmem:s16+$0xFFFFFF70];
	p0 =	por p2, p0  }
0x124: {  	v4, _, _ =	vpop (xrf0);
	s31 =	spop (v2sf);
	s20 =	smov.u32 @p0 s18  }
0x125: {  	(v2sf) =	vpush v4, $0xF;
	s18 =	sadd.s32 s31, s20  }
0x126: {  	[smem:$0x7F1] =	sst s21;
	s21 =	simm.s32 @!p2 $0x0;
	p6 =	sge.s32 s18, s14  }
0x127: {  	s21 =	simm.s32 @p2 $0x1;
	p4 =	por p0, p6  }
0x128: {  	(xrf0) =	vadd.scan.msk.s32 $0xffff, v5;
	p3 =	slt.s32 s18, s14;
	v5, _, _ =	vpop (xrf0);
	s22 =	spop (v2sf);
	s18 =	smov.u32 @p4 s20  }
0x129: {  	v4 =	vld [tilespmem:s16+$0xFFFFFF60];
	[smem:$0x7F0] =	sst s21;
	s21 =	simm.s32 @!p3 $0x0;
	(v2sf) =	vpush v5, $0xF;
	s20 =	sadd.s32 s22, s18  }
0x12a: {  	s25 =	sld [smem:$0x7F1];
	s21 =	simm.s32 @p3 $0x1;
	p3 =	sge.s32 s20, s14  }
0x12b: {  	[smem:$0x7F2] =	sst s21;
	p2 =	por p4, p3  }
0x12c: {  	s23 =	spop (v2sf);
	p3 =	slt.s32 s20, s14;
	s20 =	smov.u32 @p2 s18  }
0x12d: {  	s26 =	sld [smem:$0x7F2];
	s21 =	simm.s32 @!p3 $0x0;
	s18 =	sadd.s32 s23, s20  }
0x12e: {  	v5 =	vld [tilespmem:s16+$0xFFFFFF50];
	(xrf0) =	vadd.scan.msk.s32 $0xffff, v4;
	s21 =	simm.s32 @p3 $0x1;
	s23 =	sld [smem:$0x7F0];
	p6 =	sge.s32 s18, s14  }
0x12f: {  	[smem:$0x7F3] =	sst s21;
	p3 =	por p2, p6;
	p6 =	slt.s32 s18, s14  }
0x130: {  	v4, _, _ =	vpop (xrf0);
	s29 =	sld [smem:$0x7F3];
	s21 =	simm.s32 @!p6 $0x0  }
0x131: {  	(v2sf) =	vpush v4, $0xF;
	s24 =	spop (v2sf);
	s18 =	smov.u32 @p3 s20;
	s20 =	sadd.s32 $0xFFFFFFFF, s15  }
0x132: {  	v4 =	vld [tilespmem:s16+$0xFFFFFF40];
	s21 =	simm.s32 @p6 $0x1;
	s20 =	smov.u32 @p1 s19;
	s19 =	smov.u32 s15  }
0x133: {  	(xrf0) =	vadd.scan.msk.s32 $0xffff, v5;
	[smem:$0x7F4] =	sst s21;
	s21 =	sadd.s32 s24, s18;
	s19 =	smov.u32 @p5 s20  }
0x134: {  	v5, _, _ =	vpop (xrf0);
	p6 =	sge.s32 s21, s14;
	p1 =	slt.s32 s21, s14;
	s22 =	spop (v2sf)  }
0x135: {  	(v2sf) =	vpush v5, $0xF;
	v5 =	vld [tilespmem:s16+$0xFFFFFF30];
	s31 =	sld [smem:$0x7F4];
	p5 =	por p3, p6;
	s20 =	simm.s32 @!p1 $0x0  }
0x136: {  	s20 =	simm.s32 @p1 $0x1;
	s21 =	smov.u32 @p5 s18;
	s18 =	smov.u32 s19  }
0x137: {  	(xrf0) =	vadd.scan.msk.s32 $0xffff, v4;
	p1 =	seq.s32 s23, $0x1;
	[smem:$0x7F5] =	sst s20;
	s20 =	sadd.s32 $0xFFFFFFFE, s15  }
0x138: {  	p6 =	seq.s32 s26, $0x1;
	s28 =	spop (v2sf);
	s18 =	smov.u32 @p1 s20  }
0x139: {  	v4, _, _ =	vpop (xrf0);
	s20 =	sadd.s32 s22, s21;
	p1 =	seq.s32 s25, $0x1;
	s23 =	sld [smem:$0x7F5]  }
0x13a: {  	(v2sf) =	vpush v4, $0xF;
	v4 =	vld [tilespmem:s16+$0xFFFFFF20];
	(xrf0) =	vadd.scan.msk.s32 $0xffff, v5;
	s19 =	smov.u32 @p1 s18;
	s18 =	sadd.s32 $0xFFFFFFFD, s15;
	p1 =	sge.s32 s20, s14  }
0x13b: {  	s18 =	smov.u32 @p6 s19;
	p1 =	por p5, p1;
	p6 =	slt.s32 s20, s14  }
0x13c: {  	s22 =	simm.s32 @!p6 $0x0;
	s20 =	smov.u32 @p1 s21;
	s18 =	smov.u32 @p0 s19  }
0x13d: {  	v5, _, _ =	vpop (xrf0);
	s19 =	sadd.s32 $0xFFFFFFFC, s15;
	p0 =	seq.s32 s29, $0x1;
	s22 =	simm.s32 @p6 $0x1  }
0x13e: {  	(v2sf) =	vpush v5, $0xF;
	v5 =	vld [tilespmem:s16+$0xFFFFFF10];
	s21 =	sadd.s32 s28, s20;
	s19 =	smov.u32 @p0 s18;
	[smem:$0x7F6] =	sst s22  }
0x13f: {  	(xrf0) =	vadd.scan.msk.s32 $0xffff, v4;
	p6 =	sge.s32 s21, s14;
	s19 =	smov.u32 @p4 s18;
	s18 =	sadd.s32 $0xFFFFFFFB, s15  }
0x140: {  	v4, _, _ =	vpop (xrf0);
	s30 =	spop (v2sf);
	p4 =	seq.s32 s31, $0x1;
	p0 =	por p1, p6  }
0x141: {  	(v2sf) =	vpush v4, $0xF;
	p6 =	slt.s32 s21, s14;
	s18 =	smov.u32 @p4 s19;
	s21 =	smov.u32 @p0 s20  }
0x142: {  	p4 =	seq.s32 s23, $0x1;
	s25 =	sld [smem:$0x7F6];
	s20 =	sadd.s32 s30, s21  }
0x143: {  	s18 =	smov.u32 @p2 s19;
	s19 =	sadd.s32 $0xFFFFFFFA, s15;
	(xrf0) =	vadd.scan.msk.s32 $0xffff, v5;
	p2 =	sge.s32 s20, s14  }
0x144: {  	s19 =	smov.u32 @p4 s18;
	s24 =	spop (v2sf);
	p2 =	por p0, p2  }
0x145: {  	v4, _, _ =	vpop (xrf0);
	p4 =	slt.s32 s20, s14;
	s19 =	smov.u32 @p3 s18;
	s20 =	smov.u32 @p2 s21  }
0x146: {  	(v2sf) =	vpush v4, $0xF;
	s18 =	sadd.s32 $0xFFFFFFF9, s15;
	p3 =	seq.s32 s25, $0x1;
	s21 =	sadd.s32 s24, s20  }
0x147: {  	s18 =	smov.u32 @p3 s19;
	p3 =	sge.s32 s21, s14  }
0x148: {  	s18 =	smov.u32 @p5 s19;
	s19 =	sadd.s32 $0xFFFFFFF8, s15;
	p3 =	por p2, p3  }
0x149: {  	s26 =	spop (v2sf);
	p5 =	slt.s32 s21, s14;
	v4, _, _ =	vpop (xrf0);
	s21 =	smov.u32 @p3 s20  }
0x14a: {  	s19 =	smov.u32 @p6 s18;
	(v2sf) =	vpush v4, $0xF;
	s20 =	sadd.s32 s26, s21  }
0x14b: {  	s19 =	smov.u32 @p1 s18;
	s18 =	sadd.s32 $0xFFFFFFF7, s15;
	p6 =	sge.s32 s20, s14  }
0x14c: {  	s18 =	smov.u32 @p4 s19;
	p1 =	por p3, p6  }
0x14d: {  	p4 =	slt.s32 s20, s14;
	s28 =	spop (v2sf);
	s20 =	smov.u32 @p1 s21  }
0x14e: {  	s18 =	smov.u32 @p0 s19;
	s19 =	sadd.s32 $0xFFFFFFF6, s15;
	s21 =	sadd.s32 s28, s20  }
0x14f: {  	s19 =	smov.u32 @p5 s18;
	p5 =	sge.s32 s21, s14  }
0x150: {  	s19 =	smov.u32 @p2 s18;
	s29 =	spop (v2sf);
	p0 =	por p1, p5  }
0x151: {  	p2 =	slt.s32 s21, s14;
	s21 =	smov.u32 @p0 s20;
	s20 =	sadd.s32 $0xFFFFFFF5, s15  }
0x152: {  	s20 =	smov.u32 @p4 s19;
	s18 =	sadd.s32 s29, s21  }
0x153: {  	s20 =	smov.u32 @p3 s19;
	s19 =	sadd.s32 $0xFFFFFFF4, s15;
	p6 =	sge.s32 s18, s14  }
0x154: {  	s19 =	smov.u32 @p2 s20;
	p2 =	por p0, p6  }
0x155: {  	s30 =	spop (v2sf);
	p4 =	slt.s32 s18, s14;
	s18 =	smov.u32 @p2 s21  }
0x156: {  	s19 =	smov.u32 @p1 s20;
	s20 =	sadd.s32 $0xFFFFFFF3, s15;
	s21 =	sadd.s32 s30, s18  }
0x157: {  	s20 =	smov.u32 @p4 s19;
	p5 =	sge.s32 s21, s14  }
0x158: {  	s22 =	sadd.s32 $0xFFFFFFF2, s15;
	s20 =	smov.u32 @p0 s19;
	p1 =	por p2, p5  }
0x159: {  	p0 =	slt.s32 s21, s14;
	s31 =	spop (v2sf);
	s21 =	smov.u32 @p1 s18  }
0x15a: {  	s19 =	sadd.s32 $0xFFFFFFF1, s15;
	s22 =	smov.u32 @p0 s20;
	s18 =	sadd.s32 s31, s21  }
0x15b: {  	s22 =	smov.u32 @p2 s20;
	p0 =	slt.s32 s18, s14;
	p6 =	sge.s32 s18, s14  }
0x15c: {  	s19 =	smov.u32 @p0 s22;
	p2 =	por p1, p6;
	p0 =	sgt.u32 s17, $0xE  }
0x15d: {  	s19 =	smov.u32 @p1 s22;
	p1 =	por p0, p2  }
.Ltmp9:
0x15e: {  	_ = 	snop;
	(pc) =	sbr.rel @!p1 .LBB2_13-.Ltmp9, $3  }
0x15f: {  	_ =	sdelay $0x1  }
0x160: {  	s16 =	sadd.s32 $0xFFFFFF00, s16  }
0x161: {  	s15 =	sadd.s32 $0xFFFFFFF0, s15;
	s17 =	sadd.s32 $0x1, s17;
	s18 =	smov.u32 @p2 s21  }
0x162: {  	s16 =	simm.s32 $0x0  }
0x163: {  	s16 =	simm.s32 @p0 $0x0  }
0x164: {  	p0 =	seq.s32 s16, $0x3E00  }
.Ltmp10:
0x165: {  	_ = 	snop;
	(pc) =	sbr.rel @p0 .LBB2_16-.Ltmp10, $2  }
0x166: {  	_ =	sdelay $0x2  }
0x167: {  	s15 =	sshra.s32 s16, $0x2;
	s16 =	sadd.s32 $0x200, s16  }
.LBB2_15:
0x168: {  	p0 =	seq.s32 s16, $0x3E00;
	[tilespmem:s15+$0x4070] =	vst v1  }
0x169: {  	[tilespmem:s15+$0x4000] =	vst v1  }
0x16a: {  	[tilespmem:s15+$0x4010] =	vst v1  }
.Ltmp11:
0x16b: {  	[tilespmem:s15+$0x4020] =	vst v1;
	(pc) =	sbr.rel @!p0 .LBB2_15-.Ltmp11, $4  }
0x16c: {  	[tilespmem:s15+$0x4030] =	vst v1  }
0x16d: {  	[tilespmem:s15+$0x4040] =	vst v1  }
0x16e: {  	[tilespmem:s15+$0x4050] =	vst v1  }
0x16f: {  	[tilespmem:s15+$0x4060] =	vst v1;
	s15 =	sshra.s32 s16, $0x2;
	s16 =	sadd.s32 $0x200, s16  }
.LBB2_16:
0x170: {  	[tilespmem:s15+$0x4070] =	vst v1  }
0x171: {  	[tilespmem:s15+$0x4000] =	vst v1  }
0x172: {  	[tilespmem:s15+$0x4010] =	vst v1  }
0x173: {  	[tilespmem:s15+$0x4020] =	vst v1  }
0x174: {  	[tilespmem:s15+$0x4030] =	vst v1  }
0x175: {  	[tilespmem:s15+$0x4040] =	vst v1;
	s31 =	sshll.u32 s19, $0x10  }
0x176: {  	[tilespmem:s15+$0x4050] =	vst v1;
	s13 =	sor.u32 s13, s31  }
0x177: {  	[tilespmem:s15+$0x4060] =	vst v1;
	s15 =	simm.s32 $0x0;
	v4 =	vmov s13  }
.LBB2_17:
0x178: {  	s16 =	sshra.s32 s15, $0x2  }
0x179: {  	v5 =	vld [tilespmem:s16+$0x0];
	_ =	sdelay $0x4  }
0x17a: {  	v6 =	vand.u32 $0xFFFF0000, v5  }
0x17b: {  	v5 =	vshrl.u32 v5, $0x4;
	v6 =	vxor.u32 v4, v6  }
0x17c: {  	v5 =	vand.u32 $0xFF0, v5;
	vm0 =	veq.s32 v6, $0x80000000  }
0x17d: {  	v5 =	vor.u32 v0, v5;
	_ =	sdelay $0x4  }
0x17e: {  	[tilespmem:v5+s9+$0x0] =	vst.idx.add.s32.msk vm0, v3  }
0x17f: {  	v5 =	vld [tilespmem:s16+$0x10];
	_ =	sdelay $0x4  }
0x180: {  	v6 =	vand.u32 $0xFFFF0000, v5  }
0x181: {  	v5 =	vshrl.u32 v5, $0x4;
	v6 =	vxor.u32 v4, v6  }
0x182: {  	v5 =	vand.u32 $0xFF0, v5;
	vm9 =	veq.s32 v6, $0x80000000  }
0x183: {  	v5 =	vor.u32 v0, v5;
	_ =	sdelay $0x4  }
0x184: {  	[tilespmem:v5+s9+$0x0] =	vst.idx.add.s32.msk vm9, v3  }
0x185: {  	v5 =	vld [tilespmem:s16+$0x20];
	_ =	sdelay $0x4  }
0x186: {  	v6 =	vand.u32 $0xFFFF0000, v5  }
0x187: {  	v5 =	vshrl.u32 v5, $0x4;
	v6 =	vxor.u32 v4, v6  }
0x188: {  	v5 =	vand.u32 $0xFF0, v5;
	vm10 =	veq.s32 v6, $0x80000000  }
0x189: {  	v5 =	vor.u32 v0, v5;
	_ =	sdelay $0x4  }
0x18a: {  	[tilespmem:v5+s9+$0x0] =	vst.idx.add.s32.msk vm10, v3  }
0x18b: {  	v5 =	vld [tilespmem:s16+$0x30];
	_ =	sdelay $0x4  }
0x18c: {  	v6 =	vand.u32 $0xFFFF0000, v5  }
0x18d: {  	v5 =	vshrl.u32 v5, $0x4;
	v6 =	vxor.u32 v4, v6  }
0x18e: {  	v5 =	vand.u32 $0xFF0, v5;
	vm11 =	veq.s32 v6, $0x80000000  }
0x18f: {  	v5 =	vor.u32 v0, v5;
	_ =	sdelay $0x4  }
0x190: {  	[tilespmem:v5+s9+$0x0] =	vst.idx.add.s32.msk vm11, v3  }
0x191: {  	v5 =	vld [tilespmem:s16+$0x40];
	_ =	sdelay $0x4  }
0x192: {  	v6 =	vand.u32 $0xFFFF0000, v5  }
0x193: {  	v5 =	vshrl.u32 v5, $0x4;
	v6 =	vxor.u32 v4, v6  }
0x194: {  	v5 =	vand.u32 $0xFF0, v5;
	vm12 =	veq.s32 v6, $0x80000000  }
0x195: {  	v5 =	vor.u32 v0, v5;
	_ =	sdelay $0x4  }
0x196: {  	[tilespmem:v5+s9+$0x0] =	vst.idx.add.s32.msk vm12, v3  }
0x197: {  	v5 =	vld [tilespmem:s16+$0x50];
	_ =	sdelay $0x4  }
0x198: {  	v6 =	vand.u32 $0xFFFF0000, v5  }
0x199: {  	v5 =	vshrl.u32 v5, $0x4;
	v6 =	vxor.u32 v4, v6  }
0x19a: {  	v5 =	vand.u32 $0xFF0, v5;
	vm13 =	veq.s32 v6, $0x80000000  }
0x19b: {  	v5 =	vor.u32 v0, v5;
	_ =	sdelay $0x4  }
0x19c: {  	[tilespmem:v5+s9+$0x0] =	vst.idx.add.s32.msk vm13, v3  }
0x19d: {  	v5 =	vld [tilespmem:s16+$0x60];
	_ =	sdelay $0x4  }
0x19e: {  	v6 =	vand.u32 $0xFFFF0000, v5  }
0x19f: {  	v5 =	vshrl.u32 v5, $0x4;
	v6 =	vxor.u32 v4, v6  }
0x1a0: {  	v5 =	vand.u32 $0xFF0, v5;
	vm14 =	veq.s32 v6, $0x80000000  }
0x1a1: {  	v5 =	vor.u32 v0, v5;
	_ =	sdelay $0x4  }
0x1a2: {  	[tilespmem:v5+s9+$0x0] =	vst.idx.add.s32.msk vm14, v3  }
0x1a3: {  	v5 =	vld [tilespmem:s16+$0x70];
	_ =	sdelay $0x4  }
0x1a4: {  	v6 =	vand.u32 $0xFFFF0000, v5  }
0x1a5: {  	v5 =	vshrl.u32 v5, $0x4;
	v6 =	vxor.u32 v4, v6  }
0x1a6: {  	v5 =	vand.u32 $0xFF0, v5;
	vm15 =	veq.s32 v6, $0x80000000  }
0x1a7: {  	p0 =	sne.s32 s15, $0x7E00;
	v5 =	vor.u32 v0, v5  }
.Ltmp12:
0x1a8: {  	_ = 	snop;
	(pc) =	sbr.rel @p0 .LBB2_17-.Ltmp12, $2  }
0x1a9: {  	_ =	sdelay $0x2  }
0x1aa: {  	s15 =	sadd.s32 $0x200, s15;
	[tilespmem:v5+s9+$0x0] =	vst.idx.add.s32.msk vm15, v3  }
0x1ab: {  	s14 =	ssub.s32 s14, s18;
	s19 =	simm.s32 $0x0;
	s15 =	simm.s32 $0xFF  }
0x1ac: {  	s16 =	simm.s32 $0x4FF0;
	s18 =	simm.s32 $0x0;
	s17 =	simm.s32 $0x0  }
.LBB2_19:
0x1ad: {  	v4 =	vld [tilespmem:s16+$0x0];
	_ =	sdelay $0x2  }
0x1ae: {  	v5 =	vld [tilespmem:s16+$0xFFFFFFF0];
	_ =	sdelay $0x1  }
0x1af: {  	(xrf0) =	vadd.scan.msk.s32 $0xffff, v4;
	_ =	sdelay $0x2  }
0x1b0: {  	v4 =	vld [tilespmem:s16+$0xFFFFFFE0];
	(xrf0) =	vadd.scan.msk.s32 $0xffff, v5;
	_ =	sdelay $0x2  }
0x1b1: {  	v5, _, _ =	vpop (xrf0)  }
0x1b2: {  	(v2sf) =	vpush v5, $0xF;
	v5 =	vld [tilespmem:s16+$0xFFFFFFD0]  }
0x1b3: {  	(xrf0) =	vadd.scan.msk.s32 $0xffff, v4  }
0x1b4: {  	v4, _, _ =	vpop (xrf0)  }
0x1b5: {  	(v2sf) =	vpush v4, $0xF  }
0x1b6: {  	v4 =	vld [tilespmem:s16+$0xFFFFFFC0]  }
0x1b7: {  	(xrf0) =	vadd.scan.msk.s32 $0xffff, v5;
	_ =	sdelay $0x1  }
0x1b8: {  	v5, _, _ =	vpop (xrf0)  }
0x1b9: {  	(v2sf) =	vpush v5, $0xF;
	v5 =	vld [tilespmem:s16+$0xFFFFFFB0]  }
0x1ba: {  	(xrf0) =	vadd.scan.msk.s32 $0xffff, v4;
	_ =	sdelay $0x1  }
0x1bb: {  	v4, _, _ =	vpop (xrf0)  }
0x1bc: {  	(v2sf) =	vpush v4, $0xF  }
0x1bd: {  	(xrf0) =	vadd.scan.msk.s32 $0xffff, v5;
	v4 =	vld [tilespmem:s16+$0xFFFFFFA0];
	_ =	sdelay $0x1  }
0x1be: {  	v5, _, _ =	vpop (xrf0);
	s20 =	spop (v2sf)  }
0x1bf: {  	(v2sf) =	vpush v5, $0xF;
	v5 =	vld [tilespmem:s16+$0xFFFFFF90];
	s20 =	sadd.s32 s18, s20  }
0x1c0: {  	p5 =	slt.s32 s20, s14  }
0x1c1: {  	s21 =	spop (v2sf);
	(xrf0) =	vadd.scan.msk.s32 $0xffff, v4;
	s18 =	smov.u32 @p5 s20  }
0x1c2: {  	v4, _, _ =	vpop (xrf0);
	s20 =	sadd.s32 s21, s18  }
0x1c3: {  	(v2sf) =	vpush v4, $0xF;
	v4 =	vld [tilespmem:s16+$0xFFFFFF80];
	p1 =	slt.s32 s20, s14  }
0x1c4: {  	(xrf0) =	vadd.scan.msk.s32 $0xffff, v5;
	p0 =	por !p5, !p1  }
0x1c5: {  	p2 =	por !p0, !p0  }
0x1c6: {  	s30 =	spop (v2sf);
	s18 =	smov.u32 @p2 s20  }
0x1c7: {  	s21 =	simm.s32 @!p2 $0x0;
	v5, _, _ =	vpop (xrf0);
	s20 =	sadd.s32 s30, s18  }
0x1c8: {  	(xrf0) =	vadd.scan.msk.s32 $0xffff, v4;
	s21 =	simm.s32 @p2 $0x1;
	(v2sf) =	vpush v5, $0xF;
	p2 =	sge.s32 s20, s14  }
0x1c9: {  	v5 =	vld [tilespmem:s16+$0xFFFFFF70];
	p0 =	por p2, p0  }
0x1ca: {  	v4, _, _ =	vpop (xrf0);
	s31 =	spop (v2sf);
	s20 =	smov.u32 @p0 s18  }
0x1cb: {  	(v2sf) =	vpush v4, $0xF;
	s18 =	sadd.s32 s31, s20  }
0x1cc: {  	[smem:$0x7EA] =	sst s21;
	s21 =	simm.s32 @!p2 $0x0;
	p6 =	sge.s32 s18, s14  }
0x1cd: {  	s21 =	simm.s32 @p2 $0x1;
	p4 =	por p0, p6  }
0x1ce: {  	(xrf0) =	vadd.scan.msk.s32 $0xffff, v5;
	p3 =	slt.s32 s18, s14;
	v5, _, _ =	vpop (xrf0);
	s22 =	spop (v2sf);
	s18 =	smov.u32 @p4 s20  }
0x1cf: {  	v4 =	vld [tilespmem:s16+$0xFFFFFF60];
	[smem:$0x7E9] =	sst s21;
	s21 =	simm.s32 @!p3 $0x0;
	(v2sf) =	vpush v5, $0xF;
	s20 =	sadd.s32 s22, s18  }
0x1d0: {  	s25 =	sld [smem:$0x7EA];
	s21 =	simm.s32 @p3 $0x1;
	p3 =	sge.s32 s20, s14  }
0x1d1: {  	[smem:$0x7EB] =	sst s21;
	p2 =	por p4, p3  }
0x1d2: {  	s23 =	spop (v2sf);
	p3 =	slt.s32 s20, s14;
	s20 =	smov.u32 @p2 s18  }
0x1d3: {  	s26 =	sld [smem:$0x7EB];
	s21 =	simm.s32 @!p3 $0x0;
	s18 =	sadd.s32 s23, s20  }
0x1d4: {  	v5 =	vld [tilespmem:s16+$0xFFFFFF50];
	(xrf0) =	vadd.scan.msk.s32 $0xffff, v4;
	s21 =	simm.s32 @p3 $0x1;
	s23 =	sld [smem:$0x7E9];
	p6 =	sge.s32 s18, s14  }
0x1d5: {  	[smem:$0x7EC] =	sst s21;
	p3 =	por p2, p6;
	p6 =	slt.s32 s18, s14  }
0x1d6: {  	v4, _, _ =	vpop (xrf0);
	s29 =	sld [smem:$0x7EC];
	s21 =	simm.s32 @!p6 $0x0  }
0x1d7: {  	(v2sf) =	vpush v4, $0xF;
	s24 =	spop (v2sf);
	s18 =	smov.u32 @p3 s20;
	s20 =	sadd.s32 $0xFFFFFFFF, s15  }
0x1d8: {  	v4 =	vld [tilespmem:s16+$0xFFFFFF40];
	s21 =	simm.s32 @p6 $0x1;
	s20 =	smov.u32 @p1 s19;
	s19 =	smov.u32 s15  }
0x1d9: {  	(xrf0) =	vadd.scan.msk.s32 $0xffff, v5;
	[smem:$0x7ED] =	sst s21;
	s21 =	sadd.s32 s24, s18;
	s19 =	smov.u32 @p5 s20  }
0x1da: {  	v5, _, _ =	vpop (xrf0);
	p6 =	sge.s32 s21, s14;
	p1 =	slt.s32 s21, s14;
	s22 =	spop (v2sf)  }
0x1db: {  	(v2sf) =	vpush v5, $0xF;
	v5 =	vld [tilespmem:s16+$0xFFFFFF30];
	s31 =	sld [smem:$0x7ED];
	p5 =	por p3, p6;
	s20 =	simm.s32 @!p1 $0x0  }
0x1dc: {  	s20 =	simm.s32 @p1 $0x1;
	s21 =	smov.u32 @p5 s18;
	s18 =	smov.u32 s19  }
0x1dd: {  	(xrf0) =	vadd.scan.msk.s32 $0xffff, v4;
	p1 =	seq.s32 s23, $0x1;
	[smem:$0x7EE] =	sst s20;
	s20 =	sadd.s32 $0xFFFFFFFE, s15  }
0x1de: {  	p6 =	seq.s32 s26, $0x1;
	s28 =	spop (v2sf);
	s18 =	smov.u32 @p1 s20  }
0x1df: {  	v4, _, _ =	vpop (xrf0);
	s20 =	sadd.s32 s22, s21;
	p1 =	seq.s32 s25, $0x1;
	s23 =	sld [smem:$0x7EE]  }
0x1e0: {  	(v2sf) =	vpush v4, $0xF;
	v4 =	vld [tilespmem:s16+$0xFFFFFF20];
	(xrf0) =	vadd.scan.msk.s32 $0xffff, v5;
	s19 =	smov.u32 @p1 s18;
	s18 =	sadd.s32 $0xFFFFFFFD, s15;
	p1 =	sge.s32 s20, s14  }
0x1e1: {  	s18 =	smov.u32 @p6 s19;
	p1 =	por p5, p1;
	p6 =	slt.s32 s20, s14  }
0x1e2: {  	s22 =	simm.s32 @!p6 $0x0;
	s20 =	smov.u32 @p1 s21;
	s18 =	smov.u32 @p0 s19  }
0x1e3: {  	v5, _, _ =	vpop (xrf0);
	s19 =	sadd.s32 $0xFFFFFFFC, s15;
	p0 =	seq.s32 s29, $0x1;
	s22 =	simm.s32 @p6 $0x1  }
0x1e4: {  	(v2sf) =	vpush v5, $0xF;
	v5 =	vld [tilespmem:s16+$0xFFFFFF10];
	s21 =	sadd.s32 s28, s20;
	s19 =	smov.u32 @p0 s18;
	[smem:$0x7EF] =	sst s22  }
0x1e5: {  	(xrf0) =	vadd.scan.msk.s32 $0xffff, v4;
	p6 =	sge.s32 s21, s14;
	s19 =	smov.u32 @p4 s18;
	s18 =	sadd.s32 $0xFFFFFFFB, s15  }
0x1e6: {  	v4, _, _ =	vpop (xrf0);
	s30 =	spop (v2sf);
	p4 =	seq.s32 s31, $0x1;
	p0 =	por p1, p6  }
0x1e7: {  	(v2sf) =	vpush v4, $0xF;
	p6 =	slt.s32 s21, s14;
	s18 =	smov.u32 @p4 s19;
	s21 =	smov.u32 @p0 s20  }
0x1e8: {  	p4 =	seq.s32 s23, $0x1;
	s25 =	sld [smem:$0x7EF];
	s20 =	sadd.s32 s30, s21  }
0x1e9: {  	s18 =	smov.u32 @p2 s19;
	s19 =	sadd.s32 $0xFFFFFFFA, s15;
	(xrf0) =	vadd.scan.msk.s32 $0xffff, v5;
	p2 =	sge.s32 s20, s14  }
0x1ea: {  	s19 =	smov.u32 @p4 s18;
	s24 =	spop (v2sf);
	p2 =	por p0, p2  }
0x1eb: {  	v4, _, _ =	vpop (xrf0);
	p4 =	slt.s32 s20, s14;
	s19 =	smov.u32 @p3 s18;
	s20 =	smov.u32 @p2 s21  }
0x1ec: {  	(v2sf) =	vpush v4, $0xF;
	s18 =	sadd.s32 $0xFFFFFFF9, s15;
	p3 =	seq.s32 s25, $0x1;
	s21 =	sadd.s32 s24, s20  }
0x1ed: {  	s18 =	smov.u32 @p3 s19;
	p3 =	sge.s32 s21, s14  }
0x1ee: {  	s18 =	smov.u32 @p5 s19;
	s19 =	sadd.s32 $0xFFFFFFF8, s15;
	p3 =	por p2, p3  }
0x1ef: {  	s26 =	spop (v2sf);
	p5 =	slt.s32 s21, s14;
	v4, _, _ =	vpop (xrf0);
	s21 =	smov.u32 @p3 s20  }
0x1f0: {  	s19 =	smov.u32 @p6 s18;
	(v2sf) =	vpush v4, $0xF;
	s20 =	sadd.s32 s26, s21  }
0x1f1: {  	s19 =	smov.u32 @p1 s18;
	s18 =	sadd.s32 $0xFFFFFFF7, s15;
	p6 =	sge.s32 s20, s14  }
0x1f2: {  	s18 =	smov.u32 @p4 s19;
	p1 =	por p3, p6  }
0x1f3: {  	p4 =	slt.s32 s20, s14;
	s28 =	spop (v2sf);
	s20 =	smov.u32 @p1 s21  }
0x1f4: {  	s18 =	smov.u32 @p0 s19;
	s19 =	sadd.s32 $0xFFFFFFF6, s15;
	s21 =	sadd.s32 s28, s20  }
0x1f5: {  	s19 =	smov.u32 @p5 s18;
	p5 =	sge.s32 s21, s14  }
0x1f6: {  	s19 =	smov.u32 @p2 s18;
	s29 =	spop (v2sf);
	p0 =	por p1, p5  }
0x1f7: {  	p2 =	slt.s32 s21, s14;
	s21 =	smov.u32 @p0 s20;
	s20 =	sadd.s32 $0xFFFFFFF5, s15  }
0x1f8: {  	s20 =	smov.u32 @p4 s19;
	s18 =	sadd.s32 s29, s21  }
0x1f9: {  	s20 =	smov.u32 @p3 s19;
	s19 =	sadd.s32 $0xFFFFFFF4, s15;
	p6 =	sge.s32 s18, s14  }
0x1fa: {  	s19 =	smov.u32 @p2 s20;
	p2 =	por p0, p6  }
0x1fb: {  	s30 =	spop (v2sf);
	p4 =	slt.s32 s18, s14;
	s18 =	smov.u32 @p2 s21  }
0x1fc: {  	s19 =	smov.u32 @p1 s20;
	s20 =	sadd.s32 $0xFFFFFFF3, s15;
	s21 =	sadd.s32 s30, s18  }
0x1fd: {  	s20 =	smov.u32 @p4 s19;
	p5 =	sge.s32 s21, s14  }
0x1fe: {  	s22 =	sadd.s32 $0xFFFFFFF2, s15;
	s20 =	smov.u32 @p0 s19;
	p1 =	por p2, p5  }
0x1ff: {  	p0 =	slt.s32 s21, s14;
	s31 =	spop (v2sf);
	s21 =	smov.u32 @p1 s18  }
0x200: {  	s19 =	sadd.s32 $0xFFFFFFF1, s15;
	s22 =	smov.u32 @p0 s20;
	s18 =	sadd.s32 s31, s21  }
0x201: {  	s22 =	smov.u32 @p2 s20;
	p0 =	slt.s32 s18, s14;
	p6 =	sge.s32 s18, s14  }
0x202: {  	s19 =	smov.u32 @p0 s22;
	p2 =	por p1, p6;
	p0 =	sgt.u32 s17, $0xE  }
0x203: {  	s19 =	smov.u32 @p1 s22;
	p1 =	por p0, p2  }
.Ltmp13:
0x204: {  	_ = 	snop;
	(pc) =	sbr.rel @!p1 .LBB2_19-.Ltmp13, $3  }
0x205: {  	_ =	sdelay $0x1  }
0x206: {  	s16 =	sadd.s32 $0xFFFFFF00, s16  }
0x207: {  	s15 =	sadd.s32 $0xFFFFFFF0, s15;
	s17 =	sadd.s32 $0x1, s17;
	s18 =	smov.u32 @p2 s21  }
0x208: {  	s16 =	simm.s32 $0x0  }
0x209: {  	s16 =	simm.s32 @p0 $0x0  }
0x20a: {  	p0 =	seq.s32 s16, $0x3E00  }
.Ltmp14:
0x20b: {  	_ = 	snop;
	(pc) =	sbr.rel @p0 .LBB2_22-.Ltmp14, $2  }
0x20c: {  	_ =	sdelay $0x2  }
0x20d: {  	s15 =	sshra.s32 s16, $0x2;
	s16 =	sadd.s32 $0x200, s16  }
.LBB2_21:
0x20e: {  	p0 =	seq.s32 s16, $0x3E00;
	[tilespmem:s15+$0x4070] =	vst v1  }
0x20f: {  	[tilespmem:s15+$0x4000] =	vst v1  }
0x210: {  	[tilespmem:s15+$0x4010] =	vst v1  }
.Ltmp15:
0x211: {  	[tilespmem:s15+$0x4020] =	vst v1;
	(pc) =	sbr.rel @!p0 .LBB2_21-.Ltmp15, $4  }
0x212: {  	[tilespmem:s15+$0x4030] =	vst v1  }
0x213: {  	[tilespmem:s15+$0x4040] =	vst v1  }
0x214: {  	[tilespmem:s15+$0x4050] =	vst v1  }
0x215: {  	[tilespmem:s15+$0x4060] =	vst v1;
	s15 =	sshra.s32 s16, $0x2;
	s16 =	sadd.s32 $0x200, s16  }
.LBB2_22:
0x216: {  	[tilespmem:s15+$0x4070] =	vst v1  }
0x217: {  	[tilespmem:s15+$0x4000] =	vst v1  }
0x218: {  	[tilespmem:s15+$0x4010] =	vst v1  }
0x219: {  	[tilespmem:s15+$0x4020] =	vst v1  }
0x21a: {  	[tilespmem:s15+$0x4030] =	vst v1  }
0x21b: {  	[tilespmem:s15+$0x4040] =	vst v1  }
0x21c: {  	[tilespmem:s15+$0x4050] =	vst v1;
	s31 =	sshll.u32 s19, $0x8  }
0x21d: {  	[tilespmem:s15+$0x4060] =	vst v1;
	s15 =	sor.u32 s13, s31  }
0x21e: {  	s13 =	simm.s32 $0x0;
	v4 =	vmov s15  }
.LBB2_23:
0x21f: {  	s16 =	sshra.s32 s13, $0x2  }
0x220: {  	v5 =	vld [tilespmem:s16+$0x0];
	_ =	sdelay $0x4  }
0x221: {  	v6 =	vand.u32 $0xFFFFFF00, v5  }
0x222: {  	v5 =	vshll.u32 v5, $0x4;
	v6 =	vxor.u32 v4, v6  }
0x223: {  	v5 =	vor.u32 v0, v5;
	vm0 =	veq.s32 v6, $0x80000000  }
0x224: {  	v5 =	vand.u32 $0xFFF, v5;
	_ =	sdelay $0x4  }
0x225: {  	[tilespmem:v5+s9+$0x0] =	vst.idx.add.s32.msk vm0, v3  }
0x226: {  	v5 =	vld [tilespmem:s16+$0x10];
	_ =	sdelay $0x4  }
0x227: {  	v6 =	vand.u32 $0xFFFFFF00, v5  }
0x228: {  	v5 =	vshll.u32 v5, $0x4;
	v6 =	vxor.u32 v4, v6  }
0x229: {  	v5 =	vor.u32 v0, v5;
	vm9 =	veq.s32 v6, $0x80000000  }
0x22a: {  	v5 =	vand.u32 $0xFFF, v5;
	_ =	sdelay $0x4  }
0x22b: {  	[tilespmem:v5+s9+$0x0] =	vst.idx.add.s32.msk vm9, v3  }
0x22c: {  	v5 =	vld [tilespmem:s16+$0x20];
	_ =	sdelay $0x4  }
0x22d: {  	v6 =	vand.u32 $0xFFFFFF00, v5  }
0x22e: {  	v5 =	vshll.u32 v5, $0x4;
	v6 =	vxor.u32 v4, v6  }
0x22f: {  	v5 =	vor.u32 v0, v5;
	vm10 =	veq.s32 v6, $0x80000000  }
0x230: {  	v5 =	vand.u32 $0xFFF, v5;
	_ =	sdelay $0x4  }
0x231: {  	[tilespmem:v5+s9+$0x0] =	vst.idx.add.s32.msk vm10, v3  }
0x232: {  	v5 =	vld [tilespmem:s16+$0x30];
	_ =	sdelay $0x4  }
0x233: {  	v6 =	vand.u32 $0xFFFFFF00, v5  }
0x234: {  	v5 =	vshll.u32 v5, $0x4;
	v6 =	vxor.u32 v4, v6  }
0x235: {  	v5 =	vor.u32 v0, v5;
	vm11 =	veq.s32 v6, $0x80000000  }
0x236: {  	v5 =	vand.u32 $0xFFF, v5;
	_ =	sdelay $0x4  }
0x237: {  	[tilespmem:v5+s9+$0x0] =	vst.idx.add.s32.msk vm11, v3  }
0x238: {  	v5 =	vld [tilespmem:s16+$0x40];
	_ =	sdelay $0x4  }
0x239: {  	v6 =	vand.u32 $0xFFFFFF00, v5  }
0x23a: {  	v5 =	vshll.u32 v5, $0x4;
	v6 =	vxor.u32 v4, v6  }
0x23b: {  	v5 =	vor.u32 v0, v5;
	vm12 =	veq.s32 v6, $0x80000000  }
0x23c: {  	v5 =	vand.u32 $0xFFF, v5;
	_ =	sdelay $0x4  }
0x23d: {  	[tilespmem:v5+s9+$0x0] =	vst.idx.add.s32.msk vm12, v3  }
0x23e: {  	v5 =	vld [tilespmem:s16+$0x50];
	_ =	sdelay $0x4  }
0x23f: {  	v6 =	vand.u32 $0xFFFFFF00, v5  }
0x240: {  	v5 =	vshll.u32 v5, $0x4;
	v6 =	vxor.u32 v4, v6  }
0x241: {  	v5 =	vor.u32 v0, v5;
	vm13 =	veq.s32 v6, $0x80000000  }
0x242: {  	v5 =	vand.u32 $0xFFF, v5;
	_ =	sdelay $0x4  }
0x243: {  	[tilespmem:v5+s9+$0x0] =	vst.idx.add.s32.msk vm13, v3  }
0x244: {  	v5 =	vld [tilespmem:s16+$0x60];
	_ =	sdelay $0x4  }
0x245: {  	v6 =	vand.u32 $0xFFFFFF00, v5  }
0x246: {  	v5 =	vshll.u32 v5, $0x4;
	v6 =	vxor.u32 v4, v6  }
0x247: {  	v5 =	vor.u32 v0, v5;
	vm14 =	veq.s32 v6, $0x80000000  }
0x248: {  	v5 =	vand.u32 $0xFFF, v5;
	_ =	sdelay $0x4  }
0x249: {  	[tilespmem:v5+s9+$0x0] =	vst.idx.add.s32.msk vm14, v3  }
0x24a: {  	v5 =	vld [tilespmem:s16+$0x70];
	_ =	sdelay $0x4  }
0x24b: {  	v6 =	vand.u32 $0xFFFFFF00, v5  }
0x24c: {  	v5 =	vshll.u32 v5, $0x4;
	v6 =	vxor.u32 v4, v6  }
0x24d: {  	v5 =	vor.u32 v0, v5;
	vm15 =	veq.s32 v6, $0x80000000  }
0x24e: {  	p0 =	sne.s32 s13, $0x7E00;
	v5 =	vand.u32 $0xFFF, v5  }
.Ltmp16:
0x24f: {  	_ = 	snop;
	(pc) =	sbr.rel @p0 .LBB2_23-.Ltmp16, $2  }
0x250: {  	_ =	sdelay $0x2  }
0x251: {  	s13 =	sadd.s32 $0x200, s13;
	[tilespmem:v5+s9+$0x0] =	vst.idx.add.s32.msk vm15, v3  }
0x252: {  	s13 =	ssub.s32 s14, s18;
	s19 =	simm.s32 $0x0;
	s14 =	simm.s32 $0xFF  }
0x253: {  	s17 =	simm.s32 $0x4FF0;
	s16 =	simm.s32 $0x0;
	s18 =	simm.s32 $0x0  }
.LBB2_25:
0x254: {  	v4 =	vld [tilespmem:s17+$0x0];
	_ =	sdelay $0x2  }
0x255: {  	v5 =	vld [tilespmem:s17+$0xFFFFFFF0];
	_ =	sdelay $0x1  }
0x256: {  	(xrf0) =	vadd.scan.msk.s32 $0xffff, v4;
	_ =	sdelay $0x2  }
0x257: {  	v4 =	vld [tilespmem:s17+$0xFFFFFFE0];
	(xrf0) =	vadd.scan.msk.s32 $0xffff, v5;
	_ =	sdelay $0x2  }
0x258: {  	v5, _, _ =	vpop (xrf0)  }
0x259: {  	(v2sf) =	vpush v5, $0xF;
	v5 =	vld [tilespmem:s17+$0xFFFFFFD0]  }
0x25a: {  	(xrf0) =	vadd.scan.msk.s32 $0xffff, v4  }
0x25b: {  	v4, _, _ =	vpop (xrf0)  }
0x25c: {  	(v2sf) =	vpush v4, $0xF  }
0x25d: {  	v4 =	vld [tilespmem:s17+$0xFFFFFFC0]  }
0x25e: {  	(xrf0) =	vadd.scan.msk.s32 $0xffff, v5;
	_ =	sdelay $0x1  }
0x25f: {  	v5, _, _ =	vpop (xrf0)  }
0x260: {  	(v2sf) =	vpush v5, $0xF;
	v5 =	vld [tilespmem:s17+$0xFFFFFFB0]  }
0x261: {  	(xrf0) =	vadd.scan.msk.s32 $0xffff, v4;
	_ =	sdelay $0x1  }
0x262: {  	v4, _, _ =	vpop (xrf0)  }
0x263: {  	(v2sf) =	vpush v4, $0xF  }
0x264: {  	(xrf0) =	vadd.scan.msk.s32 $0xffff, v5;
	v4 =	vld [tilespmem:s17+$0xFFFFFFA0];
	_ =	sdelay $0x1  }
0x265: {  	v5, _, _ =	vpop (xrf0);
	s20 =	spop (v2sf)  }
0x266: {  	(v2sf) =	vpush v5, $0xF;
	v5 =	vld [tilespmem:s17+$0xFFFFFF90];
	s20 =	sadd.s32 s16, s20  }
0x267: {  	p5 =	slt.s32 s20, s13  }
0x268: {  	s21 =	spop (v2sf);
	(xrf0) =	vadd.scan.msk.s32 $0xffff, v4;
	s16 =	smov.u32 @p5 s20  }
0x269: {  	v4, _, _ =	vpop (xrf0);
	s20 =	sadd.s32 s21, s16  }
0x26a: {  	(v2sf) =	vpush v4, $0xF;
	v4 =	vld [tilespmem:s17+$0xFFFFFF80];
	p1 =	slt.s32 s20, s13  }
0x26b: {  	(xrf0) =	vadd.scan.msk.s32 $0xffff, v5;
	p0 =	por !p5, !p1  }
0x26c: {  	p2 =	por !p0, !p0  }
0x26d: {  	s30 =	spop (v2sf);
	s16 =	smov.u32 @p2 s20  }
0x26e: {  	s21 =	simm.s32 @!p2 $0x0;
	v5, _, _ =	vpop (xrf0);
	s20 =	sadd.s32 s30, s16  }
0x26f: {  	(xrf0) =	vadd.scan.msk.s32 $0xffff, v4;
	s21 =	simm.s32 @p2 $0x1;
	(v2sf) =	vpush v5, $0xF;
	p2 =	sge.s32 s20, s13  }
0x270: {  	v5 =	vld [tilespmem:s17+$0xFFFFFF70];
	p0 =	por p2, p0  }
0x271: {  	v4, _, _ =	vpop (xrf0);
	s31 =	spop (v2sf);
	s20 =	smov.u32 @p0 s16  }
0x272: {  	(v2sf) =	vpush v4, $0xF;
	s16 =	sadd.s32 s31, s20  }
0x273: {  	[smem:$0x7E3] =	sst s21;
	s21 =	simm.s32 @!p2 $0x0;
	p6 =	sge.s32 s16, s13  }
0x274: {  	s21 =	simm.s32 @p2 $0x1;
	p4 =	por p0, p6  }
0x275: {  	(xrf0) =	vadd.scan.msk.s32 $0xffff, v5;
	p3 =	slt.s32 s16, s13;
	v5, _, _ =	vpop (xrf0);
	s22 =	spop (v2sf);
	s16 =	smov.u32 @p4 s20  }
0x276: {  	v4 =	vld [tilespmem:s17+$0xFFFFFF60];
	[smem:$0x7E2] =	sst s21;
	s21 =	simm.s32 @!p3 $0x0;
	(v2sf) =	vpush v5, $0xF;
	s20 =	sadd.s32 s22, s16  }
0x277: {  	s25 =	sld [smem:$0x7E3];
	s21 =	simm.s32 @p3 $0x1;
	p3 =	sge.s32 s20, s13  }
0x278: {  	[smem:$0x7E4] =	sst s21;
	p2 =	por p4, p3  }
0x279: {  	s23 =	spop (v2sf);
	p3 =	slt.s32 s20, s13;
	s20 =	smov.u32 @p2 s16  }
0x27a: {  	s26 =	sld [smem:$0x7E4];
	s21 =	simm.s32 @!p3 $0x0;
	s16 =	sadd.s32 s23, s20  }
0x27b: {  	v5 =	vld [tilespmem:s17+$0xFFFFFF50];
	(xrf0) =	vadd.scan.msk.s32 $0xffff, v4;
	s21 =	simm.s32 @p3 $0x1;
	s23 =	sld [smem:$0x7E2];
	p6 =	sge.s32 s16, s13  }
0x27c: {  	[smem:$0x7E5] =	sst s21;
	p3 =	por p2, p6;
	p6 =	slt.s32 s16, s13  }
0x27d: {  	v4, _, _ =	vpop (xrf0);
	s29 =	sld [smem:$0x7E5];
	s21 =	simm.s32 @!p6 $0x0  }
0x27e: {  	(v2sf) =	vpush v4, $0xF;
	s24 =	spop (v2sf);
	s16 =	smov.u32 @p3 s20;
	s20 =	sadd.s32 $0xFFFFFFFF, s14  }
0x27f: {  	v4 =	vld [tilespmem:s17+$0xFFFFFF40];
	s21 =	simm.s32 @p6 $0x1;
	s20 =	smov.u32 @p1 s19;
	s19 =	smov.u32 s14  }
0x280: {  	(xrf0) =	vadd.scan.msk.s32 $0xffff, v5;
	[smem:$0x7E6] =	sst s21;
	s21 =	sadd.s32 s24, s16;
	s19 =	smov.u32 @p5 s20  }
0x281: {  	v5, _, _ =	vpop (xrf0);
	p6 =	sge.s32 s21, s13;
	p1 =	slt.s32 s21, s13;
	s22 =	spop (v2sf)  }
0x282: {  	(v2sf) =	vpush v5, $0xF;
	v5 =	vld [tilespmem:s17+$0xFFFFFF30];
	s31 =	sld [smem:$0x7E6];
	p5 =	por p3, p6;
	s20 =	simm.s32 @!p1 $0x0  }
0x283: {  	s20 =	simm.s32 @p1 $0x1;
	s21 =	smov.u32 @p5 s16;
	s16 =	smov.u32 s19  }
0x284: {  	(xrf0) =	vadd.scan.msk.s32 $0xffff, v4;
	p1 =	seq.s32 s23, $0x1;
	[smem:$0x7E7] =	sst s20;
	s20 =	sadd.s32 $0xFFFFFFFE, s14  }
0x285: {  	p6 =	seq.s32 s26, $0x1;
	s28 =	spop (v2sf);
	s16 =	smov.u32 @p1 s20  }
0x286: {  	v4, _, _ =	vpop (xrf0);
	s20 =	sadd.s32 s22, s21;
	p1 =	seq.s32 s25, $0x1;
	s23 =	sld [smem:$0x7E7]  }
0x287: {  	(v2sf) =	vpush v4, $0xF;
	v4 =	vld [tilespmem:s17+$0xFFFFFF20];
	(xrf0) =	vadd.scan.msk.s32 $0xffff, v5;
	s19 =	smov.u32 @p1 s16;
	s16 =	sadd.s32 $0xFFFFFFFD, s14;
	p1 =	sge.s32 s20, s13  }
0x288: {  	s16 =	smov.u32 @p6 s19;
	p1 =	por p5, p1;
	p6 =	slt.s32 s20, s13  }
0x289: {  	s22 =	simm.s32 @!p6 $0x0;
	s20 =	smov.u32 @p1 s21;
	s16 =	smov.u32 @p0 s19  }
0x28a: {  	v5, _, _ =	vpop (xrf0);
	s19 =	sadd.s32 $0xFFFFFFFC, s14;
	p0 =	seq.s32 s29, $0x1;
	s22 =	simm.s32 @p6 $0x1  }
0x28b: {  	(v2sf) =	vpush v5, $0xF;
	v5 =	vld [tilespmem:s17+$0xFFFFFF10];
	s21 =	sadd.s32 s28, s20;
	s19 =	smov.u32 @p0 s16;
	[smem:$0x7E8] =	sst s22  }
0x28c: {  	(xrf0) =	vadd.scan.msk.s32 $0xffff, v4;
	p6 =	sge.s32 s21, s13;
	s19 =	smov.u32 @p4 s16;
	s16 =	sadd.s32 $0xFFFFFFFB, s14  }
0x28d: {  	v4, _, _ =	vpop (xrf0);
	s30 =	spop (v2sf);
	p4 =	seq.s32 s31, $0x1;
	p0 =	por p1, p6  }
0x28e: {  	(v2sf) =	vpush v4, $0xF;
	p6 =	slt.s32 s21, s13;
	s16 =	smov.u32 @p4 s19;
	s21 =	smov.u32 @p0 s20  }
0x28f: {  	p4 =	seq.s32 s23, $0x1;
	s25 =	sld [smem:$0x7E8];
	s20 =	sadd.s32 s30, s21  }
0x290: {  	s16 =	smov.u32 @p2 s19;
	s19 =	sadd.s32 $0xFFFFFFFA, s14;
	(xrf0) =	vadd.scan.msk.s32 $0xffff, v5;
	p2 =	sge.s32 s20, s13  }
0x291: {  	s19 =	smov.u32 @p4 s16;
	s24 =	spop (v2sf);
	p2 =	por p0, p2  }
0x292: {  	v4, _, _ =	vpop (xrf0);
	p4 =	slt.s32 s20, s13;
	s19 =	smov.u32 @p3 s16;
	s20 =	smov.u32 @p2 s21  }
0x293: {  	(v2sf) =	vpush v4, $0xF;
	s16 =	sadd.s32 $0xFFFFFFF9, s14;
	p3 =	seq.s32 s25, $0x1;
	s21 =	sadd.s32 s24, s20  }
0x294: {  	s16 =	smov.u32 @p3 s19;
	p3 =	sge.s32 s21, s13  }
0x295: {  	s16 =	smov.u32 @p5 s19;
	s19 =	sadd.s32 $0xFFFFFFF8, s14;
	p3 =	por p2, p3  }
0x296: {  	s26 =	spop (v2sf);
	p5 =	slt.s32 s21, s13;
	v4, _, _ =	vpop (xrf0);
	s21 =	smov.u32 @p3 s20  }
0x297: {  	s19 =	smov.u32 @p6 s16;
	(v2sf) =	vpush v4, $0xF;
	s20 =	sadd.s32 s26, s21  }
0x298: {  	s19 =	smov.u32 @p1 s16;
	s16 =	sadd.s32 $0xFFFFFFF7, s14;
	p6 =	sge.s32 s20, s13  }
0x299: {  	s16 =	smov.u32 @p4 s19;
	p1 =	por p3, p6  }
0x29a: {  	p4 =	slt.s32 s20, s13;
	s28 =	spop (v2sf);
	s20 =	smov.u32 @p1 s21  }
0x29b: {  	s16 =	smov.u32 @p0 s19;
	s19 =	sadd.s32 $0xFFFFFFF6, s14;
	s21 =	sadd.s32 s28, s20  }
0x29c: {  	s19 =	smov.u32 @p5 s16;
	p5 =	sge.s32 s21, s13  }
0x29d: {  	s19 =	smov.u32 @p2 s16;
	s29 =	spop (v2sf);
	p0 =	por p1, p5  }
0x29e: {  	p2 =	slt.s32 s21, s13;
	s21 =	smov.u32 @p0 s20;
	s20 =	sadd.s32 $0xFFFFFFF5, s14  }
0x29f: {  	s20 =	smov.u32 @p4 s19;
	s16 =	sadd.s32 s29, s21  }
0x2a0: {  	s20 =	smov.u32 @p3 s19;
	s19 =	sadd.s32 $0xFFFFFFF4, s14;
	p6 =	sge.s32 s16, s13  }
0x2a1: {  	s19 =	smov.u32 @p2 s20;
	p2 =	por p0, p6  }
0x2a2: {  	s30 =	spop (v2sf);
	p4 =	slt.s32 s16, s13;
	s16 =	smov.u32 @p2 s21  }
0x2a3: {  	s19 =	smov.u32 @p1 s20;
	s20 =	sadd.s32 $0xFFFFFFF3, s14;
	s21 =	sadd.s32 s30, s16  }
0x2a4: {  	s20 =	smov.u32 @p4 s19;
	p4 =	sge.s32 s21, s13  }
0x2a5: {  	s22 =	sadd.s32 $0xFFFFFFF2, s14;
	s20 =	smov.u32 @p0 s19;
	p1 =	por p2, p4  }
0x2a6: {  	p0 =	slt.s32 s21, s13;
	s31 =	spop (v2sf);
	s21 =	smov.u32 @p1 s16  }
0x2a7: {  	s19 =	sadd.s32 $0xFFFFFFF1, s14;
	s22 =	smov.u32 @p0 s20;
	s16 =	sadd.s32 s31, s21  }
0x2a8: {  	s22 =	smov.u32 @p2 s20;
	p0 =	slt.s32 s16, s13;
	p5 =	sge.s32 s16, s13  }
0x2a9: {  	p6 =	sgt.u32 s18, $0xE;
	s19 =	smov.u32 @p0 s22;
	p0 =	por p1, p5  }
0x2aa: {  	s19 =	smov.u32 @p1 s22;
	p1 =	por p6, p0  }
.Ltmp17:
0x2ab: {  	_ = 	snop;
	(pc) =	sbr.rel @!p1 .LBB2_25-.Ltmp17, $3  }
0x2ac: {  	_ =	sdelay $0x1  }
0x2ad: {  	s17 =	sadd.s32 $0xFFFFFF00, s17  }
0x2ae: {  	s18 =	sadd.s32 $0x1, s18;
	s14 =	sadd.s32 $0xFFFFFFF0, s14;
	s16 =	smov.u32 @p0 s21  }
0x2af: {  	s14 =	simm.s32 $0x0  }
0x2b0: {  	v5 =	vld [tilespmem:s14+$0x2070]  }
0x2b1: {  	v7 =	vld [tilespmem:s14+$0x70]  }
0x2b2: {  	v8 =	vld [tilespmem:s14+$0x60]  }
0x2b3: {  	v9 =	vld [tilespmem:s14+$0x50]  }
0x2b4: {  	v10 =	vld [tilespmem:s14+$0x40]  }
0x2b5: {  	s15 =	sor.u32 s15, s19;
	v11 =	vld [tilespmem:s14+$0x30]  }
0x2b6: {  	v13 =	vimm.f32 $0.0e+00;
	s15 =	sxor.u32 $0x80000000, s15;
	v12 =	vld [tilespmem:s14+$0x20]  }
0x2b7: {  	v6 =	vimm.s32 $0x0;
	v14 =	vimm.f32 $0.0e+00;
	v15 =	vld [tilespmem:s14+$0x10];
	v4 =	vmov s15;
	s15 =	simm.s32 $0x200  }
.LBB2_27:
0x2b8: {  	p0 =	sne.s32 s15, $0x7E00;
	v16 =	vld [tilespmem:s14+$0x0];
	vm10 =	vgt.s32 v7, v4  }
0x2b9: {  	vm1 =	vgt.s32 v8, v4;
	vm2 =	veq.s32 v8, v4;
	vm0 =	veq.s32 v7, v4;
	v17 =	vld [tilespmem:s14+$0x2000]  }
0x2ba: {  	vm3 =	vgt.s32 v9, v4;
	vm4 =	veq.s32 v9, v4;
	vm5 =	vgt.s32 v10, v4  }
0x2bb: {  	vm6 =	veq.s32 v10, v4;
	vm7 =	vgt.s32 v11, v4;
	vm8 =	veq.s32 v11, v4;
	v7 =	vld [tilespmem:s14+$0x2010]  }
0x2bc: {  	vm12 =	vgt.s32 v12, v4;
	vm13 =	veq.s32 v12, v4;
	vm11 =	vgt.s32 v15, v4  }
0x2bd: {  	vm15 =	veq.s32 v15, v4;
	vm14 =	vgt.s32 v16, v4;
	vm9 =	veq.s32 v16, v4;
	v8 =	vld [tilespmem:s14+$0x2020]  }
0x2be: {  	v16 =	vnsel vm10, $0x0, v5;
	v9 =	vnsel vm14, $0x0, v17;
	v10 =	vnsel vm9, $0x0, v17  }
0x2bf: {  	v9 =	vadd.f32 v9, v13;
	v10 =	vadd.f32 v10, v14;
	v11 =	vld [tilespmem:s14+$0x2030];
	v13 =	vsel vm2, $0x1, v1  }
0x2c0: {  	v14 =	vsel vm4, $0x1, v1;
	v12 =	vnsel vm11, $0x0, v7;
	v7 =	vnsel vm15, $0x0, v7  }
0x2c1: {  	v9 =	vadd.f32 v12, v9;
	v7 =	vadd.f32 v7, v10;
	v10 =	vld [tilespmem:s14+$0x2040];
	v12 =	vsel vm6, $0x1, v1  }
0x2c2: {  	v17 =	vsel vm8, $0x1, v1;
	v15 =	vnsel vm12, $0x0, v8;
	v8 =	vnsel vm13, $0x0, v8  }
0x2c3: {  	v9 =	vadd.f32 v15, v9;
	v7 =	vadd.f32 v8, v7;
	v15 =	vsel vm13, $0x1, v1;
	v18 =	vld [tilespmem:s14+$0x2050]  }
0x2c4: {  	v8 =	vsel vm15, $0x1, v1;
	v19 =	vnsel vm7, $0x0, v11;
	v11 =	vnsel vm8, $0x0, v11  }
0x2c5: {  	v20 =	vsel vm9, $0x1, v1;
	v9 =	vadd.f32 v19, v9;
	v11 =	vadd.f32 v11, v7;
	v19 =	vld [tilespmem:s14+$0x2060];
	s14 =	sshra.s32 s15, $0x2  }
0x2c6: {  	v6 =	vadd.s32 v20, v6;
	v21 =	vld [tilespmem:s14+$0x2070];
	v20 =	vnsel vm5, $0x0, v10;
	v10 =	vnsel vm6, $0x0, v10  }
0x2c7: {  	v6 =	vadd.s32 v8, v6;
	v7 =	vld [tilespmem:s14+$0x70];
	v20 =	vadd.f32 v20, v9;
	v10 =	vadd.f32 v10, v11  }
0x2c8: {  	v6 =	vadd.s32 v15, v6;
	v8 =	vld [tilespmem:s14+$0x60];
	v11 =	vnsel vm3, $0x0, v18;
	v15 =	vnsel vm4, $0x0, v18  }
.Ltmp18:
0x2c9: {  	v6 =	vadd.s32 v17, v6;
	v9 =	vld [tilespmem:s14+$0x50];
	v17 =	vadd.f32 v11, v20;
	v15 =	vadd.f32 v15, v10;
	(pc) =	sbr.rel @p0 .LBB2_27-.Ltmp18, $4  }
0x2ca: {  	v6 =	vadd.s32 v12, v6;
	v10 =	vld [tilespmem:s14+$0x40];
	v12 =	vnsel vm1, $0x0, v19;
	v18 =	vnsel vm2, $0x0, v19  }
0x2cb: {  	v6 =	vadd.s32 v14, v6;
	v11 =	vld [tilespmem:s14+$0x30];
	v14 =	vadd.f32 v12, v17;
	v17 =	vadd.f32 v18, v15  }
0x2cc: {  	v6 =	vadd.s32 v13, v6;
	v19 =	vsel vm0, $0x1, v1;
	v18 =	vnsel vm0, $0x0, v5;
	v5 =	vmovc v21;
	v12 =	vld [tilespmem:s14+$0x20]  }
0x2cd: {  	s15 =	sadd.s32 $0x200, s15;
	v6 =	vadd.s32 v19, v6;
	v15 =	vld [tilespmem:s14+$0x10];
	v13 =	vadd.f32 v16, v14;
	v14 =	vadd.f32 v18, v17  }
0x2ce: {  	v16 =	vld [tilespmem:s14+$0x0]  }
0x2cf: {  	v17 =	vld [tilespmem:s14+$0x2000];
	_ =	sdelay $0x1  }
0x2d0: {  	v18 =	vld [tilespmem:s14+$0x2010];
	_ =	sdelay $0x1  }
0x2d1: {  	vm0 =	vgt.s32 v7, v4;
	v19 =	vld [tilespmem:s14+$0x2020];
	vm3 =	vgt.s32 v16, v4  }
0x2d2: {  	vm2 =	vgt.s32 v8, v4;
	vm1 =	veq.s32 v16, v4;
	v40 =	vnsel vm3, $0x0, v17  }
0x2d3: {  	v41 =	vld [tilespmem:s14+$0x2030];
	vm4 =	vgt.s32 v15, v4;
	v17 =	vnsel vm1, $0x0, v17;
	v13 =	vadd.f32 v40, v13  }
0x2d4: {  	v42 =	vnsel vm4, $0x0, v18;
	vm3 =	veq.s32 v15, v4;
	v14 =	vadd.f32 v17, v14  }
0x2d5: {  	v44 =	vld [tilespmem:s14+$0x2040];
	vm5 =	vgt.s32 v12, v4;
	v43 =	vnsel vm3, $0x0, v18;
	v13 =	vadd.f32 v42, v13  }
0x2d6: {  	vm4 =	veq.s32 v12, v4;
	v46 =	vnsel vm5, $0x0, v19;
	v45 =	vadd.f32 v43, v14  }
0x2d7: {  	v48 =	vld [tilespmem:s14+$0x2050];
	vm6 =	vgt.s32 v11, v4;
	v47 =	vnsel vm4, $0x0, v19;
	v13 =	vadd.f32 v46, v13  }
0x2d8: {  	vm12 =	veq.s32 v11, v4;
	v50 =	vnsel vm6, $0x0, v41;
	v49 =	vadd.f32 v47, v45  }
0x2d9: {  	v51 =	vld [tilespmem:s14+$0x2060];
	vm13 =	vgt.s32 v10, v4;
	v16 =	vnsel vm12, $0x0, v41;
	v12 =	vadd.f32 v50, v13  }
0x2da: {  	vm7 =	veq.s32 v10, v4;
	v53 =	vnsel vm13, $0x0, v44;
	v52 =	vadd.f32 v16, v49  }
0x2db: {  	vm14 =	vgt.s32 v9, v4;
	v15 =	vnsel vm7, $0x0, v44;
	v11 =	vadd.f32 v53, v12  }
0x2dc: {  	vm8 =	veq.s32 v9, v4;
	v55 =	vnsel vm14, $0x0, v48;
	v54 =	vadd.f32 v15, v52  }
0x2dd: {  	vm15 =	veq.s32 v8, v4;
	v56 =	vnsel vm8, $0x0, v48;
	v10 =	vadd.f32 v55, v11  }
0x2de: {  	vm9 =	veq.s32 v7, v4;
	v57 =	vnsel vm2, $0x0, v51;
	v7 =	vadd.f32 v56, v54  }
0x2df: {  	v58 =	vnsel vm0, $0x0, v5;
	v59 =	vnsel vm15, $0x0, v51;
	v8 =	vadd.f32 v57, v10  }
0x2e0: {  	v5 =	vnsel vm9, $0x0, v5;
	v61 =	vsel vm1, $0x1, v1;
	v7 =	vadd.f32 v59, v7  }
0x2e1: {  	v60 =	vsel vm3, $0x1, v1;
	v6 =	vadd.s32 v61, v6;
	v8 =	vadd.f32 v58, v8  }
0x2e2: {  	v62 =	vsel vm4, $0x1, v1;
	v6 =	vadd.s32 v60, v6;
	v5 =	vadd.f32 v5, v7  }
0x2e3: {  	v6 =	vadd.s32 v62, v6;
	v7 =	vsel vm12, $0x1, v1;
	(xrf2) =	vadd.scan.msk.f32 $0xffff, v8  }
0x2e4: {  	v63 =	vsel vm7, $0x1, v1;
	v6 =	vadd.s32 v7, v6;
	(xrf2) =	vadd.scan.msk.f32 $0xffff, v5  }
0x2e5: {  	v6 =	vadd.s32 v63, v6;
	v5 =	vsel vm8, $0x1, v1  }
0x2e6: {  	v7 =	vsel vm15, $0x1, v1;
	v5 =	vadd.s32 v5, v6  }
0x2e7: {  	v6 =	vsel vm9, $0x1, v1;
	v5 =	vadd.s32 v7, v5  }
0x2e8: {  	v5 =	vadd.s32 v6, v5  }
0x2e9: {  	(xrf0) =	vadd.scan.msk.s32 $0xffff, v5;
	_ =	sdelay $0x3  }
0x2ea: {  	v5, _, _ =	vpop (xrf2)  }
0x2eb: {  	(v2sf) =	vpush v5, $0xF;
	v5, _, _ =	vpop (xrf2)  }
0x2ec: {  	(v2sf) =	vpush v5, $0xF;
	v5, _, _ =	vpop (xrf0)  }
0x2ed: {  	(v2sf) =	vpush v5, $0xF;
	_ =	sdelay $0xc  }
0x2ee: {  	s14 =	spop (v2sf)  }
0x2ef: {  	s15 =	spop (v2sf)  }
0x2f0: {  	s13 =	ssub.s32 s13, s16;
	s31 =	spop (v2sf)  }
0x2f1: {  	p0 =	seq.s32 s31, s13  }
.Ltmp19:
0x2f2: {  	_ = 	snop;
	(pc) =	sbr.rel @p0 .LBB2_32-.Ltmp19, $1  }
0x2f3: {  	_ =	sdelay $0x3  }
0x2f4: {  	s15 =	simm.s32 $0x0  }
0x2f5: {  	v5 =	vld [tilespmem:s15+$0x0];
	_ =	sdelay $0x3  }
0x2f6: {  	s16 =	simm.s32 $0x10  }
0x2f7: {  	vm0 =	veq.s32 v5, v4;
	v5 =	vld [tilespmem:s16+$0x0]  }
0x2f8: {  	v6 =	vsel vm0, $0x1, v1  }
0x2f9: {  	(xrf0) =	vadd.scan.msk.s32 $0xffff, v6;
	_ =	sdelay $0x2  }
0x2fa: {  	s19 =	simm.s32 $0x20;
	vm3 =	veq.s32 v5, v4  }
0x2fb: {  	v6 =	vld [tilespmem:s19+$0x0];
	v5 =	vsel vm3, $0x1, v1  }
0x2fc: {  	(xrf0) =	vadd.scan.msk.s32 $0xffff, v5  }
0x2fd: {  	s17 =	simm.s32 $0x30;
	v7, _, _ =	vpop (xrf0)  }
0x2fe: {  	v8 =	vld [tilespmem:s17+$0x0];
	(v2sf) =	vpush v7, $0xF;
	_ =	sdelay $0x1  }
0x2ff: {  	vm2 =	veq.s32 v6, v4  }
0x300: {  	v5 =	vsel vm2, $0x1, v1  }
0x301: {  	(xrf0) =	vadd.scan.msk.s32 $0xffff, v5;
	v6, _, _ =	vpop (xrf0)  }
0x302: {  	v9 =	vld [tilespmem:s15+$0x2000];
	vm1 =	veq.s32 v8, v4;
	(v2sf) =	vpush v6, $0xF  }
0x303: {  	s24 =	simm.s32 $0x0;
	vm0 =	vmmov vm0;
	v10 =	vsel vm1, $0x1, v1  }
0x304: {  	s18 =	simm.s32 $0x40;
	vm0 =	vmmov vm0;
	v5 =	vmov s13;
	v7 =	vadd.s32 s24, v7  }
0x305: {  	v8 =	vld [tilespmem:s18+$0x0];
	vm0 =	vmmov vm0;
	vm4 =	vle.s32 v7, v5;
	(xrf0) =	vadd.scan.msk.s32 $0xffff, v10  }
0x306: {  	vm0 =	vmand vm0, vm4  }
0x307: {  	v7 =	vnsel vm0, $0x0, v9;
	v9, _, _ =	vpop (xrf0)  }
0x308: {  	(v2sf) =	vpush v9, $0xF;
	_ =	sdelay $0x1  }
0x309: {  	vm0 =	veq.s32 v8, v4  }
0x30a: {  	(xrf2) =	vadd.scan.msk.f32 $0xffff, v7;
	v7 =	vsel vm0, $0x1, v1;
	v8, _, _ =	vpop (xrf0)  }
0x30b: {  	(xrf0) =	vadd.scan.msk.s32 $0xffff, v7;
	v7 =	vld [tilespmem:s16+$0x2000];
	(v2sf) =	vpush v8, $0xF;
	s25 =	spop (v2sf)  }
0x30c: {  	s26 =	simm.s32 $0x50;
	vm3 =	vmmov vm3;
	s28 =	sadd.s32 $0x0, s25  }
0x30d: {  	vm3 =	vmmov vm3;
	v10 =	vld [tilespmem:s26+$0x0];
	v6 =	vadd.s32 s28, v6  }
0x30e: {  	vm3 =	vmmov vm3;
	vm4 =	vle.s32 v6, v5  }
0x30f: {  	vm3 =	vmand vm3, vm4  }
0x310: {  	v11 =	vld [tilespmem:s19+$0x2000];
	s13 =	simm.s32 $0x60;
	v6 =	vnsel vm3, $0x0, v7;
	s29 =	spop (v2sf)  }
0x311: {  	vm2 =	vmmov vm2;
	(xrf2) =	vadd.scan.msk.f32 $0xffff, v6;
	v6 =	vld [tilespmem:s13+$0x0];
	s19 =	sadd.s32 s28, s29  }
0x312: {  	vm3 =	vmmov vm2;
	vm2 =	veq.s32 v10, v4;
	v9 =	vadd.s32 s19, v9  }
0x313: {  	v7, _, _ =	vpop (xrf0);
	v12 =	vsel vm2, $0x1, v1;
	vm3 =	vmmov vm3;
	vm4 =	vle.s32 v9, v5  }
0x314: {  	v10, _, _ =	vpop (xrf2);
	(v2sf) =	vpush v7, $0xF;
	(xrf0) =	vadd.scan.msk.s32 $0xffff, v12;
	vm3 =	vmand vm3, vm4  }
0x315: {  	s16 =	simm.s32 $0x70;
	(v2sf) =	vpush v10, $0xF;
	v10 =	vnsel vm3, $0x0, v11  }
0x316: {  	s30 =	spop (v2sf);
	v9 =	vld [tilespmem:s16+$0x0];
	vm4 =	veq.s32 v6, v4;
	(xrf2) =	vadd.scan.msk.f32 $0xffff, v10  }
0x317: {  	s19 =	sadd.s32 s19, s30;
	v6 =	vld [tilespmem:s17+$0x2000];
	v10 =	vsel vm4, $0x1, v1  }
0x318: {  	vm1 =	vmmov vm1;
	v8 =	vadd.s32 s19, v8  }
0x319: {  	vm1 =	vmmov vm1;
	(xrf0) =	vadd.scan.msk.s32 $0xffff, v10  }
0x31a: {  	vm1 =	vmmov vm1;
	vm0 =	vmmov vm0;
	vm5 =	vle.s32 v8, v5;
	s31 =	spop (v2sf);
	v10, _, _ =	vpop (xrf0)  }
0x31b: {  	vm1 =	vmand vm1, vm5;
	s19 =	sadd.s32 s19, s31;
	vm3 =	veq.s32 v9, v4;
	v9 =	vld [tilespmem:s18+$0x2000];
	(v2sf) =	vpush v10, $0xF;
	v8, _, _ =	vpop (xrf2)  }
0x31c: {  	(v2sf) =	vpush v8, $0xF;
	v8 =	vnsel vm1, $0x0, v6;
	v6 =	vadd.s32 s19, v7  }
0x31d: {  	vm0 =	vmmov vm0  }
0x31e: {  	vm0 =	vmmov vm0;
	s17 =	simm.s32 $0x80;
	vm1 =	vmmov vm2;
	vm2 =	vle.s32 v6, v5  }
0x31f: {  	v11 =	vld [tilespmem:s17+$0x0];
	vm0 =	vmand vm0, vm2;
	v6, _, _ =	vpop (xrf0)  }
0x320: {  	v7 =	vnsel vm0, $0x0, v9;
	(v2sf) =	vpush v6, $0xF;
	v9, _, _ =	vpop (xrf2)  }
0x321: {  	v63 =	vsel vm3, $0x1, v1;
	(xrf2) =	vadd.scan.msk.f32 $0xffff, v8;
	(v2sf) =	vpush v9, $0xF  }
0x322: {  	(xrf0) =	vadd.scan.msk.s32 $0xffff, v63;
	_ =	sdelay $0x1  }
0x323: {  	vm0 =	veq.s32 v11, v4  }
0x324: {  	(xrf2) =	vadd.scan.msk.f32 $0xffff, v7;
	v7 =	vsel vm0, $0x1, v1  }
0x325: {  	s20 =	spop (v2sf)  }
0x326: {  	vm4 =	vmmov vm4;
	s18 =	simm.s32 $0x90;
	vm3 =	vmmov vm3;
	vm1 =	vmmov vm1;
	v8 =	vld [tilespmem:s26+$0x2000];
	s20 =	sadd.s32 s19, s20  }
0x327: {  	s21 =	simm.s32 $0x280;
	s15 =	simm.f32 $0.0e+00;
	vm2 =	vmmov vm1;
	vm1 =	vmmov vm4;
	v9 =	vld [tilespmem:s18+$0x0];
	(xrf0) =	vadd.scan.msk.s32 $0xffff, v7;
	s19 =	spop (v2sf);
	v10 =	vadd.s32 s20, v10;
	v7, _, _ =	vpop (xrf0)  }
.LBB2_30:
0x328: {  	p0 =	sne.s32 s21, $0x7FC0  }
0x329: {  	(v2sf) =	vpush v7, $0xF;
	vm4 =	vle.s32 v10, v5;
	s15 =	sadd.f32 s19, s15;
	s19 =	smov.u32 s21;
	s21 =	sadd.s32 $0x40, s21  }
.Ltmp20:
0x32a: {  	vm4 =	vmand vm2, vm4;
	v10, _, _ =	vpop (xrf2);
	vm2 =	vmmov vm1;
	vm1 =	vmmov vm3;
	(pc) =	sbr.rel @p0 .LBB2_30-.Ltmp20, $4  }
0x32b: {  	vm3 =	vmmov vm0;
	v11 =	vnsel vm4, $0x0, v8;
	(v2sf) =	vpush v10, $0xF  }
0x32c: {  	s22 =	sshra.s32 s19, $0x2;
	vm0 =	veq.s32 v9, v4;
	v8 =	vld [tilespmem:s13+$0x2000];
	(xrf2) =	vadd.scan.msk.f32 $0xffff, v11;
	s19 =	spop (v2sf);
	s13 =	smov.u32 s16  }
0x32d: {  	s16 =	smov.u32 s17;
	s17 =	smov.u32 s18;
	v9 =	vld [tilespmem:s22+$0x0];
	v10 =	vsel vm0, $0x1, v1;
	s20 =	sadd.s32 s20, s19  }
0x32e: {  	s18 =	smov.u32 s22;
	(xrf0) =	vadd.scan.msk.s32 $0xffff, v10;
	v10 =	vadd.s32 s20, v6;
	s19 =	spop (v2sf);
	v6 =	vmov v7;
	v7, _, _ =	vpop (xrf0)  }
0x32f: {  	_ = 	snop  }
0x330: {  	_ =	sdelay $0x2  }
0x331: {  	(v2sf) =	vpush v7, $0xF;
	v11, _, _ =	vpop (xrf2)  }
0x332: {  	(v2sf) =	vpush v11, $0xF;
	v58, _, _ =	vpop (xrf0)  }
0x333: {  	(v2sf) =	vpush v58, $0xF;
	_ =	sdelay $0x7  }
0x334: {  	vm4 =	veq.s32 v9, v4  }
0x335: {  	s28 =	spop (v2sf);
	v4 =	vld [tilespmem:s13+$0x2000];
	v9 =	vsel vm4, $0x1, v1  }
0x336: {  	vm5 =	vle.s32 v10, v5;
	vm1 =	vmmov vm1;
	s29 =	spop (v2sf);
	s13 =	sadd.s32 s20, s28;
	(xrf0) =	vadd.scan.msk.s32 $0xffff, v9  }
0x337: {  	v59 =	vld [tilespmem:s16+$0x2000];
	vm8 =	vmmov vm3;
	vm2 =	vmand vm2, vm5;
	v6 =	vadd.s32 s13, v6;
	s30 =	spop (v2sf)  }
0x338: {  	vm0 =	vmmov vm0;
	v8 =	vnsel vm2, $0x0, v8;
	vm9 =	vle.s32 v6, v5;
	s13 =	sadd.s32 s13, s30;
	s31 =	spop (v2sf)  }
0x339: {  	v61 =	vld [tilespmem:s17+$0x2000];
	vm0 =	vmmov vm0;
	(xrf2) =	vadd.scan.msk.f32 $0xffff, v8;
	vm1 =	vmand vm1, vm9;
	v60 =	vadd.s32 s13, v7;
	s21 =	spop (v2sf)  }
0x33a: {  	vm2 =	vmmov vm8;
	v4 =	vnsel vm1, $0x0, v4;
	vm10 =	vle.s32 v60, v5;
	s13 =	sadd.s32 s13, s21;
	s22 =	spop (v2sf)  }
0x33b: {  	v62 =	vld [tilespmem:s18+$0x2000];
	vm0 =	vmmov vm0;
	(xrf2) =	vadd.scan.msk.f32 $0xffff, v4;
	vm1 =	vmand vm2, vm10;
	v4 =	vadd.s32 s13, v58;
	s23 =	spop (v2sf)  }
0x33c: {  	vm11 =	vmmov vm4;
	v63, _, _ =	vpop (xrf0);
	v9 =	vnsel vm1, $0x0, v59;
	vm12 =	vle.s32 v4, v5;
	s13 =	sadd.s32 s13, s23  }
0x33d: {  	vm13 =	vmmov vm11;
	(xrf2) =	vadd.scan.msk.f32 $0xffff, v9;
	vm0 =	vmand vm0, vm12;
	v4 =	vadd.s32 s13, v63  }
0x33e: {  	vm14 =	vmmov vm13;
	v7 =	vnsel vm0, $0x0, v61;
	vm15 =	vle.s32 v4, v5  }
0x33f: {  	(xrf2) =	vadd.scan.msk.f32 $0xffff, v7;
	vm0 =	vmand vm14, vm15  }
0x340: {  	v4 =	vnsel vm0, $0x0, v62  }
0x341: {  	v5, _, _ =	vpop (xrf2);
	(xrf2) =	vadd.scan.msk.f32 $0xffff, v4  }
0x342: {  	(v2sf) =	vpush v5, $0xF  }
0x343: {  	(v2sf) =	vpush v63, $0xF;
	v4, _, _ =	vpop (xrf2)  }
0x344: {  	(v2sf) =	vpush v4, $0xF  }
0x345: {  	v4, _, _ =	vpop (xrf2)  }
0x346: {  	(v2sf) =	vpush v4, $0xF  }
0x347: {  	v4, _, _ =	vpop (xrf2)  }
0x348: {  	(v2sf) =	vpush v4, $0xF  }
0x349: {  	v4, _, _ =	vpop (xrf2)  }
0x34a: {  	s24 =	sadd.f32 s19, s15;
	(v2sf) =	vpush v4, $0xF  }
0x34b: {  	v4, _, _ =	vpop (xrf2)  }
0x34c: {  	s13 =	sadd.f32 s29, s24;
	(v2sf) =	vpush v4, $0xF;
	_ =	sdelay $0x1  }
0x34d: {  	s13 =	sadd.f32 s31, s13;
	_ =	sdelay $0x1  }
0x34e: {  	s13 =	sadd.f32 s22, s13  }
0x34f: {  	s25 =	spop (v2sf)  }
0x350: {  	s13 =	sadd.f32 s25, s13;
	s26 =	spop (v2sf)  }
0x351: {  	s15 =	spop (v2sf)  }
0x352: {  	s13 =	sadd.f32 s15, s13  }
0x353: {  	s28 =	spop (v2sf)  }
0x354: {  	s13 =	sadd.f32 s28, s13  }
0x355: {  	s29 =	spop (v2sf)  }
0x356: {  	s13 =	sadd.f32 s29, s13  }
.Ltmp21:
0x357: {  	s30 =	spop (v2sf);
	(pc) =	sbr.rel .LBB2_32-.Ltmp21, $3  }
0x358: {  	s13 =	sadd.f32 s30, s13  }
0x359: {  	s31 =	spop (v2sf)  }
0x35a: {  	s15 =	sadd.f32 s31, s13;
	_ =	sdelay $0x1  }
.Lfunc_end2:
_tile_overlayer_lowered:
.L_overlay_start_2:
0x35b: {  	(tag) =	ssettag $0x2  }
0x35c: {  	s0 =	rddreg [dreg:$0x0];
	s2 =	stileid.u32  }
0x35d: {  	s1 =	rddreg [dreg:$0x1];
	p0 =	sne.s32 s2, $0x0  }
0x35e: {  	s3 =	rddreg [dreg:$0x2];
	[bflag:$0x3] =	sbarrier.arrive $0xFFFF;
	s2 =	simm.s32 @!p0 $0x1C02  }
0x35f: {  	[timem:s3], [sflag:s2] =	dma.local @!p0 [hbm:s0], s1  }
0x360: {  	s0 =	simm.s32 @!p0 $0x2  }
0x361: {  	_ =	swait.ge @!p0 [sflag:s0], s1  }
0x362: {  	s1 =	ssub.s32 @!p0 $0x0, s1;
	[sflag:s0] =	ssyncset.done @!p0 $0x0  }
0x363: {  	[sflag:s0] =	ssyncadd.s32 @!p0 s1  }
0x364: {  	[bflag:$0x3] =	sbarrier.arrive $0xFFFF  }
0x365: {  	_ =	shalt  }

</sc_bundles>
